<compile_context>
chip_gen: v7x
topology: tpu7x:2x2x1
jax: 0.10.2.dev20260603
libtpu: 0.0.44.dev20260713+nightly
codegen_flags: <defaults>
</compile_context>

<pallas_src>
import functools

import jax
import jax.numpy as jnp
from jax import lax
from jax.experimental import pallas as pl
from jax.experimental.pallas import tpu as pltpu
from jax.experimental.pallas import tpu_sc as plsc

_LEAKY = 0.01
_EPS = 1e-5
_BINS = 256
_GROUP = 128
_RB = 512
_CHUNK = 256
_CPR = _BINS // 128


def _logits(x_ref, nb):
    x_bf = x_ref[0].astype(jnp.bfloat16)
    xb = x_ref[0, :, pl.ds(nb * _RB, _RB)].astype(jnp.bfloat16)
    return lax.dot_general(
        xb, x_bf, dimension_numbers=(((0,), (0,)), ((), ())),
        preferred_element_type=jnp.float32)


def _quant_block(x_ref, qs_ref, lo_ref, rng_ref):
    nb = pl.program_id(0)
    N = x_ref.shape[2]
    logits = _logits(x_ref, nb)
    row_max = jnp.max(logits, axis=1, keepdims=True)
    row_min = jnp.min(logits, axis=1, keepdims=True)
    rng = row_max - row_min
    scale = jnp.where(rng > 0, _BINS / rng, 0.0)
    q = jnp.minimum(jnp.floor((logits - row_min) * scale), _BINS - 1)
    qp = q[:, :N // 2] * float(_BINS) + q[:, N // 2:]
    for g in range(_RB // _GROUP):
        qs_ref[pl.ds(g * (N // 2), N // 2), :] = (
            qp[g * _GROUP:(g + 1) * _GROUP, :].T)
    lo_ref[...] = row_min
    rng_ref[...] = rng


def _sc_hist(qs_hbm, hist_hbm, buf0, buf1, hist, sem0, sem1):
    w = lax.axis_index("s") * 2 + lax.axis_index("c")
    n_groups = qs_hbm.shape[0] * 128 * 2 // (4096 * _GROUP)
    ngw = n_groups // 32
    qs_rows_per_group = 4096 * _GROUP // 128 // 2
    nchunk = qs_rows_per_group // _CHUNK
    bufs = (buf0, buf1)
    sems = (sem0, sem1)
    ones = jnp.ones((16,), jnp.float32)
    consts = [lax.iota(jnp.int32, 16) * _BINS + l * 16 * _BINS
              for l in range(8)]

    def start(buf, sem, base_row):
        pltpu.async_copy(
            qs_hbm.at[pl.ds(pl.multiple_of(base_row, _CHUNK), _CHUNK)],
            buf, sem)

    def wait(buf, sem):
        pltpu.make_async_copy(qs_hbm.at[pl.ds(0, _CHUNK)], buf, sem).wait()

    def process(buf):
        @plsc.parallel_loop(0, _CHUNK, unroll=2)
        def _(i):
            for l in range(8):
                v = buf[i, pl.ds(l * 16, 16)]
                vi = v.astype(jnp.int32)
                hi = lax.shift_right_logical(vi, _BINS.bit_length() - 1)
                lo = lax.bitwise_and(vi, _BINS - 1)
                plsc.addupdate_scatter(hist, [hi + consts[l]], ones)
                plsc.addupdate_scatter(hist, [lo + consts[l]], ones)

    for gi in range(ngw):
        g = w * ngw + gi

        @plsc.parallel_loop(0, _GROUP * _BINS // 16, unroll=4)
        def _(i):
            hist[pl.ds(i * 16, 16)] = jnp.zeros((16,), jnp.float32)

        base = g * qs_rows_per_group
        start(bufs[0], sems[0], base)

        def pair(j, _):
            c0 = base + 2 * j * _CHUNK
            wait(bufs[0], sems[0])
            start(bufs[1], sems[1], c0 + _CHUNK)
            process(bufs[0])
            wait(bufs[1], sems[1])

            @pl.when(j < nchunk // 2 - 1)
            def _():
                start(bufs[0], sems[0], c0 + 2 * _CHUNK)

            process(bufs[1])
            return 0
        lax.fori_loop(0, nchunk // 2, pair, 0)

        hb = pl.multiple_of(g * (_GROUP * _BINS), _GROUP * _BINS)
        pltpu.sync_copy(hist, hist_hbm.at[pl.ds(hb, _GROUP * _BINS)])


def _fused_block(x_ref, w_ref, h_ref, lo_ref, rng_ref, y_ref, sum_ref,
                 ssq_ref, s_ref):
    nb = pl.program_id(0)
    N = x_ref.shape[2]
    k = int(round(N * 0.9))
    n_drop = N - k

    x_bf = x_ref[0].astype(jnp.bfloat16)

    @pl.when(nb == 0)
    def _():
        s_ref[...] = lax.dot_general(
            x_bf, w_ref[...].astype(jnp.bfloat16),
            dimension_numbers=(((0,), (0,)), ((), ())),
            preferred_element_type=jnp.float32,
        ).astype(jnp.bfloat16)

    logits = _logits(x_ref, nb)
    row_min = lo_ref[...]
    rng = rng_ref[...]
    row_max = row_min + rng
    e = jnp.exp(logits - row_max)
    denom = jnp.sum(e, axis=1, keepdims=True)

    h = h_ref[...]
    c = h
    for sh in (1, 2, 4, 8, 16, 32, 64):
        z = jnp.zeros((c.shape[0], sh), jnp.float32)
        c = c + jnp.concatenate([z, c[:, :-sh]], axis=1)
    t = c[:, 127:128]
    rowsc = c.shape[0]
    pos = lax.broadcasted_iota(jnp.int32, (rowsc, 1), 0) % _CPR
    offs = jnp.zeros((rowsc, 1), jnp.float32)
    for sh in range(1, _CPR):
        z = jnp.zeros((sh, 1), jnp.float32)
        shifted = jnp.concatenate([z, t[:-sh, :]], axis=0)
        offs = offs + jnp.where(pos >= sh, shifted, 0.0)
    cum = c + offs
    ind = jnp.where(cum <= float(n_drop), 1.0, 0.0)
    s = jnp.sum(ind, axis=1, keepdims=True)
    bstarp1 = jnp.sum(s.reshape(-1, _CPR), axis=1, keepdims=True)
    thr = row_min + bstarp1 * (rng / _BINS)

    p = jnp.where(logits >= thr, e, 0.0) * (1.0 / denom)
    out = lax.dot_general(
        p.astype(jnp.bfloat16), s_ref[...],
        dimension_numbers=(((1,), (0,)), ((), ())),
        preferred_element_type=jnp.float32)
    z = jnp.where(out >= 0.0, out, _LEAKY * out)
    y_ref[0] = z
    sum_ref[0, 0] = jnp.sum(z, axis=0)
    ssq_ref[0, 0] = jnp.sum(z * z, axis=0)


def _bn_block(sum_ref, ssq_ref, g_ref, b_ref, y_ref, out_ref, *, count):
    tot = jnp.sum(sum_ref[:, 0, :], axis=0, keepdims=True)
    tot2 = jnp.sum(ssq_ref[:, 0, :], axis=0, keepdims=True)
    mean = tot / count
    var = tot2 / count - mean * mean
    inv = lax.rsqrt(var + _EPS)
    scale = inv * g_ref[...]
    shift = b_ref[...] - mean * scale
    z = y_ref[0] * scale + shift
    out_ref[0] = z.T


def kernel(input, W, gamma, beta):
    B, C, N = input.shape
    O = W.shape[1]
    NB = N // _RB
    mesh = plsc.VectorSubcoreMesh(core_axis_name="c", subcore_axis_name="s")

    quant = pl.pallas_call(
        _quant_block,
        grid=(NB,),
        in_specs=[pl.BlockSpec((1, C, N), lambda n: (0, 0, 0))],
        out_specs=[
            pl.BlockSpec((_RB * N // 256, 128), lambda n: (n, 0)),
            pl.BlockSpec((_RB, 1), lambda n: (n, 0)),
            pl.BlockSpec((_RB, 1), lambda n: (n, 0)),
        ],
        out_shape=[
            jax.ShapeDtypeStruct((N * N // 256, 128), jnp.float32),
            jax.ShapeDtypeStruct((N, 1), jnp.float32),
            jax.ShapeDtypeStruct((N, 1), jnp.float32),
        ],
    )

    sc_hist = pl.kernel(
        _sc_hist,
        mesh=mesh,
        compiler_params=pltpu.CompilerParams(needs_layout_passes=False),
        out_type=jax.ShapeDtypeStruct((N * _BINS,), jnp.float32),
        scratch_types=[
            pltpu.VMEM((_CHUNK, 128), jnp.float32),
            pltpu.VMEM((_CHUNK, 128), jnp.float32),
            pltpu.VMEM((_GROUP * _BINS,), jnp.float32),
            pltpu.SemaphoreType.DMA,
            pltpu.SemaphoreType.DMA,
        ],
    )

    fused = pl.pallas_call(
        _fused_block,
        grid=(NB,),
        in_specs=[
            pl.BlockSpec((1, C, N), lambda n: (0, 0, 0)),
            pl.BlockSpec((C, O), lambda n: (0, 0)),
            pl.BlockSpec((_RB * _BINS // 128, 128), lambda n: (n, 0)),
            pl.BlockSpec((_RB, 1), lambda n: (n, 0)),
            pl.BlockSpec((_RB, 1), lambda n: (n, 0)),
        ],
        out_specs=[
            pl.BlockSpec((1, _RB, O), lambda n: (0, n, 0)),
            pl.BlockSpec((1, 1, O), lambda n: (n, 0, 0)),
            pl.BlockSpec((1, 1, O), lambda n: (n, 0, 0)),
        ],
        out_shape=[
            jax.ShapeDtypeStruct((1, N, O), jnp.float32),
            jax.ShapeDtypeStruct((NB, 1, O), jnp.float32),
            jax.ShapeDtypeStruct((NB, 1, O), jnp.float32),
        ],
        scratch_shapes=[pltpu.VMEM((N, O), jnp.bfloat16)],
    )

    hists, los, rngs = [], [], []
    for b in range(B):
        qs_b, lo_b, rng_b = quant(input[b:b + 1])
        hists.append(sc_hist(qs_b).reshape(N * _BINS // 128, 128))
        los.append(lo_b)
        rngs.append(rng_b)
    ys, s1s, s2s = [], [], []
    for b in range(B):
        y_b, s1_b, s2_b = fused(input[b:b + 1], W, hists[b], los[b],
                                rngs[b])
        ys.append(y_b)
        s1s.append(s1_b)
        s2s.append(s2_b)
    y = jnp.concatenate(ys, axis=0)
    s1 = jnp.concatenate(s1s, axis=0)
    s2 = jnp.concatenate(s2s, axis=0)

    out = pl.pallas_call(
        functools.partial(_bn_block, count=B * N),
        grid=(B, NB),
        in_specs=[
            pl.BlockSpec((B * NB, 1, O), lambda b, n: (0, 0, 0)),
            pl.BlockSpec((B * NB, 1, O), lambda b, n: (0, 0, 0)),
            pl.BlockSpec((1, O), lambda b, n: (0, 0)),
            pl.BlockSpec((1, O), lambda b, n: (0, 0)),
            pl.BlockSpec((1, _RB, O), lambda b, n: (b, n, 0)),
        ],
        out_specs=pl.BlockSpec((1, O, _RB), lambda b, n: (b, 0, n)),
        out_shape=jax.ShapeDtypeStruct((B, O, N), jnp.float32),
    )(s1, s2, gamma.reshape(1, O), beta.reshape(1, O), y)
    return out

# --- scband reference (transcript-rebuilt; emitter-appended) ---
"""Pipeline reference for scband-graph-convolution-top-k-17824114278496 (READ-ONLY COPY).

The authoritative reference and input builder live on the scoring server;
editing this copy changes nothing except your own understanding.
"""

import jax, jax.numpy as jnp
import numpy as np

B, C, N, O = 2, 128, 4096, 128

def setup_inputs(seed: int = 0) -> dict:
    key = jax.random.key(seed)
    k1, k2 = jax.random.split(key, 2)
    x = jax.random.normal(k1, (B, C, N), dtype=jnp.float32)
    stdv = 1.0 / np.sqrt(O)
    W = jax.random.uniform(k2, (C, O), dtype=jnp.float32, minval=-stdv, maxval=stdv)
    # BatchNorm affine params are initialized to zero in the original module
    gamma = jnp.zeros((O,), dtype=jnp.float32)
    beta = jnp.zeros((O,), dtype=jnp.float32)
    return {"input": x, "W": W, "gamma": gamma, "beta": beta}

def reference(input, W, gamma, beta):
    # input: [B, C, N] -> permute to [B, N, C]
    xt = jnp.transpose(input, (0, 2, 1))
    # norm_adj: cosine-similarity-style adjacency via x @ x^T, softmax, top-k(0.9N) mask
    adj_ = jnp.matmul(xt, jnp.transpose(xt, (0, 2, 1)))  # [B, N, N]
    adj_ = jax.nn.softmax(adj_, axis=-1)
    K = adj_.shape[1]
    k = int(round(K * 0.9))
    vals, idx = jax.lax.top_k(adj_, k)  # [B, N, k]
    b_idx = jnp.arange(adj_.shape[0])[:, None, None]
    r_idx = jnp.arange(K)[None, :, None]
    adj = jnp.zeros_like(adj_).at[b_idx, r_idx, idx].set(vals)
    # support = input @ weight
    support = jnp.matmul(xt, W)  # [B, N, O]
    output = jnp.matmul(adj, support)  # [B, N, O]
    output = jnp.transpose(output, (0, 2, 1))  # [B, O, N]
    # LeakyReLU (negative_slope=0.01)
    output = jnp.where(output >= 0, output, 0.01 * output)
    # BatchNorm1d (training mode): stats over (batch, spatial) per channel
    mean = jnp.mean(output, axis=(0, 2), keepdims=True)
    var = jnp.var(output, axis=(0, 2), keepdims=True)
    normed = (output - mean) / jnp.sqrt(var + 1e-5)
    out = normed * gamma[None, :, None] + beta[None, :, None]
    return out

if __name__ == "__main__":
    import jax
    _d = setup_inputs()
    print(jax.jit(kernel)(*tuple(_d.values())))

</pallas_src>

<mosaic_0001>
#map = affine_map<(d0, d1) -> (0, 0)>
#map1 = affine_map<(d0, d1) -> (0)>
module attributes {stable_mosaic.version = 14 : i64} {
  func.func @_sc_hist(%arg0: i32, %arg1: i32, %arg2: memref<65536x128xf32, #tpu.memory_space<hbm>>, %arg3: memref<1048576xf32, #tpu.memory_space<hbm>>, %arg4: memref<256x128xf32, #tpu.memory_space<vmem>>, %arg5: memref<256x128xf32, #tpu.memory_space<vmem>>, %arg6: memref<32768xf32, #tpu.memory_space<vmem>>, %arg7: memref<!tpu.dma_semaphore, #tpu.memory_space<semaphore_mem>>, %arg8: memref<!tpu.dma_semaphore, #tpu.memory_space<semaphore_mem>>) attributes {dimension_semantics = [#tpu.dimension_semantics<core_parallel>, #tpu.dimension_semantics<subcore_parallel>], iteration_bounds = array<i64: 2, 16>, scalar_prefetch = 0 : i64, scratch_operands = 5 : i64, tpu.core_type = #tpu.core_type<sc_vector_subcore>, window_params = [{transform_indices = #map}, {transform_indices = #map1}]} {
    %mul3A = arith.constant 2 : i32
    %mul3A_0 = arith.muli %arg1, %mul3A : i32
    %add3A = arith.addi %mul3A_0, %arg0 : i32
    %broadcast_in_dim3A = arith.constant 1.000000e+00 : f32
    %broadcast_in_dim3A_1 = vector.broadcast %broadcast_in_dim3A : f32 to vector<16xf32>
    %iota3A = tpu.iota {dimensions = array<i32: 0>} : vector<16xi32>
    %mul3A_2 = arith.constant 256 : i32
    %mul3A_3 = vector.broadcast %mul3A_2 : i32 to vector<16xi32>
    %mul3A_4 = arith.muli %iota3A, %mul3A_3 : vector<16xi32>
    %add3A_5 = arith.constant 0 : i32
    %add3A_6 = vector.broadcast %add3A_5 : i32 to vector<16xi32>
    %add3A_7 = arith.addi %mul3A_4, %add3A_6 : vector<16xi32>
    %iota3A_8 = tpu.iota {dimensions = array<i32: 0>} : vector<16xi32>
    %mul3A_9 = arith.constant 256 : i32
    %mul3A_10 = vector.broadcast %mul3A_9 : i32 to vector<16xi32>
    %mul3A_11 = arith.muli %iota3A_8, %mul3A_10 : vector<16xi32>
    %add3A_12 = arith.constant 4096 : i32
    %add3A_13 = vector.broadcast %add3A_12 : i32 to vector<16xi32>
    %add3A_14 = arith.addi %mul3A_11, %add3A_13 : vector<16xi32>
    %iota3A_15 = tpu.iota {dimensions = array<i32: 0>} : vector<16xi32>
    %mul3A_16 = arith.constant 256 : i32
    %mul3A_17 = vector.broadcast %mul3A_16 : i32 to vector<16xi32>
    %mul3A_18 = arith.muli %iota3A_15, %mul3A_17 : vector<16xi32>
    %add3A_19 = arith.constant 8192 : i32
    %add3A_20 = vector.broadcast %add3A_19 : i32 to vector<16xi32>
    %add3A_21 = arith.addi %mul3A_18, %add3A_20 : vector<16xi32>
    %iota3A_22 = tpu.iota {dimensions = array<i32: 0>} : vector<16xi32>
    %mul3A_23 = arith.constant 256 : i32
    %mul3A_24 = vector.broadcast %mul3A_23 : i32 to vector<16xi32>
    %mul3A_25 = arith.muli %iota3A_22, %mul3A_24 : vector<16xi32>
    %add3A_26 = arith.constant 12288 : i32
    %add3A_27 = vector.broadcast %add3A_26 : i32 to vector<16xi32>
    %add3A_28 = arith.addi %mul3A_25, %add3A_27 : vector<16xi32>
    %iota3A_29 = tpu.iota {dimensions = array<i32: 0>} : vector<16xi32>
    %mul3A_30 = arith.constant 256 : i32
    %mul3A_31 = vector.broadcast %mul3A_30 : i32 to vector<16xi32>
    %mul3A_32 = arith.muli %iota3A_29, %mul3A_31 : vector<16xi32>
    %add3A_33 = arith.constant 16384 : i32
    %add3A_34 = vector.broadcast %add3A_33 : i32 to vector<16xi32>
    %add3A_35 = arith.addi %mul3A_32, %add3A_34 : vector<16xi32>
    %iota3A_36 = tpu.iota {dimensions = array<i32: 0>} : vector<16xi32>
    %mul3A_37 = arith.constant 256 : i32
    %mul3A_38 = vector.broadcast %mul3A_37 : i32 to vector<16xi32>
    %mul3A_39 = arith.muli %iota3A_36, %mul3A_38 : vector<16xi32>
    %add3A_40 = arith.constant 20480 : i32
    %add3A_41 = vector.broadcast %add3A_40 : i32 to vector<16xi32>
    %add3A_42 = arith.addi %mul3A_39, %add3A_41 : vector<16xi32>
    %iota3A_43 = tpu.iota {dimensions = array<i32: 0>} : vector<16xi32>
    %mul3A_44 = arith.constant 256 : i32
    %mul3A_45 = vector.broadcast %mul3A_44 : i32 to vector<16xi32>
    %mul3A_46 = arith.muli %iota3A_43, %mul3A_45 : vector<16xi32>
    %add3A_47 = arith.constant 24576 : i32
    %add3A_48 = vector.broadcast %add3A_47 : i32 to vector<16xi32>
    %add3A_49 = arith.addi %mul3A_46, %add3A_48 : vector<16xi32>
    %iota3A_50 = tpu.iota {dimensions = array<i32: 0>} : vector<16xi32>
    %mul3A_51 = arith.constant 256 : i32
    %mul3A_52 = vector.broadcast %mul3A_51 : i32 to vector<16xi32>
    %mul3A_53 = arith.muli %iota3A_50, %mul3A_52 : vector<16xi32>
    %add3A_54 = arith.constant 28672 : i32
    %add3A_55 = vector.broadcast %add3A_54 : i32 to vector<16xi32>
    %add3A_56 = arith.addi %mul3A_53, %add3A_55 : vector<16xi32>
    %mul3A_57 = arith.constant 1 : i32
    %mul3A_58 = arith.muli %add3A, %mul3A_57 : i32
    %add3A_59 = arith.constant 0 : i32
    %add3A_60 = arith.addi %mul3A_58, %add3A_59 : i32
    %parallel_loop3A = arith.constant 0 : i32
    %parallel_loop3A_61 = arith.constant 2048 : i32
    %parallel_loop3A_62 = arith.constant 1 : i32
    scf.for %parallel_loop3A_77 = %parallel_loop3A to %parallel_loop3A_61 step %parallel_loop3A_62  : i32 {
      %parallel_loop3A_78 = arith.constant 0.000000e+00 : f32
      %parallel_loop3A_79 = vector.broadcast %parallel_loop3A_78 : f32 to vector<16xf32>
      %parallel_loop3A_80 = arith.constant 16 : i32
      %parallel_loop3A_81 = arith.muli %parallel_loop3A_77, %parallel_loop3A_80 : i32
      %parallel_loop3A_82 = arith.index_cast %parallel_loop3A_81 : i32 to index
      %parallel_loop3A_83 = tpu.vector_load %arg6[%parallel_loop3A_82] {strides = array<i32>} : memref<32768xf32, #tpu.memory_space<vmem>>, vector<16xf32>,
      tpu.vector_store %arg6[%parallel_loop3A_82], %parallel_loop3A_79 {strides = array<i32>} : memref<32768xf32, #tpu.memory_space<vmem>>, vector<16xf32>,
    } {sc.loop_unroll_factor = 4 : i64, sc.parallel_access}
    %mul3A_63 = arith.constant 2048 : i32
    %mul3A_64 = arith.muli %add3A_60, %mul3A_63 : i32
    %multiple_of3A = tpu.assume_multiple %mul3A_64, 256 : i32
    %dma_start3A = arith.constant 0 : i32
    %dma_start3A_65 = tpu.memref_slice %arg2[%multiple_of3A, %dma_start3A] : memref<65536x128xf32, #tpu.memory_space<hbm>> -> memref<256x128xf32, #tpu.memory_space<hbm>>
    %dma_start3A_66 = arith.constant 0 : i32
    %dma_start3A_67 = tpu.memref_slice %arg2[%multiple_of3A, %dma_start3A_66] : memref<65536x128xf32, #tpu.memory_space<hbm>> -> memref<256x128xf32, #tpu.memory_space<hbm>>
    tpu.enqueue_dma source(%dma_start3A_67 : memref<256x128xf32, #tpu.memory_space<hbm>>) target(%arg4 : memref<256x128xf32, #tpu.memory_space<vmem>>) target_semaphore(%arg7 : memref<!tpu.dma_semaphore, #tpu.memory_space<semaphore_mem>>)
    %scan3A = arith.constant 0 : i32
    %scan3A_68 = arith.constant 0 : i32
    %scan3A_69 = arith.constant 4 : i32
    %scan3A_70 = arith.addi %scan3A_68, %scan3A_69 : i32
    %scan3A_71 = arith.constant 1 : i32
    %scan3A_72 = scf.for %scan3A_77 = %scan3A_68 to %scan3A_70 step %scan3A_71 iter_args(%scan3A_78 = %scan3A) -> (i32)  : i32 {
      %mul3A_79 = arith.constant 2 : i32
      %mul3A_80 = arith.muli %mul3A_79, %scan3A_77 : i32
      %mul3A_81 = arith.constant 256 : i32
      %mul3A_82 = arith.muli %mul3A_80, %mul3A_81 : i32
      %add3A_83 = arith.addi %mul3A_64, %mul3A_82 : i32
      %dma_wait3A = arith.constant 0 : i32
      %dma_wait3A_84 = arith.constant 0 : i32
      %dma_wait3A_85 = tpu.memref_slice %arg2[%dma_wait3A, %dma_wait3A_84] : memref<65536x128xf32, #tpu.memory_space<hbm>> -> memref<256x128xf32, #tpu.memory_space<hbm>>
      %dma_wait3A_86 = arith.constant 0 : i32
      %dma_wait3A_87 = arith.constant 0 : i32
      %dma_wait3A_88 = tpu.memref_slice %arg2[%dma_wait3A_86, %dma_wait3A_87] : memref<65536x128xf32, #tpu.memory_space<hbm>> -> memref<256x128xf32, #tpu.memory_space<hbm>>
      tpu.wait_dma2 semaphore(%arg7 : memref<!tpu.dma_semaphore, #tpu.memory_space<semaphore_mem>>) src(%dma_wait3A_88 : memref<256x128xf32, #tpu.memory_space<hbm>>) dst(%arg4 : memref<256x128xf32, #tpu.memory_space<vmem>>)
      %add3A_89 = arith.constant 256 : i32
      %add3A_90 = arith.addi %add3A_83, %add3A_89 : i32
      %multiple_of3A_91 = tpu.assume_multiple %add3A_90, 256 : i32
      %dma_start3A_92 = arith.constant 0 : i32
      %dma_start3A_93 = tpu.memref_slice %arg2[%multiple_of3A_91, %dma_start3A_92] : memref<65536x128xf32, #tpu.memory_space<hbm>> -> memref<256x128xf32, #tpu.memory_space<hbm>>
      %dma_start3A_94 = arith.constant 0 : i32
      %dma_start3A_95 = tpu.memref_slice %arg2[%multiple_of3A_91, %dma_start3A_94] : memref<65536x128xf32, #tpu.memory_space<hbm>> -> memref<256x128xf32, #tpu.memory_space<hbm>>
      tpu.enqueue_dma source(%dma_start3A_95 : memref<256x128xf32, #tpu.memory_space<hbm>>) target(%arg5 : memref<256x128xf32, #tpu.memory_space<vmem>>) target_semaphore(%arg8 : memref<!tpu.dma_semaphore, #tpu.memory_space<semaphore_mem>>)
      %parallel_loop3A_96 = arith.constant 0 : i32
      %parallel_loop3A_97 = arith.constant 256 : i32
      %parallel_loop3A_98 = arith.constant 1 : i32
      scf.for %parallel_loop3A_111 = %parallel_loop3A_96 to %parallel_loop3A_97 step %parallel_loop3A_98  : i32 {
        %parallel_loop3A_112 = arith.index_cast %parallel_loop3A_111 : i32 to index
        %parallel_loop3A_113 = arith.constant 0 : index
        %parallel_loop3A_114 = tpu.vector_load %arg4[%parallel_loop3A_112, %parallel_loop3A_113] {strides = array<i32>} : memref<256x128xf32, #tpu.memory_space<vmem>>, vector<16xf32>,
        %parallel_loop3A_115 = arith.fptosi %parallel_loop3A_114 : vector<16xf32> to vector<16xi32>
        %parallel_loop3A_116 = arith.constant 8 : i32
        %parallel_loop3A_117 = vector.broadcast %parallel_loop3A_116 : i32 to vector<16xi32>
        %parallel_loop3A_118 = arith.shrui %parallel_loop3A_115, %parallel_loop3A_117 : vector<16xi32>
        %parallel_loop3A_119 = arith.constant 255 : i32
        %parallel_loop3A_120 = vector.broadcast %parallel_loop3A_119 : i32 to vector<16xi32>
        %parallel_loop3A_121 = arith.andi %parallel_loop3A_115, %parallel_loop3A_120 : vector<16xi32>
        %parallel_loop3A_122 = arith.addi %parallel_loop3A_118, %add3A_7 : vector<16xi32>
        tpu.vector_store_idx %arg6[%parallel_loop3A_122], %broadcast_in_dim3A_1 {add = true} : memref<32768xf32, #tpu.memory_space<vmem>>[vector<16xi32>], vector<16xf32>,
        %parallel_loop3A_123 = arith.addi %parallel_loop3A_121, %add3A_7 : vector<16xi32>
        tpu.vector_store_idx %arg6[%parallel_loop3A_123], %broadcast_in_dim3A_1 {add = true} : memref<32768xf32, #tpu.memory_space<vmem>>[vector<16xi32>], vector<16xf32>,
        %parallel_loop3A_124 = arith.index_cast %parallel_loop3A_111 : i32 to index
        %parallel_loop3A_125 = arith.constant 16 : index
        %parallel_loop3A_126 = tpu.vector_load %arg4[%parallel_loop3A_124, %parallel_loop3A_125] {strides = array<i32>} : memref<256x128xf32, #tpu.memory_space<vmem>>, vector<16xf32>,
        %parallel_loop3A_127 = arith.fptosi %parallel_loop3A_126 : vector<16xf32> to vector<16xi32>
        %parallel_loop3A_128 = arith.constant 8 : i32
        %parallel_loop3A_129 = vector.broadcast %parallel_loop3A_128 : i32 to vector<16xi32>
        %parallel_loop3A_130 = arith.shrui %parallel_loop3A_127, %parallel_loop3A_129 : vector<16xi32>
        %parallel_loop3A_131 = arith.constant 255 : i32
        %parallel_loop3A_132 = vector.broadcast %parallel_loop3A_131 : i32 to vector<16xi32>
        %parallel_loop3A_133 = arith.andi %parallel_loop3A_127, %parallel_loop3A_132 : vector<16xi32>
        %parallel_loop3A_134 = arith.addi %parallel_loop3A_130, %add3A_14 : vector<16xi32>
        tpu.vector_store_idx %arg6[%parallel_loop3A_134], %broadcast_in_dim3A_1 {add = true} : memref<32768xf32, #tpu.memory_space<vmem>>[vector<16xi32>], vector<16xf32>,
        %parallel_loop3A_135 = arith.addi %parallel_loop3A_133, %add3A_14 : vector<16xi32>
        tpu.vector_store_idx %arg6[%parallel_loop3A_135], %broadcast_in_dim3A_1 {add = true} : memref<32768xf32, #tpu.memory_space<vmem>>[vector<16xi32>], vector<16xf32>,
        %parallel_loop3A_136 = arith.index_cast %parallel_loop3A_111 : i32 to index
        %parallel_loop3A_137 = arith.constant 32 : index
        %parallel_loop3A_138 = tpu.vector_load %arg4[%parallel_loop3A_136, %parallel_loop3A_137] {strides = array<i32>} : memref<256x128xf32, #tpu.memory_space<vmem>>, vector<16xf32>,
        %parallel_loop3A_139 = arith.fptosi %parallel_loop3A_138 : vector<16xf32> to vector<16xi32>
        %parallel_loop3A_140 = arith.constant 8 : i32
        %parallel_loop3A_141 = vector.broadcast %parallel_loop3A_140 : i32 to vector<16xi32>
        %parallel_loop3A_142 = arith.shrui %parallel_loop3A_139, %parallel_loop3A_141 : vector<16xi32>
        %parallel_loop3A_143 = arith.constant 255 : i32
        %parallel_loop3A_144 = vector.broadcast %parallel_loop3A_143 : i32 to vector<16xi32>
        %parallel_loop3A_145 = arith.andi %parallel_loop3A_139, %parallel_loop3A_144 : vector<16xi32>
        %parallel_loop3A_146 = arith.addi %parallel_loop3A_142, %add3A_21 : vector<16xi32>
        tpu.vector_store_idx %arg6[%parallel_loop3A_146], %broadcast_in_dim3A_1 {add = true} : memref<32768xf32, #tpu.memory_space<vmem>>[vector<16xi32>], vector<16xf32>,
        %parallel_loop3A_147 = arith.addi %parallel_loop3A_145, %add3A_21 : vector<16xi32>
        tpu.vector_store_idx %arg6[%parallel_loop3A_147], %broadcast_in_dim3A_1 {add = true} : memref<32768xf32, #tpu.memory_space<vmem>>[vector<16xi32>], vector<16xf32>,
        %parallel_loop3A_148 = arith.index_cast %parallel_loop3A_111 : i32 to index
        %parallel_loop3A_149 = arith.constant 48 : index
        %parallel_loop3A_150 = tpu.vector_load %arg4[%parallel_loop3A_148, %parallel_loop3A_149] {strides = array<i32>} : memref<256x128xf32, #tpu.memory_space<vmem>>, vector<16xf32>,
        %parallel_loop3A_151 = arith.fptosi %parallel_loop3A_150 : vector<16xf32> to vector<16xi32>
        %parallel_loop3A_152 = arith.constant 8 : i32
        %parallel_loop3A_153 = vector.broadcast %parallel_loop3A_152 : i32 to vector<16xi32>
        %parallel_loop3A_154 = arith.shrui %parallel_loop3A_151, %parallel_loop3A_153 : vector<16xi32>
        %parallel_loop3A_155 = arith.constant 255 : i32
        %parallel_loop3A_156 = vector.broadcast %parallel_loop3A_155 : i32 to vector<16xi32>
        %parallel_loop3A_157 = arith.andi %parallel_loop3A_151, %parallel_loop3A_156 : vector<16xi32>
        %parallel_loop3A_158 = arith.addi %parallel_loop3A_154, %add3A_28 : vector<16xi32>
        tpu.vector_store_idx %arg6[%parallel_loop3A_158], %broadcast_in_dim3A_1 {add = true} : memref<32768xf32, #tpu.memory_space<vmem>>[vector<16xi32>], vector<16xf32>,
        %parallel_loop3A_159 = arith.addi %parallel_loop3A_157, %add3A_28 : vector<16xi32>
        tpu.vector_store_idx %arg6[%parallel_loop3A_159], %broadcast_in_dim3A_1 {add = true} : memref<32768xf32, #tpu.memory_space<vmem>>[vector<16xi32>], vector<16xf32>,
        %parallel_loop3A_160 = arith.index_cast %parallel_loop3A_111 : i32 to index
        %parallel_loop3A_161 = arith.constant 64 : index
        %parallel_loop3A_162 = tpu.vector_load %arg4[%parallel_loop3A_160, %parallel_loop3A_161] {strides = array<i32>} : memref<256x128xf32, #tpu.memory_space<vmem>>, vector<16xf32>,
        %parallel_loop3A_163 = arith.fptosi %parallel_loop3A_162 : vector<16xf32> to vector<16xi32>
        %parallel_loop3A_164 = arith.constant 8 : i32
        %parallel_loop3A_165 = vector.broadcast %parallel_loop3A_164 : i32 to vector<16xi32>
        %parallel_loop3A_166 = arith.shrui %parallel_loop3A_163, %parallel_loop3A_165 : vector<16xi32>
        %parallel_loop3A_167 = arith.constant 255 : i32
        %parallel_loop3A_168 = vector.broadcast %parallel_loop3A_167 : i32 to vector<16xi32>
        %parallel_loop3A_169 = arith.andi %parallel_loop3A_163, %parallel_loop3A_168 : vector<16xi32>
        %parallel_loop3A_170 = arith.addi %parallel_loop3A_166, %add3A_35 : vector<16xi32>
        tpu.vector_store_idx %arg6[%parallel_loop3A_170], %broadcast_in_dim3A_1 {add = true} : memref<32768xf32, #tpu.memory_space<vmem>>[vector<16xi32>], vector<16xf32>,
        %parallel_loop3A_171 = arith.addi %parallel_loop3A_169, %add3A_35 : vector<16xi32>
        tpu.vector_store_idx %arg6[%parallel_loop3A_171], %broadcast_in_dim3A_1 {add = true} : memref<32768xf32, #tpu.memory_space<vmem>>[vector<16xi32>], vector<16xf32>,
        %parallel_loop3A_172 = arith.index_cast %parallel_loop3A_111 : i32 to index
        %parallel_loop3A_173 = arith.constant 80 : index
        %parallel_loop3A_174 = tpu.vector_load %arg4[%parallel_loop3A_172, %parallel_loop3A_173] {strides = array<i32>} : memref<256x128xf32, #tpu.memory_space<vmem>>, vector<16xf32>,
        %parallel_loop3A_175 = arith.fptosi %parallel_loop3A_174 : vector<16xf32> to vector<16xi32>
        %parallel_loop3A_176 = arith.constant 8 : i32
        %parallel_loop3A_177 = vector.broadcast %parallel_loop3A_176 : i32 to vector<16xi32>
        %parallel_loop3A_178 = arith.shrui %parallel_loop3A_175, %parallel_loop3A_177 : vector<16xi32>
        %parallel_loop3A_179 = arith.constant 255 : i32
        %parallel_loop3A_180 = vector.broadcast %parallel_loop3A_179 : i32 to vector<16xi32>
        %parallel_loop3A_181 = arith.andi %parallel_loop3A_175, %parallel_loop3A_180 : vector<16xi32>
        %parallel_loop3A_182 = arith.addi %parallel_loop3A_178, %add3A_42 : vector<16xi32>
        tpu.vector_store_idx %arg6[%parallel_loop3A_182], %broadcast_in_dim3A_1 {add = true} : memref<32768xf32, #tpu.memory_space<vmem>>[vector<16xi32>], vector<16xf32>,
        %parallel_loop3A_183 = arith.addi %parallel_loop3A_181, %add3A_42 : vector<16xi32>
        tpu.vector_store_idx %arg6[%parallel_loop3A_183], %broadcast_in_dim3A_1 {add = true} : memref<32768xf32, #tpu.memory_space<vmem>>[vector<16xi32>], vector<16xf32>,
        %parallel_loop3A_184 = arith.index_cast %parallel_loop3A_111 : i32 to index
        %parallel_loop3A_185 = arith.constant 96 : index
        %parallel_loop3A_186 = tpu.vector_load %arg4[%parallel_loop3A_184, %parallel_loop3A_185] {strides = array<i32>} : memref<256x128xf32, #tpu.memory_space<vmem>>, vector<16xf32>,
        %parallel_loop3A_187 = arith.fptosi %parallel_loop3A_186 : vector<16xf32> to vector<16xi32>
        %parallel_loop3A_188 = arith.constant 8 : i32
        %parallel_loop3A_189 = vector.broadcast %parallel_loop3A_188 : i32 to vector<16xi32>
        %parallel_loop3A_190 = arith.shrui %parallel_loop3A_187, %parallel_loop3A_189 : vector<16xi32>
        %parallel_loop3A_191 = arith.constant 255 : i32
        %parallel_loop3A_192 = vector.broadcast %parallel_loop3A_191 : i32 to vector<16xi32>
        %parallel_loop3A_193 = arith.andi %parallel_loop3A_187, %parallel_loop3A_192 : vector<16xi32>
        %parallel_loop3A_194 = arith.addi %parallel_loop3A_190, %add3A_49 : vector<16xi32>
        tpu.vector_store_idx %arg6[%parallel_loop3A_194], %broadcast_in_dim3A_1 {add = true} : memref<32768xf32, #tpu.memory_space<vmem>>[vector<16xi32>], vector<16xf32>,
        %parallel_loop3A_195 = arith.addi %parallel_loop3A_193, %add3A_49 : vector<16xi32>
        tpu.vector_store_idx %arg6[%parallel_loop3A_195], %broadcast_in_dim3A_1 {add = true} : memref<32768xf32, #tpu.memory_space<vmem>>[vector<16xi32>], vector<16xf32>,
        %parallel_loop3A_196 = arith.index_cast %parallel_loop3A_111 : i32 to index
        %parallel_loop3A_197 = arith.constant 112 : index
        %parallel_loop3A_198 = tpu.vector_load %arg4[%parallel_loop3A_196, %parallel_loop3A_197] {strides = array<i32>} : memref<256x128xf32, #tpu.memory_space<vmem>>, vector<16xf32>,
        %parallel_loop3A_199 = arith.fptosi %parallel_loop3A_198 : vector<16xf32> to vector<16xi32>
        %parallel_loop3A_200 = arith.constant 8 : i32
        %parallel_loop3A_201 = vector.broadcast %parallel_loop3A_200 : i32 to vector<16xi32>
        %parallel_loop3A_202 = arith.shrui %parallel_loop3A_199, %parallel_loop3A_201 : vector<16xi32>
        %parallel_loop3A_203 = arith.constant 255 : i32
        %parallel_loop3A_204 = vector.broadcast %parallel_loop3A_203 : i32 to vector<16xi32>
        %parallel_loop3A_205 = arith.andi %parallel_loop3A_199, %parallel_loop3A_204 : vector<16xi32>
        %parallel_loop3A_206 = arith.addi %parallel_loop3A_202, %add3A_56 : vector<16xi32>
        tpu.vector_store_idx %arg6[%parallel_loop3A_206], %broadcast_in_dim3A_1 {add = true} : memref<32768xf32, #tpu.memory_space<vmem>>[vector<16xi32>], vector<16xf32>,
        %parallel_loop3A_207 = arith.addi %parallel_loop3A_205, %add3A_56 : vector<16xi32>
        tpu.vector_store_idx %arg6[%parallel_loop3A_207], %broadcast_in_dim3A_1 {add = true} : memref<32768xf32, #tpu.memory_space<vmem>>[vector<16xi32>], vector<16xf32>,
      } {sc.loop_unroll_factor = 2 : i64, sc.parallel_access}
      %dma_wait3A_99 = arith.constant 0 : i32
      %dma_wait3A_100 = arith.constant 0 : i32
      %dma_wait3A_101 = tpu.memref_slice %arg2[%dma_wait3A_99, %dma_wait3A_100] : memref<65536x128xf32, #tpu.memory_space<hbm>> -> memref<256x128xf32, #tpu.memory_space<hbm>>
      %dma_wait3A_102 = arith.constant 0 : i32
      %dma_wait3A_103 = arith.constant 0 : i32
      %dma_wait3A_104 = tpu.memref_slice %arg2[%dma_wait3A_102, %dma_wait3A_103] : memref<65536x128xf32, #tpu.memory_space<hbm>> -> memref<256x128xf32, #tpu.memory_space<hbm>>
      tpu.wait_dma2 semaphore(%arg8 : memref<!tpu.dma_semaphore, #tpu.memory_space<semaphore_mem>>) src(%dma_wait3A_104 : memref<256x128xf32, #tpu.memory_space<hbm>>) dst(%arg5 : memref<256x128xf32, #tpu.memory_space<vmem>>)
      %lt3A = arith.constant 3 : i32
      %lt3A_105 = arith.cmpi slt, %scan3A_77, %lt3A : i32
      %convert_element_type3A = arith.extui %lt3A_105 : i1 to i32
      %cond3A = arith.constant 0 : i32
      %cond3A_106 = arith.cmpi ne, %convert_element_type3A, %cond3A : i32
      scf.if %cond3A_106 {
        %add3A_111 = arith.constant 512 : i32
        %add3A_112 = arith.addi %add3A_83, %add3A_111 : i32
        %multiple_of3A_113 = tpu.assume_multiple %add3A_112, 256 : i32
        %dma_start3A_114 = arith.constant 0 : i32
        %dma_start3A_115 = tpu.memref_slice %arg2[%multiple_of3A_113, %dma_start3A_114] : memref<65536x128xf32, #tpu.memory_space<hbm>> -> memref<256x128xf32, #tpu.memory_space<hbm>>
        %dma_start3A_116 = arith.constant 0 : i32
        %dma_start3A_117 = tpu.memref_slice %arg2[%multiple_of3A_113, %dma_start3A_116] : memref<65536x128xf32, #tpu.memory_space<hbm>> -> memref<256x128xf32, #tpu.memory_space<hbm>>
        tpu.enqueue_dma source(%dma_start3A_117 : memref<256x128xf32, #tpu.memory_space<hbm>>) target(%arg4 : memref<256x128xf32, #tpu.memory_space<vmem>>) target_semaphore(%arg7 : memref<!tpu.dma_semaphore, #tpu.memory_space<semaphore_mem>>)
      } else {
      }
      %parallel_loop3A_107 = arith.constant 0 : i32
      %parallel_loop3A_108 = arith.constant 256 : i32
      %parallel_loop3A_109 = arith.constant 1 : i32
      scf.for %parallel_loop3A_111 = %parallel_loop3A_107 to %parallel_loop3A_108 step %parallel_loop3A_109  : i32 {
        %parallel_loop3A_112 = arith.index_cast %parallel_loop3A_111 : i32 to index
        %parallel_loop3A_113 = arith.constant 0 : index
        %parallel_loop3A_114 = tpu.vector_load %arg5[%parallel_loop3A_112, %parallel_loop3A_113] {strides = array<i32>} : memref<256x128xf32, #tpu.memory_space<vmem>>, vector<16xf32>,
        %parallel_loop3A_115 = arith.fptosi %parallel_loop3A_114 : vector<16xf32> to vector<16xi32>
        %parallel_loop3A_116 = arith.constant 8 : i32
        %parallel_loop3A_117 = vector.broadcast %parallel_loop3A_116 : i32 to vector<16xi32>
        %parallel_loop3A_118 = arith.shrui %parallel_loop3A_115, %parallel_loop3A_117 : vector<16xi32>
        %parallel_loop3A_119 = arith.constant 255 : i32
        %parallel_loop3A_120 = vector.broadcast %parallel_loop3A_119 : i32 to vector<16xi32>
        %parallel_loop3A_121 = arith.andi %parallel_loop3A_115, %parallel_loop3A_120 : vector<16xi32>
        %parallel_loop3A_122 = arith.addi %parallel_loop3A_118, %add3A_7 : vector<16xi32>
        tpu.vector_store_idx %arg6[%parallel_loop3A_122], %broadcast_in_dim3A_1 {add = true} : memref<32768xf32, #tpu.memory_space<vmem>>[vector<16xi32>], vector<16xf32>,
        %parallel_loop3A_123 = arith.addi %parallel_loop3A_121, %add3A_7 : vector<16xi32>
        tpu.vector_store_idx %arg6[%parallel_loop3A_123], %broadcast_in_dim3A_1 {add = true} : memref<32768xf32, #tpu.memory_space<vmem>>[vector<16xi32>], vector<16xf32>,
        %parallel_loop3A_124 = arith.index_cast %parallel_loop3A_111 : i32 to index
        %parallel_loop3A_125 = arith.constant 16 : index
        %parallel_loop3A_126 = tpu.vector_load %arg5[%parallel_loop3A_124, %parallel_loop3A_125] {strides = array<i32>} : memref<256x128xf32, #tpu.memory_space<vmem>>, vector<16xf32>,
        %parallel_loop3A_127 = arith.fptosi %parallel_loop3A_126 : vector<16xf32> to vector<16xi32>
        %parallel_loop3A_128 = arith.constant 8 : i32
        %parallel_loop3A_129 = vector.broadcast %parallel_loop3A_128 : i32 to vector<16xi32>
        %parallel_loop3A_130 = arith.shrui %parallel_loop3A_127, %parallel_loop3A_129 : vector<16xi32>
        %parallel_loop3A_131 = arith.constant 255 : i32
        %parallel_loop3A_132 = vector.broadcast %parallel_loop3A_131 : i32 to vector<16xi32>
        %parallel_loop3A_133 = arith.andi %parallel_loop3A_127, %parallel_loop3A_132 : vector<16xi32>
        %parallel_loop3A_134 = arith.addi %parallel_loop3A_130, %add3A_14 : vector<16xi32>
        tpu.vector_store_idx %arg6[%parallel_loop3A_134], %broadcast_in_dim3A_1 {add = true} : memref<32768xf32, #tpu.memory_space<vmem>>[vector<16xi32>], vector<16xf32>,
        %parallel_loop3A_135 = arith.addi %parallel_loop3A_133, %add3A_14 : vector<16xi32>
        tpu.vector_store_idx %arg6[%parallel_loop3A_135], %broadcast_in_dim3A_1 {add = true} : memref<32768xf32, #tpu.memory_space<vmem>>[vector<16xi32>], vector<16xf32>,
        %parallel_loop3A_136 = arith.index_cast %parallel_loop3A_111 : i32 to index
        %parallel_loop3A_137 = arith.constant 32 : index
        %parallel_loop3A_138 = tpu.vector_load %arg5[%parallel_loop3A_136, %parallel_loop3A_137] {strides = array<i32>} : memref<256x128xf32, #tpu.memory_space<vmem>>, vector<16xf32>,
        %parallel_loop3A_139 = arith.fptosi %parallel_loop3A_138 : vector<16xf32> to vector<16xi32>
        %parallel_loop3A_140 = arith.constant 8 : i32
        %parallel_loop3A_141 = vector.broadcast %parallel_loop3A_140 : i32 to vector<16xi32>
        %parallel_loop3A_142 = arith.shrui %parallel_loop3A_139, %parallel_loop3A_141 : vector<16xi32>
        %parallel_loop3A_143 = arith.constant 255 : i32
        %parallel_loop3A_144 = vector.broadcast %parallel_loop3A_143 : i32 to vector<16xi32>
        %parallel_loop3A_145 = arith.andi %parallel_loop3A_139, %parallel_loop3A_144 : vector<16xi32>
        %parallel_loop3A_146 = arith.addi %parallel_loop3A_142, %add3A_21 : vector<16xi32>
        tpu.vector_store_idx %arg6[%parallel_loop3A_146], %broadcast_in_dim3A_1 {add = true} : memref<32768xf32, #tpu.memory_space<vmem>>[vector<16xi32>], vector<16xf32>,
        %parallel_loop3A_147 = arith.addi %parallel_loop3A_145, %add3A_21 : vector<16xi32>
        tpu.vector_store_idx %arg6[%parallel_loop3A_147], %broadcast_in_dim3A_1 {add = true} : memref<32768xf32, #tpu.memory_space<vmem>>[vector<16xi32>], vector<16xf32>,
        %parallel_loop3A_148 = arith.index_cast %parallel_loop3A_111 : i32 to index
        %parallel_loop3A_149 = arith.constant 48 : index
        %parallel_loop3A_150 = tpu.vector_load %arg5[%parallel_loop3A_148, %parallel_loop3A_149] {strides = array<i32>} : memref<256x128xf32, #tpu.memory_space<vmem>>, vector<16xf32>,
        %parallel_loop3A_151 = arith.fptosi %parallel_loop3A_150 : vector<16xf32> to vector<16xi32>
        %parallel_loop3A_152 = arith.constant 8 : i32
        %parallel_loop3A_153 = vector.broadcast %parallel_loop3A_152 : i32 to vector<16xi32>
        %parallel_loop3A_154 = arith.shrui %parallel_loop3A_151, %parallel_loop3A_153 : vector<16xi32>
        %parallel_loop3A_155 = arith.constant 255 : i32
        %parallel_loop3A_156 = vector.broadcast %parallel_loop3A_155 : i32 to vector<16xi32>
        %parallel_loop3A_157 = arith.andi %parallel_loop3A_151, %parallel_loop3A_156 : vector<16xi32>
        %parallel_loop3A_158 = arith.addi %parallel_loop3A_154, %add3A_28 : vector<16xi32>
        tpu.vector_store_idx %arg6[%parallel_loop3A_158], %broadcast_in_dim3A_1 {add = true} : memref<32768xf32, #tpu.memory_space<vmem>>[vector<16xi32>], vector<16xf32>,
        %parallel_loop3A_159 = arith.addi %parallel_loop3A_157, %add3A_28 : vector<16xi32>
        tpu.vector_store_idx %arg6[%parallel_loop3A_159], %broadcast_in_dim3A_1 {add = true} : memref<32768xf32, #tpu.memory_space<vmem>>[vector<16xi32>], vector<16xf32>,
        %parallel_loop3A_160 = arith.index_cast %parallel_loop3A_111 : i32 to index
        %parallel_loop3A_161 = arith.constant 64 : index
        %parallel_loop3A_162 = tpu.vector_load %arg5[%parallel_loop3A_160, %parallel_loop3A_161] {strides = array<i32>} : memref<256x128xf32, #tpu.memory_space<vmem>>, vector<16xf32>,
        %parallel_loop3A_163 = arith.fptosi %parallel_loop3A_162 : vector<16xf32> to vector<16xi32>
        %parallel_loop3A_164 = arith.constant 8 : i32
        %parallel_loop3A_165 = vector.broadcast %parallel_loop3A_164 : i32 to vector<16xi32>
        %parallel_loop3A_166 = arith.shrui %parallel_loop3A_163, %parallel_loop3A_165 : vector<16xi32>
        %parallel_loop3A_167 = arith.constant 255 : i32
        %parallel_loop3A_168 = vector.broadcast %parallel_loop3A_167 : i32 to vector<16xi32>
        %parallel_loop3A_169 = arith.andi %parallel_loop3A_163, %parallel_loop3A_168 : vector<16xi32>
        %parallel_loop3A_170 = arith.addi %parallel_loop3A_166, %add3A_35 : vector<16xi32>
        tpu.vector_store_idx %arg6[%parallel_loop3A_170], %broadcast_in_dim3A_1 {add = true} : memref<32768xf32, #tpu.memory_space<vmem>>[vector<16xi32>], vector<16xf32>,
        %parallel_loop3A_171 = arith.addi %parallel_loop3A_169, %add3A_35 : vector<16xi32>
        tpu.vector_store_idx %arg6[%parallel_loop3A_171], %broadcast_in_dim3A_1 {add = true} : memref<32768xf32, #tpu.memory_space<vmem>>[vector<16xi32>], vector<16xf32>,
        %parallel_loop3A_172 = arith.index_cast %parallel_loop3A_111 : i32 to index
        %parallel_loop3A_173 = arith.constant 80 : index
        %parallel_loop3A_174 = tpu.vector_load %arg5[%parallel_loop3A_172, %parallel_loop3A_173] {strides = array<i32>} : memref<256x128xf32, #tpu.memory_space<vmem>>, vector<16xf32>,
        %parallel_loop3A_175 = arith.fptosi %parallel_loop3A_174 : vector<16xf32> to vector<16xi32>
        %parallel_loop3A_176 = arith.constant 8 : i32
        %parallel_loop3A_177 = vector.broadcast %parallel_loop3A_176 : i32 to vector<16xi32>
        %parallel_loop3A_178 = arith.shrui %parallel_loop3A_175, %parallel_loop3A_177 : vector<16xi32>
        %parallel_loop3A_179 = arith.constant 255 : i32
        %parallel_loop3A_180 = vector.broadcast %parallel_loop3A_179 : i32 to vector<16xi32>
        %parallel_loop3A_181 = arith.andi %parallel_loop3A_175, %parallel_loop3A_180 : vector<16xi32>
        %parallel_loop3A_182 = arith.addi %parallel_loop3A_178, %add3A_42 : vector<16xi32>
        tpu.vector_store_idx %arg6[%parallel_loop3A_182], %broadcast_in_dim3A_1 {add = true} : memref<32768xf32, #tpu.memory_space<vmem>>[vector<16xi32>], vector<16xf32>,
        %parallel_loop3A_183 = arith.addi %parallel_loop3A_181, %add3A_42 : vector<16xi32>
        tpu.vector_store_idx %arg6[%parallel_loop3A_183], %broadcast_in_dim3A_1 {add = true} : memref<32768xf32, #tpu.memory_space<vmem>>[vector<16xi32>], vector<16xf32>,
        %parallel_loop3A_184 = arith.index_cast %parallel_loop3A_111 : i32 to index
        %parallel_loop3A_185 = arith.constant 96 : index
        %parallel_loop3A_186 = tpu.vector_load %arg5[%parallel_loop3A_184, %parallel_loop3A_185] {strides = array<i32>} : memref<256x128xf32, #tpu.memory_space<vmem>>, vector<16xf32>,
        %parallel_loop3A_187 = arith.fptosi %parallel_loop3A_186 : vector<16xf32> to vector<16xi32>
        %parallel_loop3A_188 = arith.constant 8 : i32
        %parallel_loop3A_189 = vector.broadcast %parallel_loop3A_188 : i32 to vector<16xi32>
        %parallel_loop3A_190 = arith.shrui %parallel_loop3A_187, %parallel_loop3A_189 : vector<16xi32>
        %parallel_loop3A_191 = arith.constant 255 : i32
        %parallel_loop3A_192 = vector.broadcast %parallel_loop3A_191 : i32 to vector<16xi32>
        %parallel_loop3A_193 = arith.andi %parallel_loop3A_187, %parallel_loop3A_192 : vector<16xi32>
        %parallel_loop3A_194 = arith.addi %parallel_loop3A_190, %add3A_49 : vector<16xi32>
        tpu.vector_store_idx %arg6[%parallel_loop3A_194], %broadcast_in_dim3A_1 {add = true} : memref<32768xf32, #tpu.memory_space<vmem>>[vector<16xi32>], vector<16xf32>,
        %parallel_loop3A_195 = arith.addi %parallel_loop3A_193, %add3A_49 : vector<16xi32>
        tpu.vector_store_idx %arg6[%parallel_loop3A_195], %broadcast_in_dim3A_1 {add = true} : memref<32768xf32, #tpu.memory_space<vmem>>[vector<16xi32>], vector<16xf32>,
        %parallel_loop3A_196 = arith.index_cast %parallel_loop3A_111 : i32 to index
        %parallel_loop3A_197 = arith.constant 112 : index
        %parallel_loop3A_198 = tpu.vector_load %arg5[%parallel_loop3A_196, %parallel_loop3A_197] {strides = array<i32>} : memref<256x128xf32, #tpu.memory_space<vmem>>, vector<16xf32>,
        %parallel_loop3A_199 = arith.fptosi %parallel_loop3A_198 : vector<16xf32> to vector<16xi32>
        %parallel_loop3A_200 = arith.constant 8 : i32
        %parallel_loop3A_201 = vector.broadcast %parallel_loop3A_200 : i32 to vector<16xi32>
        %parallel_loop3A_202 = arith.shrui %parallel_loop3A_199, %parallel_loop3A_201 : vector<16xi32>
        %parallel_loop3A_203 = arith.constant 255 : i32
        %parallel_loop3A_204 = vector.broadcast %parallel_loop3A_203 : i32 to vector<16xi32>
        %parallel_loop3A_205 = arith.andi %parallel_loop3A_199, %parallel_loop3A_204 : vector<16xi32>
        %parallel_loop3A_206 = arith.addi %parallel_loop3A_202, %add3A_56 : vector<16xi32>
        tpu.vector_store_idx %arg6[%parallel_loop3A_206], %broadcast_in_dim3A_1 {add = true} : memref<32768xf32, #tpu.memory_space<vmem>>[vector<16xi32>], vector<16xf32>,
        %parallel_loop3A_207 = arith.addi %parallel_loop3A_205, %add3A_56 : vector<16xi32>
        tpu.vector_store_idx %arg6[%parallel_loop3A_207], %broadcast_in_dim3A_1 {add = true} : memref<32768xf32, #tpu.memory_space<vmem>>[vector<16xi32>], vector<16xf32>,
      } {sc.loop_unroll_factor = 2 : i64, sc.parallel_access}
      %scan3A_110 = arith.constant 0 : i32
      scf.yield %scan3A_110 : i32
    }
    %scan3A_73 = arith.constant 4 : i32
    %mul3A_74 = arith.constant 32768 : i32
    %mul3A_75 = arith.muli %add3A_60, %mul3A_74 : i32
    %multiple_of3A_76 = tpu.assume_multiple %mul3A_75, 32768 : i32
    "tpu.region"() ({
      %run_scoped3A = tpu.sem_alloc : memref<!tpu.dma_semaphore, #tpu.memory_space<semaphore_mem>>
      %dma_start3A_77 = tpu.memref_slice %arg3[%multiple_of3A_76] : memref<1048576xf32, #tpu.memory_space<hbm>> -> memref<32768xf32, #tpu.memory_space<hbm>>
      %dma_start3A_78 = tpu.memref_slice %arg3[%multiple_of3A_76] : memref<1048576xf32, #tpu.memory_space<hbm>> -> memref<32768xf32, #tpu.memory_space<hbm>>
      tpu.enqueue_dma source(%arg6 : memref<32768xf32, #tpu.memory_space<vmem>>) target(%dma_start3A_78 : memref<32768xf32, #tpu.memory_space<hbm>>) target_semaphore(%run_scoped3A : memref<!tpu.dma_semaphore, #tpu.memory_space<semaphore_mem>>)
      %dma_wait3A = tpu.memref_slice %arg3[%multiple_of3A_76] : memref<1048576xf32, #tpu.memory_space<hbm>> -> memref<32768xf32, #tpu.memory_space<hbm>>
      %dma_wait3A_79 = tpu.memref_slice %arg3[%multiple_of3A_76] : memref<1048576xf32, #tpu.memory_space<hbm>> -> memref<32768xf32, #tpu.memory_space<hbm>>
      tpu.wait_dma2 semaphore(%run_scoped3A : memref<!tpu.dma_semaphore, #tpu.memory_space<semaphore_mem>>) src(%arg6 : memref<32768xf32, #tpu.memory_space<vmem>>) dst(%dma_wait3A_79 : memref<32768xf32, #tpu.memory_space<hbm>>)
      tpu.yield
    }) : () -> ()
    return
  }
}

#map = affine_map<(d0, d1) -> (0, 0)>
#map1 = affine_map<(d0, d1) -> (0)>
module attributes {stable_mosaic.version = 14 : i64} {
  func.func @_sc_hist(%arg0: i32, %arg1: i32, %arg2: memref<65536x128xf32, #tpu.memory_space<hbm>>, %arg3: memref<1048576xf32, #tpu.memory_space<hbm>>, %arg4: memref<256x128xf32, #tpu.memory_space<vmem>>, %arg5: memref<256x128xf32, #tpu.memory_space<vmem>>, %arg6: memref<32768xf32, #tpu.memory_space<vmem>>, %arg7: memref<!tpu.dma_semaphore, #tpu.memory_space<semaphore_mem>>, %arg8: memref<!tpu.dma_semaphore, #tpu.memory_space<semaphore_mem>>) attributes {dimension_semantics = [#tpu.dimension_semantics<core_parallel>, #tpu.dimension_semantics<subcore_parallel>], iteration_bounds = array<i64: 2, 16>, scalar_prefetch = 0 : i64, scratch_operands = 5 : i64, tpu.core_type = #tpu.core_type<sc_vector_subcore>, window_params = [{transform_indices = #map}, {transform_indices = #map1}]} {
    %mul3A = arith.constant 2 : i32
    %mul3A_0 = arith.muli %arg1, %mul3A : i32
    %add3A = arith.addi %mul3A_0, %arg0 : i32
    %broadcast_in_dim3A = arith.constant 1.000000e+00 : f32
    %broadcast_in_dim3A_1 = vector.broadcast %broadcast_in_dim3A : f32 to vector<16xf32>
    %iota3A = tpu.iota {dimensions = array<i32: 0>} : vector<16xi32>
    %mul3A_2 = arith.constant 256 : i32
    %mul3A_3 = vector.broadcast %mul3A_2 : i32 to vector<16xi32>
    %mul3A_4 = arith.muli %iota3A, %mul3A_3 : vector<16xi32>
    %add3A_5 = arith.constant 0 : i32
    %add3A_6 = vector.broadcast %add3A_5 : i32 to vector<16xi32>
    %add3A_7 = arith.addi %mul3A_4, %add3A_6 : vector<16xi32>
    %iota3A_8 = tpu.iota {dimensions = array<i32: 0>} : vector<16xi32>
    %mul3A_9 = arith.constant 256 : i32
    %mul3A_10 = vector.broadcast %mul3A_9 : i32 to vector<16xi32>
    %mul3A_11 = arith.muli %iota3A_8, %mul3A_10 : vector<16xi32>
    %add3A_12 = arith.constant 4096 : i32
    %add3A_13 = vector.broadcast %add3A_12 : i32 to vector<16xi32>
    %add3A_14 = arith.addi %mul3A_11, %add3A_13 : vector<16xi32>
    %iota3A_15 = tpu.iota {dimensions = array<i32: 0>} : vector<16xi32>
    %mul3A_16 = arith.constant 256 : i32
    %mul3A_17 = vector.broadcast %mul3A_16 : i32 to vector<16xi32>
    %mul3A_18 = arith.muli %iota3A_15, %mul3A_17 : vector<16xi32>
    %add3A_19 = arith.constant 8192 : i32
    %add3A_20 = vector.broadcast %add3A_19 : i32 to vector<16xi32>
    %add3A_21 = arith.addi %mul3A_18, %add3A_20 : vector<16xi32>
    %iota3A_22 = tpu.iota {dimensions = array<i32: 0>} : vector<16xi32>
    %mul3A_23 = arith.constant 256 : i32
    %mul3A_24 = vector.broadcast %mul3A_23 : i32 to vector<16xi32>
    %mul3A_25 = arith.muli %iota3A_22, %mul3A_24 : vector<16xi32>
    %add3A_26 = arith.constant 12288 : i32
    %add3A_27 = vector.broadcast %add3A_26 : i32 to vector<16xi32>
    %add3A_28 = arith.addi %mul3A_25, %add3A_27 : vector<16xi32>
    %iota3A_29 = tpu.iota {dimensions = array<i32: 0>} : vector<16xi32>
    %mul3A_30 = arith.constant 256 : i32
    %mul3A_31 = vector.broadcast %mul3A_30 : i32 to vector<16xi32>
    %mul3A_32 = arith.muli %iota3A_29, %mul3A_31 : vector<16xi32>
    %add3A_33 = arith.constant 16384 : i32
    %add3A_34 = vector.broadcast %add3A_33 : i32 to vector<16xi32>
    %add3A_35 = arith.addi %mul3A_32, %add3A_34 : vector<16xi32>
    %iota3A_36 = tpu.iota {dimensions = array<i32: 0>} : vector<16xi32>
    %mul3A_37 = arith.constant 256 : i32
    %mul3A_38 = vector.broadcast %mul3A_37 : i32 to vector<16xi32>
    %mul3A_39 = arith.muli %iota3A_36, %mul3A_38 : vector<16xi32>
    %add3A_40 = arith.constant 20480 : i32
    %add3A_41 = vector.broadcast %add3A_40 : i32 to vector<16xi32>
    %add3A_42 = arith.addi %mul3A_39, %add3A_41 : vector<16xi32>
    %iota3A_43 = tpu.iota {dimensions = array<i32: 0>} : vector<16xi32>
    %mul3A_44 = arith.constant 256 : i32
    %mul3A_45 = vector.broadcast %mul3A_44 : i32 to vector<16xi32>
    %mul3A_46 = arith.muli %iota3A_43, %mul3A_45 : vector<16xi32>
    %add3A_47 = arith.constant 24576 : i32
    %add3A_48 = vector.broadcast %add3A_47 : i32 to vector<16xi32>
    %add3A_49 = arith.addi %mul3A_46, %add3A_48 : vector<16xi32>
    %iota3A_50 = tpu.iota {dimensions = array<i32: 0>} : vector<16xi32>
    %mul3A_51 = arith.constant 256 : i32
    %mul3A_52 = vector.broadcast %mul3A_51 : i32 to vector<16xi32>
    %mul3A_53 = arith.muli %iota3A_50, %mul3A_52 : vector<16xi32>
    %add3A_54 = arith.constant 28672 : i32
    %add3A_55 = vector.broadcast %add3A_54 : i32 to vector<16xi32>
    %add3A_56 = arith.addi %mul3A_53, %add3A_55 : vector<16xi32>
    %mul3A_57 = arith.constant 1 : i32
    %mul3A_58 = arith.muli %add3A, %mul3A_57 : i32
    %add3A_59 = arith.constant 0 : i32
    %add3A_60 = arith.addi %mul3A_58, %add3A_59 : i32
    %parallel_loop3A = arith.constant 0 : i32
    %parallel_loop3A_61 = arith.constant 2048 : i32
    %parallel_loop3A_62 = arith.constant 1 : i32
    scf.for %parallel_loop3A_77 = %parallel_loop3A to %parallel_loop3A_61 step %parallel_loop3A_62  : i32 {
      %parallel_loop3A_78 = arith.constant 0.000000e+00 : f32
      %parallel_loop3A_79 = vector.broadcast %parallel_loop3A_78 : f32 to vector<16xf32>
      %parallel_loop3A_80 = arith.constant 16 : i32
      %parallel_loop3A_81 = arith.muli %parallel_loop3A_77, %parallel_loop3A_80 : i32
      %parallel_loop3A_82 = arith.index_cast %parallel_loop3A_81 : i32 to index
      %parallel_loop3A_83 = tpu.vector_load %arg6[%parallel_loop3A_82] {strides = array<i32>} : memref<32768xf32, #tpu.memory_space<vmem>>, vector<16xf32>,
      tpu.vector_store %arg6[%parallel_loop3A_82], %parallel_loop3A_79 {strides = array<i32>} : memref<32768xf32, #tpu.memory_space<vmem>>, vector<16xf32>,
    } {sc.loop_unroll_factor = 4 : i64, sc.parallel_access}
    %mul3A_63 = arith.constant 2048 : i32
    %mul3A_64 = arith.muli %add3A_60, %mul3A_63 : i32
    %multiple_of3A = tpu.assume_multiple %mul3A_64, 256 : i32
    %dma_start3A = arith.constant 0 : i32
    %dma_start3A_65 = tpu.memref_slice %arg2[%multiple_of3A, %dma_start3A] : memref<65536x128xf32, #tpu.memory_space<hbm>> -> memref<256x128xf32, #tpu.memory_space<hbm>>
    %dma_start3A_66 = arith.constant 0 : i32
    %dma_start3A_67 = tpu.memref_slice %arg2[%multiple_of3A, %dma_start3A_66] : memref<65536x128xf32, #tpu.memory_space<hbm>> -> memref<256x128xf32, #tpu.memory_space<hbm>>
    tpu.enqueue_dma source(%dma_start3A_67 : memref<256x128xf32, #tpu.memory_space<hbm>>) target(%arg4 : memref<256x128xf32, #tpu.memory_space<vmem>>) target_semaphore(%arg7 : memref<!tpu.dma_semaphore, #tpu.memory_space<semaphore_mem>>)
    %scan3A = arith.constant 0 : i32
    %scan3A_68 = arith.constant 0 : i32
    %scan3A_69 = arith.constant 4 : i32
    %scan3A_70 = arith.addi %scan3A_68, %scan3A_69 : i32
    %scan3A_71 = arith.constant 1 : i32
    %scan3A_72 = scf.for %scan3A_77 = %scan3A_68 to %scan3A_70 step %scan3A_71 iter_args(%scan3A_78 = %scan3A) -> (i32)  : i32 {
      %mul3A_79 = arith.constant 2 : i32
      %mul3A_80 = arith.muli %mul3A_79, %scan3A_77 : i32
      %mul3A_81 = arith.constant 256 : i32
      %mul3A_82 = arith.muli %mul3A_80, %mul3A_81 : i32
      %add3A_83 = arith.addi %mul3A_64, %mul3A_82 : i32
      %dma_wait3A = arith.constant 0 : i32
      %dma_wait3A_84 = arith.constant 0 : i32
      %dma_wait3A_85 = tpu.memref_slice %arg2[%dma_wait3A, %dma_wait3A_84] : memref<65536x128xf32, #tpu.memory_space<hbm>> -> memref<256x128xf32, #tpu.memory_space<hbm>>
      %dma_wait3A_86 = arith.constant 0 : i32
      %dma_wait3A_87 = arith.constant 0 : i32
      %dma_wait3A_88 = tpu.memref_slice %arg2[%dma_wait3A_86, %dma_wait3A_87] : memref<65536x128xf32, #tpu.memory_space<hbm>> -> memref<256x128xf32, #tpu.memory_space<hbm>>
      tpu.wait_dma2 semaphore(%arg7 : memref<!tpu.dma_semaphore, #tpu.memory_space<semaphore_mem>>) src(%dma_wait3A_88 : memref<256x128xf32, #tpu.memory_space<hbm>>) dst(%arg4 : memref<256x128xf32, #tpu.memory_space<vmem>>)
      %add3A_89 = arith.constant 256 : i32
      %add3A_90 = arith.addi %add3A_83, %add3A_89 : i32
      %multiple_of3A_91 = tpu.assume_multiple %add3A_90, 256 : i32
      %dma_start3A_92 = arith.constant 0 : i32
      %dma_start3A_93 = tpu.memref_slice %arg2[%multiple_of3A_91, %dma_start3A_92] : memref<65536x128xf32, #tpu.memory_space<hbm>> -> memref<256x128xf32, #tpu.memory_space<hbm>>
      %dma_start3A_94 = arith.constant 0 : i32
      %dma_start3A_95 = tpu.memref_slice %arg2[%multiple_of3A_91, %dma_start3A_94] : memref<65536x128xf32, #tpu.memory_space<hbm>> -> memref<256x128xf32, #tpu.memory_space<hbm>>
      tpu.enqueue_dma source(%dma_start3A_95 : memref<256x128xf32, #tpu.memory_space<hbm>>) target(%arg5 : memref<256x128xf32, #tpu.memory_space<vmem>>) target_semaphore(%arg8 : memref<!tpu.dma_semaphore, #tpu.memory_space<semaphore_mem>>)
      %parallel_loop3A_96 = arith.constant 0 : i32
      %parallel_loop3A_97 = arith.constant 256 : i32
      %parallel_loop3A_98 = arith.constant 1 : i32
      scf.for %parallel_loop3A_111 = %parallel_loop3A_96 to %parallel_loop3A_97 step %parallel_loop3A_98  : i32 {
        %parallel_loop3A_112 = arith.index_cast %parallel_loop3A_111 : i32 to index
        %parallel_loop3A_113 = arith.constant 0 : index
        %parallel_loop3A_114 = tpu.vector_load %arg4[%parallel_loop3A_112, %parallel_loop3A_113] {strides = array<i32>} : memref<256x128xf32, #tpu.memory_space<vmem>>, vector<16xf32>,
        %parallel_loop3A_115 = arith.fptosi %parallel_loop3A_114 : vector<16xf32> to vector<16xi32>
        %parallel_loop3A_116 = arith.constant 8 : i32
        %parallel_loop3A_117 = vector.broadcast %parallel_loop3A_116 : i32 to vector<16xi32>
        %parallel_loop3A_118 = arith.shrui %parallel_loop3A_115, %parallel_loop3A_117 : vector<16xi32>
        %parallel_loop3A_119 = arith.constant 255 : i32
        %parallel_loop3A_120 = vector.broadcast %parallel_loop3A_119 : i32 to vector<16xi32>
        %parallel_loop3A_121 = arith.andi %parallel_loop3A_115, %parallel_loop3A_120 : vector<16xi32>
        %parallel_loop3A_122 = arith.addi %parallel_loop3A_118, %add3A_7 : vector<16xi32>
        tpu.vector_store_idx %arg6[%parallel_loop3A_122], %broadcast_in_dim3A_1 {add = true} : memref<32768xf32, #tpu.memory_space<vmem>>[vector<16xi32>], vector<16xf32>,
        %parallel_loop3A_123 = arith.addi %parallel_loop3A_121, %add3A_7 : vector<16xi32>
        tpu.vector_store_idx %arg6[%parallel_loop3A_123], %broadcast_in_dim3A_1 {add = true} : memref<32768xf32, #tpu.memory_space<vmem>>[vector<16xi32>], vector<16xf32>,
        %parallel_loop3A_124 = arith.index_cast %parallel_loop3A_111 : i32 to index
        %parallel_loop3A_125 = arith.constant 16 : index
        %parallel_loop3A_126 = tpu.vector_load %arg4[%parallel_loop3A_124, %parallel_loop3A_125] {strides = array<i32>} : memref<256x128xf32, #tpu.memory_space<vmem>>, vector<16xf32>,
        %parallel_loop3A_127 = arith.fptosi %parallel_loop3A_126 : vector<16xf32> to vector<16xi32>
        %parallel_loop3A_128 = arith.constant 8 : i32
        %parallel_loop3A_129 = vector.broadcast %parallel_loop3A_128 : i32 to vector<16xi32>
        %parallel_loop3A_130 = arith.shrui %parallel_loop3A_127, %parallel_loop3A_129 : vector<16xi32>
        %parallel_loop3A_131 = arith.constant 255 : i32
        %parallel_loop3A_132 = vector.broadcast %parallel_loop3A_131 : i32 to vector<16xi32>
        %parallel_loop3A_133 = arith.andi %parallel_loop3A_127, %parallel_loop3A_132 : vector<16xi32>
        %parallel_loop3A_134 = arith.addi %parallel_loop3A_130, %add3A_14 : vector<16xi32>
        tpu.vector_store_idx %arg6[%parallel_loop3A_134], %broadcast_in_dim3A_1 {add = true} : memref<32768xf32, #tpu.memory_space<vmem>>[vector<16xi32>], vector<16xf32>,
        %parallel_loop3A_135 = arith.addi %parallel_loop3A_133, %add3A_14 : vector<16xi32>
        tpu.vector_store_idx %arg6[%parallel_loop3A_135], %broadcast_in_dim3A_1 {add = true} : memref<32768xf32, #tpu.memory_space<vmem>>[vector<16xi32>], vector<16xf32>,
        %parallel_loop3A_136 = arith.index_cast %parallel_loop3A_111 : i32 to index
        %parallel_loop3A_137 = arith.constant 32 : index
        %parallel_loop3A_138 = tpu.vector_load %arg4[%parallel_loop3A_136, %parallel_loop3A_137] {strides = array<i32>} : memref<256x128xf32, #tpu.memory_space<vmem>>, vector<16xf32>,
        %parallel_loop3A_139 = arith.fptosi %parallel_loop3A_138 : vector<16xf32> to vector<16xi32>
        %parallel_loop3A_140 = arith.constant 8 : i32
        %parallel_loop3A_141 = vector.broadcast %parallel_loop3A_140 : i32 to vector<16xi32>
        %parallel_loop3A_142 = arith.shrui %parallel_loop3A_139, %parallel_loop3A_141 : vector<16xi32>
        %parallel_loop3A_143 = arith.constant 255 : i32
        %parallel_loop3A_144 = vector.broadcast %parallel_loop3A_143 : i32 to vector<16xi32>
        %parallel_loop3A_145 = arith.andi %parallel_loop3A_139, %parallel_loop3A_144 : vector<16xi32>
        %parallel_loop3A_146 = arith.addi %parallel_loop3A_142, %add3A_21 : vector<16xi32>
        tpu.vector_store_idx %arg6[%parallel_loop3A_146], %broadcast_in_dim3A_1 {add = true} : memref<32768xf32, #tpu.memory_space<vmem>>[vector<16xi32>], vector<16xf32>,
        %parallel_loop3A_147 = arith.addi %parallel_loop3A_145, %add3A_21 : vector<16xi32>
        tpu.vector_store_idx %arg6[%parallel_loop3A_147], %broadcast_in_dim3A_1 {add = true} : memref<32768xf32, #tpu.memory_space<vmem>>[vector<16xi32>], vector<16xf32>,
        %parallel_loop3A_148 = arith.index_cast %parallel_loop3A_111 : i32 to index
        %parallel_loop3A_149 = arith.constant 48 : index
        %parallel_loop3A_150 = tpu.vector_load %arg4[%parallel_loop3A_148, %parallel_loop3A_149] {strides = array<i32>} : memref<256x128xf32, #tpu.memory_space<vmem>>, vector<16xf32>,
        %parallel_loop3A_151 = arith.fptosi %parallel_loop3A_150 : vector<16xf32> to vector<16xi32>
        %parallel_loop3A_152 = arith.constant 8 : i32
        %parallel_loop3A_153 = vector.broadcast %parallel_loop3A_152 : i32 to vector<16xi32>
        %parallel_loop3A_154 = arith.shrui %parallel_loop3A_151, %parallel_loop3A_153 : vector<16xi32>
        %parallel_loop3A_155 = arith.constant 255 : i32
        %parallel_loop3A_156 = vector.broadcast %parallel_loop3A_155 : i32 to vector<16xi32>
        %parallel_loop3A_157 = arith.andi %parallel_loop3A_151, %parallel_loop3A_156 : vector<16xi32>
        %parallel_loop3A_158 = arith.addi %parallel_loop3A_154, %add3A_28 : vector<16xi32>
        tpu.vector_store_idx %arg6[%parallel_loop3A_158], %broadcast_in_dim3A_1 {add = true} : memref<32768xf32, #tpu.memory_space<vmem>>[vector<16xi32>], vector<16xf32>,
        %parallel_loop3A_159 = arith.addi %parallel_loop3A_157, %add3A_28 : vector<16xi32>
        tpu.vector_store_idx %arg6[%parallel_loop3A_159], %broadcast_in_dim3A_1 {add = true} : memref<32768xf32, #tpu.memory_space<vmem>>[vector<16xi32>], vector<16xf32>,
        %parallel_loop3A_160 = arith.index_cast %parallel_loop3A_111 : i32 to index
        %parallel_loop3A_161 = arith.constant 64 : index
        %parallel_loop3A_162 = tpu.vector_load %arg4[%parallel_loop3A_160, %parallel_loop3A_161] {strides = array<i32>} : memref<256x128xf32, #tpu.memory_space<vmem>>, vector<16xf32>,
        %parallel_loop3A_163 = arith.fptosi %parallel_loop3A_162 : vector<16xf32> to vector<16xi32>
        %parallel_loop3A_164 = arith.constant 8 : i32
        %parallel_loop3A_165 = vector.broadcast %parallel_loop3A_164 : i32 to vector<16xi32>
        %parallel_loop3A_166 = arith.shrui %parallel_loop3A_163, %parallel_loop3A_165 : vector<16xi32>
        %parallel_loop3A_167 = arith.constant 255 : i32
        %parallel_loop3A_168 = vector.broadcast %parallel_loop3A_167 : i32 to vector<16xi32>
        %parallel_loop3A_169 = arith.andi %parallel_loop3A_163, %parallel_loop3A_168 : vector<16xi32>
        %parallel_loop3A_170 = arith.addi %parallel_loop3A_166, %add3A_35 : vector<16xi32>
        tpu.vector_store_idx %arg6[%parallel_loop3A_170], %broadcast_in_dim3A_1 {add = true} : memref<32768xf32, #tpu.memory_space<vmem>>[vector<16xi32>], vector<16xf32>,
        %parallel_loop3A_171 = arith.addi %parallel_loop3A_169, %add3A_35 : vector<16xi32>
        tpu.vector_store_idx %arg6[%parallel_loop3A_171], %broadcast_in_dim3A_1 {add = true} : memref<32768xf32, #tpu.memory_space<vmem>>[vector<16xi32>], vector<16xf32>,
        %parallel_loop3A_172 = arith.index_cast %parallel_loop3A_111 : i32 to index
        %parallel_loop3A_173 = arith.constant 80 : index
        %parallel_loop3A_174 = tpu.vector_load %arg4[%parallel_loop3A_172, %parallel_loop3A_173] {strides = array<i32>} : memref<256x128xf32, #tpu.memory_space<vmem>>, vector<16xf32>,
        %parallel_loop3A_175 = arith.fptosi %parallel_loop3A_174 : vector<16xf32> to vector<16xi32>
        %parallel_loop3A_176 = arith.constant 8 : i32
        %parallel_loop3A_177 = vector.broadcast %parallel_loop3A_176 : i32 to vector<16xi32>
        %parallel_loop3A_178 = arith.shrui %parallel_loop3A_175, %parallel_loop3A_177 : vector<16xi32>
        %parallel_loop3A_179 = arith.constant 255 : i32
        %parallel_loop3A_180 = vector.broadcast %parallel_loop3A_179 : i32 to vector<16xi32>
        %parallel_loop3A_181 = arith.andi %parallel_loop3A_175, %parallel_loop3A_180 : vector<16xi32>
        %parallel_loop3A_182 = arith.addi %parallel_loop3A_178, %add3A_42 : vector<16xi32>
        tpu.vector_store_idx %arg6[%parallel_loop3A_182], %broadcast_in_dim3A_1 {add = true} : memref<32768xf32, #tpu.memory_space<vmem>>[vector<16xi32>], vector<16xf32>,
        %parallel_loop3A_183 = arith.addi %parallel_loop3A_181, %add3A_42 : vector<16xi32>
        tpu.vector_store_idx %arg6[%parallel_loop3A_183], %broadcast_in_dim3A_1 {add = true} : memref<32768xf32, #tpu.memory_space<vmem>>[vector<16xi32>], vector<16xf32>,
        %parallel_loop3A_184 = arith.index_cast %parallel_loop3A_111 : i32 to index
        %parallel_loop3A_185 = arith.constant 96 : index
        %parallel_loop3A_186 = tpu.vector_load %arg4[%parallel_loop3A_184, %parallel_loop3A_185] {strides = array<i32>} : memref<256x128xf32, #tpu.memory_space<vmem>>, vector<16xf32>,
        %parallel_loop3A_187 = arith.fptosi %parallel_loop3A_186 : vector<16xf32> to vector<16xi32>
        %parallel_loop3A_188 = arith.constant 8 : i32
        %parallel_loop3A_189 = vector.broadcast %parallel_loop3A_188 : i32 to vector<16xi32>
        %parallel_loop3A_190 = arith.shrui %parallel_loop3A_187, %parallel_loop3A_189 : vector<16xi32>
        %parallel_loop3A_191 = arith.constant 255 : i32
        %parallel_loop3A_192 = vector.broadcast %parallel_loop3A_191 : i32 to vector<16xi32>
        %parallel_loop3A_193 = arith.andi %parallel_loop3A_187, %parallel_loop3A_192 : vector<16xi32>
        %parallel_loop3A_194 = arith.addi %parallel_loop3A_190, %add3A_49 : vector<16xi32>
        tpu.vector_store_idx %arg6[%parallel_loop3A_194], %broadcast_in_dim3A_1 {add = true} : memref<32768xf32, #tpu.memory_space<vmem>>[vector<16xi32>], vector<16xf32>,
        %parallel_loop3A_195 = arith.addi %parallel_loop3A_193, %add3A_49 : vector<16xi32>
        tpu.vector_store_idx %arg6[%parallel_loop3A_195], %broadcast_in_dim3A_1 {add = true} : memref<32768xf32, #tpu.memory_space<vmem>>[vector<16xi32>], vector<16xf32>,
        %parallel_loop3A_196 = arith.index_cast %parallel_loop3A_111 : i32 to index
        %parallel_loop3A_197 = arith.constant 112 : index
        %parallel_loop3A_198 = tpu.vector_load %arg4[%parallel_loop3A_196, %parallel_loop3A_197] {strides = array<i32>} : memref<256x128xf32, #tpu.memory_space<vmem>>, vector<16xf32>,
        %parallel_loop3A_199 = arith.fptosi %parallel_loop3A_198 : vector<16xf32> to vector<16xi32>
        %parallel_loop3A_200 = arith.constant 8 : i32
        %parallel_loop3A_201 = vector.broadcast %parallel_loop3A_200 : i32 to vector<16xi32>
        %parallel_loop3A_202 = arith.shrui %parallel_loop3A_199, %parallel_loop3A_201 : vector<16xi32>
        %parallel_loop3A_203 = arith.constant 255 : i32
        %parallel_loop3A_204 = vector.broadcast %parallel_loop3A_203 : i32 to vector<16xi32>
        %parallel_loop3A_205 = arith.andi %parallel_loop3A_199, %parallel_loop3A_204 : vector<16xi32>
        %parallel_loop3A_206 = arith.addi %parallel_loop3A_202, %add3A_56 : vector<16xi32>
        tpu.vector_store_idx %arg6[%parallel_loop3A_206], %broadcast_in_dim3A_1 {add = true} : memref<32768xf32, #tpu.memory_space<vmem>>[vector<16xi32>], vector<16xf32>,
        %parallel_loop3A_207 = arith.addi %parallel_loop3A_205, %add3A_56 : vector<16xi32>
        tpu.vector_store_idx %arg6[%parallel_loop3A_207], %broadcast_in_dim3A_1 {add = true} : memref<32768xf32, #tpu.memory_space<vmem>>[vector<16xi32>], vector<16xf32>,
      } {sc.loop_unroll_factor = 2 : i64, sc.parallel_access}
      %dma_wait3A_99 = arith.constant 0 : i32
      %dma_wait3A_100 = arith.constant 0 : i32
      %dma_wait3A_101 = tpu.memref_slice %arg2[%dma_wait3A_99, %dma_wait3A_100] : memref<65536x128xf32, #tpu.memory_space<hbm>> -> memref<256x128xf32, #tpu.memory_space<hbm>>
      %dma_wait3A_102 = arith.constant 0 : i32
      %dma_wait3A_103 = arith.constant 0 : i32
      %dma_wait3A_104 = tpu.memref_slice %arg2[%dma_wait3A_102, %dma_wait3A_103] : memref<65536x128xf32, #tpu.memory_space<hbm>> -> memref<256x128xf32, #tpu.memory_space<hbm>>
      tpu.wait_dma2 semaphore(%arg8 : memref<!tpu.dma_semaphore, #tpu.memory_space<semaphore_mem>>) src(%dma_wait3A_104 : memref<256x128xf32, #tpu.memory_space<hbm>>) dst(%arg5 : memref<256x128xf32, #tpu.memory_space<vmem>>)
      %lt3A = arith.constant 3 : i32
      %lt3A_105 = arith.cmpi slt, %scan3A_77, %lt3A : i32
      %convert_element_type3A = arith.extui %lt3A_105 : i1 to i32
      %cond3A = arith.constant 0 : i32
      %cond3A_106 = arith.cmpi ne, %convert_element_type3A, %cond3A : i32
      scf.if %cond3A_106 {
        %add3A_111 = arith.constant 512 : i32
        %add3A_112 = arith.addi %add3A_83, %add3A_111 : i32
        %multiple_of3A_113 = tpu.assume_multiple %add3A_112, 256 : i32
        %dma_start3A_114 = arith.constant 0 : i32
        %dma_start3A_115 = tpu.memref_slice %arg2[%multiple_of3A_113, %dma_start3A_114] : memref<65536x128xf32, #tpu.memory_space<hbm>> -> memref<256x128xf32, #tpu.memory_space<hbm>>
        %dma_start3A_116 = arith.constant 0 : i32
        %dma_start3A_117 = tpu.memref_slice %arg2[%multiple_of3A_113, %dma_start3A_116] : memref<65536x128xf32, #tpu.memory_space<hbm>> -> memref<256x128xf32, #tpu.memory_space<hbm>>
        tpu.enqueue_dma source(%dma_start3A_117 : memref<256x128xf32, #tpu.memory_space<hbm>>) target(%arg4 : memref<256x128xf32, #tpu.memory_space<vmem>>) target_semaphore(%arg7 : memref<!tpu.dma_semaphore, #tpu.memory_space<semaphore_mem>>)
      } else {
      }
      %parallel_loop3A_107 = arith.constant 0 : i32
      %parallel_loop3A_108 = arith.constant 256 : i32
      %parallel_loop3A_109 = arith.constant 1 : i32
      scf.for %parallel_loop3A_111 = %parallel_loop3A_107 to %parallel_loop3A_108 step %parallel_loop3A_109  : i32 {
        %parallel_loop3A_112 = arith.index_cast %parallel_loop3A_111 : i32 to index
        %parallel_loop3A_113 = arith.constant 0 : index
        %parallel_loop3A_114 = tpu.vector_load %arg5[%parallel_loop3A_112, %parallel_loop3A_113] {strides = array<i32>} : memref<256x128xf32, #tpu.memory_space<vmem>>, vector<16xf32>,
        %parallel_loop3A_115 = arith.fptosi %parallel_loop3A_114 : vector<16xf32> to vector<16xi32>
        %parallel_loop3A_116 = arith.constant 8 : i32
        %parallel_loop3A_117 = vector.broadcast %parallel_loop3A_116 : i32 to vector<16xi32>
        %parallel_loop3A_118 = arith.shrui %parallel_loop3A_115, %parallel_loop3A_117 : vector<16xi32>
        %parallel_loop3A_119 = arith.constant 255 : i32
        %parallel_loop3A_120 = vector.broadcast %parallel_loop3A_119 : i32 to vector<16xi32>
        %parallel_loop3A_121 = arith.andi %parallel_loop3A_115, %parallel_loop3A_120 : vector<16xi32>
        %parallel_loop3A_122 = arith.addi %parallel_loop3A_118, %add3A_7 : vector<16xi32>
        tpu.vector_store_idx %arg6[%parallel_loop3A_122], %broadcast_in_dim3A_1 {add = true} : memref<32768xf32, #tpu.memory_space<vmem>>[vector<16xi32>], vector<16xf32>,
        %parallel_loop3A_123 = arith.addi %parallel_loop3A_121, %add3A_7 : vector<16xi32>
        tpu.vector_store_idx %arg6[%parallel_loop3A_123], %broadcast_in_dim3A_1 {add = true} : memref<32768xf32, #tpu.memory_space<vmem>>[vector<16xi32>], vector<16xf32>,
        %parallel_loop3A_124 = arith.index_cast %parallel_loop3A_111 : i32 to index
        %parallel_loop3A_125 = arith.constant 16 : index
        %parallel_loop3A_126 = tpu.vector_load %arg5[%parallel_loop3A_124, %parallel_loop3A_125] {strides = array<i32>} : memref<256x128xf32, #tpu.memory_space<vmem>>, vector<16xf32>,
        %parallel_loop3A_127 = arith.fptosi %parallel_loop3A_126 : vector<16xf32> to vector<16xi32>
        %parallel_loop3A_128 = arith.constant 8 : i32
        %parallel_loop3A_129 = vector.broadcast %parallel_loop3A_128 : i32 to vector<16xi32>
        %parallel_loop3A_130 = arith.shrui %parallel_loop3A_127, %parallel_loop3A_129 : vector<16xi32>
        %parallel_loop3A_131 = arith.constant 255 : i32
        %parallel_loop3A_132 = vector.broadcast %parallel_loop3A_131 : i32 to vector<16xi32>
        %parallel_loop3A_133 = arith.andi %parallel_loop3A_127, %parallel_loop3A_132 : vector<16xi32>
        %parallel_loop3A_134 = arith.addi %parallel_loop3A_130, %add3A_14 : vector<16xi32>
        tpu.vector_store_idx %arg6[%parallel_loop3A_134], %broadcast_in_dim3A_1 {add = true} : memref<32768xf32, #tpu.memory_space<vmem>>[vector<16xi32>], vector<16xf32>,
        %parallel_loop3A_135 = arith.addi %parallel_loop3A_133, %add3A_14 : vector<16xi32>
        tpu.vector_store_idx %arg6[%parallel_loop3A_135], %broadcast_in_dim3A_1 {add = true} : memref<32768xf32, #tpu.memory_space<vmem>>[vector<16xi32>], vector<16xf32>,
        %parallel_loop3A_136 = arith.index_cast %parallel_loop3A_111 : i32 to index
        %parallel_loop3A_137 = arith.constant 32 : index
        %parallel_loop3A_138 = tpu.vector_load %arg5[%parallel_loop3A_136, %parallel_loop3A_137] {strides = array<i32>} : memref<256x128xf32, #tpu.memory_space<vmem>>, vector<16xf32>,
        %parallel_loop3A_139 = arith.fptosi %parallel_loop3A_138 : vector<16xf32> to vector<16xi32>
        %parallel_loop3A_140 = arith.constant 8 : i32
        %parallel_loop3A_141 = vector.broadcast %parallel_loop3A_140 : i32 to vector<16xi32>
        %parallel_loop3A_142 = arith.shrui %parallel_loop3A_139, %parallel_loop3A_141 : vector<16xi32>
        %parallel_loop3A_143 = arith.constant 255 : i32
        %parallel_loop3A_144 = vector.broadcast %parallel_loop3A_143 : i32 to vector<16xi32>
        %parallel_loop3A_145 = arith.andi %parallel_loop3A_139, %parallel_loop3A_144 : vector<16xi32>
        %parallel_loop3A_146 = arith.addi %parallel_loop3A_142, %add3A_21 : vector<16xi32>
        tpu.vector_store_idx %arg6[%parallel_loop3A_146], %broadcast_in_dim3A_1 {add = true} : memref<32768xf32, #tpu.memory_space<vmem>>[vector<16xi32>], vector<16xf32>,
        %parallel_loop3A_147 = arith.addi %parallel_loop3A_145, %add3A_21 : vector<16xi32>
        tpu.vector_store_idx %arg6[%parallel_loop3A_147], %broadcast_in_dim3A_1 {add = true} : memref<32768xf32, #tpu.memory_space<vmem>>[vector<16xi32>], vector<16xf32>,
        %parallel_loop3A_148 = arith.index_cast %parallel_loop3A_111 : i32 to index
        %parallel_loop3A_149 = arith.constant 48 : index
        %parallel_loop3A_150 = tpu.vector_load %arg5[%parallel_loop3A_148, %parallel_loop3A_149] {strides = array<i32>} : memref<256x128xf32, #tpu.memory_space<vmem>>, vector<16xf32>,
        %parallel_loop3A_151 = arith.fptosi %parallel_loop3A_150 : vector<16xf32> to vector<16xi32>
        %parallel_loop3A_152 = arith.constant 8 : i32
        %parallel_loop3A_153 = vector.broadcast %parallel_loop3A_152 : i32 to vector<16xi32>
        %parallel_loop3A_154 = arith.shrui %parallel_loop3A_151, %parallel_loop3A_153 : vector<16xi32>
        %parallel_loop3A_155 = arith.constant 255 : i32
        %parallel_loop3A_156 = vector.broadcast %parallel_loop3A_155 : i32 to vector<16xi32>
        %parallel_loop3A_157 = arith.andi %parallel_loop3A_151, %parallel_loop3A_156 : vector<16xi32>
        %parallel_loop3A_158 = arith.addi %parallel_loop3A_154, %add3A_28 : vector<16xi32>
        tpu.vector_store_idx %arg6[%parallel_loop3A_158], %broadcast_in_dim3A_1 {add = true} : memref<32768xf32, #tpu.memory_space<vmem>>[vector<16xi32>], vector<16xf32>,
        %parallel_loop3A_159 = arith.addi %parallel_loop3A_157, %add3A_28 : vector<16xi32>
        tpu.vector_store_idx %arg6[%parallel_loop3A_159], %broadcast_in_dim3A_1 {add = true} : memref<32768xf32, #tpu.memory_space<vmem>>[vector<16xi32>], vector<16xf32>,
        %parallel_loop3A_160 = arith.index_cast %parallel_loop3A_111 : i32 to index
        %parallel_loop3A_161 = arith.constant 64 : index
        %parallel_loop3A_162 = tpu.vector_load %arg5[%parallel_loop3A_160, %parallel_loop3A_161] {strides = array<i32>} : memref<256x128xf32, #tpu.memory_space<vmem>>, vector<16xf32>,
        %parallel_loop3A_163 = arith.fptosi %parallel_loop3A_162 : vector<16xf32> to vector<16xi32>
        %parallel_loop3A_164 = arith.constant 8 : i32
        %parallel_loop3A_165 = vector.broadcast %parallel_loop3A_164 : i32 to vector<16xi32>
        %parallel_loop3A_166 = arith.shrui %parallel_loop3A_163, %parallel_loop3A_165 : vector<16xi32>
        %parallel_loop3A_167 = arith.constant 255 : i32
        %parallel_loop3A_168 = vector.broadcast %parallel_loop3A_167 : i32 to vector<16xi32>
        %parallel_loop3A_169 = arith.andi %parallel_loop3A_163, %parallel_loop3A_168 : vector<16xi32>
        %parallel_loop3A_170 = arith.addi %parallel_loop3A_166, %add3A_35 : vector<16xi32>
        tpu.vector_store_idx %arg6[%parallel_loop3A_170], %broadcast_in_dim3A_1 {add = true} : memref<32768xf32, #tpu.memory_space<vmem>>[vector<16xi32>], vector<16xf32>,
        %parallel_loop3A_171 = arith.addi %parallel_loop3A_169, %add3A_35 : vector<16xi32>
        tpu.vector_store_idx %arg6[%parallel_loop3A_171], %broadcast_in_dim3A_1 {add = true} : memref<32768xf32, #tpu.memory_space<vmem>>[vector<16xi32>], vector<16xf32>,
        %parallel_loop3A_172 = arith.index_cast %parallel_loop3A_111 : i32 to index
        %parallel_loop3A_173 = arith.constant 80 : index
        %parallel_loop3A_174 = tpu.vector_load %arg5[%parallel_loop3A_172, %parallel_loop3A_173] {strides = array<i32>} : memref<256x128xf32, #tpu.memory_space<vmem>>, vector<16xf32>,
        %parallel_loop3A_175 = arith.fptosi %parallel_loop3A_174 : vector<16xf32> to vector<16xi32>
        %parallel_loop3A_176 = arith.constant 8 : i32
        %parallel_loop3A_177 = vector.broadcast %parallel_loop3A_176 : i32 to vector<16xi32>
        %parallel_loop3A_178 = arith.shrui %parallel_loop3A_175, %parallel_loop3A_177 : vector<16xi32>
        %parallel_loop3A_179 = arith.constant 255 : i32
        %parallel_loop3A_180 = vector.broadcast %parallel_loop3A_179 : i32 to vector<16xi32>
        %parallel_loop3A_181 = arith.andi %parallel_loop3A_175, %parallel_loop3A_180 : vector<16xi32>
        %parallel_loop3A_182 = arith.addi %parallel_loop3A_178, %add3A_42 : vector<16xi32>
        tpu.vector_store_idx %arg6[%parallel_loop3A_182], %broadcast_in_dim3A_1 {add = true} : memref<32768xf32, #tpu.memory_space<vmem>>[vector<16xi32>], vector<16xf32>,
        %parallel_loop3A_183 = arith.addi %parallel_loop3A_181, %add3A_42 : vector<16xi32>
        tpu.vector_store_idx %arg6[%parallel_loop3A_183], %broadcast_in_dim3A_1 {add = true} : memref<32768xf32, #tpu.memory_space<vmem>>[vector<16xi32>], vector<16xf32>,
        %parallel_loop3A_184 = arith.index_cast %parallel_loop3A_111 : i32 to index
        %parallel_loop3A_185 = arith.constant 96 : index
        %parallel_loop3A_186 = tpu.vector_load %arg5[%parallel_loop3A_184, %parallel_loop3A_185] {strides = array<i32>} : memref<256x128xf32, #tpu.memory_space<vmem>>, vector<16xf32>,
        %parallel_loop3A_187 = arith.fptosi %parallel_loop3A_186 : vector<16xf32> to vector<16xi32>
        %parallel_loop3A_188 = arith.constant 8 : i32
        %parallel_loop3A_189 = vector.broadcast %parallel_loop3A_188 : i32 to vector<16xi32>
        %parallel_loop3A_190 = arith.shrui %parallel_loop3A_187, %parallel_loop3A_189 : vector<16xi32>
        %parallel_loop3A_191 = arith.constant 255 : i32
        %parallel_loop3A_192 = vector.broadcast %parallel_loop3A_191 : i32 to vector<16xi32>
        %parallel_loop3A_193 = arith.andi %parallel_loop3A_187, %parallel_loop3A_192 : vector<16xi32>
        %parallel_loop3A_194 = arith.addi %parallel_loop3A_190, %add3A_49 : vector<16xi32>
        tpu.vector_store_idx %arg6[%parallel_loop3A_194], %broadcast_in_dim3A_1 {add = true} : memref<32768xf32, #tpu.memory_space<vmem>>[vector<16xi32>], vector<16xf32>,
        %parallel_loop3A_195 = arith.addi %parallel_loop3A_193, %add3A_49 : vector<16xi32>
        tpu.vector_store_idx %arg6[%parallel_loop3A_195], %broadcast_in_dim3A_1 {add = true} : memref<32768xf32, #tpu.memory_space<vmem>>[vector<16xi32>], vector<16xf32>,
        %parallel_loop3A_196 = arith.index_cast %parallel_loop3A_111 : i32 to index
        %parallel_loop3A_197 = arith.constant 112 : index
        %parallel_loop3A_198 = tpu.vector_load %arg5[%parallel_loop3A_196, %parallel_loop3A_197] {strides = array<i32>} : memref<256x128xf32, #tpu.memory_space<vmem>>, vector<16xf32>,
        %parallel_loop3A_199 = arith.fptosi %parallel_loop3A_198 : vector<16xf32> to vector<16xi32>
        %parallel_loop3A_200 = arith.constant 8 : i32
        %parallel_loop3A_201 = vector.broadcast %parallel_loop3A_200 : i32 to vector<16xi32>
        %parallel_loop3A_202 = arith.shrui %parallel_loop3A_199, %parallel_loop3A_201 : vector<16xi32>
        %parallel_loop3A_203 = arith.constant 255 : i32
        %parallel_loop3A_204 = vector.broadcast %parallel_loop3A_203 : i32 to vector<16xi32>
        %parallel_loop3A_205 = arith.andi %parallel_loop3A_199, %parallel_loop3A_204 : vector<16xi32>
        %parallel_loop3A_206 = arith.addi %parallel_loop3A_202, %add3A_56 : vector<16xi32>
        tpu.vector_store_idx %arg6[%parallel_loop3A_206], %broadcast_in_dim3A_1 {add = true} : memref<32768xf32, #tpu.memory_space<vmem>>[vector<16xi32>], vector<16xf32>,
        %parallel_loop3A_207 = arith.addi %parallel_loop3A_205, %add3A_56 : vector<16xi32>
        tpu.vector_store_idx %arg6[%parallel_loop3A_207], %broadcast_in_dim3A_1 {add = true} : memref<32768xf32, #tpu.memory_space<vmem>>[vector<16xi32>], vector<16xf32>,
      } {sc.loop_unroll_factor = 2 : i64, sc.parallel_access}
      %scan3A_110 = arith.constant 0 : i32
      scf.yield %scan3A_110 : i32
    }
    %scan3A_73 = arith.constant 4 : i32
    %mul3A_74 = arith.constant 32768 : i32
    %mul3A_75 = arith.muli %add3A_60, %mul3A_74 : i32
    %multiple_of3A_76 = tpu.assume_multiple %mul3A_75, 32768 : i32
    "tpu.region"() ({
      %run_scoped3A = tpu.sem_alloc : memref<!tpu.dma_semaphore, #tpu.memory_space<semaphore_mem>>
      %dma_start3A_77 = tpu.memref_slice %arg3[%multiple_of3A_76] : memref<1048576xf32, #tpu.memory_space<hbm>> -> memref<32768xf32, #tpu.memory_space<hbm>>
      %dma_start3A_78 = tpu.memref_slice %arg3[%multiple_of3A_76] : memref<1048576xf32, #tpu.memory_space<hbm>> -> memref<32768xf32, #tpu.memory_space<hbm>>
      tpu.enqueue_dma source(%arg6 : memref<32768xf32, #tpu.memory_space<vmem>>) target(%dma_start3A_78 : memref<32768xf32, #tpu.memory_space<hbm>>) target_semaphore(%run_scoped3A : memref<!tpu.dma_semaphore, #tpu.memory_space<semaphore_mem>>)
      %dma_wait3A = tpu.memref_slice %arg3[%multiple_of3A_76] : memref<1048576xf32, #tpu.memory_space<hbm>> -> memref<32768xf32, #tpu.memory_space<hbm>>
      %dma_wait3A_79 = tpu.memref_slice %arg3[%multiple_of3A_76] : memref<1048576xf32, #tpu.memory_space<hbm>> -> memref<32768xf32, #tpu.memory_space<hbm>>
      tpu.wait_dma2 semaphore(%run_scoped3A : memref<!tpu.dma_semaphore, #tpu.memory_space<semaphore_mem>>) src(%arg6 : memref<32768xf32, #tpu.memory_space<vmem>>) dst(%dma_wait3A_79 : memref<32768xf32, #tpu.memory_space<hbm>>)
      tpu.yield
    }) : () -> ()
    return
  }
}

module attributes {stable_mosaic.version = 14 : i64} {
  func.func @_fused_block(%arg0: i32, %arg1: memref<1x128x4096xf32, #tpu.memory_space<vmem>>, %arg2: memref<128x128xf32, #tpu.memory_space<vmem>>, %arg3: memref<1024x128xf32, #tpu.memory_space<vmem>>, %arg4: memref<512x1xf32, #tpu.memory_space<vmem>>, %arg5: memref<512x1xf32, #tpu.memory_space<vmem>>, %arg6: memref<1x512x128xf32, #tpu.memory_space<vmem>>, %arg7: memref<1x1x128xf32, #tpu.memory_space<vmem>>, %arg8: memref<1x1x128xf32, #tpu.memory_space<vmem>>, %arg9: memref<4096x128xbf16, #tpu.memory_space<vmem>>) attributes {dimension_semantics = [#tpu.dimension_semantics<arbitrary>], iteration_bounds = array<i64: 8>, scalar_prefetch = 0 : i64, scratch_operands = 1 : i64, tpu.core_type = #tpu.core_type<tc>, window_params = [{pipeline_mode = #tpu.pipeline_mode<synchronous>, transform_indices = @transform_0, window_bounds = array<i64: 1, 128, 4096>}, {pipeline_mode = #tpu.pipeline_mode<synchronous>, transform_indices = @transform_1, window_bounds = array<i64: 128, 128>}, {transform_indices = @transform_2, window_bounds = array<i64: 1024, 128>}, {transform_indices = @transform_3, window_bounds = array<i64: 512, 1>}, {transform_indices = @transform_4, window_bounds = array<i64: 512, 1>}, {transform_indices = @transform_5, window_bounds = array<i64: 1, 512, 128>}, {transform_indices = @transform_6, window_bounds = array<i64: 1, 1, 128>}, {transform_indices = @transform_7, window_bounds = array<i64: 1, 1, 128>}]} {
    %get3A = arith.constant 0 : index
    %get3A_0 = arith.constant 0 : index
    %get3A_1 = arith.constant 0 : index
    %get3A_2 = vector.load %arg1[%get3A, %get3A_0, %get3A_1] : memref<1x128x4096xf32, #tpu.memory_space<vmem>>, vector<1x128x4096xf32>
    %get3A_3 = vector.shape_cast %get3A_2 : vector<1x128x4096xf32> to vector<128x4096xf32>
    %convert_element_type3A = arith.truncf %get3A_3 : vector<128x4096xf32> to vector<128x4096xbf16>
    %eq3A = arith.constant 0 : i32
    %eq3A_4 = arith.cmpi eq, %arg0, %eq3A : i32
    %convert_element_type3A_5 = arith.extui %eq3A_4 : i1 to i32
    %cond3A = arith.constant 0 : i32
    %cond3A_6 = arith.cmpi ne, %convert_element_type3A_5, %cond3A : i32
    scf.if %cond3A_6 {
      %get3A_158 = arith.constant 0 : index
      %get3A_159 = arith.constant 0 : index
      %get3A_160 = vector.load %arg2[%get3A_158, %get3A_159] : memref<128x128xf32, #tpu.memory_space<vmem>>, vector<128x128xf32>
      %convert_element_type3A_161 = arith.truncf %get3A_160 : vector<128x128xf32> to vector<128x128xbf16>
      %dot_general3A_162 = arith.constant dense<0.000000e+00> : vector<4096x128xf32>
      %dot_general3A_163 = tpu.matmul %convert_element_type3A, %convert_element_type3A_161, %dot_general3A_162 {dimension_numbers = #tpu.dot_dimension_numbers<[0], [0], [1], [1], [0, 1, 1, 1], [], []>, transpose_lhs_hint = false} : vector<128x4096xbf16>, vector<128x128xbf16>, vector<4096x128xf32> -> vector<4096x128xf32>
      %convert_element_type3A_164 = arith.truncf %dot_general3A_163 : vector<4096x128xf32> to vector<4096x128xbf16>
      %swap3A_165 = arith.constant 0 : index
      %swap3A_166 = arith.constant 0 : index
      %swap3A_167 = vector.load %arg9[%swap3A_165, %swap3A_166] : memref<4096x128xbf16, #tpu.memory_space<vmem>>, vector<4096x128xbf16>
      tpu.vector_store %arg9[%swap3A_165, %swap3A_166], %convert_element_type3A_164 {strides = array<i32>} : memref<4096x128xbf16, #tpu.memory_space<vmem>>, vector<4096x128xbf16>,
    } else {
    }
    %get3A_7 = arith.constant 0 : index
    %get3A_8 = arith.constant 0 : index
    %get3A_9 = arith.constant 0 : index
    %get3A_10 = vector.load %arg1[%get3A_7, %get3A_8, %get3A_9] : memref<1x128x4096xf32, #tpu.memory_space<vmem>>, vector<1x128x4096xf32>
    %get3A_11 = vector.shape_cast %get3A_10 : vector<1x128x4096xf32> to vector<128x4096xf32>
    %convert_element_type3A_12 = arith.truncf %get3A_11 : vector<128x4096xf32> to vector<128x4096xbf16>
    %mul3A = arith.constant 512 : i32
    %mul3A_13 = arith.muli %arg0, %mul3A : i32
    %get3A_14 = arith.constant 0 : index
    %get3A_15 = arith.constant 0 : index
    %get3A_16 = arith.index_cast %mul3A_13 : i32 to index
    %get3A_17 = vector.load %arg1[%get3A_14, %get3A_15, %get3A_16] : memref<1x128x4096xf32, #tpu.memory_space<vmem>>, vector<1x128x512xf32>
    %get3A_18 = vector.shape_cast %get3A_17 : vector<1x128x512xf32> to vector<128x512xf32>
    %convert_element_type3A_19 = arith.truncf %get3A_18 : vector<128x512xf32> to vector<128x512xbf16>
    %dot_general3A = arith.constant dense<0.000000e+00> : vector<512x4096xf32>
    %dot_general3A_20 = tpu.matmul %convert_element_type3A_19, %convert_element_type3A_12, %dot_general3A {dimension_numbers = #tpu.dot_dimension_numbers<[0], [0], [1], [1], [0, 1, 1, 1], [], []>, transpose_lhs_hint = false} : vector<128x512xbf16>, vector<128x4096xbf16>, vector<512x4096xf32> -> vector<512x4096xf32>
    %get3A_21 = arith.constant 0 : index
    %get3A_22 = arith.constant 0 : index
    %get3A_23 = vector.load %arg4[%get3A_21, %get3A_22] : memref<512x1xf32, #tpu.memory_space<vmem>>, vector<512x1xf32>
    %get3A_24 = arith.constant 0 : index
    %get3A_25 = arith.constant 0 : index
    %get3A_26 = vector.load %arg5[%get3A_24, %get3A_25] : memref<512x1xf32, #tpu.memory_space<vmem>>, vector<512x1xf32>
    %add3A = arith.addf %get3A_23, %get3A_26 : vector<512x1xf32>
    %sub3A = vector.broadcast %add3A : vector<512x1xf32> to vector<512x4096xf32>
    %sub3A_27 = arith.subf %dot_general3A_20, %sub3A : vector<512x4096xf32>
    %exp3A = math.exp %sub3A_27 : vector<512x4096xf32>
    %reduce_sum3A = arith.constant dense<0.000000e+00> : vector<512xf32>
    %reduce_sum3A_28 = vector.multi_reduction <add>, %exp3A, %reduce_sum3A [1] : vector<512x4096xf32> to vector<512xf32>
    %broadcast_in_dim3A = vector.shape_cast %reduce_sum3A_28 : vector<512xf32> to vector<512x1xf32>
    %get3A_29 = arith.constant 0 : index
    %get3A_30 = arith.constant 0 : index
    %get3A_31 = vector.load %arg3[%get3A_29, %get3A_30] : memref<1024x128xf32, #tpu.memory_space<vmem>>, vector<1024x128xf32>
    %broadcast_in_dim3A_32 = arith.constant 0.000000e+00 : f32
    %broadcast_in_dim3A_33 = vector.broadcast %broadcast_in_dim3A_32 : f32 to vector<1024x1xf32>
    %slice3A = vector.extract_strided_slice %get3A_31 {offsets = [0, 0], sizes = [1024, 127], strides = [1, 1]} : vector<1024x128xf32> to vector<1024x127xf32>
    %concatenate3A = tpu.concatenate %broadcast_in_dim3A_33, %slice3A in 1 : vector<1024x1xf32>, vector<1024x127xf32> -> vector<1024x128xf32>
    %add3A_34 = arith.addf %get3A_31, %concatenate3A : vector<1024x128xf32>
    %broadcast_in_dim3A_35 = arith.constant 0.000000e+00 : f32
    %broadcast_in_dim3A_36 = vector.broadcast %broadcast_in_dim3A_35 : f32 to vector<1024x2xf32>
    %slice3A_37 = vector.extract_strided_slice %add3A_34 {offsets = [0, 0], sizes = [1024, 126], strides = [1, 1]} : vector<1024x128xf32> to vector<1024x126xf32>
    %concatenate3A_38 = tpu.concatenate %broadcast_in_dim3A_36, %slice3A_37 in 1 : vector<1024x2xf32>, vector<1024x126xf32> -> vector<1024x128xf32>
    %add3A_39 = arith.addf %add3A_34, %concatenate3A_38 : vector<1024x128xf32>
    %broadcast_in_dim3A_40 = arith.constant 0.000000e+00 : f32
    %broadcast_in_dim3A_41 = vector.broadcast %broadcast_in_dim3A_40 : f32 to vector<1024x4xf32>
    %slice3A_42 = vector.extract_strided_slice %add3A_39 {offsets = [0, 0], sizes = [1024, 124], strides = [1, 1]} : vector<1024x128xf32> to vector<1024x124xf32>
    %concatenate3A_43 = tpu.concatenate %broadcast_in_dim3A_41, %slice3A_42 in 1 : vector<1024x4xf32>, vector<1024x124xf32> -> vector<1024x128xf32>
    %add3A_44 = arith.addf %add3A_39, %concatenate3A_43 : vector<1024x128xf32>
    %broadcast_in_dim3A_45 = arith.constant 0.000000e+00 : f32
    %broadcast_in_dim3A_46 = vector.broadcast %broadcast_in_dim3A_45 : f32 to vector<1024x8xf32>
    %slice3A_47 = vector.extract_strided_slice %add3A_44 {offsets = [0, 0], sizes = [1024, 120], strides = [1, 1]} : vector<1024x128xf32> to vector<1024x120xf32>
    %concatenate3A_48 = tpu.concatenate %broadcast_in_dim3A_46, %slice3A_47 in 1 : vector<1024x8xf32>, vector<1024x120xf32> -> vector<1024x128xf32>
    %add3A_49 = arith.addf %add3A_44, %concatenate3A_48 : vector<1024x128xf32>
    %broadcast_in_dim3A_50 = arith.constant 0.000000e+00 : f32
    %broadcast_in_dim3A_51 = vector.broadcast %broadcast_in_dim3A_50 : f32 to vector<1024x16xf32>
    %slice3A_52 = vector.extract_strided_slice %add3A_49 {offsets = [0, 0], sizes = [1024, 112], strides = [1, 1]} : vector<1024x128xf32> to vector<1024x112xf32>
    %concatenate3A_53 = tpu.concatenate %broadcast_in_dim3A_51, %slice3A_52 in 1 : vector<1024x16xf32>, vector<1024x112xf32> -> vector<1024x128xf32>
    %add3A_54 = arith.addf %add3A_49, %concatenate3A_53 : vector<1024x128xf32>
    %broadcast_in_dim3A_55 = arith.constant 0.000000e+00 : f32
    %broadcast_in_dim3A_56 = vector.broadcast %broadcast_in_dim3A_55 : f32 to vector<1024x32xf32>
    %slice3A_57 = vector.extract_strided_slice %add3A_54 {offsets = [0, 0], sizes = [1024, 96], strides = [1, 1]} : vector<1024x128xf32> to vector<1024x96xf32>
    %concatenate3A_58 = tpu.concatenate %broadcast_in_dim3A_56, %slice3A_57 in 1 : vector<1024x32xf32>, vector<1024x96xf32> -> vector<1024x128xf32>
    %add3A_59 = arith.addf %add3A_54, %concatenate3A_58 : vector<1024x128xf32>
    %broadcast_in_dim3A_60 = arith.constant 0.000000e+00 : f32
    %broadcast_in_dim3A_61 = vector.broadcast %broadcast_in_dim3A_60 : f32 to vector<1024x64xf32>
    %slice3A_62 = vector.extract_strided_slice %add3A_59 {offsets = [0, 0], sizes = [1024, 64], strides = [1, 1]} : vector<1024x128xf32> to vector<1024x64xf32>
    %concatenate3A_63 = tpu.concatenate %broadcast_in_dim3A_61, %slice3A_62 in 1 : vector<1024x64xf32>, vector<1024x64xf32> -> vector<1024x128xf32>
    %add3A_64 = arith.addf %add3A_59, %concatenate3A_63 : vector<1024x128xf32>
    %slice3A_65 = vector.extract_strided_slice %add3A_64 {offsets = [0, 127], sizes = [1024, 1], strides = [1, 1]} : vector<1024x128xf32> to vector<1024x1xf32>
    %iota3A = tpu.iota {dimensions = array<i32: 0>} : vector<1024x1xi32>
    %jit3A = arith.constant 2 : i32
    %eq3A_66 = arith.constant 0 : i32
    %eq3A_67 = arith.cmpi eq, %jit3A, %eq3A_66 : i32
    %jit3A_68 = arith.constant 1 : i32
    %select_n3A = arith.select %eq3A_67, %jit3A_68, %jit3A : i32
    %rem3A = vector.broadcast %select_n3A : i32 to vector<1024x1xi32>
    %rem3A_69 = arith.remsi %iota3A, %rem3A : vector<1024x1xi32>
    %ne3A = arith.constant 0 : i32
    %ne3A_70 = vector.broadcast %ne3A : i32 to vector<1024x1xi32>
    %ne3A_71 = arith.cmpi ne, %rem3A_69, %ne3A_70 : vector<1024x1xi32>
    %lt3A = arith.constant 0 : i32
    %lt3A_72 = vector.broadcast %lt3A : i32 to vector<1024x1xi32>
    %lt3A_73 = arith.cmpi slt, %rem3A_69, %lt3A_72 : vector<1024x1xi32>
    %lt3A_74 = arith.constant 0 : i32
    %lt3A_75 = arith.cmpi slt, %select_n3A, %lt3A_74 : i32
    %ne3A_76 = vector.broadcast %lt3A_75 : i1 to vector<1024x1xi1>
    %ne3A_77 = vector.broadcast %ne3A_76 : vector<1024x1xi1> to vector<1024x1xi1>
    %ne3A_78 = arith.xori %lt3A_73, %ne3A_77 : vector<1024x1xi1>
    %and3A = arith.andi %ne3A_78, %ne3A_71 : vector<1024x1xi1>
    %add3A_79 = vector.broadcast %select_n3A : i32 to vector<1024x1xi32>
    %add3A_80 = arith.addi %rem3A_69, %add3A_79 : vector<1024x1xi32>
    %select_n3A_81 = arith.select %and3A, %add3A_80, %rem3A_69 : vector<1024x1xi1>, vector<1024x1xi32>
    %broadcast_in_dim3A_82 = arith.constant 0.000000e+00 : f32
    %broadcast_in_dim3A_83 = vector.broadcast %broadcast_in_dim3A_82 : f32 to vector<1024x1xf32>
    %broadcast_in_dim3A_84 = arith.constant 0.000000e+00 : f32
    %broadcast_in_dim3A_85 = vector.broadcast %broadcast_in_dim3A_84 : f32 to vector<1x1xf32>
    %slice3A_86 = vector.extract_strided_slice %slice3A_65 {offsets = [0, 0], sizes = [1023, 1], strides = [1, 1]} : vector<1024x1xf32> to vector<1023x1xf32>
    %concatenate3A_87 = tpu.concatenate %broadcast_in_dim3A_85, %slice3A_86 in 0 : vector<1x1xf32>, vector<1023x1xf32> -> vector<1024x1xf32>
    %ge3A = arith.constant 1 : i32
    %ge3A_88 = vector.broadcast %ge3A : i32 to vector<1024x1xi32>
    %ge3A_89 = arith.cmpi sge, %select_n3A_81, %ge3A_88 : vector<1024x1xi32>
    %jit3A_90 = arith.constant 0.000000e+00 : f32
    %broadcast_in_dim3A_91 = vector.broadcast %jit3A_90 : f32 to vector<1024x1xf32>
    %select_n3A_92 = arith.select %ge3A_89, %concatenate3A_87, %broadcast_in_dim3A_91 : vector<1024x1xi1>, vector<1024x1xf32>
    %add3A_93 = arith.addf %broadcast_in_dim3A_83, %select_n3A_92 : vector<1024x1xf32>
    %add3A_94 = vector.broadcast %add3A_93 : vector<1024x1xf32> to vector<1024x128xf32>
    %add3A_95 = arith.addf %add3A_64, %add3A_94 : vector<1024x128xf32>
    %le3A = arith.constant 4.100000e+02 : f32
    %le3A_96 = vector.broadcast %le3A : f32 to vector<1024x128xf32>
    %le3A_97 = arith.cmpf ole, %add3A_95, %le3A_96 : vector<1024x128xf32>
    %jit3A_98 = arith.constant 1.000000e+00 : f32
    %jit3A_99 = arith.constant 0.000000e+00 : f32
    %broadcast_in_dim3A_100 = vector.broadcast %jit3A_98 : f32 to vector<1024x128xf32>
    %broadcast_in_dim3A_101 = vector.broadcast %jit3A_99 : f32 to vector<1024x128xf32>
    %select_n3A_102 = arith.select %le3A_97, %broadcast_in_dim3A_100, %broadcast_in_dim3A_101 : vector<1024x128xi1>, vector<1024x128xf32>
    %reduce_sum3A_103 = arith.constant dense<0.000000e+00> : vector<1024xf32>
    %reduce_sum3A_104 = vector.multi_reduction <add>, %select_n3A_102, %reduce_sum3A_103 [1] : vector<1024x128xf32> to vector<1024xf32>
    %broadcast_in_dim3A_105 = vector.shape_cast %reduce_sum3A_104 : vector<1024xf32> to vector<1024x1xf32>
    %reshape3A = vector.shape_cast %broadcast_in_dim3A_105 : vector<1024x1xf32> to vector<512x2xf32>
    %reduce_sum3A_106 = arith.constant dense<0.000000e+00> : vector<512xf32>
    %reduce_sum3A_107 = vector.multi_reduction <add>, %reshape3A, %reduce_sum3A_106 [1] : vector<512x2xf32> to vector<512xf32>
    %broadcast_in_dim3A_108 = vector.shape_cast %reduce_sum3A_107 : vector<512xf32> to vector<512x1xf32>
    %div3A = arith.constant 2.560000e+02 : f32
    %div3A_109 = vector.broadcast %div3A : f32 to vector<512x1xf32>
    %div3A_110 = arith.divf %get3A_26, %div3A_109 : vector<512x1xf32>
    %mul3A_111 = arith.mulf %broadcast_in_dim3A_108, %div3A_110 : vector<512x1xf32>
    %add3A_112 = arith.addf %get3A_23, %mul3A_111 : vector<512x1xf32>
    %ge3A_113 = vector.broadcast %add3A_112 : vector<512x1xf32> to vector<512x4096xf32>
    %ge3A_114 = arith.cmpf oge, %dot_general3A_20, %ge3A_113 : vector<512x4096xf32>
    %jit3A_115 = arith.constant 0.000000e+00 : f32
    %broadcast_in_dim3A_116 = vector.broadcast %jit3A_115 : f32 to vector<512x4096xf32>
    %select_n3A_117 = arith.select %ge3A_114, %exp3A, %broadcast_in_dim3A_116 : vector<512x4096xi1>, vector<512x4096xf32>
    %div3A_118 = arith.constant 1.000000e+00 : f32
    %div3A_119 = vector.broadcast %div3A_118 : f32 to vector<512x1xf32>
    %div3A_120 = arith.divf %div3A_119, %broadcast_in_dim3A : vector<512x1xf32>
    %mul3A_121 = vector.broadcast %div3A_120 : vector<512x1xf32> to vector<512x4096xf32>
    %mul3A_122 = arith.mulf %select_n3A_117, %mul3A_121 : vector<512x4096xf32>
    %convert_element_type3A_123 = arith.truncf %mul3A_122 : vector<512x4096xf32> to vector<512x4096xbf16>
    %get3A_124 = arith.constant 0 : index
    %get3A_125 = arith.constant 0 : index
    %get3A_126 = vector.load %arg9[%get3A_124, %get3A_125] : memref<4096x128xbf16, #tpu.memory_space<vmem>>, vector<4096x128xbf16>
    %dot_general3A_127 = arith.constant dense<0.000000e+00> : vector<512x128xf32>
    %dot_general3A_128 = tpu.matmul %convert_element_type3A_123, %get3A_126, %dot_general3A_127 {dimension_numbers = #tpu.dot_dimension_numbers<[1], [0], [0], [1], [0, 0, 1, 1], [], []>, transpose_lhs_hint = false} : vector<512x4096xbf16>, vector<4096x128xbf16>, vector<512x128xf32> -> vector<512x128xf32>
    %ge3A_129 = arith.constant 0.000000e+00 : f32
    %ge3A_130 = vector.broadcast %ge3A_129 : f32 to vector<512x128xf32>
    %ge3A_131 = arith.cmpf oge, %dot_general3A_128, %ge3A_130 : vector<512x128xf32>
    %mul3A_132 = arith.constant 0.00999999977 : f32
    %mul3A_133 = vector.broadcast %mul3A_132 : f32 to vector<512x128xf32>
    %mul3A_134 = arith.mulf %mul3A_133, %dot_general3A_128 : vector<512x128xf32>
    %select_n3A_135 = arith.select %ge3A_131, %dot_general3A_128, %mul3A_134 : vector<512x128xi1>, vector<512x128xf32>
    %swap3A = arith.constant 0 : index
    %swap3A_136 = arith.constant 0 : index
    %swap3A_137 = arith.constant 0 : index
    %swap3A_138 = vector.load %arg6[%swap3A, %swap3A_136, %swap3A_137] : memref<1x512x128xf32, #tpu.memory_space<vmem>>, vector<1x512x128xf32>
    %swap3A_139 = vector.shape_cast %swap3A_138 : vector<1x512x128xf32> to vector<512x128xf32>
    %swap3A_140 = vector.shape_cast %select_n3A_135 : vector<512x128xf32> to vector<1x512x128xf32>
    tpu.vector_store %arg6[%swap3A, %swap3A_136, %swap3A_137], %swap3A_140 {strides = array<i32>} : memref<1x512x128xf32, #tpu.memory_space<vmem>>, vector<1x512x128xf32>,
    %reduce_sum3A_141 = arith.constant dense<0.000000e+00> : vector<128xf32>
    %reduce_sum3A_142 = vector.multi_reduction <add>, %select_n3A_135, %reduce_sum3A_141 [0] : vector<512x128xf32> to vector<128xf32>
    %swap3A_143 = arith.constant 0 : index
    %swap3A_144 = arith.constant 0 : index
    %swap3A_145 = arith.constant 0 : index
    %swap3A_146 = vector.load %arg7[%swap3A_143, %swap3A_144, %swap3A_145] : memref<1x1x128xf32, #tpu.memory_space<vmem>>, vector<1x1x128xf32>
    %swap3A_147 = vector.shape_cast %swap3A_146 : vector<1x1x128xf32> to vector<128xf32>
    %swap3A_148 = vector.shape_cast %reduce_sum3A_142 : vector<128xf32> to vector<1x1x128xf32>
    tpu.vector_store %arg7[%swap3A_143, %swap3A_144, %swap3A_145], %swap3A_148 {strides = array<i32>} : memref<1x1x128xf32, #tpu.memory_space<vmem>>, vector<1x1x128xf32>,
    %mul3A_149 = arith.mulf %select_n3A_135, %select_n3A_135 : vector<512x128xf32>
    %reduce_sum3A_150 = arith.constant dense<0.000000e+00> : vector<128xf32>
    %reduce_sum3A_151 = vector.multi_reduction <add>, %mul3A_149, %reduce_sum3A_150 [0] : vector<512x128xf32> to vector<128xf32>
    %swap3A_152 = arith.constant 0 : index
    %swap3A_153 = arith.constant 0 : index
    %swap3A_154 = arith.constant 0 : index
    %swap3A_155 = vector.load %arg8[%swap3A_152, %swap3A_153, %swap3A_154] : memref<1x1x128xf32, #tpu.memory_space<vmem>>, vector<1x1x128xf32>
    %swap3A_156 = vector.shape_cast %swap3A_155 : vector<1x1x128xf32> to vector<128xf32>
    %swap3A_157 = vector.shape_cast %reduce_sum3A_151 : vector<128xf32> to vector<1x1x128xf32>
    tpu.vector_store %arg8[%swap3A_152, %swap3A_153, %swap3A_154], %swap3A_157 {strides = array<i32>} : memref<1x1x128xf32, #tpu.memory_space<vmem>>, vector<1x1x128xf32>,
    return
  }
  func.func @transform_0(%arg0: i32) -> (i32, i32, i32) {
    %c0_i32 = arith.constant 0 : i32
    %c0_i32_0 = arith.constant 0 : i32
    %c0_i32_1 = arith.constant 0 : i32
    %c0_i32_2 = arith.constant 0 : i32
    return %c0_i32, %c0_i32_0, %c0_i32_1 : i32, i32, i32
  }
  func.func @transform_1(%arg0: i32) -> (i32, i32) {
    %c0_i32 = arith.constant 0 : i32
    %c0_i32_0 = arith.constant 0 : i32
    %c0_i32_1 = arith.constant 0 : i32
    return %c0_i32, %c0_i32_0 : i32, i32
  }
  func.func @transform_2(%arg0: i32) -> (i32, i32) {
    %c0_i32 = arith.constant 0 : i32
    %c0_i32_0 = arith.constant 0 : i32
    return %arg0, %c0_i32 : i32, i32
  }
  func.func @transform_3(%arg0: i32) -> (i32, i32) {
    %c0_i32 = arith.constant 0 : i32
    %c0_i32_0 = arith.constant 0 : i32
    return %arg0, %c0_i32 : i32, i32
  }
  func.func @transform_4(%arg0: i32) -> (i32, i32) {
    %c0_i32 = arith.constant 0 : i32
    %c0_i32_0 = arith.constant 0 : i32
    return %arg0, %c0_i32 : i32, i32
  }
  func.func @transform_5(%arg0: i32) -> (i32, i32, i32) {
    %c0_i32 = arith.constant 0 : i32
    %c0_i32_0 = arith.constant 0 : i32
    %c0_i32_1 = arith.constant 0 : i32
    return %c0_i32, %arg0, %c0_i32_0 : i32, i32, i32
  }
  func.func @transform_6(%arg0: i32) -> (i32, i32, i32) {
    %c0_i32 = arith.constant 0 : i32
    %c0_i32_0 = arith.constant 0 : i32
    %c0_i32_1 = arith.constant 0 : i32
    return %arg0, %c0_i32, %c0_i32_0 : i32, i32, i32
  }
  func.func @transform_7(%arg0: i32) -> (i32, i32, i32) {
    %c0_i32 = arith.constant 0 : i32
    %c0_i32_0 = arith.constant 0 : i32
    %c0_i32_1 = arith.constant 0 : i32
    return %arg0, %c0_i32, %c0_i32_0 : i32, i32, i32
  }
}

module attributes {stable_mosaic.version = 14 : i64} {
  func.func @_quant_block(%arg0: i32, %arg1: memref<1x128x4096xf32, #tpu.memory_space<vmem>>, %arg2: memref<8192x128xf32, #tpu.memory_space<vmem>>, %arg3: memref<512x1xf32, #tpu.memory_space<vmem>>, %arg4: memref<512x1xf32, #tpu.memory_space<vmem>>) attributes {dimension_semantics = [#tpu.dimension_semantics<arbitrary>], iteration_bounds = array<i64: 8>, scalar_prefetch = 0 : i64, scratch_operands = 0 : i64, tpu.core_type = #tpu.core_type<tc>, window_params = [{pipeline_mode = #tpu.pipeline_mode<synchronous>, transform_indices = @transform_0, window_bounds = array<i64: 1, 128, 4096>}, {transform_indices = @transform_1, window_bounds = array<i64: 8192, 128>}, {transform_indices = @transform_2, window_bounds = array<i64: 512, 1>}, {transform_indices = @transform_3, window_bounds = array<i64: 512, 1>}]} {
    %get3A = arith.constant 0 : index
    %get3A_0 = arith.constant 0 : index
    %get3A_1 = arith.constant 0 : index
    %get3A_2 = vector.load %arg1[%get3A, %get3A_0, %get3A_1] : memref<1x128x4096xf32, #tpu.memory_space<vmem>>, vector<1x128x4096xf32>
    %get3A_3 = vector.shape_cast %get3A_2 : vector<1x128x4096xf32> to vector<128x4096xf32>
    %convert_element_type3A = arith.truncf %get3A_3 : vector<128x4096xf32> to vector<128x4096xbf16>
    %mul3A = arith.constant 512 : i32
    %mul3A_4 = arith.muli %arg0, %mul3A : i32
    %get3A_5 = arith.constant 0 : index
    %get3A_6 = arith.constant 0 : index
    %get3A_7 = arith.index_cast %mul3A_4 : i32 to index
    %get3A_8 = vector.load %arg1[%get3A_5, %get3A_6, %get3A_7] : memref<1x128x4096xf32, #tpu.memory_space<vmem>>, vector<1x128x512xf32>
    %get3A_9 = vector.shape_cast %get3A_8 : vector<1x128x512xf32> to vector<128x512xf32>
    %convert_element_type3A_10 = arith.truncf %get3A_9 : vector<128x512xf32> to vector<128x512xbf16>
    %dot_general3A = arith.constant dense<0.000000e+00> : vector<512x4096xf32>
    %dot_general3A_11 = tpu.matmul %convert_element_type3A_10, %convert_element_type3A, %dot_general3A {dimension_numbers = #tpu.dot_dimension_numbers<[0], [0], [1], [1], [0, 1, 1, 1], [], []>, transpose_lhs_hint = false} : vector<128x512xbf16>, vector<128x4096xbf16>, vector<512x4096xf32> -> vector<512x4096xf32>
    %reduce_max3A = arith.constant dense<0xFF800000> : vector<512xf32>
    %reduce_max3A_12 = vector.multi_reduction <maximumf>, %dot_general3A_11, %reduce_max3A [1] : vector<512x4096xf32> to vector<512xf32>
    %broadcast_in_dim3A = vector.shape_cast %reduce_max3A_12 : vector<512xf32> to vector<512x1xf32>
    %reduce_min3A = arith.constant dense<0x7F800000> : vector<512xf32>
    %reduce_min3A_13 = vector.multi_reduction <minimumf>, %dot_general3A_11, %reduce_min3A [1] : vector<512x4096xf32> to vector<512xf32>
    %broadcast_in_dim3A_14 = vector.shape_cast %reduce_min3A_13 : vector<512xf32> to vector<512x1xf32>
    %sub3A = arith.subf %broadcast_in_dim3A, %broadcast_in_dim3A_14 : vector<512x1xf32>
    %gt3A = arith.constant 0.000000e+00 : f32
    %gt3A_15 = vector.broadcast %gt3A : f32 to vector<512x1xf32>
    %gt3A_16 = arith.cmpf ogt, %sub3A, %gt3A_15 : vector<512x1xf32>
    %div3A = arith.constant 2.560000e+02 : f32
    %div3A_17 = vector.broadcast %div3A : f32 to vector<512x1xf32>
    %div3A_18 = arith.divf %div3A_17, %sub3A : vector<512x1xf32>
    %jit3A = arith.constant 0.000000e+00 : f32
    %broadcast_in_dim3A_19 = vector.broadcast %jit3A : f32 to vector<512x1xf32>
    %select_n3A = arith.select %gt3A_16, %div3A_18, %broadcast_in_dim3A_19 : vector<512x1xi1>, vector<512x1xf32>
    %sub3A_20 = vector.broadcast %broadcast_in_dim3A_14 : vector<512x1xf32> to vector<512x4096xf32>
    %sub3A_21 = arith.subf %dot_general3A_11, %sub3A_20 : vector<512x4096xf32>
    %mul3A_22 = vector.broadcast %select_n3A : vector<512x1xf32> to vector<512x4096xf32>
    %mul3A_23 = arith.mulf %sub3A_21, %mul3A_22 : vector<512x4096xf32>
    %floor3A = math.floor %mul3A_23 : vector<512x4096xf32>
    %min3A = arith.constant 2.550000e+02 : f32
    %min3A_24 = vector.broadcast %min3A : f32 to vector<512x4096xf32>
    %min3A_25 = arith.minimumf %floor3A, %min3A_24 : vector<512x4096xf32>
    %slice3A = vector.extract_strided_slice %min3A_25 {offsets = [0, 0], sizes = [512, 2048], strides = [1, 1]} : vector<512x4096xf32> to vector<512x2048xf32>
    %mul3A_26 = arith.constant 2.560000e+02 : f32
    %mul3A_27 = vector.broadcast %mul3A_26 : f32 to vector<512x2048xf32>
    %mul3A_28 = arith.mulf %slice3A, %mul3A_27 : vector<512x2048xf32>
    %slice3A_29 = vector.extract_strided_slice %min3A_25 {offsets = [0, 2048], sizes = [512, 2048], strides = [1, 1]} : vector<512x4096xf32> to vector<512x2048xf32>
    %add3A = arith.addf %mul3A_28, %slice3A_29 : vector<512x2048xf32>
    %slice3A_30 = vector.extract_strided_slice %add3A {offsets = [0, 0], sizes = [128, 2048], strides = [1, 1]} : vector<512x2048xf32> to vector<128x2048xf32>
    %transpose3A = tpu.transpose %slice3A_30, [1, 0] : vector<128x2048xf32> -> vector<2048x128xf32>
    %swap3A = arith.constant 0 : index
    %swap3A_31 = arith.constant 0 : index
    %swap3A_32 = vector.load %arg2[%swap3A, %swap3A_31] : memref<8192x128xf32, #tpu.memory_space<vmem>>, vector<2048x128xf32>
    tpu.vector_store %arg2[%swap3A, %swap3A_31], %transpose3A {strides = array<i32>} : memref<8192x128xf32, #tpu.memory_space<vmem>>, vector<2048x128xf32>,
    %slice3A_33 = vector.extract_strided_slice %add3A {offsets = [128, 0], sizes = [128, 2048], strides = [1, 1]} : vector<512x2048xf32> to vector<128x2048xf32>
    %transpose3A_34 = tpu.transpose %slice3A_33, [1, 0] : vector<128x2048xf32> -> vector<2048x128xf32>
    %swap3A_35 = arith.constant 2048 : index
    %swap3A_36 = arith.constant 0 : index
    %swap3A_37 = vector.load %arg2[%swap3A_35, %swap3A_36] : memref<8192x128xf32, #tpu.memory_space<vmem>>, vector<2048x128xf32>
    tpu.vector_store %arg2[%swap3A_35, %swap3A_36], %transpose3A_34 {strides = array<i32>} : memref<8192x128xf32, #tpu.memory_space<vmem>>, vector<2048x128xf32>,
    %slice3A_38 = vector.extract_strided_slice %add3A {offsets = [256, 0], sizes = [128, 2048], strides = [1, 1]} : vector<512x2048xf32> to vector<128x2048xf32>
    %transpose3A_39 = tpu.transpose %slice3A_38, [1, 0] : vector<128x2048xf32> -> vector<2048x128xf32>
    %swap3A_40 = arith.constant 4096 : index
    %swap3A_41 = arith.constant 0 : index
    %swap3A_42 = vector.load %arg2[%swap3A_40, %swap3A_41] : memref<8192x128xf32, #tpu.memory_space<vmem>>, vector<2048x128xf32>
    tpu.vector_store %arg2[%swap3A_40, %swap3A_41], %transpose3A_39 {strides = array<i32>} : memref<8192x128xf32, #tpu.memory_space<vmem>>, vector<2048x128xf32>,
    %slice3A_43 = vector.extract_strided_slice %add3A {offsets = [384, 0], sizes = [128, 2048], strides = [1, 1]} : vector<512x2048xf32> to vector<128x2048xf32>
    %transpose3A_44 = tpu.transpose %slice3A_43, [1, 0] : vector<128x2048xf32> -> vector<2048x128xf32>
    %swap3A_45 = arith.constant 6144 : index
    %swap3A_46 = arith.constant 0 : index
    %swap3A_47 = vector.load %arg2[%swap3A_45, %swap3A_46] : memref<8192x128xf32, #tpu.memory_space<vmem>>, vector<2048x128xf32>
    tpu.vector_store %arg2[%swap3A_45, %swap3A_46], %transpose3A_44 {strides = array<i32>} : memref<8192x128xf32, #tpu.memory_space<vmem>>, vector<2048x128xf32>,
    %swap3A_48 = arith.constant 0 : index
    %swap3A_49 = arith.constant 0 : index
    %swap3A_50 = vector.load %arg3[%swap3A_48, %swap3A_49] : memref<512x1xf32, #tpu.memory_space<vmem>>, vector<512x1xf32>
    tpu.vector_store %arg3[%swap3A_48, %swap3A_49], %broadcast_in_dim3A_14 {strides = array<i32>} : memref<512x1xf32, #tpu.memory_space<vmem>>, vector<512x1xf32>,
    %swap3A_51 = arith.constant 0 : index
    %swap3A_52 = arith.constant 0 : index
    %swap3A_53 = vector.load %arg4[%swap3A_51, %swap3A_52] : memref<512x1xf32, #tpu.memory_space<vmem>>, vector<512x1xf32>
    tpu.vector_store %arg4[%swap3A_51, %swap3A_52], %sub3A {strides = array<i32>} : memref<512x1xf32, #tpu.memory_space<vmem>>, vector<512x1xf32>,
    return
  }
  func.func @transform_0(%arg0: i32) -> (i32, i32, i32) {
    %c0_i32 = arith.constant 0 : i32
    %c0_i32_0 = arith.constant 0 : i32
    %c0_i32_1 = arith.constant 0 : i32
    %c0_i32_2 = arith.constant 0 : i32
    return %c0_i32, %c0_i32_0, %c0_i32_1 : i32, i32, i32
  }
  func.func @transform_1(%arg0: i32) -> (i32, i32) {
    %c0_i32 = arith.constant 0 : i32
    %c0_i32_0 = arith.constant 0 : i32
    return %arg0, %c0_i32 : i32, i32
  }
  func.func @transform_2(%arg0: i32) -> (i32, i32) {
    %c0_i32 = arith.constant 0 : i32
    %c0_i32_0 = arith.constant 0 : i32
    return %arg0, %c0_i32 : i32, i32
  }
  func.func @transform_3(%arg0: i32) -> (i32, i32) {
    %c0_i32 = arith.constant 0 : i32
    %c0_i32_0 = arith.constant 0 : i32
    return %arg0, %c0_i32 : i32, i32
  }
}

module attributes {stable_mosaic.version = 14 : i64} {
  func.func @_bn_block(%arg0: i32, %arg1: i32, %arg2: memref<16x1x128xf32, #tpu.memory_space<vmem>>, %arg3: memref<16x1x128xf32, #tpu.memory_space<vmem>>, %arg4: memref<1x128xf32, #tpu.memory_space<vmem>>, %arg5: memref<1x128xf32, #tpu.memory_space<vmem>>, %arg6: memref<1x512x128xf32, #tpu.memory_space<vmem>>, %arg7: memref<1x128x512xf32, #tpu.memory_space<vmem>>) attributes {dimension_semantics = [#tpu.dimension_semantics<arbitrary>, #tpu.dimension_semantics<arbitrary>], iteration_bounds = array<i64: 2, 8>, scalar_prefetch = 0 : i64, scratch_operands = 0 : i64, tpu.core_type = #tpu.core_type<tc>, window_params = [{pipeline_mode = #tpu.pipeline_mode<synchronous>, transform_indices = @transform_0, window_bounds = array<i64: 16, 1, 128>}, {pipeline_mode = #tpu.pipeline_mode<synchronous>, transform_indices = @transform_1, window_bounds = array<i64: 16, 1, 128>}, {pipeline_mode = #tpu.pipeline_mode<synchronous>, transform_indices = @transform_2, window_bounds = array<i64: 1, 128>}, {pipeline_mode = #tpu.pipeline_mode<synchronous>, transform_indices = @transform_3, window_bounds = array<i64: 1, 128>}, {transform_indices = @transform_4, window_bounds = array<i64: 1, 512, 128>}, {transform_indices = @transform_5, window_bounds = array<i64: 1, 128, 512>}]} {
    %get3A = arith.constant 0 : index
    %get3A_0 = arith.constant 0 : index
    %get3A_1 = arith.constant 0 : index
    %get3A_2 = vector.load %arg2[%get3A, %get3A_0, %get3A_1] : memref<16x1x128xf32, #tpu.memory_space<vmem>>, vector<16x1x128xf32>
    %get3A_3 = vector.shape_cast %get3A_2 : vector<16x1x128xf32> to vector<16x128xf32>
    %reduce_sum3A = arith.constant dense<0.000000e+00> : vector<128xf32>
    %reduce_sum3A_4 = vector.multi_reduction <add>, %get3A_3, %reduce_sum3A [0] : vector<16x128xf32> to vector<128xf32>
    %broadcast_in_dim3A = vector.shape_cast %reduce_sum3A_4 : vector<128xf32> to vector<1x128xf32>
    %get3A_5 = arith.constant 0 : index
    %get3A_6 = arith.constant 0 : index
    %get3A_7 = arith.constant 0 : index
    %get3A_8 = vector.load %arg3[%get3A_5, %get3A_6, %get3A_7] : memref<16x1x128xf32, #tpu.memory_space<vmem>>, vector<16x1x128xf32>
    %get3A_9 = vector.shape_cast %get3A_8 : vector<16x1x128xf32> to vector<16x128xf32>
    %reduce_sum3A_10 = arith.constant dense<0.000000e+00> : vector<128xf32>
    %reduce_sum3A_11 = vector.multi_reduction <add>, %get3A_9, %reduce_sum3A_10 [0] : vector<16x128xf32> to vector<128xf32>
    %broadcast_in_dim3A_12 = vector.shape_cast %reduce_sum3A_11 : vector<128xf32> to vector<1x128xf32>
    %div3A = arith.constant 8.192000e+03 : f32
    %div3A_13 = vector.broadcast %div3A : f32 to vector<1x128xf32>
    %div3A_14 = arith.divf %broadcast_in_dim3A, %div3A_13 : vector<1x128xf32>
    %div3A_15 = arith.constant 8.192000e+03 : f32
    %div3A_16 = vector.broadcast %div3A_15 : f32 to vector<1x128xf32>
    %div3A_17 = arith.divf %broadcast_in_dim3A_12, %div3A_16 : vector<1x128xf32>
    %mul3A = arith.mulf %div3A_14, %div3A_14 : vector<1x128xf32>
    %sub3A = arith.subf %div3A_17, %mul3A : vector<1x128xf32>
    %add3A = arith.constant 9.99999974E-6 : f32
    %add3A_18 = vector.broadcast %add3A : f32 to vector<1x128xf32>
    %add3A_19 = arith.addf %sub3A, %add3A_18 : vector<1x128xf32>
    %rsqrt3A = math.rsqrt %add3A_19 : vector<1x128xf32>
    %get3A_20 = arith.constant 0 : index
    %get3A_21 = arith.constant 0 : index
    %get3A_22 = vector.load %arg4[%get3A_20, %get3A_21] : memref<1x128xf32, #tpu.memory_space<vmem>>, vector<1x128xf32>
    %mul3A_23 = arith.mulf %rsqrt3A, %get3A_22 : vector<1x128xf32>
    %get3A_24 = arith.constant 0 : index
    %get3A_25 = arith.constant 0 : index
    %get3A_26 = vector.load %arg5[%get3A_24, %get3A_25] : memref<1x128xf32, #tpu.memory_space<vmem>>, vector<1x128xf32>
    %mul3A_27 = arith.mulf %div3A_14, %mul3A_23 : vector<1x128xf32>
    %sub3A_28 = arith.subf %get3A_26, %mul3A_27 : vector<1x128xf32>
    %get3A_29 = arith.constant 0 : index
    %get3A_30 = arith.constant 0 : index
    %get3A_31 = arith.constant 0 : index
    %get3A_32 = vector.load %arg6[%get3A_29, %get3A_30, %get3A_31] : memref<1x512x128xf32, #tpu.memory_space<vmem>>, vector<1x512x128xf32>
    %get3A_33 = vector.shape_cast %get3A_32 : vector<1x512x128xf32> to vector<512x128xf32>
    %mul3A_34 = vector.broadcast %mul3A_23 : vector<1x128xf32> to vector<512x128xf32>
    %mul3A_35 = arith.mulf %get3A_33, %mul3A_34 : vector<512x128xf32>
    %add3A_36 = vector.broadcast %sub3A_28 : vector<1x128xf32> to vector<512x128xf32>
    %add3A_37 = arith.addf %mul3A_35, %add3A_36 : vector<512x128xf32>
    %transpose3A = tpu.transpose %add3A_37, [1, 0] : vector<512x128xf32> -> vector<128x512xf32>
    %swap3A = arith.constant 0 : index
    %swap3A_38 = arith.constant 0 : index
    %swap3A_39 = arith.constant 0 : index
    %swap3A_40 = vector.load %arg7[%swap3A, %swap3A_38, %swap3A_39] : memref<1x128x512xf32, #tpu.memory_space<vmem>>, vector<1x128x512xf32>
    %swap3A_41 = vector.shape_cast %swap3A_40 : vector<1x128x512xf32> to vector<128x512xf32>
    %swap3A_42 = vector.shape_cast %transpose3A : vector<128x512xf32> to vector<1x128x512xf32>
    tpu.vector_store %arg7[%swap3A, %swap3A_38, %swap3A_39], %swap3A_42 {strides = array<i32>} : memref<1x128x512xf32, #tpu.memory_space<vmem>>, vector<1x128x512xf32>,
    return
  }
  func.func @transform_0(%arg0: i32, %arg1: i32) -> (i32, i32, i32) {
    %c0_i32 = arith.constant 0 : i32
    %c0_i32_0 = arith.constant 0 : i32
    %c0_i32_1 = arith.constant 0 : i32
    %c0_i32_2 = arith.constant 0 : i32
    return %c0_i32, %c0_i32_0, %c0_i32_1 : i32, i32, i32
  }
  func.func @transform_1(%arg0: i32, %arg1: i32) -> (i32, i32, i32) {
    %c0_i32 = arith.constant 0 : i32
    %c0_i32_0 = arith.constant 0 : i32
    %c0_i32_1 = arith.constant 0 : i32
    %c0_i32_2 = arith.constant 0 : i32
    return %c0_i32, %c0_i32_0, %c0_i32_1 : i32, i32, i32
  }
  func.func @transform_2(%arg0: i32, %arg1: i32) -> (i32, i32) {
    %c0_i32 = arith.constant 0 : i32
    %c0_i32_0 = arith.constant 0 : i32
    %c0_i32_1 = arith.constant 0 : i32
    return %c0_i32, %c0_i32_0 : i32, i32
  }
  func.func @transform_3(%arg0: i32, %arg1: i32) -> (i32, i32) {
    %c0_i32 = arith.constant 0 : i32
    %c0_i32_0 = arith.constant 0 : i32
    %c0_i32_1 = arith.constant 0 : i32
    return %c0_i32, %c0_i32_0 : i32, i32
  }
  func.func @transform_4(%arg0: i32, %arg1: i32) -> (i32, i32, i32) {
    %c0_i32 = arith.constant 0 : i32
    %c0_i32_0 = arith.constant 0 : i32
    return %arg0, %arg1, %c0_i32 : i32, i32, i32
  }
  func.func @transform_5(%arg0: i32, %arg1: i32) -> (i32, i32, i32) {
    %c0_i32 = arith.constant 0 : i32
    %c0_i32_0 = arith.constant 0 : i32
    return %arg0, %c0_i32, %arg1 : i32, i32, i32
  }
}

</mosaic_0001>

<sc_bundles>
// kernel: kernel.12.cloned.1.call-start
scs
__scs_entry_jumppad:
0x0: {  	(pc) =	sbr.rel $0x88, $3  }
0x1: {  	(tag) =	ssettag $0x0;
	lr =	simm.s32 $0x1  }
0x2: {  	[smem:$0x3F9D] =	sst lr;
	_ =	strace $0xD0000000  }
0x3: {  	_ = 	snop  }
0x4: {  	_ = 	snop  }
0x5: {  	_ = 	snop  }
0x6: {  	_ = 	snop  }
0x7: {  	_ = 	snop  }
__scs_overlays_trampoline_lowered:
0x8: {  	[smem:$0x3FAC] =	sst s0  }
0x9: {  	[smem:$0x3FAD] =	sst s1  }
0xa: {  	[smem:$0x3FAE] =	sst s2  }
0xb: {  	[smem:$0x3FAF] =	sst s3  }
0xc: {  	[smem:$0x3FB0] =	sst s4  }
0xd: {  	[smem:$0x3FB1] =	sst s5  }
0xe: {  	[smem:$0x3FB2] =	sst s6  }
0xf: {  	[smem:$0x3FB3] =	sst s7  }
0x10: {  	[smem:$0x3FB4] =	sst s8  }
0x11: {  	[smem:$0x3FB5] =	sst s9;
	s0 =	simm.s32 @!p0 $0x0  }
0x12: {  	s1 =	sld [smem:$0x3F9B];
	s0 =	simm.s32 @p0 $0x1  }
0x13: {  	[smem:$0x3FB6] =	sst s0;
	s0 =	simm.s32 @!p1 $0x0  }
0x14: {  	s2 =	sld [smem:$0x3F9A];
	s0 =	simm.s32 @p1 $0x1  }
0x15: {  	[smem:$0x3FB7] =	sst s0;
	s0 =	simm.s32 @!p2 $0x0  }
0x16: {  	s3 =	sld [smem:$0x3FDB];
	s0 =	simm.s32 @p2 $0x1  }
0x17: {  	s4 =	simm.s32 $0x1BF5;
	[smem:$0x3FB9] =	sst s0  }
0x18: {  	s0 =	sld [smem:$0x3F9C];
	_ =	swait.ge [sflag:s4], $0x0  }
0x19: {  	s7 =	sld [smem:$0x3F9D]  }
0x1a: {  	s8 =	sadd.s32 $0xFFFFE003, lr  }
0x1b: {  	s9 =	sadd.s32 $0xFFFFFEF7, lr;
	s5 =	simm.s32 $0xFFFFFFFF;
	p2 =	slt.u32 s8, $0xFFFFF086  }
0x1c: {  	p1 =	slt.u32 s9, $0xF7A;
	s5 =	simm.s32 @!p2 $0x0  }
0x1d: {  	s5 =	simm.s32 @p1 $0x1;
	p0 =	seq.s32 s7, s2  }
0x1e: {  	s7 =	smul.u32 @!p0 $0xF7A, s2;
	p2 =	seq.s32 @!p0 s5, $0x0  }
0x1f: {  	s9 =	smul.u32 $0xF7A, s1;
	s8 =	simm.s32 @!p0 $0x1BF5;
	p2 =	por !p2, p0  }
0x20: {  	[sflag:s8] =	ssyncset.s32 @!p0 $0xFFFFF086;
	s6 =	sadd.s32 @!p0 s3, s7;
	s7 =	simm.s32 @!p0 $0x108  }
0x21: {  	s3 =	sadd.s32 s3, s9;
	s6 =	sadd.s32 @!p0 $0x88, s6;
	s7 =	simm.s32 @p2 $0x1082  }
0x22: {  	[simem:s7], [sflag:s8] =	dma.local @!p0 [hbm:s6], $0xF7A  }
0x23: {  	s9 =	sor.u32 $0xD0000000, s2;
	s6 =	simm.s32 $0x108;
	_ =	swait.ge @!p0 [sflag:s8], $0x0  }
0x24: {  	s3 =	sadd.s32 $0x88, s3;
	s6 =	simm.s32 @!p1 $0x1082;
	[sflag:s4] =	ssyncset.s32 $0xFFFFF086  }
0x25: {  	[simem:s6], [sflag:s4] =	dma.local [hbm:s3], $0xF7A  }
0x26: {  	[smem:$0x3F9D] =	sst s1;
	(tag) =	ssettag s2;
	_ =	strace s9  }
0x27: {  	s1 =	sld [smem:$0x3FAD]  }
0x28: {  	s2 =	sld [smem:$0x3FAE]  }
0x29: {  	s4 =	sld [smem:$0x3FB0]  }
0x2a: {  	p0 =	seq.s32 s5, $0x0;
	s5 =	sld [smem:$0x3FB1]  }
0x2b: {  	s6 =	sld [smem:$0x3FB2]  }
0x2c: {  	s7 =	sld [smem:$0x3FB3]  }
0x2d: {  	s3 =	simm.s32 $0x108;
	s8 =	sld [smem:$0x3FB4]  }
0x2e: {  	s3 =	simm.s32 @!p0 $0x1082;
	s9 =	sld [smem:$0x3FB5]  }
0x2f: {  	lr =	sadd.s32 s0, s3;
	s0 =	sld [smem:$0x3FAC]  }
0x30: {  	s3 =	sld [smem:$0x3FAF]  }
0x31: {  	[smem:$0x3FB8] =	sst s10  }
0x32: {  	s10 =	sld [smem:$0x3FB6];
	_ =	sdelay $0x3  }
0x33: {  	p0 =	seq.s32 s10, $0x1;
	s10 =	sld [smem:$0x3FB8];
	_ =	sdelay $0x3  }
0x34: {  	[smem:$0x3FB8] =	sst s10  }
0x35: {  	s10 =	sld [smem:$0x3FB7];
	_ =	sdelay $0x3  }
0x36: {  	p1 =	seq.s32 s10, $0x1;
	s10 =	sld [smem:$0x3FB8];
	_ =	sdelay $0x3  }
0x37: {  	[smem:$0x3FB8] =	sst s10  }
0x38: {  	s10 =	sld [smem:$0x3FB9]  }
0x39: {  	_ = 	snop;
	(pc) =	sbr.ind lr, $3  }
0x3a: {  	_ = 	snop  }
0x3b: {  	_ = 	snop  }
0x3c: {  	p2 =	seq.s32 s10, $0x1;
	s10 =	sld [smem:$0x3FB8]  }
0x3d: {  	_ =	shalt  }
0x3e: {  	_ =	shalt  }
0x3f: {  	_ =	shalt  }
0x40: {  	_ =	shalt  }
0x41: {  	_ =	shalt  }
0x42: {  	_ =	shalt  }
0x43: {  	_ =	shalt  }
0x44: {  	_ =	shalt  }
0x45: {  	_ =	shalt  }
0x46: {  	_ =	shalt  }
0x47: {  	_ =	shalt  }
0x48: {  	_ =	shalt  }
0x49: {  	_ =	shalt  }
0x4a: {  	_ =	shalt  }
0x4b: {  	_ =	shalt  }
0x4c: {  	_ =	shalt  }
0x4d: {  	_ =	shalt  }
0x4e: {  	_ =	shalt  }
0x4f: {  	_ =	shalt  }
0x50: {  	_ =	shalt  }
0x51: {  	_ =	shalt  }
0x52: {  	_ =	shalt  }
0x53: {  	_ =	shalt  }
0x54: {  	_ =	shalt  }
0x55: {  	_ =	shalt  }
0x56: {  	_ =	shalt  }
0x57: {  	_ =	shalt  }
0x58: {  	_ =	shalt  }
0x59: {  	_ =	shalt  }
0x5a: {  	_ =	shalt  }
0x5b: {  	_ =	shalt  }
0x5c: {  	_ =	shalt  }
0x5d: {  	_ =	shalt  }
0x5e: {  	_ =	shalt  }
0x5f: {  	_ =	shalt  }
0x60: {  	_ =	shalt  }
0x61: {  	_ =	shalt  }
0x62: {  	_ =	shalt  }
0x63: {  	_ =	shalt  }
0x64: {  	_ =	shalt  }
0x65: {  	_ =	shalt  }
0x66: {  	_ =	shalt  }
0x67: {  	_ =	shalt  }
0x68: {  	_ =	shalt  }
0x69: {  	_ =	shalt  }
0x6a: {  	_ =	shalt  }
0x6b: {  	_ =	shalt  }
0x6c: {  	_ =	shalt  }
0x6d: {  	_ =	shalt  }
0x6e: {  	_ =	shalt  }
0x6f: {  	_ =	shalt  }
0x70: {  	_ =	shalt  }
0x71: {  	_ =	shalt  }
0x72: {  	_ =	shalt  }
0x73: {  	_ =	shalt  }
0x74: {  	_ =	shalt  }
0x75: {  	_ =	shalt  }
0x76: {  	_ =	shalt  }
0x77: {  	_ =	shalt  }
0x78: {  	_ =	shalt  }
0x79: {  	_ =	shalt  }
0x7a: {  	_ =	shalt  }
0x7b: {  	_ =	shalt  }
0x7c: {  	_ =	shalt  }
0x7d: {  	_ =	shalt  }
0x7e: {  	_ =	shalt  }
0x7f: {  	_ =	shalt  }
0x80: {  	_ =	shalt  }
0x81: {  	_ =	shalt  }
0x82: {  	_ =	shalt  }
0x83: {  	_ =	shalt  }
0x84: {  	_ =	shalt  }
0x85: {  	_ =	shalt  }
0x86: {  	_ =	shalt  }
0x87: {  	_ =	shalt  }
.Lfunc_end0:
.L_simem_size_0:
called_computation.1_lowered:
.L_overlay_start_0:
0x88: {  	s2 =	sld [smem:$0x3FD9]  }
0x89: {  	s3 =	sld [smem:$0x3FFE];
	_ =	sdelay $0x1  }
0x8a: {  	s1 =	srdreg.scid  }
0x8b: {  	s0 =	sand.u32 $0x1, s1  }
0x8c: {  	s17 =	sshll.u32 s0, $0xA;
	s2 =	sadd.s32 s3, s2  }
0x8d: {  	s2 =	sadd.s32 s2, s17  }
0x8e: {  	[smem:$0x3FC4] =	sst s2  }
0x8f: {  	_ = 	snop  }
0x90: {  	s18 =	sld [smem:$0x3FD0];
	(tm) =	ssettm $0x1  }
0x91: {  	s19 =	sld [smem:$0x3FFB];
	_ =	sdelay $0x3  }
0x92: {  	_ =	strace s19  }
0x93: {  	s2 =	sld [smem:$0x3FFC];
	_ =	sdelay $0x3  }
0x94: {  	_ =	strace s2  }
0x95: {  	s2 =	sld [smem:$0x3FFD];
	_ =	sdelay $0x3  }
0x96: {  	_ =	strace s2  }
0x97: {  	_ =	strace $0x8FFFFFFF  }
0x98: {  	s20 =	sld [smem:$0x3FDB];
	_ =	sdelay $0x1  }
0x99: {  	s4 =	simm.s32 $_scs_section_size  }
0x9a: {  	s5 =	simm.s32 $_size__tile_overlayer_lowered;
	s6 =	simm.s32 $_tile_overlayer_lowered  }
0x9b: {  	s7 =	simm.s32 $0x1BFF;
	s21 =	sshll.u32 s6, $0x1;
	s4 =	sadd.s32 s4, s20  }
0x9c: {  	s22 =	simm.s32 $0x0;
	s5 =	sshll.u32 s5, $0x1;
	s6 =	sadd.s32 s21, s4  }
0x9d: {  	[timem:s22], [sflag:s7] =	dma.local [hbm:s6], s5  }
0x9e: {  	_ =	swait.ge [sflag:s7], s5  }
0x9f: {  	s5 =	ssub.s32 $0x0, s5;
	[sflag:s7] =	ssyncset.done $0x0  }
0xa0: {  	[sflag:s7] =	ssyncadd.s32 s5;
	_ =	sdelay $0x1  }
0xa1: {  	s23 =	simm.s32 $0x1B8B  }
0xa2: {  	_ =	swait.ge [sflag:s23], $0x1  }
0xa3: {  	[sflag:s23] =	ssyncset.done $0x0  }
0xa4: {  	[sflag:s23] =	ssyncadd.s32 $0xFFFFFFFF  }
0xa5: {  	s5 =	sld [smem:$0x0]  }
0xa6: {  	s6 =	sand.u32 $0xFFFFFFFE, s1  }
0xa7: {  	p0 =	sne.s32 s1, s6  }
0xa8: {  	s6 =	sshll.u32 @p0 s6, $0xE  }
0xa9: {  	s6 =	sadd.s32 @p0 $0x11B8D, s6;
	s7 =	sshll.u32 @p0 s5, $0x11  }
0xaa: {  	s6 =	sor.u32 @p0 s7, s6  }
0xab: {  	[sflag:s6] =	ssyncadd.remote.s32 @p0 $0x1;
	_ =	sdelay $0x1  }
0xac: {  	s6 =	simm.s32 @p0 $0x1B8D  }
0xad: {  	_ =	swait.eq @p0 [sflag:s6], $0x1  }
0xae: {  	[sflag:s6] =	ssyncadd.s32 @p0 $0xFFFFFFFF  }
0xaf: {  	s7 =	sshll.u32 @!p0 s1, $0xE  }
0xb0: {  	s7 =	sor.u32 @!p0 $0x4000, s7;
	s6 =	simm.s32 @!p0 $0x1B8D  }
0xb1: {  	s5 =	sshll.u32 @!p0 s5, $0x11;
	s7 =	sadd.s32 @!p0 $0x11B8D, s7;
	_ =	swait.eq @!p0 [sflag:s6], $0x1  }
0xb2: {  	s5 =	sor.u32 @!p0 s5, s7;
	[sflag:s6] =	ssyncadd.s32 @!p0 $0xFFFFFFFF  }
0xb3: {  	s25 =	simm.s32 $0x1B8E;
	s24 =	sld [smem:$0x3FFE];
	[sflag:s5] =	ssyncadd.remote.s32 @!p0 $0x1  }
0xb4: {  	s26 =	simm.s32 $execute0_lowered;
	[smem:$0x3FD2] =	sst s25  }
0xb5: {  	s6 =	sshll.u32 s26, $0x1;
	_ =	strace $0x80000049;
	[dreg:$0x1] =	wrdreg $0xFFFFFFFF  }
0xb6: {  	s28 =	simm.s32 $_size_execute0_lowered;
	s4 =	sadd.s32 s4, s6;
	[dreg:$0x0] =	wrdreg $0x0  }
0xb7: {  	s6 =	sshll.u32 s28, $0x1;
	[dreg:$0x2] =	wrdreg s4  }
0xb8: {  	[dreg:$0x3] =	wrdreg s6  }
0xb9: {  	[dreg:$0x4] =	wrdreg $0xC0  }
0xba: {  	_ =	task [dreg:s22], $0x5FFFF  }
0xbb: {  	[dreg:$0x1] =	wrdreg $0xFFFFFFFF  }
0xbc: {  	[dreg:$0x0] =	wrdreg $0x60  }
0xbd: {  	[dreg:$0x2] =	wrdreg s24  }
0xbe: {  	[dreg:$0x3] =	wrdreg s18  }
0xbf: {  	[dreg:$0x4] =	wrdreg $0xA  }
0xc0: {  	_ =	task.clear_ibuf [dreg:s22], $0x5FFFF;
	_ =	strace $0x90000049  }
0xc1: {  	s29 =	simm.s32 $0xA;
	_ =	strace $0x8000004B  }
0xc2: {  	_ =	swait.ge [sflag:s29], $0x1  }
0xc3: {  	[sflag:s29] =	ssyncadd.s32 $0xFFFFFFFF  }
0xc4: {  	_ =	strace $0x9000004B  }
0xc5: {  	_ =	sfence  }
0xc6: {  	s30 =	sld [smem:$0x0];
	_ =	sdelay $0x2  }
0xc7: {  	s31 =	sshll.u32 s1, $0xD;
	s1 =	sshrl.u32 s1, $0x2  }
0xc8: {  	s4 =	sand.u32 $0x4000, s31;
	s1 =	sadd.s32 s1, s30  }
0xc9: {  	s0 =	sor.u32 s4, s0;
	s1 =	sshll.u32 s1, $0x11  }
0xca: {  	s0 =	sor.u32 s1, s0  }
0xcb: {  	s0 =	sadd.s32 $0x8F2B, s0  }
0xcc: {  	[sflag:s0] =	ssyncadd.remote.s32 $0x1  }
0xcd: {  	_ =	sfence.sel $0xFFFF  }
0xce: {  	[dreg:$0x0] =	wrdreg $0xFFFFFFFF;
	(pc) =	sbr.abs _section_cstart, $3  }
0xcf: {  	[dreg:$0x1] =	wrdreg $0xFFFFFFFF  }
0xd0: {  	_ =	task.clear_ibuf [dreg:s22], $0x2FFFF;
	_ =	strace $0x9FFFFFFF  }
0xd1: {  	(tm) =	ssettm $0x7FFFFFFF  }
tec
execute0_lowered:
.L_overlay_start_1:
0x0: {  	(tag) =	ssettag $0x1  }
0x1: {  	s1 =	srdreg.scid;
	s6 =	rddreg [dreg:$0x0]  }
0x2: {  	s0 =	stileid.u32;
	s7 =	rddreg [dreg:$0x1]  }
0x3: {  	s2 =	simm.s32 $0x0;
	s11 =	simm.s32 $0x10000;
	s12 =	simm.s32 $0x2  }
0x4: {  	s13 =	simm.s32 $0x3;
	s4 =	sand.u32 $0x1, s1;
	s1 =	rddreg [dreg:$0x2]  }
0x5: {  	v0 =	vlaneseq.u32;
	s14 =	simm.s32 $0x0;
	s31 =	sshll.u32 s0, $0x1;
	[smem:$0x7FF] =	sst s2  }
0x6: {  	v0 =	vmul.u32 $0x100, v0;
	s8 =	sor.u32 s4, s31;
	s9 =	ssub.s32 $0x2, s4;
	_ =	strace $0x8000004A  }
0x7: {  	s3 =	sshll.u32 s8, $0xF;
	s10 =	sshrl.u32 s9, $0x1;
	s8 =	sshll.u32 s8, $0xC  }
0x8: {  	v1 =	vimm.f32 $0.0e+00;
	v3 =	vor.u32 $0x1000, v0;
	v4 =	vor.u32 $0x2000, v0;
	s5 =	sadd.s32 s3, s6;
	s9 =	ssub.s32 s9, s10;
	s10 =	simm.s32 $0x8000  }
0x9: {  	v2 =	vimm.f32 $1.000000000e+00;
	v5 =	vor.u32 $0x3000, v0;
	v6 =	vor.u32 $0x4000, v0;
	s7 =	sadd.s32 s7, s8;
	s4 =	sadd.s32 $0x121E00, s5;
	s5 =	sadd.s32 $0x122E00, s6  }
0xa: {  	v7 =	vor.u32 $0x5000, v0;
	v8 =	vor.u32 $0x6000, v0;
	v9 =	vor.u32 $0x7000, v0;
	s6 =	sadd.s32 $0x123E00, s6;
	s8 =	smax.u32 s9, $0x1;
	s9 =	simm.s32 $0x1  }
.LBB2_1:
0xb: {  	s15 =	simm.s32 $0x10020  }
0xc: {  	[tilespmem:s15+$0xFFFFFFE0] =	vst v1  }
0xd: {  	[tilespmem:s15+$0x10] =	vst v1  }
0xe: {  	s16 =	simm.s32 $0x0;
	[tilespmem:s15+$0x0] =	vst v1  }
.LBB2_2:
0xf: {  	s16 =	sadd.s32 $0x4, s16  }
0x10: {  	[tilespmem:s15+$0xFFFFFFF0] =	vst v1;
	s15 =	sadd.s32 $0x40, s15;
	p0 =	slt.u32 s16, $0x7FC  }
.Ltmp0:
0x11: {  	[tilespmem:s15+$0xFFFFFFE0] =	vst v1;
	(pc) =	sbr.rel @p0 .LBB2_2-.Ltmp0, $3  }
0x12: {  	_ =	sdelay $0x1  }
0x13: {  	[tilespmem:s15+$0x10] =	vst v1  }
0x14: {  	[tilespmem:s15+$0x0] =	vst v1  }
0x15: {  	[tilespmem:s15+$0xFFFFFFF0] =	vst v1;
	s15 =	simm.s32 $0x0  }
0x16: {  	[tilespmem:s15], [sflag:$0x1] =	stream.linear.gather [hbm4b:s4+s15], $0x8000, $0x38;
	[tilespmem:$0x18000] =	vst v63  }
.LBB2_4:
0x17: {  	s16 =	sshll.u32 s15, $0xD;
	_ =	swait.ge [sflag:s9], $0x8000  }
0x18: {  	s16 =	sadd.s32 s3, s16;
	[sflag:s9] =	ssyncset.done $0x0  }
0x19: {  	s20 =	simm.s32 $0x80;
	[sflag:s9] =	ssyncadd.s32 $0xFFFF8000;
	s17 =	sadd.s32 s16, s5  }
0x1a: {  	[tilespmem:s10], [sflag:$0x2] =	stream.linear.gather [hbm4b:s17+s2], $0x8000, $0x38;
	[tilespmem:$0x18000] =	vst v63  }
0x1b: {  	v10 =	vld [tilespmem:s20+$0x0];
	_ =	sdelay $0x4  }
0x1c: {  	v10 =	vtrunc.f32 v10  }
0x1d: {  	v10 =	vcvt.f32.s32 v10;
	_ =	sdelay $0x1  }
0x1e: {  	v11 =	vshrl.u32 v10, $0x8  }
0x1f: {  	v12 =	vld [tilespmem:s20+$0xFFFFFF80];
	v13 =	vadd.s32 v0, v11  }
0x20: {  	v11 =	vand.u32 $0x7F, v11;
	v13 =	vand.u32 $0x1FFFF80, v13  }
0x21: {  	v10 =	vand.u32 $0xFF, v10;
	v11 =	vor.u32 v11, v13  }
0x22: {  	v10 =	vor.u32 v0, v10;
	_ =	sdelay $0x1  }
0x23: {  	v12 =	vtrunc.f32 v12  }
0x24: {  	v12 =	vcvt.f32.s32 v12  }
0x25: {  	[tilespmem:v11+s11+$0x0] =	vst.idx.add.f32.msk $0xffff, v2  }
0x26: {  	v11 =	vshrl.u32 v12, $0x8;
	[tilespmem:v10+s11+$0x0] =	vst.idx.add.f32.msk $0xffff, v2  }
0x27: {  	v10 =	vadd.s32 v0, v11;
	v13 =	vld [tilespmem:s20+$0x10]  }
0x28: {  	v11 =	vand.u32 $0x7F, v11;
	v10 =	vand.u32 $0x1FFFF80, v10  }
0x29: {  	v12 =	vand.u32 $0xFF, v12;
	v10 =	vor.u32 v11, v10  }
0x2a: {  	v11 =	vor.u32 v0, v12;
	_ =	sdelay $0x1  }
0x2b: {  	v12 =	vtrunc.f32 v13  }
0x2c: {  	v12 =	vcvt.f32.s32 v12  }
0x2d: {  	[tilespmem:v10+s11+$0x0] =	vst.idx.add.f32.msk $0xffff, v2  }
0x2e: {  	[tilespmem:v11+s11+$0x0] =	vst.idx.add.f32.msk $0xffff, v2;
	v10 =	vshrl.u32 v12, $0x8  }
0x2f: {  	v11 =	vld [tilespmem:s20+$0xFFFFFF90];
	v13 =	vadd.s32 v3, v10  }
0x30: {  	v10 =	vand.u32 $0x7F, v10;
	v13 =	vand.u32 $0x1FFFF80, v13  }
0x31: {  	v12 =	vand.u32 $0xFF, v12;
	v10 =	vor.u32 v10, v13  }
0x32: {  	v12 =	vor.u32 v3, v12;
	_ =	sdelay $0x1  }
0x33: {  	v11 =	vtrunc.f32 v11  }
0x34: {  	v11 =	vcvt.f32.s32 v11  }
0x35: {  	[tilespmem:v10+s11+$0x0] =	vst.idx.add.f32.msk $0xffff, v2  }
0x36: {  	v10 =	vshrl.u32 v11, $0x8;
	[tilespmem:v12+s11+$0x0] =	vst.idx.add.f32.msk $0xffff, v2  }
0x37: {  	v12 =	vadd.s32 v3, v10;
	v13 =	vld [tilespmem:s20+$0x20]  }
0x38: {  	v10 =	vand.u32 $0x7F, v10;
	v12 =	vand.u32 $0x1FFFF80, v12  }
0x39: {  	v11 =	vand.u32 $0xFF, v11;
	v10 =	vor.u32 v10, v12  }
0x3a: {  	v11 =	vor.u32 v3, v11;
	_ =	sdelay $0x1  }
0x3b: {  	v12 =	vtrunc.f32 v13  }
0x3c: {  	v12 =	vcvt.f32.s32 v12  }
0x3d: {  	[tilespmem:v10+s11+$0x0] =	vst.idx.add.f32.msk $0xffff, v2  }
0x3e: {  	[tilespmem:v11+s11+$0x0] =	vst.idx.add.f32.msk $0xffff, v2;
	v10 =	vshrl.u32 v12, $0x8  }
0x3f: {  	v11 =	vld [tilespmem:s20+$0xFFFFFFA0];
	v13 =	vadd.s32 v4, v10  }
0x40: {  	v10 =	vand.u32 $0x7F, v10;
	v13 =	vand.u32 $0x1FFFF80, v13  }
0x41: {  	s17 =	simm.s32 $0x180;
	v12 =	vand.u32 $0xFF, v12;
	v10 =	vor.u32 v10, v13  }
0x42: {  	v12 =	vor.u32 v4, v12;
	v13 =	vld [tilespmem:s17+$0x0]  }
0x43: {  	v14 =	vld [tilespmem:s17+$0xFFFFFF80]  }
0x44: {  	v11 =	vtrunc.f32 v11  }
0x45: {  	v11 =	vcvt.f32.s32 v11  }
0x46: {  	[tilespmem:v10+s11+$0x0] =	vst.idx.add.f32.msk $0xffff, v2  }
0x47: {  	v10 =	vshrl.u32 v11, $0x8;
	v13 =	vtrunc.f32 v13;
	[tilespmem:v12+s11+$0x0] =	vst.idx.add.f32.msk $0xffff, v2  }
0x48: {  	v14 =	vtrunc.f32 v14;
	v12 =	vadd.s32 v4, v10;
	v13 =	vcvt.f32.s32 v13;
	v15 =	vld [tilespmem:s20+$0x30]  }
0x49: {  	v14 =	vcvt.f32.s32 v14;
	v10 =	vand.u32 $0x7F, v10;
	v12 =	vand.u32 $0x1FFFF80, v12  }
0x4a: {  	v11 =	vand.u32 $0xFF, v11;
	v16 =	vshrl.u32 v13, $0x8;
	v10 =	vor.u32 v10, v12  }
0x4b: {  	v11 =	vor.u32 v4, v11;
	v12 =	vadd.s32 v0, v16  }
0x4c: {  	v17 =	vshrl.u32 v14, $0x8;
	v16 =	vand.u32 $0x7F, v16;
	v12 =	vand.u32 $0x1FFFF80, v12  }
0x4d: {  	v13 =	vand.u32 $0xFF, v13;
	v12 =	vor.u32 v16, v12;
	v15 =	vtrunc.f32 v15  }
0x4e: {  	v13 =	vor.u32 v0, v13;
	v16 =	vadd.s32 v0, v17;
	v15 =	vcvt.f32.s32 v15  }
0x4f: {  	v17 =	vand.u32 $0x7F, v17;
	v16 =	vand.u32 $0x1FFFF80, v16;
	[tilespmem:v10+s11+$0x0] =	vst.idx.add.f32.msk $0xffff, v2  }
0x50: {  	v10 =	vand.u32 $0xFF, v14;
	v14 =	vor.u32 v17, v16;
	[tilespmem:v11+s11+$0x0] =	vst.idx.add.f32.msk $0xffff, v2;
	v11 =	vshrl.u32 v15, $0x8  }
0x51: {  	v10 =	vor.u32 v0, v10;
	v16 =	vld [tilespmem:s20+$0xFFFFFFB0];
	v17 =	vadd.s32 v5, v11  }
0x52: {  	[tilespmem:v12+s11+$0x0] =	vst.idx.add.f32.msk $0xffff, v2;
	v11 =	vand.u32 $0x7F, v11;
	v12 =	vand.u32 $0x1FFFF80, v17  }
0x53: {  	[tilespmem:v13+s11+$0x0] =	vst.idx.add.f32.msk $0xffff, v2;
	v11 =	vor.u32 v11, v12;
	v12 =	vand.u32 $0xFF, v15  }
0x54: {  	v13 =	vld [tilespmem:s17+$0x10];
	v12 =	vor.u32 v5, v12  }
0x55: {  	[tilespmem:v14+s11+$0x0] =	vst.idx.add.f32.msk $0xffff, v2  }
0x56: {  	[tilespmem:v10+s11+$0x0] =	vst.idx.add.f32.msk $0xffff, v2  }
0x57: {  	v10 =	vtrunc.f32 v16;
	v14 =	vld [tilespmem:s17+$0xFFFFFF90]  }
0x58: {  	v10 =	vcvt.f32.s32 v10;
	[tilespmem:v11+s11+$0x0] =	vst.idx.add.f32.msk $0xffff, v2  }
0x59: {  	v11 =	vtrunc.f32 v13;
	[tilespmem:v12+s11+$0x0] =	vst.idx.add.f32.msk $0xffff, v2  }
0x5a: {  	v11 =	vcvt.f32.s32 v11;
	v12 =	vshrl.u32 v10, $0x8;
	v13 =	vld [tilespmem:s20+$0x40]  }
0x5b: {  	v10 =	vand.u32 $0xFF, v10;
	v15 =	vadd.s32 v5, v12;
	v12 =	vand.u32 $0x7F, v12  }
0x5c: {  	v14 =	vtrunc.f32 v14;
	v16 =	vshrl.u32 v11, $0x8;
	v15 =	vand.u32 $0x1FFFF80, v15  }
0x5d: {  	v10 =	vor.u32 v5, v10;
	v17 =	vadd.s32 v3, v16;
	v12 =	vor.u32 v12, v15  }
0x5e: {  	v14 =	vcvt.f32.s32 v14;
	v16 =	vand.u32 $0x7F, v16;
	v15 =	vand.u32 $0x1FFFF80, v17  }
0x5f: {  	v11 =	vand.u32 $0xFF, v11;
	v15 =	vor.u32 v16, v15;
	v13 =	vtrunc.f32 v13  }
0x60: {  	v11 =	vor.u32 v3, v11;
	v13 =	vcvt.f32.s32 v13  }
0x61: {  	v16 =	vshrl.u32 v14, $0x8  }
0x62: {  	v17 =	vadd.s32 v3, v16;
	[tilespmem:v12+s11+$0x0] =	vst.idx.add.f32.msk $0xffff, v2;
	v12 =	vshrl.u32 v13, $0x8  }
0x63: {  	v16 =	vand.u32 $0x7F, v16;
	v17 =	vand.u32 $0x1FFFF80, v17;
	[tilespmem:v10+s11+$0x0] =	vst.idx.add.f32.msk $0xffff, v2;
	v10 =	vadd.s32 v6, v12  }
0x64: {  	v16 =	vor.u32 v16, v17;
	[tilespmem:v15+s11+$0x0] =	vst.idx.add.f32.msk $0xffff, v2;
	v12 =	vand.u32 $0x7F, v12;
	v10 =	vand.u32 $0x1FFFF80, v10  }
0x65: {  	[tilespmem:v11+s11+$0x0] =	vst.idx.add.f32.msk $0xffff, v2;
	v11 =	vand.u32 $0xFF, v13;
	v10 =	vor.u32 v12, v10  }
0x66: {  	v12 =	vld [tilespmem:s17+$0x20];
	v11 =	vor.u32 v6, v11  }
0x67: {  	v14 =	vand.u32 $0xFF, v14  }
0x68: {  	v14 =	vor.u32 v3, v14;
	v13 =	vld [tilespmem:s20+$0xFFFFFFC0]  }
0x69: {  	[tilespmem:v16+s11+$0x0] =	vst.idx.add.f32.msk $0xffff, v2  }
0x6a: {  	[tilespmem:v10+s11+$0x0] =	vst.idx.add.f32.msk $0xffff, v2  }
0x6b: {  	v10 =	vtrunc.f32 v12;
	[tilespmem:v11+s11+$0x0] =	vst.idx.add.f32.msk $0xffff, v2  }
0x6c: {  	v10 =	vcvt.f32.s32 v10;
	v12 =	vld [tilespmem:s20+$0x50]  }
0x6d: {  	[tilespmem:v14+s11+$0x0] =	vst.idx.add.f32.msk $0xffff, v2;
	v11 =	vtrunc.f32 v13  }
0x6e: {  	v13 =	vld [tilespmem:s17+$0xFFFFFFA0];
	v11 =	vcvt.f32.s32 v11;
	v14 =	vshrl.u32 v10, $0x8  }
0x6f: {  	s18 =	simm.s32 $0x280;
	v10 =	vand.u32 $0xFF, v10;
	v15 =	vadd.s32 v4, v14  }
0x70: {  	v18 =	vld [tilespmem:s18+$0xFFFFFF80];
	v16 =	vshrl.u32 v11, $0x8;
	v14 =	vand.u32 $0x7F, v14;
	v15 =	vand.u32 $0x1FFFF80, v15  }
0x71: {  	v10 =	vor.u32 v4, v10;
	v14 =	vor.u32 v14, v15;
	v12 =	vtrunc.f32 v12  }
0x72: {  	v11 =	vand.u32 $0xFF, v11;
	v17 =	vadd.s32 v6, v16;
	v15 =	vld [tilespmem:s18+$0x0];
	v12 =	vcvt.f32.s32 v12  }
0x73: {  	v16 =	vand.u32 $0x7F, v16;
	v13 =	vtrunc.f32 v13;
	v17 =	vand.u32 $0x1FFFF80, v17  }
0x74: {  	v13 =	vcvt.f32.s32 v13;
	v16 =	vor.u32 v16, v17;
	v17 =	vshrl.u32 v12, $0x8  }
0x75: {  	v18 =	vtrunc.f32 v18;
	v11 =	vor.u32 v6, v11;
	v20 =	vadd.s32 v7, v17  }
0x76: {  	v19 =	vshrl.u32 v13, $0x8;
	[tilespmem:v14+s11+$0x0] =	vst.idx.add.f32.msk $0xffff, v2;
	v17 =	vand.u32 $0x7F, v17;
	v14 =	vand.u32 $0x1FFFF80, v20  }
0x77: {  	v12 =	vand.u32 $0xFF, v12;
	v15 =	vtrunc.f32 v15;
	[tilespmem:v10+s11+$0x0] =	vst.idx.add.f32.msk $0xffff, v2;
	v10 =	vor.u32 v17, v14  }
0x78: {  	v12 =	vor.u32 v7, v12;
	v15 =	vcvt.f32.s32 v15;
	v14 =	vadd.s32 v4, v19;
	v17 =	vld [tilespmem:s17+$0x30]  }
0x79: {  	v13 =	vand.u32 $0xFF, v13;
	[tilespmem:v16+s11+$0x0] =	vst.idx.add.f32.msk $0xffff, v2;
	v19 =	vand.u32 $0x7F, v19;
	v14 =	vand.u32 $0x1FFFF80, v14  }
0x7a: {  	v16 =	vcvt.f32.s32 v18;
	[tilespmem:v11+s11+$0x0] =	vst.idx.add.f32.msk $0xffff, v2;
	v18 =	vshrl.u32 v15, $0x8;
	v14 =	vor.u32 v19, v14  }
0x7b: {  	v11 =	vor.u32 v4, v13;
	v13 =	vadd.s32 v0, v18;
	v19 =	vld [tilespmem:s20+$0xFFFFFFD0]  }
0x7c: {  	v20 =	vshrl.u32 v16, $0x8;
	v18 =	vand.u32 $0x7F, v18;
	v13 =	vand.u32 $0x1FFFF80, v13;
	[tilespmem:v10+s11+$0x0] =	vst.idx.add.f32.msk $0xffff, v2  }
0x7d: {  	v10 =	vor.u32 v18, v13;
	v13 =	vand.u32 $0xFF, v15;
	v15 =	vtrunc.f32 v17;
	[tilespmem:v12+s11+$0x0] =	vst.idx.add.f32.msk $0xffff, v2  }
0x7e: {  	v12 =	vadd.s32 v0, v20;
	v13 =	vor.u32 v0, v13;
	v15 =	vcvt.f32.s32 v15;
	v17 =	vld [tilespmem:s20+$0x60]  }
0x7f: {  	v18 =	vand.u32 $0x7F, v20;
	v12 =	vand.u32 $0x1FFFF80, v12;
	[tilespmem:v14+s11+$0x0] =	vst.idx.add.f32.msk $0xffff, v2  }
0x80: {  	v14 =	vand.u32 $0xFF, v16;
	v12 =	vor.u32 v18, v12;
	[tilespmem:v11+s11+$0x0] =	vst.idx.add.f32.msk $0xffff, v2;
	v11 =	vshrl.u32 v15, $0x8  }
0x81: {  	v16 =	vtrunc.f32 v19;
	v14 =	vor.u32 v0, v14;
	v18 =	vld [tilespmem:s17+$0xFFFFFFB0];
	v19 =	vadd.s32 v5, v11  }
0x82: {  	v16 =	vcvt.f32.s32 v16;
	v11 =	vand.u32 $0x7F, v11;
	[tilespmem:v10+s11+$0x0] =	vst.idx.add.f32.msk $0xffff, v2;
	v10 =	vand.u32 $0x1FFFF80, v19  }
0x83: {  	[tilespmem:v13+s11+$0x0] =	vst.idx.add.f32.msk $0xffff, v2;
	v10 =	vor.u32 v11, v10;
	v11 =	vand.u32 $0xFF, v15;
	v13 =	vtrunc.f32 v17  }
0x84: {  	v15 =	vld [tilespmem:s18+$0x10];
	v11 =	vor.u32 v5, v11;
	v17 =	vshrl.u32 v16, $0x8;
	v13 =	vcvt.f32.s32 v13  }
0x85: {  	v16 =	vand.u32 $0xFF, v16;
	[tilespmem:v12+s11+$0x0] =	vst.idx.add.f32.msk $0xffff, v2;
	v12 =	vadd.s32 v7, v17;
	v17 =	vand.u32 $0x7F, v17  }
0x86: {  	[tilespmem:v14+s11+$0x0] =	vst.idx.add.f32.msk $0xffff, v2;
	v14 =	vtrunc.f32 v18;
	v12 =	vand.u32 $0x1FFFF80, v12;
	v18 =	vshrl.u32 v13, $0x8  }
0x87: {  	v19 =	vld [tilespmem:s18+$0xFFFFFF90];
	v12 =	vor.u32 v17, v12;
	v13 =	vand.u32 $0xFF, v13;
	v17 =	vadd.s32 v8, v18  }
0x88: {  	v14 =	vcvt.f32.s32 v14;
	[tilespmem:v10+s11+$0x0] =	vst.idx.add.f32.msk $0xffff, v2;
	v10 =	vor.u32 v7, v16;
	v13 =	vor.u32 v8, v13  }
0x89: {  	v16 =	vand.u32 $0x1FFFF80, v17;
	v17 =	vand.u32 $0x7F, v18;
	v15 =	vtrunc.f32 v15;
	[tilespmem:v11+s11+$0x0] =	vst.idx.add.f32.msk $0xffff, v2  }
0x8a: {  	v11 =	vor.u32 v17, v16;
	v15 =	vcvt.f32.s32 v15;
	v16 =	vshrl.u32 v14, $0x8;
	v17 =	vld [tilespmem:s17+$0x40]  }
0x8b: {  	v14 =	vand.u32 $0xFF, v14;
	v18 =	vadd.s32 v5, v16;
	v16 =	vand.u32 $0x7F, v16  }
0x8c: {  	v19 =	vtrunc.f32 v19;
	v20 =	vshrl.u32 v15, $0x8;
	v18 =	vand.u32 $0x1FFFF80, v18;
	[tilespmem:v12+s11+$0x0] =	vst.idx.add.f32.msk $0xffff, v2  }
0x8d: {  	v12 =	vcvt.f32.s32 v19;
	v19 =	vadd.s32 v3, v20;
	v16 =	vor.u32 v16, v18;
	[tilespmem:v10+s11+$0x0] =	vst.idx.add.f32.msk $0xffff, v2  }
0x8e: {  	v14 =	vor.u32 v5, v14;
	v18 =	vand.u32 $0x7F, v20;
	v10 =	vand.u32 $0x1FFFF80, v19;
	v19 =	vld [tilespmem:s20+$0xFFFFFFE0]  }
0x8f: {  	[tilespmem:v11+s11+$0x0] =	vst.idx.add.f32.msk $0xffff, v2;
	v10 =	vor.u32 v18, v10;
	v11 =	vand.u32 $0xFF, v15;
	v15 =	vtrunc.f32 v17  }
0x90: {  	[tilespmem:v13+s11+$0x0] =	vst.idx.add.f32.msk $0xffff, v2;
	v13 =	vshrl.u32 v12, $0x8;
	v11 =	vor.u32 v3, v11;
	v15 =	vcvt.f32.s32 v15  }
0x91: {  	v17 =	vld [tilespmem:s20+$0x70];
	v18 =	vadd.s32 v3, v13  }
0x92: {  	v13 =	vand.u32 $0x7F, v13;
	v18 =	vand.u32 $0x1FFFF80, v18;
	[tilespmem:v16+s11+$0x0] =	vst.idx.add.f32.msk $0xffff, v2;
	v16 =	vshrl.u32 v15, $0x8  }
0x93: {  	v12 =	vand.u32 $0xFF, v12;
	v13 =	vor.u32 v13, v18;
	[tilespmem:v14+s11+$0x0] =	vst.idx.add.f32.msk $0xffff, v2;
	v14 =	vadd.s32 v6, v16  }
0x94: {  	v12 =	vor.u32 v3, v12;
	[tilespmem:v10+s11+$0x0] =	vst.idx.add.f32.msk $0xffff, v2;
	v10 =	vand.u32 $0x1FFFF80, v14;
	v14 =	vand.u32 $0x7F, v16  }
0x95: {  	[tilespmem:v11+s11+$0x0] =	vst.idx.add.f32.msk $0xffff, v2;
	v10 =	vor.u32 v14, v10  }
0x96: {  	v11 =	vand.u32 $0xFF, v15;
	v15 =	vld [tilespmem:s18+$0x20]  }
0x97: {  	v16 =	vtrunc.f32 v19;
	v14 =	vtrunc.f32 v17;
	v11 =	vor.u32 v6, v11;
	v17 =	vld [tilespmem:s17+$0xFFFFFFC0]  }
0x98: {  	v16 =	vcvt.f32.s32 v16;
	v14 =	vcvt.f32.s32 v14;
	[tilespmem:v13+s11+$0x0] =	vst.idx.add.f32.msk $0xffff, v2  }
0x99: {  	[tilespmem:v12+s11+$0x0] =	vst.idx.add.f32.msk $0xffff, v2  }
0x9a: {  	v13 =	vshrl.u32 v14, $0x8;
	v12 =	vshrl.u32 v16, $0x8;
	v16 =	vand.u32 $0xFF, v16;
	[tilespmem:v10+s11+$0x0] =	vst.idx.add.f32.msk $0xffff, v2  }
0x9b: {  	v18 =	vadd.s32 v9, v13;
	v10 =	vadd.s32 v8, v12;
	v19 =	vld [tilespmem:s18+$0xFFFFFFA0];
	v12 =	vand.u32 $0x7F, v12  }
0x9c: {  	v18 =	vand.u32 $0x1FFFF80, v18;
	v15 =	vtrunc.f32 v15;
	[tilespmem:v11+s11+$0x0] =	vst.idx.add.f32.msk $0xffff, v2;
	v11 =	vand.u32 $0x7F, v13  }
0x9d: {  	v10 =	vand.u32 $0x1FFFF80, v10;
	v13 =	vcvt.f32.s32 v15;
	v15 =	vtrunc.f32 v17;
	v17 =	vld [tilespmem:s17+$0x50]  }
0x9e: {  	v11 =	vor.u32 v11, v18;
	v10 =	vor.u32 v12, v10;
	v15 =	vcvt.f32.s32 v15  }
0x9f: {  	v12 =	vor.u32 v8, v16;
	v18 =	vshrl.u32 v13, $0x8;
	v13 =	vand.u32 $0xFF, v13  }
0xa0: {  	v16 =	vadd.s32 v4, v18;
	v20 =	vshrl.u32 v15, $0x8;
	v18 =	vand.u32 $0x7F, v18  }
0xa1: {  	s19 =	simm.s32 $0x380;
	v19 =	vtrunc.f32 v19;
	v13 =	vor.u32 v4, v13;
	v16 =	vand.u32 $0x1FFFF80, v16  }
0xa2: {  	v22 =	vld [tilespmem:s19+$0xFFFFFF80];
	v21 =	vadd.s32 v6, v20;
	v16 =	vor.u32 v18, v16;
	v17 =	vtrunc.f32 v17  }
0xa3: {  	v20 =	vand.u32 $0x7F, v20;
	v18 =	vld [tilespmem:s19+$0x0];
	v21 =	vand.u32 $0x1FFFF80, v21;
	v17 =	vcvt.f32.s32 v17  }
0xa4: {  	v19 =	vcvt.f32.s32 v19;
	[tilespmem:v10+s11+$0x0] =	vst.idx.add.f32.msk $0xffff, v2;
	v20 =	vor.u32 v20, v21  }
0xa5: {  	v15 =	vand.u32 $0xFF, v15;
	[tilespmem:v11+s11+$0x0] =	vst.idx.add.f32.msk $0xffff, v2;
	v21 =	vshrl.u32 v17, $0x8  }
0xa6: {  	v10 =	vor.u32 v6, v15;
	v15 =	vshrl.u32 v19, $0x8;
	[tilespmem:v12+s11+$0x0] =	vst.idx.add.f32.msk $0xffff, v2;
	v23 =	vadd.s32 v7, v21  }
0xa7: {  	v12 =	vand.u32 $0xFF, v19;
	v19 =	vand.u32 $0x7F, v21;
	[tilespmem:v16+s11+$0x0] =	vst.idx.add.f32.msk $0xffff, v2;
	v16 =	vand.u32 $0x1FFFF80, v23  }
0xa8: {  	[tilespmem:v13+s11+$0x0] =	vst.idx.add.f32.msk $0xffff, v2;
	v13 =	vor.u32 v19, v16;
	v16 =	vand.u32 $0xFF, v17  }
0xa9: {  	v18 =	vtrunc.f32 v18;
	v17 =	vadd.s32 v4, v15;
	[tilespmem:v20+s11+$0x0] =	vst.idx.add.f32.msk $0xffff, v2;
	v16 =	vor.u32 v7, v16  }
0xaa: {  	v18 =	vcvt.f32.s32 v18;
	v15 =	vand.u32 $0x7F, v15;
	v19 =	vld [tilespmem:s18+$0x30];
	v17 =	vand.u32 $0x1FFFF80, v17  }
0xab: {  	v21 =	vtrunc.f32 v22;
	[tilespmem:v10+s11+$0x0] =	vst.idx.add.f32.msk $0xffff, v2;
	v15 =	vor.u32 v15, v17  }
0xac: {  	v20 =	vcvt.f32.s32 v21;
	v21 =	vshrl.u32 v18, $0x8;
	v17 =	vld [tilespmem:s17+$0xFFFFFFD0]  }
0xad: {  	v12 =	vor.u32 v4, v12;
	v10 =	vand.u32 $0xFF, v14;
	v14 =	vadd.s32 v0, v21;
	[tilespmem:v13+s11+$0x0] =	vst.idx.add.f32.msk $0xffff, v2  }
0xae: {  	v22 =	vshrl.u32 v20, $0x8;
	v21 =	vand.u32 $0x7F, v21;
	v14 =	vand.u32 $0x1FFFF80, v14;
	[tilespmem:v16+s11+$0x0] =	vst.idx.add.f32.msk $0xffff, v2  }
0xaf: {  	v13 =	vor.u32 v21, v14;
	v14 =	vand.u32 $0xFF, v18;
	v18 =	vtrunc.f32 v19;
	v19 =	vld [tilespmem:s17+$0x60]  }
0xb0: {  	v16 =	vadd.s32 v0, v22;
	v14 =	vor.u32 v0, v14;
	v18 =	vcvt.f32.s32 v18;
	[tilespmem:v15+s11+$0x0] =	vst.idx.add.f32.msk $0xffff, v2  }
0xb1: {  	v21 =	vor.u32 v9, v10;
	v10 =	vand.u32 $0x1FFFF80, v16;
	v16 =	vand.u32 $0x7F, v22;
	v22 =	vld [tilespmem:s20+$0xFFFFFFF0]  }
0xb2: {  	v15 =	vand.u32 $0xFF, v20;
	v10 =	vor.u32 v16, v10;
	[tilespmem:v12+s11+$0x0] =	vst.idx.add.f32.msk $0xffff, v2;
	v12 =	vshrl.u32 v18, $0x8  }
0xb3: {  	v15 =	vor.u32 v0, v15;
	v16 =	vtrunc.f32 v17;
	v17 =	vld [tilespmem:s18+$0xFFFFFFB0];
	v20 =	vadd.s32 v5, v12  }
0xb4: {  	v16 =	vcvt.f32.s32 v16;
	[tilespmem:v13+s11+$0x0] =	vst.idx.add.f32.msk $0xffff, v2;
	v12 =	vand.u32 $0x7F, v12;
	v13 =	vand.u32 $0x1FFFF80, v20  }
0xb5: {  	[tilespmem:v14+s11+$0x0] =	vst.idx.add.f32.msk $0xffff, v2;
	v12 =	vor.u32 v12, v13;
	v13 =	vand.u32 $0xFF, v18;
	v14 =	vtrunc.f32 v19  }
0xb6: {  	v18 =	vld [tilespmem:s19+$0x10];
	v19 =	vshrl.u32 v16, $0x8;
	v13 =	vor.u32 v5, v13;
	v14 =	vcvt.f32.s32 v14  }
0xb7: {  	v16 =	vand.u32 $0xFF, v16;
	[tilespmem:v10+s11+$0x0] =	vst.idx.add.f32.msk $0xffff, v2;
	v10 =	vadd.s32 v7, v19;
	v19 =	vand.u32 $0x7F, v19  }
0xb8: {  	[tilespmem:v15+s11+$0x0] =	vst.idx.add.f32.msk $0xffff, v2;
	v15 =	vtrunc.f32 v17;
	v10 =	vand.u32 $0x1FFFF80, v10;
	v17 =	vshrl.u32 v14, $0x8  }
0xb9: {  	v20 =	vld [tilespmem:s19+$0xFFFFFF90];
	v15 =	vcvt.f32.s32 v15;
	v10 =	vor.u32 v19, v10;
	v19 =	vadd.s32 v8, v17  }
0xba: {  	v17 =	vand.u32 $0x7F, v17;
	[tilespmem:v12+s11+$0x0] =	vst.idx.add.f32.msk $0xffff, v2;
	v12 =	vor.u32 v7, v16;
	v16 =	vand.u32 $0x1FFFF80, v19  }
0xbb: {  	v14 =	vand.u32 $0xFF, v14;
	v18 =	vtrunc.f32 v18;
	[tilespmem:v13+s11+$0x0] =	vst.idx.add.f32.msk $0xffff, v2;
	v13 =	vor.u32 v17, v16  }
0xbc: {  	v14 =	vor.u32 v8, v14;
	v16 =	vcvt.f32.s32 v18;
	v17 =	vshrl.u32 v15, $0x8;
	v18 =	vld [tilespmem:s18+$0x40]  }
0xbd: {  	[tilespmem:v21+s11+$0x0] =	vst.idx.add.f32.msk $0xffff, v2;
	v15 =	vand.u32 $0xFF, v15;
	v19 =	vadd.s32 v5, v17;
	v17 =	vand.u32 $0x7F, v17  }
0xbe: {  	v20 =	vtrunc.f32 v20;
	v23 =	vshrl.u32 v16, $0x8;
	v19 =	vand.u32 $0x1FFFF80, v19;
	[tilespmem:v10+s11+$0x0] =	vst.idx.add.f32.msk $0xffff, v2  }
0xbf: {  	v10 =	vcvt.f32.s32 v20;
	v20 =	vadd.s32 v3, v23;
	v17 =	vor.u32 v17, v19;
	[tilespmem:v12+s11+$0x0] =	vst.idx.add.f32.msk $0xffff, v2  }
0xc0: {  	v15 =	vor.u32 v5, v15;
	v19 =	vand.u32 $0x7F, v23;
	v12 =	vand.u32 $0x1FFFF80, v20;
	[tilespmem:v13+s11+$0x0] =	vst.idx.add.f32.msk $0xffff, v2  }
0xc1: {  	v12 =	vor.u32 v19, v12;
	v13 =	vand.u32 $0xFF, v16;
	v16 =	vtrunc.f32 v18;
	[tilespmem:v14+s11+$0x0] =	vst.idx.add.f32.msk $0xffff, v2  }
0xc2: {  	v14 =	vshrl.u32 v10, $0x8;
	v13 =	vor.u32 v3, v13;
	v16 =	vcvt.f32.s32 v16;
	v18 =	vld [tilespmem:s17+$0x70]  }
0xc3: {  	v20 =	vld [tilespmem:s17+$0xFFFFFFE0];
	v10 =	vand.u32 $0xFF, v10;
	v19 =	vadd.s32 v3, v14;
	v14 =	vand.u32 $0x7F, v14  }
0xc4: {  	v23 =	vor.u32 v3, v10;
	v19 =	vand.u32 $0x1FFFF80, v19;
	[tilespmem:v17+s11+$0x0] =	vst.idx.add.f32.msk $0xffff, v2;
	v10 =	vshrl.u32 v16, $0x8  }
0xc5: {  	v17 =	vtrunc.f32 v22;
	v14 =	vor.u32 v14, v19;
	[tilespmem:v15+s11+$0x0] =	vst.idx.add.f32.msk $0xffff, v2;
	v15 =	vadd.s32 v6, v10  }
0xc6: {  	[tilespmem:v12+s11+$0x0] =	vst.idx.add.f32.msk $0xffff, v2;
	v10 =	vand.u32 $0x7F, v10;
	v12 =	vand.u32 $0x1FFFF80, v15;
	v15 =	vcvt.f32.s32 v17  }
0xc7: {  	[tilespmem:v13+s11+$0x0] =	vst.idx.add.f32.msk $0xffff, v2;
	v13 =	vor.u32 v10, v12;
	v10 =	vand.u32 $0xFF, v16;
	v12 =	vtrunc.f32 v18  }
0xc8: {  	v16 =	vld [tilespmem:s19+$0x20];
	v17 =	vor.u32 v6, v10;
	v10 =	vtrunc.f32 v20;
	v18 =	vcvt.f32.s32 v12  }
0xc9: {  	v19 =	vld [tilespmem:s18+$0xFFFFFFC0];
	v22 =	vshrl.u32 v15, $0x8;
	v20 =	vcvt.f32.s32 v10;
	v10 =	vand.u32 $0xFF, v15  }
0xca: {  	v12 =	vadd.s32 v9, v22;
	v11 =	vand.u32 $0x7F, v22;
	[tilespmem:v14+s11+$0x0] =	vst.idx.add.f32.msk $0xffff, v2;
	v15 =	vshrl.u32 v18, $0x8  }
0xcb: {  	[tilespmem:v23+s11+$0x0] =	vst.idx.add.f32.msk $0xffff, v2;
	v21 =	vshrl.u32 v20, $0x8;
	v20 =	vand.u32 $0xFF, v20;
	v22 =	vadd.s32 v9, v15  }
0xcc: {  	v15 =	vand.u32 $0x7F, v15;
	[tilespmem:v13+s11+$0x0] =	vst.idx.add.f32.msk $0xffff, v2;
	v13 =	vadd.s32 v8, v21;
	v22 =	vand.u32 $0x1FFFF80, v22  }
0xcd: {  	v16 =	vtrunc.f32 v16;
	[tilespmem:v17+s11+$0x0] =	vst.idx.add.f32.msk $0xffff, v2;
	v22 =	vor.u32 v15, v22;
	v15 =	vand.u32 $0xFF, v18  }
0xce: {  	v16 =	vcvt.f32.s32 v16;
	v17 =	vtrunc.f32 v19;
	v24 =	vld [tilespmem:s18+$0x50];
	v25 =	vor.u32 v9, v15  }
0xcf: {  	v14 =	vand.u32 $0x7F, v21;
	v13 =	vand.u32 $0x1FFFF80, v13;
	v19 =	vld [tilespmem:s19+$0xFFFFFFA0];
	v15 =	vcvt.f32.s32 v17  }
0xd0: {  	v14 =	vor.u32 v14, v13;
	v13 =	vor.u32 v8, v20;
	v18 =	vshrl.u32 v16, $0x8  }
0xd1: {  	v20 =	vadd.s32 v4, v18;
	v17 =	vshrl.u32 v15, $0x8;
	v15 =	vand.u32 $0xFF, v15  }
0xd2: {  	v21 =	vand.u32 $0x7F, v18;
	v20 =	vand.u32 $0x1FFFF80, v20;
	v18 =	vadd.s32 v6, v17;
	[tilespmem:v22+s11+$0x0] =	vst.idx.add.f32.msk $0xffff, v2  }
0xd3: {  	s21 =	simm.s32 $0x480;
	s20 =	simm.s32 $0x6;
	v20 =	vor.u32 v21, v20;
	v21 =	vand.u32 $0xFF, v16;
	v16 =	vtrunc.f32 v24;
	[tilespmem:v25+s11+$0x0] =	vst.idx.add.f32.msk $0xffff, v2  }
.LBB2_5:
0xd4: {  	v22 =	vld [tilespmem:s21+$0x0];
	v19 =	vtrunc.f32 v19;
	v21 =	vor.u32 v4, v21;
	v16 =	vcvt.f32.s32 v16  }
0xd5: {  	v18 =	vand.u32 $0x1FFFF80, v18;
	v17 =	vand.u32 $0x7F, v17;
	v23 =	vld [tilespmem:s21+$0xFFFFFF80];
	v19 =	vcvt.f32.s32 v19  }
0xd6: {  	v15 =	vor.u32 v6, v15;
	v17 =	vor.u32 v17, v18;
	v18 =	vshrl.u32 v16, $0x8;
	[tilespmem:v14+s11+$0x0] =	vst.idx.add.f32.msk $0xffff, v2  }
0xd7: {  	v14 =	vshrl.u32 v19, $0x8;
	v19 =	vand.u32 $0xFF, v19;
	v24 =	vadd.s32 v7, v18;
	[tilespmem:v13+s11+$0x0] =	vst.idx.add.f32.msk $0xffff, v2  }
0xd8: {  	v18 =	vand.u32 $0x7F, v18;
	v13 =	vadd.s32 v4, v14;
	[tilespmem:v20+s11+$0x0] =	vst.idx.add.f32.msk $0xffff, v2;
	v20 =	vand.u32 $0x1FFFF80, v24  }
0xd9: {  	v16 =	vand.u32 $0xFF, v16;
	v22 =	vtrunc.f32 v22;
	[tilespmem:v21+s11+$0x0] =	vst.idx.add.f32.msk $0xffff, v2;
	v18 =	vor.u32 v18, v20  }
0xda: {  	v16 =	vor.u32 v7, v16;
	v20 =	vtrunc.f32 v23;
	v21 =	vcvt.f32.s32 v22;
	v22 =	vld [tilespmem:s19+$0x30]  }
0xdb: {  	v14 =	vand.u32 $0x7F, v14;
	v13 =	vand.u32 $0x1FFFF80, v13;
	v20 =	vcvt.f32.s32 v20;
	[tilespmem:v17+s11+$0x0] =	vst.idx.add.f32.msk $0xffff, v2  }
0xdc: {  	s20 =	sadd.s32 $0x2, s20;
	v13 =	vor.u32 v14, v13;
	v14 =	vor.u32 v4, v19;
	v17 =	vshrl.u32 v21, $0x8;
	[tilespmem:v15+s11+$0x0] =	vst.idx.add.f32.msk $0xffff, v2  }
0xdd: {  	p0 =	slt.u32 s20, $0xFE;
	v15 =	vshrl.u32 v20, $0x8;
	v19 =	vand.u32 $0xFF, v20;
	v20 =	vadd.s32 v0, v17;
	v23 =	vld [tilespmem:s18+$0xFFFFFFD0]  }
0xde: {  	v17 =	vand.u32 $0x7F, v17;
	v24 =	vadd.s32 v0, v15;
	v20 =	vand.u32 $0x1FFFF80, v20;
	[tilespmem:v18+s11+$0x0] =	vst.idx.add.f32.msk $0xffff, v2  }
0xdf: {  	v18 =	vand.u32 $0xFF, v21;
	v17 =	vor.u32 v17, v20;
	v20 =	vtrunc.f32 v22;
	[tilespmem:v16+s11+$0x0] =	vst.idx.add.f32.msk $0xffff, v2  }
0xe0: {  	v16 =	vand.u32 $0x1FFFF80, v24;
	v18 =	vor.u32 v0, v18;
	v20 =	vcvt.f32.s32 v20;
	v21 =	vld [tilespmem:s18+$0x60]  }
0xe1: {  	v12 =	vand.u32 $0x1FFFF80, v12;
	v15 =	vand.u32 $0x7F, v15;
	v19 =	vor.u32 v0, v19;
	[tilespmem:v13+s11+$0x0] =	vst.idx.add.f32.msk $0xffff, v2  }
0xe2: {  	v13 =	vor.u32 v15, v16;
	[tilespmem:v14+s11+$0x0] =	vst.idx.add.f32.msk $0xffff, v2;
	v14 =	vshrl.u32 v20, $0x8;
	v15 =	vtrunc.f32 v23  }
0xe3: {  	v22 =	vld [tilespmem:s19+$0xFFFFFFB0];
	v16 =	vadd.s32 v5, v14;
	v23 =	vcvt.f32.s32 v15;
	v15 =	vor.u32 v11, v12  }
0xe4: {  	v12 =	vand.u32 $0x7F, v14;
	[tilespmem:v17+s11+$0x0] =	vst.idx.add.f32.msk $0xffff, v2;
	v11 =	vand.u32 $0x1FFFF80, v16;
	v16 =	vor.u32 v9, v10  }
0xe5: {  	[tilespmem:v18+s11+$0x0] =	vst.idx.add.f32.msk $0xffff, v2;
	v10 =	vor.u32 v12, v11;
	v11 =	vand.u32 $0xFF, v20;
	v12 =	vtrunc.f32 v21  }
0xe6: {  	v17 =	vshrl.u32 v23, $0x8;
	v14 =	vld [tilespmem:s21+$0x10];
	v11 =	vor.u32 v5, v11;
	v12 =	vcvt.f32.s32 v12  }
0xe7: {  	v18 =	vand.u32 $0xFF, v23;
	[tilespmem:v13+s11+$0x0] =	vst.idx.add.f32.msk $0xffff, v2;
	v13 =	vadd.s32 v7, v17;
	v17 =	vand.u32 $0x7F, v17  }
0xe8: {  	[tilespmem:v19+s11+$0x0] =	vst.idx.add.f32.msk $0xffff, v2;
	v19 =	vtrunc.f32 v22;
	v13 =	vand.u32 $0x1FFFF80, v13;
	v20 =	vshrl.u32 v12, $0x8  }
0xe9: {  	v21 =	vld [tilespmem:s21+$0xFFFFFF90];
	v19 =	vcvt.f32.s32 v19;
	v13 =	vor.u32 v17, v13;
	v17 =	vadd.s32 v8, v20  }
0xea: {  	[tilespmem:v10+s11+$0x0] =	vst.idx.add.f32.msk $0xffff, v2;
	v10 =	vor.u32 v7, v18;
	v17 =	vand.u32 $0x1FFFF80, v17;
	v18 =	vand.u32 $0x7F, v20  }
0xeb: {  	v12 =	vand.u32 $0xFF, v12;
	v14 =	vtrunc.f32 v14;
	[tilespmem:v11+s11+$0x0] =	vst.idx.add.f32.msk $0xffff, v2;
	v11 =	vor.u32 v18, v17  }
0xec: {  	v12 =	vor.u32 v8, v12;
	v17 =	vshrl.u32 v19, $0x8;
	v14 =	vcvt.f32.s32 v14;
	v18 =	vld [tilespmem:s19+$0x40]  }
0xed: {  	v19 =	vand.u32 $0xFF, v19;
	v20 =	vadd.s32 v5, v17;
	v17 =	vand.u32 $0x7F, v17;
	v22 =	vld [tilespmem:s17+$0xFFFFFFF0];
	s17 =	smov.u32 s18;
	s18 =	smov.u32 s19;
	s19 =	smov.u32 s21  }
0xee: {  	v20 =	vand.u32 $0x1FFFF80, v20;
	v21 =	vtrunc.f32 v21;
	v23 =	vshrl.u32 v14, $0x8;
	[tilespmem:v13+s11+$0x0] =	vst.idx.add.f32.msk $0xffff, v2  }
0xef: {  	v17 =	vor.u32 v17, v20;
	v13 =	vcvt.f32.s32 v21;
	v21 =	vadd.s32 v3, v23;
	[tilespmem:v10+s11+$0x0] =	vst.idx.add.f32.msk $0xffff, v2  }
0xf0: {  	v19 =	vor.u32 v5, v19;
	v20 =	vand.u32 $0x7F, v23;
	v10 =	vand.u32 $0x1FFFF80, v21;
	[tilespmem:v11+s11+$0x0] =	vst.idx.add.f32.msk $0xffff, v2  }
0xf1: {  	v11 =	vand.u32 $0xFF, v14;
	v10 =	vor.u32 v20, v10;
	v14 =	vtrunc.f32 v18;
	[tilespmem:v12+s11+$0x0] =	vst.idx.add.f32.msk $0xffff, v2  }
0xf2: {  	v12 =	vshrl.u32 v13, $0x8;
	v11 =	vor.u32 v3, v11;
	v14 =	vcvt.f32.s32 v14;
	v18 =	vld [tilespmem:s17+$0x70]  }
0xf3: {  	v13 =	vand.u32 $0xFF, v13;
	v20 =	vadd.s32 v3, v12;
	v12 =	vand.u32 $0x7F, v12;
	v21 =	vld [tilespmem:s17+$0xFFFFFFE0]  }
0xf4: {  	v13 =	vor.u32 v3, v13;
	v20 =	vand.u32 $0x1FFFF80, v20;
	[tilespmem:v17+s11+$0x0] =	vst.idx.add.f32.msk $0xffff, v2;
	v17 =	vshrl.u32 v14, $0x8  }
0xf5: {  	v12 =	vor.u32 v12, v20;
	v20 =	vtrunc.f32 v22;
	[tilespmem:v19+s11+$0x0] =	vst.idx.add.f32.msk $0xffff, v2;
	v19 =	vadd.s32 v6, v17  }
0xf6: {  	v17 =	vand.u32 $0x7F, v17;
	[tilespmem:v10+s11+$0x0] =	vst.idx.add.f32.msk $0xffff, v2;
	v10 =	vand.u32 $0x1FFFF80, v19;
	v19 =	vcvt.f32.s32 v20  }
0xf7: {  	[tilespmem:v11+s11+$0x0] =	vst.idx.add.f32.msk $0xffff, v2;
	v17 =	vor.u32 v17, v10;
	v10 =	vand.u32 $0xFF, v14;
	v11 =	vtrunc.f32 v18  }
0xf8: {  	v14 =	vld [tilespmem:s21+$0x20];
	v18 =	vor.u32 v6, v10;
	v10 =	vtrunc.f32 v21;
	v20 =	vcvt.f32.s32 v11  }
0xf9: {  	v11 =	vshrl.u32 v19, $0x8;
	v21 =	vld [tilespmem:s18+$0xFFFFFFC0];
	v22 =	vcvt.f32.s32 v10;
	v10 =	vand.u32 $0xFF, v19  }
0xfa: {  	[tilespmem:v12+s11+$0x0] =	vst.idx.add.f32.msk $0xffff, v2;
	v19 =	vshrl.u32 v20, $0x8;
	v12 =	vadd.s32 v9, v11;
	v11 =	vand.u32 $0x7F, v11  }
0xfb: {  	[tilespmem:v13+s11+$0x0] =	vst.idx.add.f32.msk $0xffff, v2;
	v13 =	vshrl.u32 v22, $0x8;
	v22 =	vand.u32 $0xFF, v22;
	v23 =	vadd.s32 v9, v19  }
0xfc: {  	v19 =	vand.u32 $0x7F, v19;
	[tilespmem:v17+s11+$0x0] =	vst.idx.add.f32.msk $0xffff, v2;
	v17 =	vadd.s32 v8, v13;
	v23 =	vand.u32 $0x1FFFF80, v23  }
0xfd: {  	v14 =	vtrunc.f32 v14;
	[tilespmem:v18+s11+$0x0] =	vst.idx.add.f32.msk $0xffff, v2;
	v23 =	vor.u32 v19, v23;
	v18 =	vand.u32 $0xFF, v20  }
0xfe: {  	v24 =	vcvt.f32.s32 v14;
	v14 =	vtrunc.f32 v21;
	v25 =	vld [tilespmem:s18+$0x50];
	v26 =	vor.u32 v9, v18  }
.Ltmp1:
0xff: {  	v13 =	vand.u32 $0x7F, v13;
	v19 =	vld [tilespmem:s21+$0xFFFFFFA0];
	v18 =	vcvt.f32.s32 v14;
	v14 =	vand.u32 $0x1FFFF80, v17;
	(pc) =	sbr.rel @p0 .LBB2_5-.Ltmp1, $4  }
0x100: {  	v20 =	vshrl.u32 v24, $0x8;
	v14 =	vor.u32 v13, v14;
	v13 =	vor.u32 v8, v22;
	[tilespmem:v15+s11+$0x0] =	vst.idx.add.f32.msk $0xffff, v2  }
0x101: {  	v21 =	vadd.s32 v4, v20;
	v17 =	vshrl.u32 v18, $0x8;
	v15 =	vand.u32 $0xFF, v18;
	[tilespmem:v16+s11+$0x0] =	vst.idx.add.f32.msk $0xffff, v2  }
0x102: {  	v20 =	vand.u32 $0x7F, v20;
	v16 =	vand.u32 $0x1FFFF80, v21;
	v18 =	vadd.s32 v6, v17;
	[tilespmem:v23+s11+$0x0] =	vst.idx.add.f32.msk $0xffff, v2  }
0x103: {  	s21 =	sadd.s32 $0x100, s21;
	v21 =	vand.u32 $0xFF, v24;
	v20 =	vor.u32 v20, v16;
	v16 =	vtrunc.f32 v25;
	[tilespmem:v26+s11+$0x0] =	vst.idx.add.f32.msk $0xffff, v2  }
0x104: {  	v19 =	vtrunc.f32 v19  }
0x105: {  	v19 =	vcvt.f32.s32 v19;
	_ =	sdelay $0x1  }
0x106: {  	v21 =	vor.u32 v4, v21;
	v22 =	vshrl.u32 v19, $0x8  }
0x107: {  	v23 =	vadd.s32 v4, v22  }
0x108: {  	v22 =	vand.u32 $0x7F, v22;
	v23 =	vand.u32 $0x1FFFF80, v23  }
0x109: {  	v19 =	vand.u32 $0xFF, v19;
	v22 =	vor.u32 v22, v23  }
0x10a: {  	[tilespmem:v20+s11+$0x0] =	vst.idx.add.f32.msk $0xffff, v2;
	v19 =	vor.u32 v4, v19  }
0x10b: {  	[tilespmem:v21+s11+$0x0] =	vst.idx.add.f32.msk $0xffff, v2  }
0x10c: {  	v20 =	vld [tilespmem:s19+$0x30];
	_ =	sdelay $0x1  }
0x10d: {  	[tilespmem:v22+s11+$0x0] =	vst.idx.add.f32.msk $0xffff, v2  }
0x10e: {  	[tilespmem:v19+s11+$0x0] =	vst.idx.add.f32.msk $0xffff, v2  }
0x10f: {  	v19 =	vld [tilespmem:s19+$0xFFFFFFB0]  }
0x110: {  	v20 =	vtrunc.f32 v20  }
0x111: {  	v20 =	vcvt.f32.s32 v20;
	_ =	sdelay $0x1  }
0x112: {  	v21 =	vshrl.u32 v20, $0x8  }
0x113: {  	v22 =	vadd.s32 v5, v21;
	v19 =	vtrunc.f32 v19  }
0x114: {  	v21 =	vand.u32 $0x7F, v21;
	v22 =	vand.u32 $0x1FFFF80, v22;
	v19 =	vcvt.f32.s32 v19  }
0x115: {  	v20 =	vand.u32 $0xFF, v20;
	v21 =	vor.u32 v21, v22  }
0x116: {  	v20 =	vor.u32 v5, v20;
	v22 =	vshrl.u32 v19, $0x8  }
0x117: {  	v23 =	vadd.s32 v5, v22  }
0x118: {  	v22 =	vand.u32 $0x7F, v22;
	v23 =	vand.u32 $0x1FFFF80, v23  }
0x119: {  	v19 =	vand.u32 $0xFF, v19;
	v22 =	vor.u32 v22, v23  }
0x11a: {  	[tilespmem:v21+s11+$0x0] =	vst.idx.add.f32.msk $0xffff, v2;
	v19 =	vor.u32 v5, v19  }
0x11b: {  	[tilespmem:v20+s11+$0x0] =	vst.idx.add.f32.msk $0xffff, v2  }
0x11c: {  	v20 =	vld [tilespmem:s19+$0x40];
	_ =	sdelay $0x1  }
0x11d: {  	[tilespmem:v22+s11+$0x0] =	vst.idx.add.f32.msk $0xffff, v2  }
0x11e: {  	[tilespmem:v19+s11+$0x0] =	vst.idx.add.f32.msk $0xffff, v2  }
0x11f: {  	v19 =	vld [tilespmem:s19+$0xFFFFFFC0]  }
0x120: {  	v20 =	vtrunc.f32 v20  }
0x121: {  	v20 =	vcvt.f32.s32 v20  }
0x122: {  	v18 =	vand.u32 $0x1FFFF80, v18;
	v17 =	vand.u32 $0x7F, v17  }
0x123: {  	v17 =	vor.u32 v17, v18;
	v18 =	vshrl.u32 v20, $0x8  }
0x124: {  	v15 =	vor.u32 v6, v15;
	v21 =	vadd.s32 v6, v18;
	v19 =	vtrunc.f32 v19  }
0x125: {  	v18 =	vand.u32 $0x7F, v18;
	v21 =	vand.u32 $0x1FFFF80, v21;
	v19 =	vcvt.f32.s32 v19  }
0x126: {  	v20 =	vand.u32 $0xFF, v20;
	v18 =	vor.u32 v18, v21  }
0x127: {  	v20 =	vor.u32 v6, v20;
	v21 =	vshrl.u32 v19, $0x8  }
0x128: {  	[tilespmem:v17+s11+$0x0] =	vst.idx.add.f32.msk $0xffff, v2;
	v17 =	vadd.s32 v6, v21  }
0x129: {  	[tilespmem:v15+s11+$0x0] =	vst.idx.add.f32.msk $0xffff, v2;
	v15 =	vand.u32 $0x1FFFF80, v17;
	v17 =	vand.u32 $0x7F, v21  }
0x12a: {  	v19 =	vand.u32 $0xFF, v19;
	v21 =	vld [tilespmem:s18+$0xFFFFFFD0];
	v15 =	vor.u32 v17, v15  }
0x12b: {  	[tilespmem:v18+s11+$0x0] =	vst.idx.add.f32.msk $0xffff, v2;
	v17 =	vor.u32 v6, v19  }
0x12c: {  	v16 =	vcvt.f32.s32 v16;
	[tilespmem:v20+s11+$0x0] =	vst.idx.add.f32.msk $0xffff, v2  }
0x12d: {  	v18 =	vld [tilespmem:s19+$0x50]  }
0x12e: {  	v19 =	vshrl.u32 v16, $0x8  }
0x12f: {  	v20 =	vadd.s32 v7, v19;
	v21 =	vtrunc.f32 v21;
	[tilespmem:v15+s11+$0x0] =	vst.idx.add.f32.msk $0xffff, v2  }
0x130: {  	v19 =	vand.u32 $0x7F, v19;
	v15 =	vand.u32 $0x1FFFF80, v20;
	v20 =	vcvt.f32.s32 v21;
	[tilespmem:v17+s11+$0x0] =	vst.idx.add.f32.msk $0xffff, v2  }
0x131: {  	v16 =	vand.u32 $0xFF, v16;
	v15 =	vor.u32 v19, v15;
	v17 =	vld [tilespmem:s19+$0xFFFFFFD0]  }
0x132: {  	v16 =	vor.u32 v7, v16;
	v18 =	vtrunc.f32 v18;
	v19 =	vshrl.u32 v20, $0x8  }
0x133: {  	v18 =	vcvt.f32.s32 v18;
	v21 =	vadd.s32 v7, v19  }
0x134: {  	v19 =	vand.u32 $0x7F, v19;
	v21 =	vand.u32 $0x1FFFF80, v21  }
0x135: {  	v20 =	vand.u32 $0xFF, v20;
	v19 =	vor.u32 v19, v21;
	v21 =	vshrl.u32 v18, $0x8  }
0x136: {  	[tilespmem:v15+s11+$0x0] =	vst.idx.add.f32.msk $0xffff, v2;
	v15 =	vor.u32 v7, v20;
	v20 =	vadd.s32 v7, v21;
	v17 =	vtrunc.f32 v17  }
0x137: {  	[tilespmem:v16+s11+$0x0] =	vst.idx.add.f32.msk $0xffff, v2;
	v16 =	vand.u32 $0x1FFFF80, v20;
	v20 =	vand.u32 $0x7F, v21;
	v17 =	vcvt.f32.s32 v17  }
0x138: {  	v18 =	vand.u32 $0xFF, v18;
	v21 =	vld [tilespmem:s18+$0x60];
	v16 =	vor.u32 v20, v16  }
0x139: {  	v18 =	vor.u32 v7, v18;
	v20 =	vshrl.u32 v17, $0x8  }
0x13a: {  	[tilespmem:v19+s11+$0x0] =	vst.idx.add.f32.msk $0xffff, v2;
	v19 =	vadd.s32 v7, v20  }
0x13b: {  	[tilespmem:v15+s11+$0x0] =	vst.idx.add.f32.msk $0xffff, v2;
	v15 =	vand.u32 $0x7F, v20;
	v19 =	vand.u32 $0x1FFFF80, v19  }
0x13c: {  	v17 =	vand.u32 $0xFF, v17;
	v20 =	vld [tilespmem:s18+$0xFFFFFFE0];
	v15 =	vor.u32 v15, v19  }
0x13d: {  	v19 =	vtrunc.f32 v21;
	[tilespmem:v16+s11+$0x0] =	vst.idx.add.f32.msk $0xffff, v2;
	v16 =	vor.u32 v7, v17  }
0x13e: {  	v17 =	vcvt.f32.s32 v19;
	[tilespmem:v18+s11+$0x0] =	vst.idx.add.f32.msk $0xffff, v2  }
0x13f: {  	v18 =	vld [tilespmem:s19+$0x60]  }
0x140: {  	v19 =	vshrl.u32 v17, $0x8  }
0x141: {  	v21 =	vadd.s32 v8, v19;
	v20 =	vtrunc.f32 v20;
	[tilespmem:v15+s11+$0x0] =	vst.idx.add.f32.msk $0xffff, v2  }
0x142: {  	v19 =	vand.u32 $0x7F, v19;
	v15 =	vand.u32 $0x1FFFF80, v21;
	v20 =	vcvt.f32.s32 v20;
	[tilespmem:v16+s11+$0x0] =	vst.idx.add.f32.msk $0xffff, v2  }
0x143: {  	v17 =	vand.u32 $0xFF, v17;
	v15 =	vor.u32 v19, v15;
	v16 =	vld [tilespmem:s19+$0xFFFFFFE0]  }
0x144: {  	v17 =	vor.u32 v8, v17;
	v19 =	vshrl.u32 v20, $0x8;
	v18 =	vtrunc.f32 v18  }
0x145: {  	v21 =	vadd.s32 v8, v19;
	v18 =	vcvt.f32.s32 v18  }
0x146: {  	[tilespmem:v14+s11+$0x0] =	vst.idx.add.f32.msk $0xffff, v2;
	v19 =	vand.u32 $0x7F, v19;
	v14 =	vand.u32 $0x1FFFF80, v21  }
0x147: {  	[tilespmem:v13+s11+$0x0] =	vst.idx.add.f32.msk $0xffff, v2;
	v13 =	vand.u32 $0xFF, v20;
	v14 =	vor.u32 v19, v14;
	v19 =	vshrl.u32 v18, $0x8  }
0x148: {  	v13 =	vor.u32 v8, v13;
	v21 =	vadd.s32 v8, v19;
	[tilespmem:v15+s11+$0x0] =	vst.idx.add.f32.msk $0xffff, v2;
	v16 =	vtrunc.f32 v16  }
0x149: {  	v19 =	vand.u32 $0x7F, v19;
	v15 =	vand.u32 $0x1FFFF80, v21;
	[tilespmem:v17+s11+$0x0] =	vst.idx.add.f32.msk $0xffff, v2;
	v16 =	vcvt.f32.s32 v16  }
0x14a: {  	v17 =	vand.u32 $0xFF, v18;
	v15 =	vor.u32 v19, v15;
	v18 =	vld [tilespmem:s18+$0x70]  }
0x14b: {  	v20 =	vld [tilespmem:s17+$0xFFFFFFF0];
	v17 =	vor.u32 v8, v17;
	v19 =	vshrl.u32 v16, $0x8  }
0x14c: {  	[tilespmem:v14+s11+$0x0] =	vst.idx.add.f32.msk $0xffff, v2;
	v14 =	vadd.s32 v8, v19  }
0x14d: {  	[tilespmem:v13+s11+$0x0] =	vst.idx.add.f32.msk $0xffff, v2;
	v13 =	vand.u32 $0x1FFFF80, v14;
	v14 =	vand.u32 $0x7F, v19  }
0x14e: {  	v16 =	vand.u32 $0xFF, v16;
	v19 =	vld [tilespmem:s18+$0xFFFFFFF0];
	v13 =	vor.u32 v14, v13  }
0x14f: {  	[tilespmem:v15+s11+$0x0] =	vst.idx.add.f32.msk $0xffff, v2;
	v14 =	vor.u32 v8, v16;
	v16 =	vtrunc.f32 v18  }
0x150: {  	v15 =	vtrunc.f32 v20;
	[tilespmem:v17+s11+$0x0] =	vst.idx.add.f32.msk $0xffff, v2;
	v16 =	vcvt.f32.s32 v16  }
0x151: {  	v12 =	vand.u32 $0x1FFFF80, v12;
	v15 =	vcvt.f32.s32 v15;
	v17 =	vld [tilespmem:s19+$0x70]  }
0x152: {  	v10 =	vor.u32 v9, v10;
	v11 =	vor.u32 v11, v12;
	v18 =	vshrl.u32 v16, $0x8  }
0x153: {  	v12 =	vshrl.u32 v15, $0x8;
	v16 =	vand.u32 $0xFF, v16;
	v20 =	vadd.s32 v9, v18;
	[tilespmem:v13+s11+$0x0] =	vst.idx.add.f32.msk $0xffff, v2  }
0x154: {  	v18 =	vand.u32 $0x7F, v18;
	v19 =	vtrunc.f32 v19;
	v16 =	vor.u32 v9, v16;
	[tilespmem:v14+s11+$0x0] =	vst.idx.add.f32.msk $0xffff, v2  }
0x155: {  	v13 =	vand.u32 $0xFF, v15;
	v15 =	vadd.s32 v9, v12;
	v14 =	vand.u32 $0x1FFFF80, v20;
	v20 =	vld [tilespmem:s19+$0xFFFFFFF0]  }
0x156: {  	v12 =	vand.u32 $0x7F, v12;
	v19 =	vcvt.f32.s32 v19;
	v17 =	vtrunc.f32 v17  }
0x157: {  	v15 =	vand.u32 $0x1FFFF80, v15;
	v14 =	vor.u32 v18, v14;
	v17 =	vcvt.f32.s32 v17  }
0x158: {  	[tilespmem:v11+s11+$0x0] =	vst.idx.add.f32.msk $0xffff, v2;
	v13 =	vor.u32 v9, v13;
	v12 =	vor.u32 v12, v15;
	v15 =	vshrl.u32 v19, $0x8  }
0x159: {  	[tilespmem:v10+s11+$0x0] =	vst.idx.add.f32.msk $0xffff, v2;
	v21 =	vadd.s32 v9, v15;
	v10 =	vand.u32 $0x7F, v15;
	v18 =	vshrl.u32 v17, $0x8  }
0x15a: {  	v15 =	vand.u32 $0xFF, v17;
	v22 =	vadd.s32 v9, v18;
	v20 =	vtrunc.f32 v20  }
0x15b: {  	v18 =	vand.u32 $0x7F, v18;
	v11 =	vand.u32 $0x1FFFF80, v22;
	v20 =	vcvt.f32.s32 v20  }
0x15c: {  	[tilespmem:v14+s11+$0x0] =	vst.idx.add.f32.msk $0xffff, v2;
	v14 =	vor.u32 v9, v15;
	v15 =	vand.u32 $0x1FFFF80, v21;
	v11 =	vor.u32 v18, v11  }
0x15d: {  	v10 =	vor.u32 v10, v15;
	v17 =	vshrl.u32 v20, $0x8  }
0x15e: {  	[tilespmem:v16+s11+$0x0] =	vst.idx.add.f32.msk $0xffff, v2;
	v16 =	vand.u32 $0xFF, v19;
	v15 =	vadd.s32 v9, v17  }
0x15f: {  	[tilespmem:v12+s11+$0x0] =	vst.idx.add.f32.msk $0xffff, v2;
	v12 =	vor.u32 v9, v16;
	v16 =	vand.u32 $0x7F, v17;
	v15 =	vand.u32 $0x1FFFF80, v15  }
0x160: {  	[tilespmem:v13+s11+$0x0] =	vst.idx.add.f32.msk $0xffff, v2;
	v13 =	vand.u32 $0xFF, v20;
	v15 =	vor.u32 v16, v15  }
0x161: {  	[tilespmem:v11+s11+$0x0] =	vst.idx.add.f32.msk $0xffff, v2;
	v11 =	vor.u32 v9, v13  }
0x162: {  	[tilespmem:v10+s11+$0x0] =	vst.idx.add.f32.msk $0xffff, v2  }
0x163: {  	[tilespmem:v14+s11+$0x0] =	vst.idx.add.f32.msk $0xffff, v2  }
0x164: {  	[tilespmem:v12+s11+$0x0] =	vst.idx.add.f32.msk $0xffff, v2  }
0x165: {  	[tilespmem:v15+s11+$0x0] =	vst.idx.add.f32.msk $0xffff, v2  }
0x166: {  	[tilespmem:v11+s11+$0x0] =	vst.idx.add.f32.msk $0xffff, v2  }
0x167: {  	_ =	swait.ge [sflag:s12], $0x8000  }
0x168: {  	p0 =	seq.s32 s15, $0x3;
	s31 =	simm.s32 $0x8080;
	[sflag:s12] =	ssyncset.done $0x0  }
0x169: {  	s16 =	sadd.s32 @!p0 s16, s6;
	s17 =	simm.s32 @!p0 $0x0;
	[sflag:s12] =	ssyncadd.s32 $0xFFFF8000  }
0x16a: {  	[tilespmem:s17], [sflag:$0x1] =	stream.linear.gather @!p0 [hbm4b:s16+s17], $0x8000, $0x38;
	[tilespmem:$0x18000] =	vst v63  }
0x16b: {  	v10 =	vld [tilespmem:s31+$0x0];
	_ =	sdelay $0x4  }
0x16c: {  	v10 =	vtrunc.f32 v10  }
0x16d: {  	v10 =	vcvt.f32.s32 v10;
	_ =	sdelay $0x1  }
0x16e: {  	v11 =	vshrl.u32 v10, $0x8  }
0x16f: {  	v12 =	vld [tilespmem:s31+$0xFFFFFF80];
	v13 =	vadd.s32 v0, v11  }
0x170: {  	v11 =	vand.u32 $0x7F, v11;
	v13 =	vand.u32 $0x1FFFF80, v13  }
0x171: {  	v10 =	vand.u32 $0xFF, v10;
	v11 =	vor.u32 v11, v13  }
0x172: {  	v10 =	vor.u32 v0, v10;
	_ =	sdelay $0x1  }
0x173: {  	v12 =	vtrunc.f32 v12  }
0x174: {  	v12 =	vcvt.f32.s32 v12  }
0x175: {  	[tilespmem:v11+s11+$0x0] =	vst.idx.add.f32.msk $0xffff, v2  }
0x176: {  	v11 =	vshrl.u32 v12, $0x8;
	[tilespmem:v10+s11+$0x0] =	vst.idx.add.f32.msk $0xffff, v2  }
0x177: {  	v10 =	vadd.s32 v0, v11;
	v13 =	vld [tilespmem:s31+$0x10]  }
0x178: {  	v11 =	vand.u32 $0x7F, v11;
	v10 =	vand.u32 $0x1FFFF80, v10  }
0x179: {  	v12 =	vand.u32 $0xFF, v12;
	v10 =	vor.u32 v11, v10  }
0x17a: {  	v11 =	vor.u32 v0, v12;
	_ =	sdelay $0x1  }
0x17b: {  	v12 =	vtrunc.f32 v13  }
0x17c: {  	v12 =	vcvt.f32.s32 v12  }
0x17d: {  	[tilespmem:v10+s11+$0x0] =	vst.idx.add.f32.msk $0xffff, v2  }
0x17e: {  	[tilespmem:v11+s11+$0x0] =	vst.idx.add.f32.msk $0xffff, v2;
	v10 =	vshrl.u32 v12, $0x8  }
0x17f: {  	v11 =	vld [tilespmem:s31+$0xFFFFFF90];
	v13 =	vadd.s32 v3, v10  }
0x180: {  	v10 =	vand.u32 $0x7F, v10;
	v13 =	vand.u32 $0x1FFFF80, v13  }
0x181: {  	v12 =	vand.u32 $0xFF, v12;
	v10 =	vor.u32 v10, v13  }
0x182: {  	v12 =	vor.u32 v3, v12;
	_ =	sdelay $0x1  }
0x183: {  	v11 =	vtrunc.f32 v11  }
0x184: {  	v11 =	vcvt.f32.s32 v11  }
0x185: {  	[tilespmem:v10+s11+$0x0] =	vst.idx.add.f32.msk $0xffff, v2  }
0x186: {  	v10 =	vshrl.u32 v11, $0x8;
	[tilespmem:v12+s11+$0x0] =	vst.idx.add.f32.msk $0xffff, v2  }
0x187: {  	v12 =	vadd.s32 v3, v10;
	v13 =	vld [tilespmem:s31+$0x20]  }
0x188: {  	v10 =	vand.u32 $0x7F, v10;
	v12 =	vand.u32 $0x1FFFF80, v12  }
0x189: {  	v11 =	vand.u32 $0xFF, v11;
	v10 =	vor.u32 v10, v12  }
0x18a: {  	v11 =	vor.u32 v3, v11;
	_ =	sdelay $0x1  }
0x18b: {  	v12 =	vtrunc.f32 v13  }
0x18c: {  	v12 =	vcvt.f32.s32 v12  }
0x18d: {  	[tilespmem:v10+s11+$0x0] =	vst.idx.add.f32.msk $0xffff, v2  }
0x18e: {  	[tilespmem:v11+s11+$0x0] =	vst.idx.add.f32.msk $0xffff, v2;
	v10 =	vshrl.u32 v12, $0x8  }
0x18f: {  	v11 =	vld [tilespmem:s31+$0xFFFFFFA0];
	v13 =	vadd.s32 v4, v10  }
0x190: {  	v10 =	vand.u32 $0x7F, v10;
	v13 =	vand.u32 $0x1FFFF80, v13  }
0x191: {  	s16 =	simm.s32 $0x8180;
	v12 =	vand.u32 $0xFF, v12;
	v10 =	vor.u32 v10, v13  }
0x192: {  	v12 =	vor.u32 v4, v12;
	v13 =	vld [tilespmem:s16+$0x0]  }
0x193: {  	v14 =	vld [tilespmem:s16+$0xFFFFFF80]  }
0x194: {  	v11 =	vtrunc.f32 v11  }
0x195: {  	v11 =	vcvt.f32.s32 v11  }
0x196: {  	[tilespmem:v10+s11+$0x0] =	vst.idx.add.f32.msk $0xffff, v2  }
0x197: {  	v10 =	vshrl.u32 v11, $0x8;
	v13 =	vtrunc.f32 v13;
	[tilespmem:v12+s11+$0x0] =	vst.idx.add.f32.msk $0xffff, v2  }
0x198: {  	v14 =	vtrunc.f32 v14;
	v12 =	vadd.s32 v4, v10;
	v13 =	vcvt.f32.s32 v13;
	v15 =	vld [tilespmem:s31+$0x30]  }
0x199: {  	v14 =	vcvt.f32.s32 v14;
	v10 =	vand.u32 $0x7F, v10;
	v12 =	vand.u32 $0x1FFFF80, v12  }
0x19a: {  	v11 =	vand.u32 $0xFF, v11;
	v16 =	vshrl.u32 v13, $0x8;
	v10 =	vor.u32 v10, v12  }
0x19b: {  	v11 =	vor.u32 v4, v11;
	v12 =	vadd.s32 v0, v16  }
0x19c: {  	v17 =	vshrl.u32 v14, $0x8;
	v16 =	vand.u32 $0x7F, v16;
	v12 =	vand.u32 $0x1FFFF80, v12  }
0x19d: {  	v13 =	vand.u32 $0xFF, v13;
	v12 =	vor.u32 v16, v12;
	v15 =	vtrunc.f32 v15  }
0x19e: {  	v13 =	vor.u32 v0, v13;
	v16 =	vadd.s32 v0, v17;
	v15 =	vcvt.f32.s32 v15  }
0x19f: {  	v17 =	vand.u32 $0x7F, v17;
	v16 =	vand.u32 $0x1FFFF80, v16;
	[tilespmem:v10+s11+$0x0] =	vst.idx.add.f32.msk $0xffff, v2  }
0x1a0: {  	v10 =	vand.u32 $0xFF, v14;
	v14 =	vor.u32 v17, v16;
	[tilespmem:v11+s11+$0x0] =	vst.idx.add.f32.msk $0xffff, v2;
	v11 =	vshrl.u32 v15, $0x8  }
0x1a1: {  	v10 =	vor.u32 v0, v10;
	v16 =	vld [tilespmem:s31+$0xFFFFFFB0];
	v17 =	vadd.s32 v5, v11  }
0x1a2: {  	[tilespmem:v12+s11+$0x0] =	vst.idx.add.f32.msk $0xffff, v2;
	v11 =	vand.u32 $0x7F, v11;
	v12 =	vand.u32 $0x1FFFF80, v17  }
0x1a3: {  	[tilespmem:v13+s11+$0x0] =	vst.idx.add.f32.msk $0xffff, v2;
	v11 =	vor.u32 v11, v12;
	v12 =	vand.u32 $0xFF, v15  }
0x1a4: {  	v13 =	vld [tilespmem:s16+$0x10];
	v12 =	vor.u32 v5, v12  }
0x1a5: {  	[tilespmem:v14+s11+$0x0] =	vst.idx.add.f32.msk $0xffff, v2  }
0x1a6: {  	[tilespmem:v10+s11+$0x0] =	vst.idx.add.f32.msk $0xffff, v2  }
0x1a7: {  	v10 =	vtrunc.f32 v16;
	v14 =	vld [tilespmem:s16+$0xFFFFFF90]  }
0x1a8: {  	v10 =	vcvt.f32.s32 v10;
	[tilespmem:v11+s11+$0x0] =	vst.idx.add.f32.msk $0xffff, v2  }
0x1a9: {  	v11 =	vtrunc.f32 v13;
	[tilespmem:v12+s11+$0x0] =	vst.idx.add.f32.msk $0xffff, v2  }
0x1aa: {  	v11 =	vcvt.f32.s32 v11;
	v12 =	vshrl.u32 v10, $0x8;
	v13 =	vld [tilespmem:s31+$0x40]  }
0x1ab: {  	v10 =	vand.u32 $0xFF, v10;
	v15 =	vadd.s32 v5, v12;
	v12 =	vand.u32 $0x7F, v12  }
0x1ac: {  	v14 =	vtrunc.f32 v14;
	v16 =	vshrl.u32 v11, $0x8;
	v15 =	vand.u32 $0x1FFFF80, v15  }
0x1ad: {  	v10 =	vor.u32 v5, v10;
	v17 =	vadd.s32 v3, v16;
	v12 =	vor.u32 v12, v15  }
0x1ae: {  	v14 =	vcvt.f32.s32 v14;
	v16 =	vand.u32 $0x7F, v16;
	v15 =	vand.u32 $0x1FFFF80, v17  }
0x1af: {  	v11 =	vand.u32 $0xFF, v11;
	v15 =	vor.u32 v16, v15;
	v13 =	vtrunc.f32 v13  }
0x1b0: {  	v11 =	vor.u32 v3, v11;
	v13 =	vcvt.f32.s32 v13  }
0x1b1: {  	v16 =	vshrl.u32 v14, $0x8  }
0x1b2: {  	v17 =	vadd.s32 v3, v16;
	[tilespmem:v12+s11+$0x0] =	vst.idx.add.f32.msk $0xffff, v2;
	v12 =	vshrl.u32 v13, $0x8  }
0x1b3: {  	v16 =	vand.u32 $0x7F, v16;
	v17 =	vand.u32 $0x1FFFF80, v17;
	[tilespmem:v10+s11+$0x0] =	vst.idx.add.f32.msk $0xffff, v2;
	v10 =	vadd.s32 v6, v12  }
0x1b4: {  	v16 =	vor.u32 v16, v17;
	[tilespmem:v15+s11+$0x0] =	vst.idx.add.f32.msk $0xffff, v2;
	v12 =	vand.u32 $0x7F, v12;
	v10 =	vand.u32 $0x1FFFF80, v10  }
0x1b5: {  	[tilespmem:v11+s11+$0x0] =	vst.idx.add.f32.msk $0xffff, v2;
	v11 =	vand.u32 $0xFF, v13;
	v10 =	vor.u32 v12, v10  }
0x1b6: {  	v12 =	vld [tilespmem:s16+$0x20];
	v11 =	vor.u32 v6, v11  }
0x1b7: {  	v14 =	vand.u32 $0xFF, v14  }
0x1b8: {  	v14 =	vor.u32 v3, v14;
	v13 =	vld [tilespmem:s31+$0xFFFFFFC0]  }
0x1b9: {  	[tilespmem:v16+s11+$0x0] =	vst.idx.add.f32.msk $0xffff, v2  }
0x1ba: {  	[tilespmem:v10+s11+$0x0] =	vst.idx.add.f32.msk $0xffff, v2  }
0x1bb: {  	v10 =	vtrunc.f32 v12;
	[tilespmem:v11+s11+$0x0] =	vst.idx.add.f32.msk $0xffff, v2  }
0x1bc: {  	v10 =	vcvt.f32.s32 v10;
	v12 =	vld [tilespmem:s31+$0x50]  }
0x1bd: {  	[tilespmem:v14+s11+$0x0] =	vst.idx.add.f32.msk $0xffff, v2;
	v11 =	vtrunc.f32 v13  }
0x1be: {  	v13 =	vld [tilespmem:s16+$0xFFFFFFA0];
	v11 =	vcvt.f32.s32 v11;
	v14 =	vshrl.u32 v10, $0x8  }
0x1bf: {  	s17 =	simm.s32 $0x8280;
	v10 =	vand.u32 $0xFF, v10;
	v15 =	vadd.s32 v4, v14  }
0x1c0: {  	v18 =	vld [tilespmem:s17+$0xFFFFFF80];
	v16 =	vshrl.u32 v11, $0x8;
	v14 =	vand.u32 $0x7F, v14;
	v15 =	vand.u32 $0x1FFFF80, v15  }
0x1c1: {  	v10 =	vor.u32 v4, v10;
	v14 =	vor.u32 v14, v15;
	v12 =	vtrunc.f32 v12  }
0x1c2: {  	v11 =	vand.u32 $0xFF, v11;
	v17 =	vadd.s32 v6, v16;
	v15 =	vld [tilespmem:s17+$0x0];
	v12 =	vcvt.f32.s32 v12  }
0x1c3: {  	v16 =	vand.u32 $0x7F, v16;
	v13 =	vtrunc.f32 v13;
	v17 =	vand.u32 $0x1FFFF80, v17  }
0x1c4: {  	v13 =	vcvt.f32.s32 v13;
	v16 =	vor.u32 v16, v17;
	v17 =	vshrl.u32 v12, $0x8  }
0x1c5: {  	v18 =	vtrunc.f32 v18;
	v11 =	vor.u32 v6, v11;
	v20 =	vadd.s32 v7, v17  }
0x1c6: {  	v19 =	vshrl.u32 v13, $0x8;
	[tilespmem:v14+s11+$0x0] =	vst.idx.add.f32.msk $0xffff, v2;
	v17 =	vand.u32 $0x7F, v17;
	v14 =	vand.u32 $0x1FFFF80, v20  }
0x1c7: {  	v12 =	vand.u32 $0xFF, v12;
	v15 =	vtrunc.f32 v15;
	[tilespmem:v10+s11+$0x0] =	vst.idx.add.f32.msk $0xffff, v2;
	v10 =	vor.u32 v17, v14  }
0x1c8: {  	v12 =	vor.u32 v7, v12;
	v15 =	vcvt.f32.s32 v15;
	v14 =	vadd.s32 v4, v19;
	v17 =	vld [tilespmem:s16+$0x30]  }
0x1c9: {  	v13 =	vand.u32 $0xFF, v13;
	[tilespmem:v16+s11+$0x0] =	vst.idx.add.f32.msk $0xffff, v2;
	v19 =	vand.u32 $0x7F, v19;
	v14 =	vand.u32 $0x1FFFF80, v14  }
0x1ca: {  	v16 =	vcvt.f32.s32 v18;
	[tilespmem:v11+s11+$0x0] =	vst.idx.add.f32.msk $0xffff, v2;
	v18 =	vshrl.u32 v15, $0x8;
	v14 =	vor.u32 v19, v14  }
0x1cb: {  	v11 =	vor.u32 v4, v13;
	v13 =	vadd.s32 v0, v18;
	v19 =	vld [tilespmem:s31+$0xFFFFFFD0]  }
0x1cc: {  	v20 =	vshrl.u32 v16, $0x8;
	v18 =	vand.u32 $0x7F, v18;
	v13 =	vand.u32 $0x1FFFF80, v13;
	[tilespmem:v10+s11+$0x0] =	vst.idx.add.f32.msk $0xffff, v2  }
0x1cd: {  	v10 =	vor.u32 v18, v13;
	v13 =	vand.u32 $0xFF, v15;
	v15 =	vtrunc.f32 v17;
	[tilespmem:v12+s11+$0x0] =	vst.idx.add.f32.msk $0xffff, v2  }
0x1ce: {  	v12 =	vadd.s32 v0, v20;
	v13 =	vor.u32 v0, v13;
	v15 =	vcvt.f32.s32 v15;
	v17 =	vld [tilespmem:s31+$0x60]  }
0x1cf: {  	v18 =	vand.u32 $0x7F, v20;
	v12 =	vand.u32 $0x1FFFF80, v12;
	[tilespmem:v14+s11+$0x0] =	vst.idx.add.f32.msk $0xffff, v2  }
0x1d0: {  	v14 =	vand.u32 $0xFF, v16;
	v12 =	vor.u32 v18, v12;
	[tilespmem:v11+s11+$0x0] =	vst.idx.add.f32.msk $0xffff, v2;
	v11 =	vshrl.u32 v15, $0x8  }
0x1d1: {  	v16 =	vtrunc.f32 v19;
	v14 =	vor.u32 v0, v14;
	v18 =	vld [tilespmem:s16+$0xFFFFFFB0];
	v19 =	vadd.s32 v5, v11  }
0x1d2: {  	v16 =	vcvt.f32.s32 v16;
	v11 =	vand.u32 $0x7F, v11;
	[tilespmem:v10+s11+$0x0] =	vst.idx.add.f32.msk $0xffff, v2;
	v10 =	vand.u32 $0x1FFFF80, v19  }
0x1d3: {  	[tilespmem:v13+s11+$0x0] =	vst.idx.add.f32.msk $0xffff, v2;
	v10 =	vor.u32 v11, v10;
	v11 =	vand.u32 $0xFF, v15;
	v13 =	vtrunc.f32 v17  }
0x1d4: {  	v15 =	vld [tilespmem:s17+$0x10];
	v11 =	vor.u32 v5, v11;
	v17 =	vshrl.u32 v16, $0x8;
	v13 =	vcvt.f32.s32 v13  }
0x1d5: {  	v16 =	vand.u32 $0xFF, v16;
	[tilespmem:v12+s11+$0x0] =	vst.idx.add.f32.msk $0xffff, v2;
	v12 =	vadd.s32 v7, v17;
	v17 =	vand.u32 $0x7F, v17  }
0x1d6: {  	[tilespmem:v14+s11+$0x0] =	vst.idx.add.f32.msk $0xffff, v2;
	v14 =	vtrunc.f32 v18;
	v12 =	vand.u32 $0x1FFFF80, v12;
	v18 =	vshrl.u32 v13, $0x8  }
0x1d7: {  	v19 =	vld [tilespmem:s17+$0xFFFFFF90];
	v12 =	vor.u32 v17, v12;
	v13 =	vand.u32 $0xFF, v13;
	v17 =	vadd.s32 v8, v18  }
0x1d8: {  	v14 =	vcvt.f32.s32 v14;
	[tilespmem:v10+s11+$0x0] =	vst.idx.add.f32.msk $0xffff, v2;
	v10 =	vor.u32 v7, v16;
	v13 =	vor.u32 v8, v13  }
0x1d9: {  	v16 =	vand.u32 $0x1FFFF80, v17;
	v17 =	vand.u32 $0x7F, v18;
	v15 =	vtrunc.f32 v15;
	[tilespmem:v11+s11+$0x0] =	vst.idx.add.f32.msk $0xffff, v2  }
0x1da: {  	v11 =	vor.u32 v17, v16;
	v15 =	vcvt.f32.s32 v15;
	v16 =	vshrl.u32 v14, $0x8;
	v17 =	vld [tilespmem:s16+$0x40]  }
0x1db: {  	v14 =	vand.u32 $0xFF, v14;
	v18 =	vadd.s32 v5, v16;
	v16 =	vand.u32 $0x7F, v16  }
0x1dc: {  	v19 =	vtrunc.f32 v19;
	v20 =	vshrl.u32 v15, $0x8;
	v18 =	vand.u32 $0x1FFFF80, v18;
	[tilespmem:v12+s11+$0x0] =	vst.idx.add.f32.msk $0xffff, v2  }
0x1dd: {  	v12 =	vcvt.f32.s32 v19;
	v19 =	vadd.s32 v3, v20;
	v16 =	vor.u32 v16, v18;
	[tilespmem:v10+s11+$0x0] =	vst.idx.add.f32.msk $0xffff, v2  }
0x1de: {  	v14 =	vor.u32 v5, v14;
	v18 =	vand.u32 $0x7F, v20;
	v10 =	vand.u32 $0x1FFFF80, v19;
	v19 =	vld [tilespmem:s31+$0xFFFFFFE0]  }
0x1df: {  	[tilespmem:v11+s11+$0x0] =	vst.idx.add.f32.msk $0xffff, v2;
	v10 =	vor.u32 v18, v10;
	v11 =	vand.u32 $0xFF, v15;
	v15 =	vtrunc.f32 v17  }
0x1e0: {  	[tilespmem:v13+s11+$0x0] =	vst.idx.add.f32.msk $0xffff, v2;
	v13 =	vshrl.u32 v12, $0x8;
	v11 =	vor.u32 v3, v11;
	v15 =	vcvt.f32.s32 v15  }
0x1e1: {  	v17 =	vld [tilespmem:s31+$0x70];
	v18 =	vadd.s32 v3, v13  }
0x1e2: {  	v13 =	vand.u32 $0x7F, v13;
	v18 =	vand.u32 $0x1FFFF80, v18;
	[tilespmem:v16+s11+$0x0] =	vst.idx.add.f32.msk $0xffff, v2;
	v16 =	vshrl.u32 v15, $0x8  }
0x1e3: {  	v12 =	vand.u32 $0xFF, v12;
	v13 =	vor.u32 v13, v18;
	[tilespmem:v14+s11+$0x0] =	vst.idx.add.f32.msk $0xffff, v2;
	v14 =	vadd.s32 v6, v16  }
0x1e4: {  	v12 =	vor.u32 v3, v12;
	[tilespmem:v10+s11+$0x0] =	vst.idx.add.f32.msk $0xffff, v2;
	v10 =	vand.u32 $0x1FFFF80, v14;
	v14 =	vand.u32 $0x7F, v16  }
0x1e5: {  	[tilespmem:v11+s11+$0x0] =	vst.idx.add.f32.msk $0xffff, v2;
	v10 =	vor.u32 v14, v10  }
0x1e6: {  	v11 =	vand.u32 $0xFF, v15;
	v15 =	vld [tilespmem:s17+$0x20]  }
0x1e7: {  	v16 =	vtrunc.f32 v19;
	v14 =	vtrunc.f32 v17;
	v11 =	vor.u32 v6, v11;
	v17 =	vld [tilespmem:s16+$0xFFFFFFC0]  }
0x1e8: {  	v16 =	vcvt.f32.s32 v16;
	v14 =	vcvt.f32.s32 v14;
	[tilespmem:v13+s11+$0x0] =	vst.idx.add.f32.msk $0xffff, v2  }
0x1e9: {  	[tilespmem:v12+s11+$0x0] =	vst.idx.add.f32.msk $0xffff, v2  }
0x1ea: {  	v13 =	vshrl.u32 v14, $0x8;
	v12 =	vshrl.u32 v16, $0x8;
	v16 =	vand.u32 $0xFF, v16;
	[tilespmem:v10+s11+$0x0] =	vst.idx.add.f32.msk $0xffff, v2  }
0x1eb: {  	v18 =	vadd.s32 v9, v13;
	v10 =	vadd.s32 v8, v12;
	v19 =	vld [tilespmem:s17+$0xFFFFFFA0];
	v12 =	vand.u32 $0x7F, v12  }
0x1ec: {  	v18 =	vand.u32 $0x1FFFF80, v18;
	v15 =	vtrunc.f32 v15;
	[tilespmem:v11+s11+$0x0] =	vst.idx.add.f32.msk $0xffff, v2;
	v11 =	vand.u32 $0x7F, v13  }
0x1ed: {  	v10 =	vand.u32 $0x1FFFF80, v10;
	v13 =	vcvt.f32.s32 v15;
	v15 =	vtrunc.f32 v17;
	v17 =	vld [tilespmem:s16+$0x50]  }
0x1ee: {  	v11 =	vor.u32 v11, v18;
	v10 =	vor.u32 v12, v10;
	v15 =	vcvt.f32.s32 v15  }
0x1ef: {  	v12 =	vor.u32 v8, v16;
	v18 =	vshrl.u32 v13, $0x8;
	v13 =	vand.u32 $0xFF, v13  }
0x1f0: {  	v16 =	vadd.s32 v4, v18;
	v20 =	vshrl.u32 v15, $0x8;
	v18 =	vand.u32 $0x7F, v18  }
0x1f1: {  	s18 =	simm.s32 $0x8380;
	v19 =	vtrunc.f32 v19;
	v13 =	vor.u32 v4, v13;
	v16 =	vand.u32 $0x1FFFF80, v16  }
0x1f2: {  	v22 =	vld [tilespmem:s18+$0xFFFFFF80];
	v21 =	vadd.s32 v6, v20;
	v16 =	vor.u32 v18, v16;
	v17 =	vtrunc.f32 v17  }
0x1f3: {  	v20 =	vand.u32 $0x7F, v20;
	v18 =	vld [tilespmem:s18+$0x0];
	v21 =	vand.u32 $0x1FFFF80, v21;
	v17 =	vcvt.f32.s32 v17  }
0x1f4: {  	v19 =	vcvt.f32.s32 v19;
	[tilespmem:v10+s11+$0x0] =	vst.idx.add.f32.msk $0xffff, v2;
	v20 =	vor.u32 v20, v21  }
0x1f5: {  	v15 =	vand.u32 $0xFF, v15;
	[tilespmem:v11+s11+$0x0] =	vst.idx.add.f32.msk $0xffff, v2;
	v21 =	vshrl.u32 v17, $0x8  }
0x1f6: {  	v10 =	vor.u32 v6, v15;
	v15 =	vshrl.u32 v19, $0x8;
	[tilespmem:v12+s11+$0x0] =	vst.idx.add.f32.msk $0xffff, v2;
	v23 =	vadd.s32 v7, v21  }
0x1f7: {  	v12 =	vand.u32 $0xFF, v19;
	v19 =	vand.u32 $0x7F, v21;
	[tilespmem:v16+s11+$0x0] =	vst.idx.add.f32.msk $0xffff, v2;
	v16 =	vand.u32 $0x1FFFF80, v23  }
0x1f8: {  	[tilespmem:v13+s11+$0x0] =	vst.idx.add.f32.msk $0xffff, v2;
	v13 =	vor.u32 v19, v16;
	v16 =	vand.u32 $0xFF, v17  }
0x1f9: {  	v18 =	vtrunc.f32 v18;
	v17 =	vadd.s32 v4, v15;
	[tilespmem:v20+s11+$0x0] =	vst.idx.add.f32.msk $0xffff, v2;
	v16 =	vor.u32 v7, v16  }
0x1fa: {  	v18 =	vcvt.f32.s32 v18;
	v15 =	vand.u32 $0x7F, v15;
	v19 =	vld [tilespmem:s17+$0x30];
	v17 =	vand.u32 $0x1FFFF80, v17  }
0x1fb: {  	v21 =	vtrunc.f32 v22;
	[tilespmem:v10+s11+$0x0] =	vst.idx.add.f32.msk $0xffff, v2;
	v15 =	vor.u32 v15, v17  }
0x1fc: {  	v20 =	vcvt.f32.s32 v21;
	v21 =	vshrl.u32 v18, $0x8;
	v17 =	vld [tilespmem:s16+$0xFFFFFFD0]  }
0x1fd: {  	v12 =	vor.u32 v4, v12;
	v10 =	vand.u32 $0xFF, v14;
	v14 =	vadd.s32 v0, v21;
	[tilespmem:v13+s11+$0x0] =	vst.idx.add.f32.msk $0xffff, v2  }
0x1fe: {  	v22 =	vshrl.u32 v20, $0x8;
	v21 =	vand.u32 $0x7F, v21;
	v14 =	vand.u32 $0x1FFFF80, v14;
	[tilespmem:v16+s11+$0x0] =	vst.idx.add.f32.msk $0xffff, v2  }
0x1ff: {  	v13 =	vor.u32 v21, v14;
	v14 =	vand.u32 $0xFF, v18;
	v18 =	vtrunc.f32 v19;
	v19 =	vld [tilespmem:s16+$0x60]  }
0x200: {  	v16 =	vadd.s32 v0, v22;
	v14 =	vor.u32 v0, v14;
	v18 =	vcvt.f32.s32 v18;
	[tilespmem:v15+s11+$0x0] =	vst.idx.add.f32.msk $0xffff, v2  }
0x201: {  	v21 =	vor.u32 v9, v10;
	v10 =	vand.u32 $0x1FFFF80, v16;
	v16 =	vand.u32 $0x7F, v22;
	v22 =	vld [tilespmem:s31+$0xFFFFFFF0]  }
0x202: {  	v15 =	vand.u32 $0xFF, v20;
	v10 =	vor.u32 v16, v10;
	[tilespmem:v12+s11+$0x0] =	vst.idx.add.f32.msk $0xffff, v2;
	v12 =	vshrl.u32 v18, $0x8  }
0x203: {  	v15 =	vor.u32 v0, v15;
	v16 =	vtrunc.f32 v17;
	v17 =	vld [tilespmem:s17+$0xFFFFFFB0];
	v20 =	vadd.s32 v5, v12  }
0x204: {  	v16 =	vcvt.f32.s32 v16;
	[tilespmem:v13+s11+$0x0] =	vst.idx.add.f32.msk $0xffff, v2;
	v12 =	vand.u32 $0x7F, v12;
	v13 =	vand.u32 $0x1FFFF80, v20  }
0x205: {  	[tilespmem:v14+s11+$0x0] =	vst.idx.add.f32.msk $0xffff, v2;
	v12 =	vor.u32 v12, v13;
	v13 =	vand.u32 $0xFF, v18;
	v14 =	vtrunc.f32 v19  }
0x206: {  	v18 =	vld [tilespmem:s18+$0x10];
	v19 =	vshrl.u32 v16, $0x8;
	v13 =	vor.u32 v5, v13;
	v14 =	vcvt.f32.s32 v14  }
0x207: {  	v16 =	vand.u32 $0xFF, v16;
	[tilespmem:v10+s11+$0x0] =	vst.idx.add.f32.msk $0xffff, v2;
	v10 =	vadd.s32 v7, v19;
	v19 =	vand.u32 $0x7F, v19  }
0x208: {  	[tilespmem:v15+s11+$0x0] =	vst.idx.add.f32.msk $0xffff, v2;
	v15 =	vtrunc.f32 v17;
	v10 =	vand.u32 $0x1FFFF80, v10;
	v17 =	vshrl.u32 v14, $0x8  }
0x209: {  	v20 =	vld [tilespmem:s18+$0xFFFFFF90];
	v15 =	vcvt.f32.s32 v15;
	v10 =	vor.u32 v19, v10;
	v19 =	vadd.s32 v8, v17  }
0x20a: {  	v17 =	vand.u32 $0x7F, v17;
	[tilespmem:v12+s11+$0x0] =	vst.idx.add.f32.msk $0xffff, v2;
	v12 =	vor.u32 v7, v16;
	v16 =	vand.u32 $0x1FFFF80, v19  }
0x20b: {  	v14 =	vand.u32 $0xFF, v14;
	v18 =	vtrunc.f32 v18;
	[tilespmem:v13+s11+$0x0] =	vst.idx.add.f32.msk $0xffff, v2;
	v13 =	vor.u32 v17, v16  }
0x20c: {  	v14 =	vor.u32 v8, v14;
	v16 =	vcvt.f32.s32 v18;
	v17 =	vshrl.u32 v15, $0x8;
	v18 =	vld [tilespmem:s17+$0x40]  }
0x20d: {  	[tilespmem:v21+s11+$0x0] =	vst.idx.add.f32.msk $0xffff, v2;
	v15 =	vand.u32 $0xFF, v15;
	v19 =	vadd.s32 v5, v17;
	v17 =	vand.u32 $0x7F, v17  }
0x20e: {  	v20 =	vtrunc.f32 v20;
	v23 =	vshrl.u32 v16, $0x8;
	v19 =	vand.u32 $0x1FFFF80, v19;
	[tilespmem:v10+s11+$0x0] =	vst.idx.add.f32.msk $0xffff, v2  }
0x20f: {  	v10 =	vcvt.f32.s32 v20;
	v20 =	vadd.s32 v3, v23;
	v17 =	vor.u32 v17, v19;
	[tilespmem:v12+s11+$0x0] =	vst.idx.add.f32.msk $0xffff, v2  }
0x210: {  	v15 =	vor.u32 v5, v15;
	v19 =	vand.u32 $0x7F, v23;
	v12 =	vand.u32 $0x1FFFF80, v20;
	[tilespmem:v13+s11+$0x0] =	vst.idx.add.f32.msk $0xffff, v2  }
0x211: {  	v12 =	vor.u32 v19, v12;
	v13 =	vand.u32 $0xFF, v16;
	v16 =	vtrunc.f32 v18;
	[tilespmem:v14+s11+$0x0] =	vst.idx.add.f32.msk $0xffff, v2  }
0x212: {  	v14 =	vshrl.u32 v10, $0x8;
	v13 =	vor.u32 v3, v13;
	v16 =	vcvt.f32.s32 v16;
	v18 =	vld [tilespmem:s16+$0x70]  }
0x213: {  	v20 =	vld [tilespmem:s16+$0xFFFFFFE0];
	v10 =	vand.u32 $0xFF, v10;
	v19 =	vadd.s32 v3, v14;
	v14 =	vand.u32 $0x7F, v14  }
0x214: {  	v23 =	vor.u32 v3, v10;
	v19 =	vand.u32 $0x1FFFF80, v19;
	[tilespmem:v17+s11+$0x0] =	vst.idx.add.f32.msk $0xffff, v2;
	v10 =	vshrl.u32 v16, $0x8  }
0x215: {  	v17 =	vtrunc.f32 v22;
	v14 =	vor.u32 v14, v19;
	[tilespmem:v15+s11+$0x0] =	vst.idx.add.f32.msk $0xffff, v2;
	v15 =	vadd.s32 v6, v10  }
0x216: {  	[tilespmem:v12+s11+$0x0] =	vst.idx.add.f32.msk $0xffff, v2;
	v10 =	vand.u32 $0x7F, v10;
	v12 =	vand.u32 $0x1FFFF80, v15;
	v15 =	vcvt.f32.s32 v17  }
0x217: {  	[tilespmem:v13+s11+$0x0] =	vst.idx.add.f32.msk $0xffff, v2;
	v13 =	vor.u32 v10, v12;
	v10 =	vand.u32 $0xFF, v16;
	v12 =	vtrunc.f32 v18  }
0x218: {  	v16 =	vld [tilespmem:s18+$0x20];
	v17 =	vor.u32 v6, v10;
	v10 =	vtrunc.f32 v20;
	v18 =	vcvt.f32.s32 v12  }
0x219: {  	v19 =	vld [tilespmem:s17+$0xFFFFFFC0];
	v22 =	vshrl.u32 v15, $0x8;
	v20 =	vcvt.f32.s32 v10;
	v10 =	vand.u32 $0xFF, v15  }
0x21a: {  	v12 =	vadd.s32 v9, v22;
	v11 =	vand.u32 $0x7F, v22;
	[tilespmem:v14+s11+$0x0] =	vst.idx.add.f32.msk $0xffff, v2;
	v15 =	vshrl.u32 v18, $0x8  }
0x21b: {  	[tilespmem:v23+s11+$0x0] =	vst.idx.add.f32.msk $0xffff, v2;
	v21 =	vshrl.u32 v20, $0x8;
	v20 =	vand.u32 $0xFF, v20;
	v22 =	vadd.s32 v9, v15  }
0x21c: {  	v15 =	vand.u32 $0x7F, v15;
	[tilespmem:v13+s11+$0x0] =	vst.idx.add.f32.msk $0xffff, v2;
	v13 =	vadd.s32 v8, v21;
	v22 =	vand.u32 $0x1FFFF80, v22  }
0x21d: {  	v16 =	vtrunc.f32 v16;
	[tilespmem:v17+s11+$0x0] =	vst.idx.add.f32.msk $0xffff, v2;
	v22 =	vor.u32 v15, v22;
	v15 =	vand.u32 $0xFF, v18  }
0x21e: {  	v16 =	vcvt.f32.s32 v16;
	v17 =	vtrunc.f32 v19;
	v24 =	vld [tilespmem:s17+$0x50];
	v25 =	vor.u32 v9, v15  }
0x21f: {  	v14 =	vand.u32 $0x7F, v21;
	v13 =	vand.u32 $0x1FFFF80, v13;
	v19 =	vld [tilespmem:s18+$0xFFFFFFA0];
	v15 =	vcvt.f32.s32 v17  }
0x220: {  	v14 =	vor.u32 v14, v13;
	v13 =	vor.u32 v8, v20;
	v18 =	vshrl.u32 v16, $0x8  }
0x221: {  	v20 =	vadd.s32 v4, v18;
	v17 =	vshrl.u32 v15, $0x8;
	v15 =	vand.u32 $0xFF, v15  }
0x222: {  	v21 =	vand.u32 $0x7F, v18;
	v20 =	vand.u32 $0x1FFFF80, v20;
	v18 =	vadd.s32 v6, v17;
	[tilespmem:v22+s11+$0x0] =	vst.idx.add.f32.msk $0xffff, v2  }
0x223: {  	s20 =	simm.s32 $0x8480;
	s19 =	simm.s32 $0x6;
	v20 =	vor.u32 v21, v20;
	v21 =	vand.u32 $0xFF, v16;
	v16 =	vtrunc.f32 v24;
	[tilespmem:v25+s11+$0x0] =	vst.idx.add.f32.msk $0xffff, v2  }
.LBB2_7:
0x224: {  	v22 =	vld [tilespmem:s20+$0x0];
	v19 =	vtrunc.f32 v19;
	v21 =	vor.u32 v4, v21;
	v16 =	vcvt.f32.s32 v16  }
0x225: {  	v18 =	vand.u32 $0x1FFFF80, v18;
	v17 =	vand.u32 $0x7F, v17;
	v23 =	vld [tilespmem:s20+$0xFFFFFF80];
	v19 =	vcvt.f32.s32 v19  }
0x226: {  	v15 =	vor.u32 v6, v15;
	v17 =	vor.u32 v17, v18;
	v18 =	vshrl.u32 v16, $0x8;
	[tilespmem:v14+s11+$0x0] =	vst.idx.add.f32.msk $0xffff, v2  }
0x227: {  	v14 =	vshrl.u32 v19, $0x8;
	v19 =	vand.u32 $0xFF, v19;
	v24 =	vadd.s32 v7, v18;
	[tilespmem:v13+s11+$0x0] =	vst.idx.add.f32.msk $0xffff, v2  }
0x228: {  	v18 =	vand.u32 $0x7F, v18;
	v13 =	vadd.s32 v4, v14;
	[tilespmem:v20+s11+$0x0] =	vst.idx.add.f32.msk $0xffff, v2;
	v20 =	vand.u32 $0x1FFFF80, v24  }
0x229: {  	v16 =	vand.u32 $0xFF, v16;
	v22 =	vtrunc.f32 v22;
	[tilespmem:v21+s11+$0x0] =	vst.idx.add.f32.msk $0xffff, v2;
	v18 =	vor.u32 v18, v20  }
0x22a: {  	v16 =	vor.u32 v7, v16;
	v20 =	vtrunc.f32 v23;
	v21 =	vcvt.f32.s32 v22;
	v22 =	vld [tilespmem:s18+$0x30]  }
0x22b: {  	v14 =	vand.u32 $0x7F, v14;
	v13 =	vand.u32 $0x1FFFF80, v13;
	v20 =	vcvt.f32.s32 v20;
	[tilespmem:v17+s11+$0x0] =	vst.idx.add.f32.msk $0xffff, v2  }
0x22c: {  	s19 =	sadd.s32 $0x2, s19;
	v13 =	vor.u32 v14, v13;
	v14 =	vor.u32 v4, v19;
	v17 =	vshrl.u32 v21, $0x8;
	[tilespmem:v15+s11+$0x0] =	vst.idx.add.f32.msk $0xffff, v2  }
0x22d: {  	p0 =	slt.u32 s19, $0xFE;
	v15 =	vshrl.u32 v20, $0x8;
	v19 =	vand.u32 $0xFF, v20;
	v20 =	vadd.s32 v0, v17;
	v23 =	vld [tilespmem:s17+$0xFFFFFFD0]  }
0x22e: {  	v17 =	vand.u32 $0x7F, v17;
	v24 =	vadd.s32 v0, v15;
	v20 =	vand.u32 $0x1FFFF80, v20;
	[tilespmem:v18+s11+$0x0] =	vst.idx.add.f32.msk $0xffff, v2  }
0x22f: {  	v18 =	vand.u32 $0xFF, v21;
	v17 =	vor.u32 v17, v20;
	v20 =	vtrunc.f32 v22;
	[tilespmem:v16+s11+$0x0] =	vst.idx.add.f32.msk $0xffff, v2  }
0x230: {  	v16 =	vand.u32 $0x1FFFF80, v24;
	v18 =	vor.u32 v0, v18;
	v20 =	vcvt.f32.s32 v20;
	v21 =	vld [tilespmem:s17+$0x60]  }
0x231: {  	v12 =	vand.u32 $0x1FFFF80, v12;
	v15 =	vand.u32 $0x7F, v15;
	v19 =	vor.u32 v0, v19;
	[tilespmem:v13+s11+$0x0] =	vst.idx.add.f32.msk $0xffff, v2  }
0x232: {  	v13 =	vor.u32 v15, v16;
	[tilespmem:v14+s11+$0x0] =	vst.idx.add.f32.msk $0xffff, v2;
	v14 =	vshrl.u32 v20, $0x8;
	v15 =	vtrunc.f32 v23  }
0x233: {  	v22 =	vld [tilespmem:s18+$0xFFFFFFB0];
	v16 =	vadd.s32 v5, v14;
	v23 =	vcvt.f32.s32 v15;
	v15 =	vor.u32 v11, v12  }
0x234: {  	v12 =	vand.u32 $0x7F, v14;
	[tilespmem:v17+s11+$0x0] =	vst.idx.add.f32.msk $0xffff, v2;
	v11 =	vand.u32 $0x1FFFF80, v16;
	v16 =	vor.u32 v9, v10  }
0x235: {  	[tilespmem:v18+s11+$0x0] =	vst.idx.add.f32.msk $0xffff, v2;
	v10 =	vor.u32 v12, v11;
	v11 =	vand.u32 $0xFF, v20;
	v12 =	vtrunc.f32 v21  }
0x236: {  	v17 =	vshrl.u32 v23, $0x8;
	v14 =	vld [tilespmem:s20+$0x10];
	v11 =	vor.u32 v5, v11;
	v12 =	vcvt.f32.s32 v12  }
0x237: {  	v18 =	vand.u32 $0xFF, v23;
	[tilespmem:v13+s11+$0x0] =	vst.idx.add.f32.msk $0xffff, v2;
	v13 =	vadd.s32 v7, v17;
	v17 =	vand.u32 $0x7F, v17  }
0x238: {  	[tilespmem:v19+s11+$0x0] =	vst.idx.add.f32.msk $0xffff, v2;
	v19 =	vtrunc.f32 v22;
	v13 =	vand.u32 $0x1FFFF80, v13;
	v20 =	vshrl.u32 v12, $0x8  }
0x239: {  	v21 =	vld [tilespmem:s20+$0xFFFFFF90];
	v19 =	vcvt.f32.s32 v19;
	v13 =	vor.u32 v17, v13;
	v17 =	vadd.s32 v8, v20  }
0x23a: {  	[tilespmem:v10+s11+$0x0] =	vst.idx.add.f32.msk $0xffff, v2;
	v10 =	vor.u32 v7, v18;
	v17 =	vand.u32 $0x1FFFF80, v17;
	v18 =	vand.u32 $0x7F, v20  }
0x23b: {  	v12 =	vand.u32 $0xFF, v12;
	v14 =	vtrunc.f32 v14;
	[tilespmem:v11+s11+$0x0] =	vst.idx.add.f32.msk $0xffff, v2;
	v11 =	vor.u32 v18, v17  }
0x23c: {  	v12 =	vor.u32 v8, v12;
	v17 =	vshrl.u32 v19, $0x8;
	v14 =	vcvt.f32.s32 v14;
	v18 =	vld [tilespmem:s18+$0x40]  }
0x23d: {  	v19 =	vand.u32 $0xFF, v19;
	v20 =	vadd.s32 v5, v17;
	v17 =	vand.u32 $0x7F, v17;
	v22 =	vld [tilespmem:s16+$0xFFFFFFF0];
	s16 =	smov.u32 s17;
	s17 =	smov.u32 s18;
	s18 =	smov.u32 s20  }
0x23e: {  	v20 =	vand.u32 $0x1FFFF80, v20;
	v21 =	vtrunc.f32 v21;
	v23 =	vshrl.u32 v14, $0x8;
	[tilespmem:v13+s11+$0x0] =	vst.idx.add.f32.msk $0xffff, v2  }
0x23f: {  	v17 =	vor.u32 v17, v20;
	v13 =	vcvt.f32.s32 v21;
	v21 =	vadd.s32 v3, v23;
	[tilespmem:v10+s11+$0x0] =	vst.idx.add.f32.msk $0xffff, v2  }
0x240: {  	v19 =	vor.u32 v5, v19;
	v20 =	vand.u32 $0x7F, v23;
	v10 =	vand.u32 $0x1FFFF80, v21;
	[tilespmem:v11+s11+$0x0] =	vst.idx.add.f32.msk $0xffff, v2  }
0x241: {  	v11 =	vand.u32 $0xFF, v14;
	v10 =	vor.u32 v20, v10;
	v14 =	vtrunc.f32 v18;
	[tilespmem:v12+s11+$0x0] =	vst.idx.add.f32.msk $0xffff, v2  }
0x242: {  	v12 =	vshrl.u32 v13, $0x8;
	v11 =	vor.u32 v3, v11;
	v14 =	vcvt.f32.s32 v14;
	v18 =	vld [tilespmem:s16+$0x70]  }
0x243: {  	v13 =	vand.u32 $0xFF, v13;
	v20 =	vadd.s32 v3, v12;
	v12 =	vand.u32 $0x7F, v12;
	v21 =	vld [tilespmem:s16+$0xFFFFFFE0]  }
0x244: {  	v13 =	vor.u32 v3, v13;
	v20 =	vand.u32 $0x1FFFF80, v20;
	[tilespmem:v17+s11+$0x0] =	vst.idx.add.f32.msk $0xffff, v2;
	v17 =	vshrl.u32 v14, $0x8  }
0x245: {  	v12 =	vor.u32 v12, v20;
	v20 =	vtrunc.f32 v22;
	[tilespmem:v19+s11+$0x0] =	vst.idx.add.f32.msk $0xffff, v2;
	v19 =	vadd.s32 v6, v17  }
0x246: {  	v17 =	vand.u32 $0x7F, v17;
	[tilespmem:v10+s11+$0x0] =	vst.idx.add.f32.msk $0xffff, v2;
	v10 =	vand.u32 $0x1FFFF80, v19;
	v19 =	vcvt.f32.s32 v20  }
0x247: {  	[tilespmem:v11+s11+$0x0] =	vst.idx.add.f32.msk $0xffff, v2;
	v17 =	vor.u32 v17, v10;
	v10 =	vand.u32 $0xFF, v14;
	v11 =	vtrunc.f32 v18  }
0x248: {  	v14 =	vld [tilespmem:s20+$0x20];
	v18 =	vor.u32 v6, v10;
	v10 =	vtrunc.f32 v21;
	v20 =	vcvt.f32.s32 v11  }
0x249: {  	v11 =	vshrl.u32 v19, $0x8;
	v21 =	vld [tilespmem:s17+$0xFFFFFFC0];
	v22 =	vcvt.f32.s32 v10;
	v10 =	vand.u32 $0xFF, v19  }
0x24a: {  	[tilespmem:v12+s11+$0x0] =	vst.idx.add.f32.msk $0xffff, v2;
	v19 =	vshrl.u32 v20, $0x8;
	v12 =	vadd.s32 v9, v11;
	v11 =	vand.u32 $0x7F, v11  }
0x24b: {  	[tilespmem:v13+s11+$0x0] =	vst.idx.add.f32.msk $0xffff, v2;
	v13 =	vshrl.u32 v22, $0x8;
	v22 =	vand.u32 $0xFF, v22;
	v23 =	vadd.s32 v9, v19  }
0x24c: {  	v19 =	vand.u32 $0x7F, v19;
	[tilespmem:v17+s11+$0x0] =	vst.idx.add.f32.msk $0xffff, v2;
	v17 =	vadd.s32 v8, v13;
	v23 =	vand.u32 $0x1FFFF80, v23  }
0x24d: {  	v14 =	vtrunc.f32 v14;
	[tilespmem:v18+s11+$0x0] =	vst.idx.add.f32.msk $0xffff, v2;
	v23 =	vor.u32 v19, v23;
	v18 =	vand.u32 $0xFF, v20  }
0x24e: {  	v24 =	vcvt.f32.s32 v14;
	v14 =	vtrunc.f32 v21;
	v25 =	vld [tilespmem:s17+$0x50];
	v26 =	vor.u32 v9, v18  }
.Ltmp2:
0x24f: {  	v13 =	vand.u32 $0x7F, v13;
	v19 =	vld [tilespmem:s20+$0xFFFFFFA0];
	v18 =	vcvt.f32.s32 v14;
	v14 =	vand.u32 $0x1FFFF80, v17;
	(pc) =	sbr.rel @p0 .LBB2_7-.Ltmp2, $4  }
0x250: {  	v20 =	vshrl.u32 v24, $0x8;
	v14 =	vor.u32 v13, v14;
	v13 =	vor.u32 v8, v22;
	[tilespmem:v15+s11+$0x0] =	vst.idx.add.f32.msk $0xffff, v2  }
0x251: {  	v21 =	vadd.s32 v4, v20;
	v17 =	vshrl.u32 v18, $0x8;
	v15 =	vand.u32 $0xFF, v18;
	[tilespmem:v16+s11+$0x0] =	vst.idx.add.f32.msk $0xffff, v2  }
0x252: {  	v20 =	vand.u32 $0x7F, v20;
	v16 =	vand.u32 $0x1FFFF80, v21;
	v18 =	vadd.s32 v6, v17;
	[tilespmem:v23+s11+$0x0] =	vst.idx.add.f32.msk $0xffff, v2  }
0x253: {  	s20 =	sadd.s32 $0x100, s20;
	v21 =	vand.u32 $0xFF, v24;
	v20 =	vor.u32 v20, v16;
	v16 =	vtrunc.f32 v25;
	[tilespmem:v26+s11+$0x0] =	vst.idx.add.f32.msk $0xffff, v2  }
0x254: {  	v19 =	vtrunc.f32 v19  }
0x255: {  	v19 =	vcvt.f32.s32 v19;
	_ =	sdelay $0x1  }
0x256: {  	v21 =	vor.u32 v4, v21;
	v22 =	vshrl.u32 v19, $0x8  }
0x257: {  	v23 =	vadd.s32 v4, v22  }
0x258: {  	v22 =	vand.u32 $0x7F, v22;
	v23 =	vand.u32 $0x1FFFF80, v23  }
0x259: {  	v19 =	vand.u32 $0xFF, v19;
	v22 =	vor.u32 v22, v23  }
0x25a: {  	[tilespmem:v20+s11+$0x0] =	vst.idx.add.f32.msk $0xffff, v2;
	v19 =	vor.u32 v4, v19  }
0x25b: {  	[tilespmem:v21+s11+$0x0] =	vst.idx.add.f32.msk $0xffff, v2  }
0x25c: {  	v20 =	vld [tilespmem:s18+$0x30];
	_ =	sdelay $0x1  }
0x25d: {  	[tilespmem:v22+s11+$0x0] =	vst.idx.add.f32.msk $0xffff, v2  }
0x25e: {  	[tilespmem:v19+s11+$0x0] =	vst.idx.add.f32.msk $0xffff, v2  }
0x25f: {  	v19 =	vld [tilespmem:s18+$0xFFFFFFB0]  }
0x260: {  	v20 =	vtrunc.f32 v20  }
0x261: {  	v20 =	vcvt.f32.s32 v20;
	_ =	sdelay $0x1  }
0x262: {  	v33 =	vshrl.u32 v20, $0x8  }
0x263: {  	v34 =	vadd.s32 v5, v33;
	v19 =	vtrunc.f32 v19  }
0x264: {  	v21 =	vand.u32 $0x7F, v33;
	v22 =	vand.u32 $0x1FFFF80, v34;
	v19 =	vcvt.f32.s32 v19  }
0x265: {  	v20 =	vand.u32 $0xFF, v20;
	v21 =	vor.u32 v21, v22  }
0x266: {  	v20 =	vor.u32 v5, v20;
	v35 =	vshrl.u32 v19, $0x8  }
0x267: {  	v36 =	vadd.s32 v5, v35  }
0x268: {  	v22 =	vand.u32 $0x7F, v35;
	v23 =	vand.u32 $0x1FFFF80, v36  }
0x269: {  	v19 =	vand.u32 $0xFF, v19;
	v22 =	vor.u32 v22, v23  }
0x26a: {  	[tilespmem:v21+s11+$0x0] =	vst.idx.add.f32.msk $0xffff, v2;
	v19 =	vor.u32 v5, v19  }
0x26b: {  	[tilespmem:v20+s11+$0x0] =	vst.idx.add.f32.msk $0xffff, v2  }
0x26c: {  	v20 =	vld [tilespmem:s18+$0x40];
	_ =	sdelay $0x1  }
0x26d: {  	[tilespmem:v22+s11+$0x0] =	vst.idx.add.f32.msk $0xffff, v2  }
0x26e: {  	[tilespmem:v19+s11+$0x0] =	vst.idx.add.f32.msk $0xffff, v2  }
0x26f: {  	v19 =	vld [tilespmem:s18+$0xFFFFFFC0]  }
0x270: {  	v18 =	vand.u32 $0x1FFFF80, v18;
	v17 =	vand.u32 $0x7F, v17;
	v20 =	vtrunc.f32 v20  }
0x271: {  	v17 =	vor.u32 v17, v18;
	v20 =	vcvt.f32.s32 v20  }
0x272: {  	v15 =	vor.u32 v6, v15  }
0x273: {  	v37 =	vshrl.u32 v20, $0x8  }
0x274: {  	v38 =	vadd.s32 v6, v37;
	v19 =	vtrunc.f32 v19  }
0x275: {  	v18 =	vand.u32 $0x7F, v37;
	v21 =	vand.u32 $0x1FFFF80, v38;
	v19 =	vcvt.f32.s32 v19  }
0x276: {  	[tilespmem:v17+s11+$0x0] =	vst.idx.add.f32.msk $0xffff, v2;
	v20 =	vand.u32 $0xFF, v20;
	v18 =	vor.u32 v18, v21  }
0x277: {  	[tilespmem:v15+s11+$0x0] =	vst.idx.add.f32.msk $0xffff, v2;
	v20 =	vor.u32 v6, v20;
	v39 =	vshrl.u32 v19, $0x8  }
0x278: {  	v43 =	vld [tilespmem:s17+$0xFFFFFFD0];
	v40 =	vadd.s32 v6, v39  }
0x279: {  	v42 =	vand.u32 $0x7F, v39;
	v41 =	vand.u32 $0x1FFFF80, v40  }
0x27a: {  	v19 =	vand.u32 $0xFF, v19;
	v15 =	vor.u32 v42, v41  }
0x27b: {  	[tilespmem:v18+s11+$0x0] =	vst.idx.add.f32.msk $0xffff, v2;
	v44 =	vor.u32 v6, v19  }
0x27c: {  	v16 =	vcvt.f32.s32 v16;
	[tilespmem:v20+s11+$0x0] =	vst.idx.add.f32.msk $0xffff, v2  }
0x27d: {  	v21 =	vtrunc.f32 v43;
	v18 =	vld [tilespmem:s18+$0x50]  }
0x27e: {  	v45 =	vshrl.u32 v16, $0x8;
	v48 =	vcvt.f32.s32 v21  }
0x27f: {  	v16 =	vand.u32 $0xFF, v16;
	v46 =	vadd.s32 v7, v45;
	[tilespmem:v15+s11+$0x0] =	vst.idx.add.f32.msk $0xffff, v2  }
0x280: {  	v47 =	vand.u32 $0x1FFFF80, v46;
	v49 =	vshrl.u32 v48, $0x8;
	v19 =	vand.u32 $0x7F, v45;
	[tilespmem:v44+s11+$0x0] =	vst.idx.add.f32.msk $0xffff, v2  }
0x281: {  	v16 =	vor.u32 v7, v16;
	v50 =	vadd.s32 v7, v49;
	v15 =	vor.u32 v19, v47;
	v17 =	vld [tilespmem:s18+$0xFFFFFFD0]  }
0x282: {  	v21 =	vand.u32 $0x1FFFF80, v50;
	v18 =	vtrunc.f32 v18;
	v19 =	vand.u32 $0x7F, v49  }
0x283: {  	v18 =	vcvt.f32.s32 v18;
	v19 =	vor.u32 v19, v21  }
0x284: {  	v20 =	vand.u32 $0xFF, v48  }
0x285: {  	v52 =	vor.u32 v7, v20;
	v51 =	vshrl.u32 v18, $0x8  }
0x286: {  	v53 =	vadd.s32 v7, v51;
	[tilespmem:v15+s11+$0x0] =	vst.idx.add.f32.msk $0xffff, v2;
	v17 =	vtrunc.f32 v17  }
0x287: {  	v55 =	vand.u32 $0x7F, v51;
	v54 =	vand.u32 $0x1FFFF80, v53;
	[tilespmem:v16+s11+$0x0] =	vst.idx.add.f32.msk $0xffff, v2;
	v17 =	vcvt.f32.s32 v17  }
0x288: {  	v18 =	vand.u32 $0xFF, v18;
	v16 =	vor.u32 v55, v54;
	[tilespmem:v19+s11+$0x0] =	vst.idx.add.f32.msk $0xffff, v2  }
0x289: {  	v18 =	vor.u32 v7, v18;
	v56 =	vld [tilespmem:s17+$0x60];
	v57 =	vshrl.u32 v17, $0x8  }
0x28a: {  	[tilespmem:v52+s11+$0x0] =	vst.idx.add.f32.msk $0xffff, v2;
	v58 =	vadd.s32 v7, v57  }
0x28b: {  	v60 =	vld [tilespmem:s17+$0xFFFFFFE0];
	v59 =	vand.u32 $0x7F, v57;
	v19 =	vand.u32 $0x1FFFF80, v58  }
0x28c: {  	v17 =	vand.u32 $0xFF, v17;
	v15 =	vor.u32 v59, v19  }
0x28d: {  	[tilespmem:v16+s11+$0x0] =	vst.idx.add.f32.msk $0xffff, v2;
	v62 =	vor.u32 v7, v17  }
0x28e: {  	v61 =	vtrunc.f32 v56;
	[tilespmem:v18+s11+$0x0] =	vst.idx.add.f32.msk $0xffff, v2  }
0x28f: {  	v63 =	vcvt.f32.s32 v61;
	v18 =	vld [tilespmem:s18+$0x60]  }
0x290: {  	v20 =	vtrunc.f32 v60  }
0x291: {  	v20 =	vcvt.f32.s32 v20;
	v19 =	vshrl.u32 v63, $0x8;
	[tilespmem:v15+s11+$0x0] =	vst.idx.add.f32.msk $0xffff, v2  }
0x292: {  	v17 =	vand.u32 $0xFF, v63;
	v24 =	vadd.s32 v8, v19;
	v19 =	vand.u32 $0x7F, v19;
	[tilespmem:v62+s11+$0x0] =	vst.idx.add.f32.msk $0xffff, v2  }
0x293: {  	v26 =	vshrl.u32 v20, $0x8;
	v17 =	vor.u32 v8, v17;
	v25 =	vand.u32 $0x1FFFF80, v24;
	v16 =	vld [tilespmem:s18+$0xFFFFFFE0]  }
0x294: {  	v27 =	vadd.s32 v8, v26;
	v15 =	vor.u32 v19, v25;
	v18 =	vtrunc.f32 v18  }
0x295: {  	v28 =	vand.u32 $0x1FFFF80, v27;
	v19 =	vand.u32 $0x7F, v26;
	v18 =	vcvt.f32.s32 v18  }
0x296: {  	[tilespmem:v14+s11+$0x0] =	vst.idx.add.f32.msk $0xffff, v2;
	v14 =	vor.u32 v19, v28  }
0x297: {  	[tilespmem:v13+s11+$0x0] =	vst.idx.add.f32.msk $0xffff, v2;
	v29 =	vand.u32 $0xFF, v20;
	v30 =	vshrl.u32 v18, $0x8  }
0x298: {  	v31 =	vld [tilespmem:s16+$0xFFFFFFF0];
	v13 =	vor.u32 v8, v29;
	v32 =	vadd.s32 v8, v30;
	v16 =	vtrunc.f32 v16  }
0x299: {  	v19 =	vand.u32 $0x7F, v30;
	[tilespmem:v15+s11+$0x0] =	vst.idx.add.f32.msk $0xffff, v2;
	v33 =	vand.u32 $0x1FFFF80, v32;
	v16 =	vcvt.f32.s32 v16  }
0x29a: {  	v34 =	vand.u32 $0xFF, v18;
	[tilespmem:v17+s11+$0x0] =	vst.idx.add.f32.msk $0xffff, v2;
	v15 =	vor.u32 v19, v33  }
0x29b: {  	v17 =	vor.u32 v8, v34;
	[tilespmem:v14+s11+$0x0] =	vst.idx.add.f32.msk $0xffff, v2;
	v36 =	vshrl.u32 v16, $0x8  }
0x29c: {  	v35 =	vld [tilespmem:s17+$0x70];
	v37 =	vadd.s32 v8, v36  }
0x29d: {  	[tilespmem:v13+s11+$0x0] =	vst.idx.add.f32.msk $0xffff, v2;
	v39 =	vand.u32 $0x7F, v36;
	v38 =	vand.u32 $0x1FFFF80, v37  }
0x29e: {  	v40 =	vld [tilespmem:s17+$0xFFFFFFF0];
	v16 =	vand.u32 $0xFF, v16;
	v13 =	vor.u32 v39, v38  }
0x29f: {  	[tilespmem:v15+s11+$0x0] =	vst.idx.add.f32.msk $0xffff, v2;
	v41 =	vor.u32 v8, v16  }
0x2a0: {  	v42 =	vtrunc.f32 v31;
	[tilespmem:v17+s11+$0x0] =	vst.idx.add.f32.msk $0xffff, v2  }
0x2a1: {  	v12 =	vand.u32 $0x1FFFF80, v12;
	v15 =	vcvt.f32.s32 v42;
	v17 =	vld [tilespmem:s18+$0x70]  }
0x2a2: {  	v10 =	vor.u32 v9, v10;
	v11 =	vor.u32 v11, v12;
	v43 =	vtrunc.f32 v35  }
0x2a3: {  	v16 =	vcvt.f32.s32 v43;
	v44 =	vshrl.u32 v15, $0x8;
	v46 =	vand.u32 $0xFF, v15;
	[tilespmem:v13+s11+$0x0] =	vst.idx.add.f32.msk $0xffff, v2  }
0x2a4: {  	v19 =	vtrunc.f32 v40;
	v47 =	vadd.s32 v9, v44;
	v12 =	vand.u32 $0x7F, v44;
	[tilespmem:v41+s11+$0x0] =	vst.idx.add.f32.msk $0xffff, v2  }
0x2a5: {  	v19 =	vcvt.f32.s32 v19;
	v45 =	vshrl.u32 v16, $0x8;
	v16 =	vand.u32 $0xFF, v16;
	v50 =	vld [tilespmem:s18+$0xFFFFFFF0]  }
0x2a6: {  	v15 =	vand.u32 $0x1FFFF80, v47;
	v48 =	vadd.s32 v9, v45;
	v17 =	vtrunc.f32 v17  }
0x2a7: {  	v18 =	vand.u32 $0x7F, v45;
	v16 =	vor.u32 v9, v16;
	v17 =	vcvt.f32.s32 v17  }
0x2a8: {  	v12 =	vor.u32 v12, v15;
	v51 =	vshrl.u32 v19, $0x8;
	v49 =	vand.u32 $0x1FFFF80, v48  }
0x2a9: {  	v53 =	vadd.s32 v9, v51;
	v14 =	vor.u32 v18, v49;
	v52 =	vshrl.u32 v17, $0x8  }
0x2aa: {  	v13 =	vor.u32 v9, v46;
	v54 =	vadd.s32 v9, v52;
	v20 =	vtrunc.f32 v50  }
0x2ab: {  	[tilespmem:v11+s11+$0x0] =	vst.idx.add.f32.msk $0xffff, v2;
	v18 =	vand.u32 $0x7F, v52;
	v11 =	vand.u32 $0x1FFFF80, v54;
	v20 =	vcvt.f32.s32 v20  }
0x2ac: {  	[tilespmem:v10+s11+$0x0] =	vst.idx.add.f32.msk $0xffff, v2;
	v10 =	vand.u32 $0x7F, v51;
	v57 =	vand.u32 $0x1FFFF80, v53;
	v11 =	vor.u32 v18, v11  }
0x2ad: {  	v59 =	vand.u32 $0xFF, v19;
	v10 =	vor.u32 v10, v57;
	[tilespmem:v12+s11+$0x0] =	vst.idx.add.f32.msk $0xffff, v2;
	v58 =	vshrl.u32 v20, $0x8  }
0x2ae: {  	v61 =	vor.u32 v9, v59;
	v55 =	vand.u32 $0xFF, v17;
	[tilespmem:v14+s11+$0x0] =	vst.idx.add.f32.msk $0xffff, v2;
	v60 =	vadd.s32 v9, v58  }
0x2af: {  	v56 =	vor.u32 v9, v55;
	[tilespmem:v13+s11+$0x0] =	vst.idx.add.f32.msk $0xffff, v2;
	v62 =	vand.u32 $0x7F, v58;
	v15 =	vand.u32 $0x1FFFF80, v60  }
0x2b0: {  	s15 =	sadd.s32 $0x1, s15;
	[tilespmem:v16+s11+$0x0] =	vst.idx.add.f32.msk $0xffff, v2;
	v63 =	vand.u32 $0xFF, v20;
	v15 =	vor.u32 v62, v15  }
0x2b1: {  	p0 =	sne.s32 s15, $0x4;
	[tilespmem:v11+s11+$0x0] =	vst.idx.add.f32.msk $0xffff, v2;
	v11 =	vor.u32 v9, v63  }
.Ltmp3:
0x2b2: {  	[tilespmem:v10+s11+$0x0] =	vst.idx.add.f32.msk $0xffff, v2;
	(pc) =	sbr.rel @p0 .LBB2_4-.Ltmp3, $4  }
0x2b3: {  	[tilespmem:v61+s11+$0x0] =	vst.idx.add.f32.msk $0xffff, v2  }
0x2b4: {  	[tilespmem:v56+s11+$0x0] =	vst.idx.add.f32.msk $0xffff, v2  }
0x2b5: {  	[tilespmem:v15+s11+$0x0] =	vst.idx.add.f32.msk $0xffff, v2  }
0x2b6: {  	[tilespmem:v11+s11+$0x0] =	vst.idx.add.f32.msk $0xffff, v2  }
0x2b7: {  	s14 =	sadd.s32 $0x1, s14  }
0x2b8: {  	p0 =	sne.s32 s14, s8  }
.Ltmp4:
0x2b9: {  	_ = 	snop;
	(pc) =	sbr.rel @p0 .LBB2_1-.Ltmp4, $4  }
0x2ba: {  	[hbm4b:s7+s2] =	stream.linear.scatter [tilespmem:s11], [sflag:$0x3], $0x8000, $0x38;
	[tilespmem:$0x18000] =	vst v63  }
0x2bb: {  	_ =	swait.ge [sflag:s13], $0x8000  }
0x2bc: {  	[sflag:s13] =	ssyncset.done $0x0  }
0x2bd: {  	[sflag:s13] =	ssyncadd.s32 $0xFFFF8000  }
0x2be: {  	_ =	sfence.sel $0x180000  }
0x2bf: {  	[bflag:$0x0] =	sbarrier.arrive $0xFFFF  }
0x2c0: {  	p0 =	sne.s32 s0, $0x0;
	_ =	strace $0x9000004A  }
0x2c1: {  	s0 =	sadd.s32 @!p0 $0x100000, s1;
	[bflag:$0x2] =	sbarrier.arrive $0xFFFF  }
0x2c2: {  	[sflag:s0] =	ssyncadd.tile.s32 @!p0 $0x1;
	_ =	shalt  }
.Lfunc_end2:
_tile_overlayer_lowered:
.L_overlay_start_2:
0x2c3: {  	(tag) =	ssettag $0x2  }
0x2c4: {  	s0 =	rddreg [dreg:$0x0];
	s2 =	stileid.u32  }
0x2c5: {  	s1 =	rddreg [dreg:$0x1];
	p0 =	sne.s32 s2, $0x0  }
0x2c6: {  	s3 =	rddreg [dreg:$0x2];
	[bflag:$0x3] =	sbarrier.arrive $0xFFFF;
	s2 =	simm.s32 @!p0 $0x1C03  }
0x2c7: {  	[timem:s3], [sflag:s2] =	dma.local @!p0 [hbm:s0], s1  }
0x2c8: {  	s0 =	simm.s32 @!p0 $0x3  }
0x2c9: {  	_ =	swait.ge @!p0 [sflag:s0], s1  }
0x2ca: {  	s1 =	ssub.s32 @!p0 $0x0, s1;
	[sflag:s0] =	ssyncset.done @!p0 $0x0  }
0x2cb: {  	[sflag:s0] =	ssyncadd.s32 @!p0 s1  }
0x2cc: {  	[bflag:$0x3] =	sbarrier.arrive $0xFFFF  }
0x2cd: {  	_ =	shalt  }

// kernel: kernel.9.cloned.1.call-start
scs
__scs_entry_jumppad:
0x0: {  	(pc) =	sbr.rel $0x88, $3  }
0x1: {  	(tag) =	ssettag $0x0;
	lr =	simm.s32 $0x1  }
0x2: {  	[smem:$0x3F9D] =	sst lr;
	_ =	strace $0xD0000000  }
0x3: {  	_ = 	snop  }
0x4: {  	_ = 	snop  }
0x5: {  	_ = 	snop  }
0x6: {  	_ = 	snop  }
0x7: {  	_ = 	snop  }
__scs_overlays_trampoline_lowered:
0x8: {  	[smem:$0x3FAC] =	sst s0  }
0x9: {  	[smem:$0x3FAD] =	sst s1  }
0xa: {  	[smem:$0x3FAE] =	sst s2  }
0xb: {  	[smem:$0x3FAF] =	sst s3  }
0xc: {  	[smem:$0x3FB0] =	sst s4  }
0xd: {  	[smem:$0x3FB1] =	sst s5  }
0xe: {  	[smem:$0x3FB2] =	sst s6  }
0xf: {  	[smem:$0x3FB3] =	sst s7  }
0x10: {  	[smem:$0x3FB4] =	sst s8  }
0x11: {  	[smem:$0x3FB5] =	sst s9;
	s0 =	simm.s32 @!p0 $0x0  }
0x12: {  	s1 =	sld [smem:$0x3F9B];
	s0 =	simm.s32 @p0 $0x1  }
0x13: {  	[smem:$0x3FB6] =	sst s0;
	s0 =	simm.s32 @!p1 $0x0  }
0x14: {  	s2 =	sld [smem:$0x3F9A];
	s0 =	simm.s32 @p1 $0x1  }
0x15: {  	[smem:$0x3FB7] =	sst s0;
	s0 =	simm.s32 @!p2 $0x0  }
0x16: {  	s3 =	sld [smem:$0x3FDB];
	s0 =	simm.s32 @p2 $0x1  }
0x17: {  	s4 =	simm.s32 $0x1BF5;
	[smem:$0x3FB9] =	sst s0  }
0x18: {  	s0 =	sld [smem:$0x3F9C];
	_ =	swait.ge [sflag:s4], $0x0  }
0x19: {  	s7 =	sld [smem:$0x3F9D]  }
0x1a: {  	s8 =	sadd.s32 $0xFFFFE003, lr  }
0x1b: {  	s9 =	sadd.s32 $0xFFFFFEF7, lr;
	s5 =	simm.s32 $0xFFFFFFFF;
	p2 =	slt.u32 s8, $0xFFFFF086  }
0x1c: {  	p1 =	slt.u32 s9, $0xF7A;
	s5 =	simm.s32 @!p2 $0x0  }
0x1d: {  	s5 =	simm.s32 @p1 $0x1;
	p0 =	seq.s32 s7, s2  }
0x1e: {  	s7 =	smul.u32 @!p0 $0xF7A, s2;
	p2 =	seq.s32 @!p0 s5, $0x0  }
0x1f: {  	s9 =	smul.u32 $0xF7A, s1;
	s8 =	simm.s32 @!p0 $0x1BF5;
	p2 =	por !p2, p0  }
0x20: {  	[sflag:s8] =	ssyncset.s32 @!p0 $0xFFFFF086;
	s6 =	sadd.s32 @!p0 s3, s7;
	s7 =	simm.s32 @!p0 $0x108  }
0x21: {  	s3 =	sadd.s32 s3, s9;
	s6 =	sadd.s32 @!p0 $0x88, s6;
	s7 =	simm.s32 @p2 $0x1082  }
0x22: {  	[simem:s7], [sflag:s8] =	dma.local @!p0 [hbm:s6], $0xF7A  }
0x23: {  	s9 =	sor.u32 $0xD0000000, s2;
	s6 =	simm.s32 $0x108;
	_ =	swait.ge @!p0 [sflag:s8], $0x0  }
0x24: {  	s3 =	sadd.s32 $0x88, s3;
	s6 =	simm.s32 @!p1 $0x1082;
	[sflag:s4] =	ssyncset.s32 $0xFFFFF086  }
0x25: {  	[simem:s6], [sflag:s4] =	dma.local [hbm:s3], $0xF7A  }
0x26: {  	[smem:$0x3F9D] =	sst s1;
	(tag) =	ssettag s2;
	_ =	strace s9  }
0x27: {  	s1 =	sld [smem:$0x3FAD]  }
0x28: {  	s2 =	sld [smem:$0x3FAE]  }
0x29: {  	s4 =	sld [smem:$0x3FB0]  }
0x2a: {  	p0 =	seq.s32 s5, $0x0;
	s5 =	sld [smem:$0x3FB1]  }
0x2b: {  	s6 =	sld [smem:$0x3FB2]  }
0x2c: {  	s7 =	sld [smem:$0x3FB3]  }
0x2d: {  	s3 =	simm.s32 $0x108;
	s8 =	sld [smem:$0x3FB4]  }
0x2e: {  	s3 =	simm.s32 @!p0 $0x1082;
	s9 =	sld [smem:$0x3FB5]  }
0x2f: {  	lr =	sadd.s32 s0, s3;
	s0 =	sld [smem:$0x3FAC]  }
0x30: {  	s3 =	sld [smem:$0x3FAF]  }
0x31: {  	[smem:$0x3FB8] =	sst s10  }
0x32: {  	s10 =	sld [smem:$0x3FB6];
	_ =	sdelay $0x3  }
0x33: {  	p0 =	seq.s32 s10, $0x1;
	s10 =	sld [smem:$0x3FB8];
	_ =	sdelay $0x3  }
0x34: {  	[smem:$0x3FB8] =	sst s10  }
0x35: {  	s10 =	sld [smem:$0x3FB7];
	_ =	sdelay $0x3  }
0x36: {  	p1 =	seq.s32 s10, $0x1;
	s10 =	sld [smem:$0x3FB8];
	_ =	sdelay $0x3  }
0x37: {  	[smem:$0x3FB8] =	sst s10  }
0x38: {  	s10 =	sld [smem:$0x3FB9]  }
0x39: {  	_ = 	snop;
	(pc) =	sbr.ind lr, $3  }
0x3a: {  	_ = 	snop  }
0x3b: {  	_ = 	snop  }
0x3c: {  	p2 =	seq.s32 s10, $0x1;
	s10 =	sld [smem:$0x3FB8]  }
0x3d: {  	_ =	shalt  }
0x3e: {  	_ =	shalt  }
0x3f: {  	_ =	shalt  }
0x40: {  	_ =	shalt  }
0x41: {  	_ =	shalt  }
0x42: {  	_ =	shalt  }
0x43: {  	_ =	shalt  }
0x44: {  	_ =	shalt  }
0x45: {  	_ =	shalt  }
0x46: {  	_ =	shalt  }
0x47: {  	_ =	shalt  }
0x48: {  	_ =	shalt  }
0x49: {  	_ =	shalt  }
0x4a: {  	_ =	shalt  }
0x4b: {  	_ =	shalt  }
0x4c: {  	_ =	shalt  }
0x4d: {  	_ =	shalt  }
0x4e: {  	_ =	shalt  }
0x4f: {  	_ =	shalt  }
0x50: {  	_ =	shalt  }
0x51: {  	_ =	shalt  }
0x52: {  	_ =	shalt  }
0x53: {  	_ =	shalt  }
0x54: {  	_ =	shalt  }
0x55: {  	_ =	shalt  }
0x56: {  	_ =	shalt  }
0x57: {  	_ =	shalt  }
0x58: {  	_ =	shalt  }
0x59: {  	_ =	shalt  }
0x5a: {  	_ =	shalt  }
0x5b: {  	_ =	shalt  }
0x5c: {  	_ =	shalt  }
0x5d: {  	_ =	shalt  }
0x5e: {  	_ =	shalt  }
0x5f: {  	_ =	shalt  }
0x60: {  	_ =	shalt  }
0x61: {  	_ =	shalt  }
0x62: {  	_ =	shalt  }
0x63: {  	_ =	shalt  }
0x64: {  	_ =	shalt  }
0x65: {  	_ =	shalt  }
0x66: {  	_ =	shalt  }
0x67: {  	_ =	shalt  }
0x68: {  	_ =	shalt  }
0x69: {  	_ =	shalt  }
0x6a: {  	_ =	shalt  }
0x6b: {  	_ =	shalt  }
0x6c: {  	_ =	shalt  }
0x6d: {  	_ =	shalt  }
0x6e: {  	_ =	shalt  }
0x6f: {  	_ =	shalt  }
0x70: {  	_ =	shalt  }
0x71: {  	_ =	shalt  }
0x72: {  	_ =	shalt  }
0x73: {  	_ =	shalt  }
0x74: {  	_ =	shalt  }
0x75: {  	_ =	shalt  }
0x76: {  	_ =	shalt  }
0x77: {  	_ =	shalt  }
0x78: {  	_ =	shalt  }
0x79: {  	_ =	shalt  }
0x7a: {  	_ =	shalt  }
0x7b: {  	_ =	shalt  }
0x7c: {  	_ =	shalt  }
0x7d: {  	_ =	shalt  }
0x7e: {  	_ =	shalt  }
0x7f: {  	_ =	shalt  }
0x80: {  	_ =	shalt  }
0x81: {  	_ =	shalt  }
0x82: {  	_ =	shalt  }
0x83: {  	_ =	shalt  }
0x84: {  	_ =	shalt  }
0x85: {  	_ =	shalt  }
0x86: {  	_ =	shalt  }
0x87: {  	_ =	shalt  }
.Lfunc_end0:
.L_simem_size_0:
called_computation_lowered:
.L_overlay_start_0:
0x88: {  	s2 =	sld [smem:$0x3FD9]  }
0x89: {  	s3 =	sld [smem:$0x3FFE];
	_ =	sdelay $0x1  }
0x8a: {  	s1 =	srdreg.scid  }
0x8b: {  	s0 =	sand.u32 $0x1, s1  }
0x8c: {  	s16 =	sshll.u32 s0, $0xA;
	s2 =	sadd.s32 s3, s2  }
0x8d: {  	s2 =	sadd.s32 s2, s16  }
0x8e: {  	[smem:$0x3FC4] =	sst s2  }
0x8f: {  	_ = 	snop  }
0x90: {  	(tm) =	ssettm $0x1  }
0x91: {  	s17 =	sld [smem:$0x3FFB];
	_ =	sdelay $0x3  }
0x92: {  	_ =	strace s17  }
0x93: {  	s2 =	sld [smem:$0x3FFC];
	_ =	sdelay $0x3  }
0x94: {  	_ =	strace s2  }
0x95: {  	s2 =	sld [smem:$0x3FFD];
	_ =	sdelay $0x3  }
0x96: {  	_ =	strace s2  }
0x97: {  	_ =	strace $0x8FFFFFFF  }
0x98: {  	s18 =	sld [smem:$0x3FDB];
	_ =	sdelay $0x1  }
0x99: {  	s19 =	simm.s32 $_scs_section_size  }
0x9a: {  	s4 =	simm.s32 $_size__tile_overlayer_lowered;
	s5 =	simm.s32 $_tile_overlayer_lowered  }
0x9b: {  	s22 =	simm.s32 $0x1BFF;
	s21 =	sshll.u32 s5, $0x1;
	s2 =	sadd.s32 s19, s18  }
0x9c: {  	s6 =	simm.s32 $0x0;
	s20 =	sshll.u32 s4, $0x1;
	s4 =	sadd.s32 s21, s2  }
0x9d: {  	[timem:s6], [sflag:s22] =	dma.local [hbm:s4], s20  }
0x9e: {  	_ =	swait.ge [sflag:s22], s20  }
0x9f: {  	s3 =	ssub.s32 $0x0, s20;
	[sflag:s22] =	ssyncset.done $0x0  }
0xa0: {  	[sflag:s22] =	ssyncadd.s32 s3;
	_ =	sdelay $0x1  }
0xa1: {  	s23 =	simm.s32 $0x1B8B  }
0xa2: {  	_ =	swait.ge [sflag:s23], $0x1  }
0xa3: {  	[sflag:s23] =	ssyncset.done $0x0  }
0xa4: {  	s25 =	simm.s32 $0x1B8E;
	s24 =	sld [smem:$0x3FFE];
	[sflag:s23] =	ssyncadd.s32 $0xFFFFFFFF  }
0xa5: {  	s26 =	simm.s32 $execute0_lowered;
	[smem:$0x3FD2] =	sst s25  }
0xa6: {  	s4 =	sshll.u32 s26, $0x1;
	_ =	strace $0x80000046;
	[dreg:$0x1] =	wrdreg $0xFFFFFFFF  }
0xa7: {  	s28 =	simm.s32 $_size_execute0_lowered;
	s2 =	sadd.s32 s2, s4;
	[dreg:$0x0] =	wrdreg $0x0  }
0xa8: {  	s4 =	sshll.u32 s28, $0x1;
	[dreg:$0x2] =	wrdreg s2  }
0xa9: {  	[dreg:$0x3] =	wrdreg s4  }
0xaa: {  	[dreg:$0x4] =	wrdreg $0xC0  }
0xab: {  	_ =	task [dreg:s6], $0x5FFFF  }
0xac: {  	[dreg:$0x1] =	wrdreg $0xFFFFFFFF  }
0xad: {  	[dreg:$0x0] =	wrdreg $0x60  }
0xae: {  	[dreg:$0x2] =	wrdreg s24  }
0xaf: {  	[dreg:$0x3] =	wrdreg $0x9  }
0xb0: {  	_ =	task.clear_ibuf [dreg:s6], $0x4FFFF;
	_ =	strace $0x90000046  }
0xb1: {  	s29 =	simm.s32 $0x9;
	_ =	strace $0x80000048  }
0xb2: {  	_ =	swait.ge [sflag:s29], $0x1  }
0xb3: {  	[sflag:s29] =	ssyncadd.s32 $0xFFFFFFFF  }
0xb4: {  	_ =	strace $0x90000048  }
0xb5: {  	_ =	sfence  }
0xb6: {  	s30 =	sld [smem:$0x0];
	_ =	sdelay $0x2  }
0xb7: {  	s31 =	sshll.u32 s1, $0xD;
	s1 =	sshrl.u32 s1, $0x2  }
0xb8: {  	s3 =	sand.u32 $0x4000, s31;
	s1 =	sadd.s32 s1, s30  }
0xb9: {  	s0 =	sor.u32 s3, s0;
	s1 =	sshll.u32 s1, $0x11  }
0xba: {  	s0 =	sor.u32 s1, s0  }
0xbb: {  	s0 =	sadd.s32 $0x8F2B, s0  }
0xbc: {  	[sflag:s0] =	ssyncadd.remote.s32 $0x1  }
0xbd: {  	_ =	sfence.sel $0xFFFF  }
0xbe: {  	[dreg:$0x0] =	wrdreg $0xFFFFFFFF;
	(pc) =	sbr.abs _section_cstart, $3  }
0xbf: {  	[dreg:$0x1] =	wrdreg $0xFFFFFFFF  }
0xc0: {  	_ =	task.clear_ibuf [dreg:s6], $0x2FFFF;
	_ =	strace $0x9FFFFFFF  }
0xc1: {  	(tm) =	ssettm $0x7FFFFFFF  }
tec
execute0_lowered:
.L_overlay_start_1:
0x0: {  	(tag) =	ssettag $0x1  }
0x1: {  	s6 =	rddreg [dreg:$0x0]  }
0x2: {  	s0 =	rddreg [dreg:$0x1];
	s2 =	simm.s32 $0x0;
	s3 =	srdreg.scid  }
0x3: {  	s1 =	stileid.u32;
	s10 =	simm.s32 $0x8000;
	s11 =	simm.s32 $0x10000  }
0x4: {  	s12 =	simm.s32 $0x2;
	s13 =	simm.s32 $0x3;
	s14 =	simm.s32 $0x0  }
0x5: {  	v0 =	vlaneseq.u32;
	[smem:$0x7FF] =	sst s2;
	s4 =	sand.u32 $0x1, s3;
	s30 =	sshll.u32 s1, $0x1  }
0x6: {  	v0 =	vmul.u32 $0x100, v0;
	_ =	strace $0x80000047;
	s5 =	sor.u32 s4, s30;
	s4 =	ssub.s32 $0x2, s4  }
0x7: {  	s3 =	sshll.u32 s5, $0xF;
	s5 =	sshll.u32 s5, $0xC;
	s31 =	sshrl.u32 s4, $0x1  }
0x8: {  	v1 =	vimm.f32 $0.0e+00;
	v2 =	vimm.f32 $1.000000000e+00;
	v3 =	vor.u32 $0x1000, v0;
	s7 =	sadd.s32 s3, s6;
	s8 =	sadd.s32 s5, s6;
	s9 =	ssub.s32 s4, s31  }
0x9: {  	v4 =	vor.u32 $0x2000, v0;
	v5 =	vor.u32 $0x3000, v0;
	v6 =	vor.u32 $0x4000, v0;
	s5 =	sadd.s32 $0x2E00, s6;
	s6 =	sadd.s32 $0x3E00, s6;
	s4 =	sadd.s32 $0x1E00, s7  }
0xa: {  	v7 =	vor.u32 $0x5000, v0;
	v8 =	vor.u32 $0x6000, v0;
	v9 =	vor.u32 $0x7000, v0;
	s7 =	sadd.s32 $0x101E00, s8;
	s8 =	smax.u32 s9, $0x1;
	s9 =	simm.s32 $0x1  }
.LBB2_1:
0xb: {  	s15 =	simm.s32 $0x10020  }
0xc: {  	[tilespmem:s15+$0xFFFFFFE0] =	vst v1  }
0xd: {  	[tilespmem:s15+$0x10] =	vst v1  }
0xe: {  	s16 =	simm.s32 $0x0;
	[tilespmem:s15+$0x0] =	vst v1  }
.LBB2_2:
0xf: {  	s16 =	sadd.s32 $0x4, s16  }
0x10: {  	[tilespmem:s15+$0xFFFFFFF0] =	vst v1;
	s15 =	sadd.s32 $0x40, s15;
	p0 =	slt.u32 s16, $0x7FC  }
.Ltmp0:
0x11: {  	[tilespmem:s15+$0xFFFFFFE0] =	vst v1;
	(pc) =	sbr.rel @p0 .LBB2_2-.Ltmp0, $3  }
0x12: {  	_ =	sdelay $0x1  }
0x13: {  	[tilespmem:s15+$0x10] =	vst v1  }
0x14: {  	[tilespmem:s15+$0x0] =	vst v1  }
0x15: {  	[tilespmem:s15+$0xFFFFFFF0] =	vst v1;
	s15 =	simm.s32 $0x0  }
0x16: {  	[tilespmem:s15], [sflag:$0x1] =	stream.linear.gather [hbm4b:s4+s15], $0x8000, $0x38;
	[tilespmem:$0x18000] =	vst v63  }
.LBB2_4:
0x17: {  	s16 =	sshll.u32 s15, $0xD;
	_ =	swait.ge [sflag:s9], $0x8000  }
0x18: {  	s16 =	sadd.s32 s3, s16;
	[sflag:s9] =	ssyncset.done $0x0  }
0x19: {  	s20 =	simm.s32 $0x80;
	[sflag:s9] =	ssyncadd.s32 $0xFFFF8000;
	s17 =	sadd.s32 s16, s5  }
0x1a: {  	[tilespmem:s10], [sflag:$0x2] =	stream.linear.gather [hbm4b:s17+s2], $0x8000, $0x38;
	[tilespmem:$0x18000] =	vst v63  }
0x1b: {  	v10 =	vld [tilespmem:s20+$0x0];
	_ =	sdelay $0x4  }
0x1c: {  	v10 =	vtrunc.f32 v10  }
0x1d: {  	v10 =	vcvt.f32.s32 v10;
	_ =	sdelay $0x1  }
0x1e: {  	v11 =	vshrl.u32 v10, $0x8  }
0x1f: {  	v12 =	vld [tilespmem:s20+$0xFFFFFF80];
	v13 =	vadd.s32 v0, v11  }
0x20: {  	v11 =	vand.u32 $0x7F, v11;
	v13 =	vand.u32 $0x1FFFF80, v13  }
0x21: {  	v10 =	vand.u32 $0xFF, v10;
	v11 =	vor.u32 v11, v13  }
0x22: {  	v10 =	vor.u32 v0, v10;
	_ =	sdelay $0x1  }
0x23: {  	v12 =	vtrunc.f32 v12  }
0x24: {  	v12 =	vcvt.f32.s32 v12  }
0x25: {  	[tilespmem:v11+s11+$0x0] =	vst.idx.add.f32.msk $0xffff, v2  }
0x26: {  	v11 =	vshrl.u32 v12, $0x8;
	[tilespmem:v10+s11+$0x0] =	vst.idx.add.f32.msk $0xffff, v2  }
0x27: {  	v10 =	vadd.s32 v0, v11;
	v13 =	vld [tilespmem:s20+$0x10]  }
0x28: {  	v11 =	vand.u32 $0x7F, v11;
	v10 =	vand.u32 $0x1FFFF80, v10  }
0x29: {  	v12 =	vand.u32 $0xFF, v12;
	v10 =	vor.u32 v11, v10  }
0x2a: {  	v11 =	vor.u32 v0, v12;
	_ =	sdelay $0x1  }
0x2b: {  	v12 =	vtrunc.f32 v13  }
0x2c: {  	v12 =	vcvt.f32.s32 v12  }
0x2d: {  	[tilespmem:v10+s11+$0x0] =	vst.idx.add.f32.msk $0xffff, v2  }
0x2e: {  	[tilespmem:v11+s11+$0x0] =	vst.idx.add.f32.msk $0xffff, v2;
	v10 =	vshrl.u32 v12, $0x8  }
0x2f: {  	v11 =	vld [tilespmem:s20+$0xFFFFFF90];
	v13 =	vadd.s32 v3, v10  }
0x30: {  	v10 =	vand.u32 $0x7F, v10;
	v13 =	vand.u32 $0x1FFFF80, v13  }
0x31: {  	v12 =	vand.u32 $0xFF, v12;
	v10 =	vor.u32 v10, v13  }
0x32: {  	v12 =	vor.u32 v3, v12;
	_ =	sdelay $0x1  }
0x33: {  	v11 =	vtrunc.f32 v11  }
0x34: {  	v11 =	vcvt.f32.s32 v11  }
0x35: {  	[tilespmem:v10+s11+$0x0] =	vst.idx.add.f32.msk $0xffff, v2  }
0x36: {  	v10 =	vshrl.u32 v11, $0x8;
	[tilespmem:v12+s11+$0x0] =	vst.idx.add.f32.msk $0xffff, v2  }
0x37: {  	v12 =	vadd.s32 v3, v10;
	v13 =	vld [tilespmem:s20+$0x20]  }
0x38: {  	v10 =	vand.u32 $0x7F, v10;
	v12 =	vand.u32 $0x1FFFF80, v12  }
0x39: {  	v11 =	vand.u32 $0xFF, v11;
	v10 =	vor.u32 v10, v12  }
0x3a: {  	v11 =	vor.u32 v3, v11;
	_ =	sdelay $0x1  }
0x3b: {  	v12 =	vtrunc.f32 v13  }
0x3c: {  	v12 =	vcvt.f32.s32 v12  }
0x3d: {  	[tilespmem:v10+s11+$0x0] =	vst.idx.add.f32.msk $0xffff, v2  }
0x3e: {  	[tilespmem:v11+s11+$0x0] =	vst.idx.add.f32.msk $0xffff, v2;
	v10 =	vshrl.u32 v12, $0x8  }
0x3f: {  	v11 =	vld [tilespmem:s20+$0xFFFFFFA0];
	v13 =	vadd.s32 v4, v10  }
0x40: {  	v10 =	vand.u32 $0x7F, v10;
	v13 =	vand.u32 $0x1FFFF80, v13  }
0x41: {  	s17 =	simm.s32 $0x180;
	v12 =	vand.u32 $0xFF, v12;
	v10 =	vor.u32 v10, v13  }
0x42: {  	v12 =	vor.u32 v4, v12;
	v13 =	vld [tilespmem:s17+$0x0]  }
0x43: {  	v14 =	vld [tilespmem:s17+$0xFFFFFF80]  }
0x44: {  	v11 =	vtrunc.f32 v11  }
0x45: {  	v11 =	vcvt.f32.s32 v11  }
0x46: {  	[tilespmem:v10+s11+$0x0] =	vst.idx.add.f32.msk $0xffff, v2  }
0x47: {  	v10 =	vshrl.u32 v11, $0x8;
	v13 =	vtrunc.f32 v13;
	[tilespmem:v12+s11+$0x0] =	vst.idx.add.f32.msk $0xffff, v2  }
0x48: {  	v14 =	vtrunc.f32 v14;
	v12 =	vadd.s32 v4, v10;
	v13 =	vcvt.f32.s32 v13;
	v15 =	vld [tilespmem:s20+$0x30]  }
0x49: {  	v14 =	vcvt.f32.s32 v14;
	v10 =	vand.u32 $0x7F, v10;
	v12 =	vand.u32 $0x1FFFF80, v12  }
0x4a: {  	v11 =	vand.u32 $0xFF, v11;
	v16 =	vshrl.u32 v13, $0x8;
	v10 =	vor.u32 v10, v12  }
0x4b: {  	v11 =	vor.u32 v4, v11;
	v12 =	vadd.s32 v0, v16  }
0x4c: {  	v17 =	vshrl.u32 v14, $0x8;
	v16 =	vand.u32 $0x7F, v16;
	v12 =	vand.u32 $0x1FFFF80, v12  }
0x4d: {  	v13 =	vand.u32 $0xFF, v13;
	v12 =	vor.u32 v16, v12;
	v15 =	vtrunc.f32 v15  }
0x4e: {  	v13 =	vor.u32 v0, v13;
	v16 =	vadd.s32 v0, v17;
	v15 =	vcvt.f32.s32 v15  }
0x4f: {  	v17 =	vand.u32 $0x7F, v17;
	v16 =	vand.u32 $0x1FFFF80, v16;
	[tilespmem:v10+s11+$0x0] =	vst.idx.add.f32.msk $0xffff, v2  }
0x50: {  	v10 =	vand.u32 $0xFF, v14;
	v14 =	vor.u32 v17, v16;
	[tilespmem:v11+s11+$0x0] =	vst.idx.add.f32.msk $0xffff, v2;
	v11 =	vshrl.u32 v15, $0x8  }
0x51: {  	v10 =	vor.u32 v0, v10;
	v16 =	vld [tilespmem:s20+$0xFFFFFFB0];
	v17 =	vadd.s32 v5, v11  }
0x52: {  	[tilespmem:v12+s11+$0x0] =	vst.idx.add.f32.msk $0xffff, v2;
	v11 =	vand.u32 $0x7F, v11;
	v12 =	vand.u32 $0x1FFFF80, v17  }
0x53: {  	[tilespmem:v13+s11+$0x0] =	vst.idx.add.f32.msk $0xffff, v2;
	v11 =	vor.u32 v11, v12;
	v12 =	vand.u32 $0xFF, v15  }
0x54: {  	v13 =	vld [tilespmem:s17+$0x10];
	v12 =	vor.u32 v5, v12  }
0x55: {  	[tilespmem:v14+s11+$0x0] =	vst.idx.add.f32.msk $0xffff, v2  }
0x56: {  	[tilespmem:v10+s11+$0x0] =	vst.idx.add.f32.msk $0xffff, v2  }
0x57: {  	v10 =	vtrunc.f32 v16;
	v14 =	vld [tilespmem:s17+$0xFFFFFF90]  }
0x58: {  	v10 =	vcvt.f32.s32 v10;
	[tilespmem:v11+s11+$0x0] =	vst.idx.add.f32.msk $0xffff, v2  }
0x59: {  	v11 =	vtrunc.f32 v13;
	[tilespmem:v12+s11+$0x0] =	vst.idx.add.f32.msk $0xffff, v2  }
0x5a: {  	v11 =	vcvt.f32.s32 v11;
	v12 =	vshrl.u32 v10, $0x8;
	v13 =	vld [tilespmem:s20+$0x40]  }
0x5b: {  	v10 =	vand.u32 $0xFF, v10;
	v15 =	vadd.s32 v5, v12;
	v12 =	vand.u32 $0x7F, v12  }
0x5c: {  	v14 =	vtrunc.f32 v14;
	v16 =	vshrl.u32 v11, $0x8;
	v15 =	vand.u32 $0x1FFFF80, v15  }
0x5d: {  	v10 =	vor.u32 v5, v10;
	v17 =	vadd.s32 v3, v16;
	v12 =	vor.u32 v12, v15  }
0x5e: {  	v14 =	vcvt.f32.s32 v14;
	v16 =	vand.u32 $0x7F, v16;
	v15 =	vand.u32 $0x1FFFF80, v17  }
0x5f: {  	v11 =	vand.u32 $0xFF, v11;
	v15 =	vor.u32 v16, v15;
	v13 =	vtrunc.f32 v13  }
0x60: {  	v11 =	vor.u32 v3, v11;
	v13 =	vcvt.f32.s32 v13  }
0x61: {  	v16 =	vshrl.u32 v14, $0x8  }
0x62: {  	v17 =	vadd.s32 v3, v16;
	[tilespmem:v12+s11+$0x0] =	vst.idx.add.f32.msk $0xffff, v2;
	v12 =	vshrl.u32 v13, $0x8  }
0x63: {  	v16 =	vand.u32 $0x7F, v16;
	v17 =	vand.u32 $0x1FFFF80, v17;
	[tilespmem:v10+s11+$0x0] =	vst.idx.add.f32.msk $0xffff, v2;
	v10 =	vadd.s32 v6, v12  }
0x64: {  	v16 =	vor.u32 v16, v17;
	[tilespmem:v15+s11+$0x0] =	vst.idx.add.f32.msk $0xffff, v2;
	v12 =	vand.u32 $0x7F, v12;
	v10 =	vand.u32 $0x1FFFF80, v10  }
0x65: {  	[tilespmem:v11+s11+$0x0] =	vst.idx.add.f32.msk $0xffff, v2;
	v11 =	vand.u32 $0xFF, v13;
	v10 =	vor.u32 v12, v10  }
0x66: {  	v12 =	vld [tilespmem:s17+$0x20];
	v11 =	vor.u32 v6, v11  }
0x67: {  	v14 =	vand.u32 $0xFF, v14  }
0x68: {  	v14 =	vor.u32 v3, v14;
	v13 =	vld [tilespmem:s20+$0xFFFFFFC0]  }
0x69: {  	[tilespmem:v16+s11+$0x0] =	vst.idx.add.f32.msk $0xffff, v2  }
0x6a: {  	[tilespmem:v10+s11+$0x0] =	vst.idx.add.f32.msk $0xffff, v2  }
0x6b: {  	v10 =	vtrunc.f32 v12;
	[tilespmem:v11+s11+$0x0] =	vst.idx.add.f32.msk $0xffff, v2  }
0x6c: {  	v10 =	vcvt.f32.s32 v10;
	v12 =	vld [tilespmem:s20+$0x50]  }
0x6d: {  	[tilespmem:v14+s11+$0x0] =	vst.idx.add.f32.msk $0xffff, v2;
	v11 =	vtrunc.f32 v13  }
0x6e: {  	v13 =	vld [tilespmem:s17+$0xFFFFFFA0];
	v11 =	vcvt.f32.s32 v11;
	v14 =	vshrl.u32 v10, $0x8  }
0x6f: {  	s18 =	simm.s32 $0x280;
	v10 =	vand.u32 $0xFF, v10;
	v15 =	vadd.s32 v4, v14  }
0x70: {  	v18 =	vld [tilespmem:s18+$0xFFFFFF80];
	v16 =	vshrl.u32 v11, $0x8;
	v14 =	vand.u32 $0x7F, v14;
	v15 =	vand.u32 $0x1FFFF80, v15  }
0x71: {  	v10 =	vor.u32 v4, v10;
	v14 =	vor.u32 v14, v15;
	v12 =	vtrunc.f32 v12  }
0x72: {  	v11 =	vand.u32 $0xFF, v11;
	v17 =	vadd.s32 v6, v16;
	v15 =	vld [tilespmem:s18+$0x0];
	v12 =	vcvt.f32.s32 v12  }
0x73: {  	v16 =	vand.u32 $0x7F, v16;
	v13 =	vtrunc.f32 v13;
	v17 =	vand.u32 $0x1FFFF80, v17  }
0x74: {  	v13 =	vcvt.f32.s32 v13;
	v16 =	vor.u32 v16, v17;
	v17 =	vshrl.u32 v12, $0x8  }
0x75: {  	v18 =	vtrunc.f32 v18;
	v11 =	vor.u32 v6, v11;
	v20 =	vadd.s32 v7, v17  }
0x76: {  	v19 =	vshrl.u32 v13, $0x8;
	[tilespmem:v14+s11+$0x0] =	vst.idx.add.f32.msk $0xffff, v2;
	v17 =	vand.u32 $0x7F, v17;
	v14 =	vand.u32 $0x1FFFF80, v20  }
0x77: {  	v12 =	vand.u32 $0xFF, v12;
	v15 =	vtrunc.f32 v15;
	[tilespmem:v10+s11+$0x0] =	vst.idx.add.f32.msk $0xffff, v2;
	v10 =	vor.u32 v17, v14  }
0x78: {  	v12 =	vor.u32 v7, v12;
	v15 =	vcvt.f32.s32 v15;
	v14 =	vadd.s32 v4, v19;
	v17 =	vld [tilespmem:s17+$0x30]  }
0x79: {  	v13 =	vand.u32 $0xFF, v13;
	[tilespmem:v16+s11+$0x0] =	vst.idx.add.f32.msk $0xffff, v2;
	v19 =	vand.u32 $0x7F, v19;
	v14 =	vand.u32 $0x1FFFF80, v14  }
0x7a: {  	v16 =	vcvt.f32.s32 v18;
	[tilespmem:v11+s11+$0x0] =	vst.idx.add.f32.msk $0xffff, v2;
	v18 =	vshrl.u32 v15, $0x8;
	v14 =	vor.u32 v19, v14  }
0x7b: {  	v11 =	vor.u32 v4, v13;
	v13 =	vadd.s32 v0, v18;
	v19 =	vld [tilespmem:s20+$0xFFFFFFD0]  }
0x7c: {  	v20 =	vshrl.u32 v16, $0x8;
	v18 =	vand.u32 $0x7F, v18;
	v13 =	vand.u32 $0x1FFFF80, v13;
	[tilespmem:v10+s11+$0x0] =	vst.idx.add.f32.msk $0xffff, v2  }
0x7d: {  	v10 =	vor.u32 v18, v13;
	v13 =	vand.u32 $0xFF, v15;
	v15 =	vtrunc.f32 v17;
	[tilespmem:v12+s11+$0x0] =	vst.idx.add.f32.msk $0xffff, v2  }
0x7e: {  	v12 =	vadd.s32 v0, v20;
	v13 =	vor.u32 v0, v13;
	v15 =	vcvt.f32.s32 v15;
	v17 =	vld [tilespmem:s20+$0x60]  }
0x7f: {  	v18 =	vand.u32 $0x7F, v20;
	v12 =	vand.u32 $0x1FFFF80, v12;
	[tilespmem:v14+s11+$0x0] =	vst.idx.add.f32.msk $0xffff, v2  }
0x80: {  	v14 =	vand.u32 $0xFF, v16;
	v12 =	vor.u32 v18, v12;
	[tilespmem:v11+s11+$0x0] =	vst.idx.add.f32.msk $0xffff, v2;
	v11 =	vshrl.u32 v15, $0x8  }
0x81: {  	v16 =	vtrunc.f32 v19;
	v14 =	vor.u32 v0, v14;
	v18 =	vld [tilespmem:s17+$0xFFFFFFB0];
	v19 =	vadd.s32 v5, v11  }
0x82: {  	v16 =	vcvt.f32.s32 v16;
	v11 =	vand.u32 $0x7F, v11;
	[tilespmem:v10+s11+$0x0] =	vst.idx.add.f32.msk $0xffff, v2;
	v10 =	vand.u32 $0x1FFFF80, v19  }
0x83: {  	[tilespmem:v13+s11+$0x0] =	vst.idx.add.f32.msk $0xffff, v2;
	v10 =	vor.u32 v11, v10;
	v11 =	vand.u32 $0xFF, v15;
	v13 =	vtrunc.f32 v17  }
0x84: {  	v15 =	vld [tilespmem:s18+$0x10];
	v11 =	vor.u32 v5, v11;
	v17 =	vshrl.u32 v16, $0x8;
	v13 =	vcvt.f32.s32 v13  }
0x85: {  	v16 =	vand.u32 $0xFF, v16;
	[tilespmem:v12+s11+$0x0] =	vst.idx.add.f32.msk $0xffff, v2;
	v12 =	vadd.s32 v7, v17;
	v17 =	vand.u32 $0x7F, v17  }
0x86: {  	[tilespmem:v14+s11+$0x0] =	vst.idx.add.f32.msk $0xffff, v2;
	v14 =	vtrunc.f32 v18;
	v12 =	vand.u32 $0x1FFFF80, v12;
	v18 =	vshrl.u32 v13, $0x8  }
0x87: {  	v19 =	vld [tilespmem:s18+$0xFFFFFF90];
	v12 =	vor.u32 v17, v12;
	v13 =	vand.u32 $0xFF, v13;
	v17 =	vadd.s32 v8, v18  }
0x88: {  	v14 =	vcvt.f32.s32 v14;
	[tilespmem:v10+s11+$0x0] =	vst.idx.add.f32.msk $0xffff, v2;
	v10 =	vor.u32 v7, v16;
	v13 =	vor.u32 v8, v13  }
0x89: {  	v16 =	vand.u32 $0x1FFFF80, v17;
	v17 =	vand.u32 $0x7F, v18;
	v15 =	vtrunc.f32 v15;
	[tilespmem:v11+s11+$0x0] =	vst.idx.add.f32.msk $0xffff, v2  }
0x8a: {  	v11 =	vor.u32 v17, v16;
	v15 =	vcvt.f32.s32 v15;
	v16 =	vshrl.u32 v14, $0x8;
	v17 =	vld [tilespmem:s17+$0x40]  }
0x8b: {  	v14 =	vand.u32 $0xFF, v14;
	v18 =	vadd.s32 v5, v16;
	v16 =	vand.u32 $0x7F, v16  }
0x8c: {  	v19 =	vtrunc.f32 v19;
	v20 =	vshrl.u32 v15, $0x8;
	v18 =	vand.u32 $0x1FFFF80, v18;
	[tilespmem:v12+s11+$0x0] =	vst.idx.add.f32.msk $0xffff, v2  }
0x8d: {  	v12 =	vcvt.f32.s32 v19;
	v19 =	vadd.s32 v3, v20;
	v16 =	vor.u32 v16, v18;
	[tilespmem:v10+s11+$0x0] =	vst.idx.add.f32.msk $0xffff, v2  }
0x8e: {  	v14 =	vor.u32 v5, v14;
	v18 =	vand.u32 $0x7F, v20;
	v10 =	vand.u32 $0x1FFFF80, v19;
	v19 =	vld [tilespmem:s20+$0xFFFFFFE0]  }
0x8f: {  	[tilespmem:v11+s11+$0x0] =	vst.idx.add.f32.msk $0xffff, v2;
	v10 =	vor.u32 v18, v10;
	v11 =	vand.u32 $0xFF, v15;
	v15 =	vtrunc.f32 v17  }
0x90: {  	[tilespmem:v13+s11+$0x0] =	vst.idx.add.f32.msk $0xffff, v2;
	v13 =	vshrl.u32 v12, $0x8;
	v11 =	vor.u32 v3, v11;
	v15 =	vcvt.f32.s32 v15  }
0x91: {  	v17 =	vld [tilespmem:s20+$0x70];
	v18 =	vadd.s32 v3, v13  }
0x92: {  	v13 =	vand.u32 $0x7F, v13;
	v18 =	vand.u32 $0x1FFFF80, v18;
	[tilespmem:v16+s11+$0x0] =	vst.idx.add.f32.msk $0xffff, v2;
	v16 =	vshrl.u32 v15, $0x8  }
0x93: {  	v12 =	vand.u32 $0xFF, v12;
	v13 =	vor.u32 v13, v18;
	[tilespmem:v14+s11+$0x0] =	vst.idx.add.f32.msk $0xffff, v2;
	v14 =	vadd.s32 v6, v16  }
0x94: {  	v12 =	vor.u32 v3, v12;
	[tilespmem:v10+s11+$0x0] =	vst.idx.add.f32.msk $0xffff, v2;
	v10 =	vand.u32 $0x1FFFF80, v14;
	v14 =	vand.u32 $0x7F, v16  }
0x95: {  	[tilespmem:v11+s11+$0x0] =	vst.idx.add.f32.msk $0xffff, v2;
	v10 =	vor.u32 v14, v10  }
0x96: {  	v11 =	vand.u32 $0xFF, v15;
	v15 =	vld [tilespmem:s18+$0x20]  }
0x97: {  	v16 =	vtrunc.f32 v19;
	v14 =	vtrunc.f32 v17;
	v11 =	vor.u32 v6, v11;
	v17 =	vld [tilespmem:s17+$0xFFFFFFC0]  }
0x98: {  	v16 =	vcvt.f32.s32 v16;
	v14 =	vcvt.f32.s32 v14;
	[tilespmem:v13+s11+$0x0] =	vst.idx.add.f32.msk $0xffff, v2  }
0x99: {  	[tilespmem:v12+s11+$0x0] =	vst.idx.add.f32.msk $0xffff, v2  }
0x9a: {  	v13 =	vshrl.u32 v14, $0x8;
	v12 =	vshrl.u32 v16, $0x8;
	v16 =	vand.u32 $0xFF, v16;
	[tilespmem:v10+s11+$0x0] =	vst.idx.add.f32.msk $0xffff, v2  }
0x9b: {  	v18 =	vadd.s32 v9, v13;
	v10 =	vadd.s32 v8, v12;
	v19 =	vld [tilespmem:s18+$0xFFFFFFA0];
	v12 =	vand.u32 $0x7F, v12  }
0x9c: {  	v18 =	vand.u32 $0x1FFFF80, v18;
	v15 =	vtrunc.f32 v15;
	[tilespmem:v11+s11+$0x0] =	vst.idx.add.f32.msk $0xffff, v2;
	v11 =	vand.u32 $0x7F, v13  }
0x9d: {  	v10 =	vand.u32 $0x1FFFF80, v10;
	v13 =	vcvt.f32.s32 v15;
	v15 =	vtrunc.f32 v17;
	v17 =	vld [tilespmem:s17+$0x50]  }
0x9e: {  	v11 =	vor.u32 v11, v18;
	v10 =	vor.u32 v12, v10;
	v15 =	vcvt.f32.s32 v15  }
0x9f: {  	v12 =	vor.u32 v8, v16;
	v18 =	vshrl.u32 v13, $0x8;
	v13 =	vand.u32 $0xFF, v13  }
0xa0: {  	v16 =	vadd.s32 v4, v18;
	v20 =	vshrl.u32 v15, $0x8;
	v18 =	vand.u32 $0x7F, v18  }
0xa1: {  	s19 =	simm.s32 $0x380;
	v19 =	vtrunc.f32 v19;
	v13 =	vor.u32 v4, v13;
	v16 =	vand.u32 $0x1FFFF80, v16  }
0xa2: {  	v22 =	vld [tilespmem:s19+$0xFFFFFF80];
	v21 =	vadd.s32 v6, v20;
	v16 =	vor.u32 v18, v16;
	v17 =	vtrunc.f32 v17  }
0xa3: {  	v20 =	vand.u32 $0x7F, v20;
	v18 =	vld [tilespmem:s19+$0x0];
	v21 =	vand.u32 $0x1FFFF80, v21;
	v17 =	vcvt.f32.s32 v17  }
0xa4: {  	v19 =	vcvt.f32.s32 v19;
	[tilespmem:v10+s11+$0x0] =	vst.idx.add.f32.msk $0xffff, v2;
	v20 =	vor.u32 v20, v21  }
0xa5: {  	v15 =	vand.u32 $0xFF, v15;
	[tilespmem:v11+s11+$0x0] =	vst.idx.add.f32.msk $0xffff, v2;
	v21 =	vshrl.u32 v17, $0x8  }
0xa6: {  	v10 =	vor.u32 v6, v15;
	v15 =	vshrl.u32 v19, $0x8;
	[tilespmem:v12+s11+$0x0] =	vst.idx.add.f32.msk $0xffff, v2;
	v23 =	vadd.s32 v7, v21  }
0xa7: {  	v12 =	vand.u32 $0xFF, v19;
	v19 =	vand.u32 $0x7F, v21;
	[tilespmem:v16+s11+$0x0] =	vst.idx.add.f32.msk $0xffff, v2;
	v16 =	vand.u32 $0x1FFFF80, v23  }
0xa8: {  	[tilespmem:v13+s11+$0x0] =	vst.idx.add.f32.msk $0xffff, v2;
	v13 =	vor.u32 v19, v16;
	v16 =	vand.u32 $0xFF, v17  }
0xa9: {  	v18 =	vtrunc.f32 v18;
	v17 =	vadd.s32 v4, v15;
	[tilespmem:v20+s11+$0x0] =	vst.idx.add.f32.msk $0xffff, v2;
	v16 =	vor.u32 v7, v16  }
0xaa: {  	v18 =	vcvt.f32.s32 v18;
	v15 =	vand.u32 $0x7F, v15;
	v19 =	vld [tilespmem:s18+$0x30];
	v17 =	vand.u32 $0x1FFFF80, v17  }
0xab: {  	v21 =	vtrunc.f32 v22;
	[tilespmem:v10+s11+$0x0] =	vst.idx.add.f32.msk $0xffff, v2;
	v15 =	vor.u32 v15, v17  }
0xac: {  	v20 =	vcvt.f32.s32 v21;
	v21 =	vshrl.u32 v18, $0x8;
	v17 =	vld [tilespmem:s17+$0xFFFFFFD0]  }
0xad: {  	v12 =	vor.u32 v4, v12;
	v10 =	vand.u32 $0xFF, v14;
	v14 =	vadd.s32 v0, v21;
	[tilespmem:v13+s11+$0x0] =	vst.idx.add.f32.msk $0xffff, v2  }
0xae: {  	v22 =	vshrl.u32 v20, $0x8;
	v21 =	vand.u32 $0x7F, v21;
	v14 =	vand.u32 $0x1FFFF80, v14;
	[tilespmem:v16+s11+$0x0] =	vst.idx.add.f32.msk $0xffff, v2  }
0xaf: {  	v13 =	vor.u32 v21, v14;
	v14 =	vand.u32 $0xFF, v18;
	v18 =	vtrunc.f32 v19;
	v19 =	vld [tilespmem:s17+$0x60]  }
0xb0: {  	v16 =	vadd.s32 v0, v22;
	v14 =	vor.u32 v0, v14;
	v18 =	vcvt.f32.s32 v18;
	[tilespmem:v15+s11+$0x0] =	vst.idx.add.f32.msk $0xffff, v2  }
0xb1: {  	v21 =	vor.u32 v9, v10;
	v10 =	vand.u32 $0x1FFFF80, v16;
	v16 =	vand.u32 $0x7F, v22;
	v22 =	vld [tilespmem:s20+$0xFFFFFFF0]  }
0xb2: {  	v15 =	vand.u32 $0xFF, v20;
	v10 =	vor.u32 v16, v10;
	[tilespmem:v12+s11+$0x0] =	vst.idx.add.f32.msk $0xffff, v2;
	v12 =	vshrl.u32 v18, $0x8  }
0xb3: {  	v15 =	vor.u32 v0, v15;
	v16 =	vtrunc.f32 v17;
	v17 =	vld [tilespmem:s18+$0xFFFFFFB0];
	v20 =	vadd.s32 v5, v12  }
0xb4: {  	v16 =	vcvt.f32.s32 v16;
	[tilespmem:v13+s11+$0x0] =	vst.idx.add.f32.msk $0xffff, v2;
	v12 =	vand.u32 $0x7F, v12;
	v13 =	vand.u32 $0x1FFFF80, v20  }
0xb5: {  	[tilespmem:v14+s11+$0x0] =	vst.idx.add.f32.msk $0xffff, v2;
	v12 =	vor.u32 v12, v13;
	v13 =	vand.u32 $0xFF, v18;
	v14 =	vtrunc.f32 v19  }
0xb6: {  	v18 =	vld [tilespmem:s19+$0x10];
	v19 =	vshrl.u32 v16, $0x8;
	v13 =	vor.u32 v5, v13;
	v14 =	vcvt.f32.s32 v14  }
0xb7: {  	v16 =	vand.u32 $0xFF, v16;
	[tilespmem:v10+s11+$0x0] =	vst.idx.add.f32.msk $0xffff, v2;
	v10 =	vadd.s32 v7, v19;
	v19 =	vand.u32 $0x7F, v19  }
0xb8: {  	[tilespmem:v15+s11+$0x0] =	vst.idx.add.f32.msk $0xffff, v2;
	v15 =	vtrunc.f32 v17;
	v10 =	vand.u32 $0x1FFFF80, v10;
	v17 =	vshrl.u32 v14, $0x8  }
0xb9: {  	v20 =	vld [tilespmem:s19+$0xFFFFFF90];
	v15 =	vcvt.f32.s32 v15;
	v10 =	vor.u32 v19, v10;
	v19 =	vadd.s32 v8, v17  }
0xba: {  	v17 =	vand.u32 $0x7F, v17;
	[tilespmem:v12+s11+$0x0] =	vst.idx.add.f32.msk $0xffff, v2;
	v12 =	vor.u32 v7, v16;
	v16 =	vand.u32 $0x1FFFF80, v19  }
0xbb: {  	v14 =	vand.u32 $0xFF, v14;
	v18 =	vtrunc.f32 v18;
	[tilespmem:v13+s11+$0x0] =	vst.idx.add.f32.msk $0xffff, v2;
	v13 =	vor.u32 v17, v16  }
0xbc: {  	v14 =	vor.u32 v8, v14;
	v16 =	vcvt.f32.s32 v18;
	v17 =	vshrl.u32 v15, $0x8;
	v18 =	vld [tilespmem:s18+$0x40]  }
0xbd: {  	[tilespmem:v21+s11+$0x0] =	vst.idx.add.f32.msk $0xffff, v2;
	v15 =	vand.u32 $0xFF, v15;
	v19 =	vadd.s32 v5, v17;
	v17 =	vand.u32 $0x7F, v17  }
0xbe: {  	v20 =	vtrunc.f32 v20;
	v23 =	vshrl.u32 v16, $0x8;
	v19 =	vand.u32 $0x1FFFF80, v19;
	[tilespmem:v10+s11+$0x0] =	vst.idx.add.f32.msk $0xffff, v2  }
0xbf: {  	v10 =	vcvt.f32.s32 v20;
	v20 =	vadd.s32 v3, v23;
	v17 =	vor.u32 v17, v19;
	[tilespmem:v12+s11+$0x0] =	vst.idx.add.f32.msk $0xffff, v2  }
0xc0: {  	v15 =	vor.u32 v5, v15;
	v19 =	vand.u32 $0x7F, v23;
	v12 =	vand.u32 $0x1FFFF80, v20;
	[tilespmem:v13+s11+$0x0] =	vst.idx.add.f32.msk $0xffff, v2  }
0xc1: {  	v12 =	vor.u32 v19, v12;
	v13 =	vand.u32 $0xFF, v16;
	v16 =	vtrunc.f32 v18;
	[tilespmem:v14+s11+$0x0] =	vst.idx.add.f32.msk $0xffff, v2  }
0xc2: {  	v14 =	vshrl.u32 v10, $0x8;
	v13 =	vor.u32 v3, v13;
	v16 =	vcvt.f32.s32 v16;
	v18 =	vld [tilespmem:s17+$0x70]  }
0xc3: {  	v20 =	vld [tilespmem:s17+$0xFFFFFFE0];
	v10 =	vand.u32 $0xFF, v10;
	v19 =	vadd.s32 v3, v14;
	v14 =	vand.u32 $0x7F, v14  }
0xc4: {  	v23 =	vor.u32 v3, v10;
	v19 =	vand.u32 $0x1FFFF80, v19;
	[tilespmem:v17+s11+$0x0] =	vst.idx.add.f32.msk $0xffff, v2;
	v10 =	vshrl.u32 v16, $0x8  }
0xc5: {  	v17 =	vtrunc.f32 v22;
	v14 =	vor.u32 v14, v19;
	[tilespmem:v15+s11+$0x0] =	vst.idx.add.f32.msk $0xffff, v2;
	v15 =	vadd.s32 v6, v10  }
0xc6: {  	[tilespmem:v12+s11+$0x0] =	vst.idx.add.f32.msk $0xffff, v2;
	v10 =	vand.u32 $0x7F, v10;
	v12 =	vand.u32 $0x1FFFF80, v15;
	v15 =	vcvt.f32.s32 v17  }
0xc7: {  	[tilespmem:v13+s11+$0x0] =	vst.idx.add.f32.msk $0xffff, v2;
	v13 =	vor.u32 v10, v12;
	v10 =	vand.u32 $0xFF, v16;
	v12 =	vtrunc.f32 v18  }
0xc8: {  	v16 =	vld [tilespmem:s19+$0x20];
	v17 =	vor.u32 v6, v10;
	v10 =	vtrunc.f32 v20;
	v18 =	vcvt.f32.s32 v12  }
0xc9: {  	v19 =	vld [tilespmem:s18+$0xFFFFFFC0];
	v22 =	vshrl.u32 v15, $0x8;
	v20 =	vcvt.f32.s32 v10;
	v10 =	vand.u32 $0xFF, v15  }
0xca: {  	v12 =	vadd.s32 v9, v22;
	v11 =	vand.u32 $0x7F, v22;
	[tilespmem:v14+s11+$0x0] =	vst.idx.add.f32.msk $0xffff, v2;
	v15 =	vshrl.u32 v18, $0x8  }
0xcb: {  	[tilespmem:v23+s11+$0x0] =	vst.idx.add.f32.msk $0xffff, v2;
	v21 =	vshrl.u32 v20, $0x8;
	v20 =	vand.u32 $0xFF, v20;
	v22 =	vadd.s32 v9, v15  }
0xcc: {  	v15 =	vand.u32 $0x7F, v15;
	[tilespmem:v13+s11+$0x0] =	vst.idx.add.f32.msk $0xffff, v2;
	v13 =	vadd.s32 v8, v21;
	v22 =	vand.u32 $0x1FFFF80, v22  }
0xcd: {  	v16 =	vtrunc.f32 v16;
	[tilespmem:v17+s11+$0x0] =	vst.idx.add.f32.msk $0xffff, v2;
	v22 =	vor.u32 v15, v22;
	v15 =	vand.u32 $0xFF, v18  }
0xce: {  	v16 =	vcvt.f32.s32 v16;
	v17 =	vtrunc.f32 v19;
	v24 =	vld [tilespmem:s18+$0x50];
	v25 =	vor.u32 v9, v15  }
0xcf: {  	v14 =	vand.u32 $0x7F, v21;
	v13 =	vand.u32 $0x1FFFF80, v13;
	v19 =	vld [tilespmem:s19+$0xFFFFFFA0];
	v15 =	vcvt.f32.s32 v17  }
0xd0: {  	v14 =	vor.u32 v14, v13;
	v13 =	vor.u32 v8, v20;
	v18 =	vshrl.u32 v16, $0x8  }
0xd1: {  	v20 =	vadd.s32 v4, v18;
	v17 =	vshrl.u32 v15, $0x8;
	v15 =	vand.u32 $0xFF, v15  }
0xd2: {  	v21 =	vand.u32 $0x7F, v18;
	v20 =	vand.u32 $0x1FFFF80, v20;
	v18 =	vadd.s32 v6, v17;
	[tilespmem:v22+s11+$0x0] =	vst.idx.add.f32.msk $0xffff, v2  }
0xd3: {  	s21 =	simm.s32 $0x480;
	s20 =	simm.s32 $0x6;
	v20 =	vor.u32 v21, v20;
	v21 =	vand.u32 $0xFF, v16;
	v16 =	vtrunc.f32 v24;
	[tilespmem:v25+s11+$0x0] =	vst.idx.add.f32.msk $0xffff, v2  }
.LBB2_5:
0xd4: {  	v22 =	vld [tilespmem:s21+$0x0];
	v19 =	vtrunc.f32 v19;
	v21 =	vor.u32 v4, v21;
	v16 =	vcvt.f32.s32 v16  }
0xd5: {  	v18 =	vand.u32 $0x1FFFF80, v18;
	v17 =	vand.u32 $0x7F, v17;
	v23 =	vld [tilespmem:s21+$0xFFFFFF80];
	v19 =	vcvt.f32.s32 v19  }
0xd6: {  	v15 =	vor.u32 v6, v15;
	v17 =	vor.u32 v17, v18;
	v18 =	vshrl.u32 v16, $0x8;
	[tilespmem:v14+s11+$0x0] =	vst.idx.add.f32.msk $0xffff, v2  }
0xd7: {  	v14 =	vshrl.u32 v19, $0x8;
	v19 =	vand.u32 $0xFF, v19;
	v24 =	vadd.s32 v7, v18;
	[tilespmem:v13+s11+$0x0] =	vst.idx.add.f32.msk $0xffff, v2  }
0xd8: {  	v18 =	vand.u32 $0x7F, v18;
	v13 =	vadd.s32 v4, v14;
	[tilespmem:v20+s11+$0x0] =	vst.idx.add.f32.msk $0xffff, v2;
	v20 =	vand.u32 $0x1FFFF80, v24  }
0xd9: {  	v16 =	vand.u32 $0xFF, v16;
	v22 =	vtrunc.f32 v22;
	[tilespmem:v21+s11+$0x0] =	vst.idx.add.f32.msk $0xffff, v2;
	v18 =	vor.u32 v18, v20  }
0xda: {  	v16 =	vor.u32 v7, v16;
	v20 =	vtrunc.f32 v23;
	v21 =	vcvt.f32.s32 v22;
	v22 =	vld [tilespmem:s19+$0x30]  }
0xdb: {  	v14 =	vand.u32 $0x7F, v14;
	v13 =	vand.u32 $0x1FFFF80, v13;
	v20 =	vcvt.f32.s32 v20;
	[tilespmem:v17+s11+$0x0] =	vst.idx.add.f32.msk $0xffff, v2  }
0xdc: {  	s20 =	sadd.s32 $0x2, s20;
	v13 =	vor.u32 v14, v13;
	v14 =	vor.u32 v4, v19;
	v17 =	vshrl.u32 v21, $0x8;
	[tilespmem:v15+s11+$0x0] =	vst.idx.add.f32.msk $0xffff, v2  }
0xdd: {  	p0 =	slt.u32 s20, $0xFE;
	v15 =	vshrl.u32 v20, $0x8;
	v19 =	vand.u32 $0xFF, v20;
	v20 =	vadd.s32 v0, v17;
	v23 =	vld [tilespmem:s18+$0xFFFFFFD0]  }
0xde: {  	v17 =	vand.u32 $0x7F, v17;
	v24 =	vadd.s32 v0, v15;
	v20 =	vand.u32 $0x1FFFF80, v20;
	[tilespmem:v18+s11+$0x0] =	vst.idx.add.f32.msk $0xffff, v2  }
0xdf: {  	v18 =	vand.u32 $0xFF, v21;
	v17 =	vor.u32 v17, v20;
	v20 =	vtrunc.f32 v22;
	[tilespmem:v16+s11+$0x0] =	vst.idx.add.f32.msk $0xffff, v2  }
0xe0: {  	v16 =	vand.u32 $0x1FFFF80, v24;
	v18 =	vor.u32 v0, v18;
	v20 =	vcvt.f32.s32 v20;
	v21 =	vld [tilespmem:s18+$0x60]  }
0xe1: {  	v12 =	vand.u32 $0x1FFFF80, v12;
	v15 =	vand.u32 $0x7F, v15;
	v19 =	vor.u32 v0, v19;
	[tilespmem:v13+s11+$0x0] =	vst.idx.add.f32.msk $0xffff, v2  }
0xe2: {  	v13 =	vor.u32 v15, v16;
	[tilespmem:v14+s11+$0x0] =	vst.idx.add.f32.msk $0xffff, v2;
	v14 =	vshrl.u32 v20, $0x8;
	v15 =	vtrunc.f32 v23  }
0xe3: {  	v22 =	vld [tilespmem:s19+$0xFFFFFFB0];
	v16 =	vadd.s32 v5, v14;
	v23 =	vcvt.f32.s32 v15;
	v15 =	vor.u32 v11, v12  }
0xe4: {  	v12 =	vand.u32 $0x7F, v14;
	[tilespmem:v17+s11+$0x0] =	vst.idx.add.f32.msk $0xffff, v2;
	v11 =	vand.u32 $0x1FFFF80, v16;
	v16 =	vor.u32 v9, v10  }
0xe5: {  	[tilespmem:v18+s11+$0x0] =	vst.idx.add.f32.msk $0xffff, v2;
	v10 =	vor.u32 v12, v11;
	v11 =	vand.u32 $0xFF, v20;
	v12 =	vtrunc.f32 v21  }
0xe6: {  	v17 =	vshrl.u32 v23, $0x8;
	v14 =	vld [tilespmem:s21+$0x10];
	v11 =	vor.u32 v5, v11;
	v12 =	vcvt.f32.s32 v12  }
0xe7: {  	v18 =	vand.u32 $0xFF, v23;
	[tilespmem:v13+s11+$0x0] =	vst.idx.add.f32.msk $0xffff, v2;
	v13 =	vadd.s32 v7, v17;
	v17 =	vand.u32 $0x7F, v17  }
0xe8: {  	[tilespmem:v19+s11+$0x0] =	vst.idx.add.f32.msk $0xffff, v2;
	v19 =	vtrunc.f32 v22;
	v13 =	vand.u32 $0x1FFFF80, v13;
	v20 =	vshrl.u32 v12, $0x8  }
0xe9: {  	v21 =	vld [tilespmem:s21+$0xFFFFFF90];
	v19 =	vcvt.f32.s32 v19;
	v13 =	vor.u32 v17, v13;
	v17 =	vadd.s32 v8, v20  }
0xea: {  	[tilespmem:v10+s11+$0x0] =	vst.idx.add.f32.msk $0xffff, v2;
	v10 =	vor.u32 v7, v18;
	v17 =	vand.u32 $0x1FFFF80, v17;
	v18 =	vand.u32 $0x7F, v20  }
0xeb: {  	v12 =	vand.u32 $0xFF, v12;
	v14 =	vtrunc.f32 v14;
	[tilespmem:v11+s11+$0x0] =	vst.idx.add.f32.msk $0xffff, v2;
	v11 =	vor.u32 v18, v17  }
0xec: {  	v12 =	vor.u32 v8, v12;
	v17 =	vshrl.u32 v19, $0x8;
	v14 =	vcvt.f32.s32 v14;
	v18 =	vld [tilespmem:s19+$0x40]  }
0xed: {  	v19 =	vand.u32 $0xFF, v19;
	v20 =	vadd.s32 v5, v17;
	v17 =	vand.u32 $0x7F, v17;
	v22 =	vld [tilespmem:s17+$0xFFFFFFF0];
	s17 =	smov.u32 s18;
	s18 =	smov.u32 s19;
	s19 =	smov.u32 s21  }
0xee: {  	v20 =	vand.u32 $0x1FFFF80, v20;
	v21 =	vtrunc.f32 v21;
	v23 =	vshrl.u32 v14, $0x8;
	[tilespmem:v13+s11+$0x0] =	vst.idx.add.f32.msk $0xffff, v2  }
0xef: {  	v17 =	vor.u32 v17, v20;
	v13 =	vcvt.f32.s32 v21;
	v21 =	vadd.s32 v3, v23;
	[tilespmem:v10+s11+$0x0] =	vst.idx.add.f32.msk $0xffff, v2  }
0xf0: {  	v19 =	vor.u32 v5, v19;
	v20 =	vand.u32 $0x7F, v23;
	v10 =	vand.u32 $0x1FFFF80, v21;
	[tilespmem:v11+s11+$0x0] =	vst.idx.add.f32.msk $0xffff, v2  }
0xf1: {  	v11 =	vand.u32 $0xFF, v14;
	v10 =	vor.u32 v20, v10;
	v14 =	vtrunc.f32 v18;
	[tilespmem:v12+s11+$0x0] =	vst.idx.add.f32.msk $0xffff, v2  }
0xf2: {  	v12 =	vshrl.u32 v13, $0x8;
	v11 =	vor.u32 v3, v11;
	v14 =	vcvt.f32.s32 v14;
	v18 =	vld [tilespmem:s17+$0x70]  }
0xf3: {  	v13 =	vand.u32 $0xFF, v13;
	v20 =	vadd.s32 v3, v12;
	v12 =	vand.u32 $0x7F, v12;
	v21 =	vld [tilespmem:s17+$0xFFFFFFE0]  }
0xf4: {  	v13 =	vor.u32 v3, v13;
	v20 =	vand.u32 $0x1FFFF80, v20;
	[tilespmem:v17+s11+$0x0] =	vst.idx.add.f32.msk $0xffff, v2;
	v17 =	vshrl.u32 v14, $0x8  }
0xf5: {  	v12 =	vor.u32 v12, v20;
	v20 =	vtrunc.f32 v22;
	[tilespmem:v19+s11+$0x0] =	vst.idx.add.f32.msk $0xffff, v2;
	v19 =	vadd.s32 v6, v17  }
0xf6: {  	v17 =	vand.u32 $0x7F, v17;
	[tilespmem:v10+s11+$0x0] =	vst.idx.add.f32.msk $0xffff, v2;
	v10 =	vand.u32 $0x1FFFF80, v19;
	v19 =	vcvt.f32.s32 v20  }
0xf7: {  	[tilespmem:v11+s11+$0x0] =	vst.idx.add.f32.msk $0xffff, v2;
	v17 =	vor.u32 v17, v10;
	v10 =	vand.u32 $0xFF, v14;
	v11 =	vtrunc.f32 v18  }
0xf8: {  	v14 =	vld [tilespmem:s21+$0x20];
	v18 =	vor.u32 v6, v10;
	v10 =	vtrunc.f32 v21;
	v20 =	vcvt.f32.s32 v11  }
0xf9: {  	v11 =	vshrl.u32 v19, $0x8;
	v21 =	vld [tilespmem:s18+$0xFFFFFFC0];
	v22 =	vcvt.f32.s32 v10;
	v10 =	vand.u32 $0xFF, v19  }
0xfa: {  	[tilespmem:v12+s11+$0x0] =	vst.idx.add.f32.msk $0xffff, v2;
	v19 =	vshrl.u32 v20, $0x8;
	v12 =	vadd.s32 v9, v11;
	v11 =	vand.u32 $0x7F, v11  }
0xfb: {  	[tilespmem:v13+s11+$0x0] =	vst.idx.add.f32.msk $0xffff, v2;
	v13 =	vshrl.u32 v22, $0x8;
	v22 =	vand.u32 $0xFF, v22;
	v23 =	vadd.s32 v9, v19  }
0xfc: {  	v19 =	vand.u32 $0x7F, v19;
	[tilespmem:v17+s11+$0x0] =	vst.idx.add.f32.msk $0xffff, v2;
	v17 =	vadd.s32 v8, v13;
	v23 =	vand.u32 $0x1FFFF80, v23  }
0xfd: {  	v14 =	vtrunc.f32 v14;
	[tilespmem:v18+s11+$0x0] =	vst.idx.add.f32.msk $0xffff, v2;
	v23 =	vor.u32 v19, v23;
	v18 =	vand.u32 $0xFF, v20  }
0xfe: {  	v24 =	vcvt.f32.s32 v14;
	v14 =	vtrunc.f32 v21;
	v25 =	vld [tilespmem:s18+$0x50];
	v26 =	vor.u32 v9, v18  }
.Ltmp1:
0xff: {  	v13 =	vand.u32 $0x7F, v13;
	v19 =	vld [tilespmem:s21+$0xFFFFFFA0];
	v18 =	vcvt.f32.s32 v14;
	v14 =	vand.u32 $0x1FFFF80, v17;
	(pc) =	sbr.rel @p0 .LBB2_5-.Ltmp1, $4  }
0x100: {  	v20 =	vshrl.u32 v24, $0x8;
	v14 =	vor.u32 v13, v14;
	v13 =	vor.u32 v8, v22;
	[tilespmem:v15+s11+$0x0] =	vst.idx.add.f32.msk $0xffff, v2  }
0x101: {  	v21 =	vadd.s32 v4, v20;
	v17 =	vshrl.u32 v18, $0x8;
	v15 =	vand.u32 $0xFF, v18;
	[tilespmem:v16+s11+$0x0] =	vst.idx.add.f32.msk $0xffff, v2  }
0x102: {  	v20 =	vand.u32 $0x7F, v20;
	v16 =	vand.u32 $0x1FFFF80, v21;
	v18 =	vadd.s32 v6, v17;
	[tilespmem:v23+s11+$0x0] =	vst.idx.add.f32.msk $0xffff, v2  }
0x103: {  	s21 =	sadd.s32 $0x100, s21;
	v21 =	vand.u32 $0xFF, v24;
	v20 =	vor.u32 v20, v16;
	v16 =	vtrunc.f32 v25;
	[tilespmem:v26+s11+$0x0] =	vst.idx.add.f32.msk $0xffff, v2  }
0x104: {  	v19 =	vtrunc.f32 v19  }
0x105: {  	v19 =	vcvt.f32.s32 v19;
	_ =	sdelay $0x1  }
0x106: {  	v21 =	vor.u32 v4, v21;
	v22 =	vshrl.u32 v19, $0x8  }
0x107: {  	v23 =	vadd.s32 v4, v22  }
0x108: {  	v22 =	vand.u32 $0x7F, v22;
	v23 =	vand.u32 $0x1FFFF80, v23  }
0x109: {  	v19 =	vand.u32 $0xFF, v19;
	v22 =	vor.u32 v22, v23  }
0x10a: {  	[tilespmem:v20+s11+$0x0] =	vst.idx.add.f32.msk $0xffff, v2;
	v19 =	vor.u32 v4, v19  }
0x10b: {  	[tilespmem:v21+s11+$0x0] =	vst.idx.add.f32.msk $0xffff, v2  }
0x10c: {  	v20 =	vld [tilespmem:s19+$0x30];
	_ =	sdelay $0x1  }
0x10d: {  	[tilespmem:v22+s11+$0x0] =	vst.idx.add.f32.msk $0xffff, v2  }
0x10e: {  	[tilespmem:v19+s11+$0x0] =	vst.idx.add.f32.msk $0xffff, v2  }
0x10f: {  	v19 =	vld [tilespmem:s19+$0xFFFFFFB0]  }
0x110: {  	v20 =	vtrunc.f32 v20  }
0x111: {  	v20 =	vcvt.f32.s32 v20;
	_ =	sdelay $0x1  }
0x112: {  	v21 =	vshrl.u32 v20, $0x8  }
0x113: {  	v22 =	vadd.s32 v5, v21;
	v19 =	vtrunc.f32 v19  }
0x114: {  	v21 =	vand.u32 $0x7F, v21;
	v22 =	vand.u32 $0x1FFFF80, v22;
	v19 =	vcvt.f32.s32 v19  }
0x115: {  	v20 =	vand.u32 $0xFF, v20;
	v21 =	vor.u32 v21, v22  }
0x116: {  	v20 =	vor.u32 v5, v20;
	v22 =	vshrl.u32 v19, $0x8  }
0x117: {  	v23 =	vadd.s32 v5, v22  }
0x118: {  	v22 =	vand.u32 $0x7F, v22;
	v23 =	vand.u32 $0x1FFFF80, v23  }
0x119: {  	v19 =	vand.u32 $0xFF, v19;
	v22 =	vor.u32 v22, v23  }
0x11a: {  	[tilespmem:v21+s11+$0x0] =	vst.idx.add.f32.msk $0xffff, v2;
	v19 =	vor.u32 v5, v19  }
0x11b: {  	[tilespmem:v20+s11+$0x0] =	vst.idx.add.f32.msk $0xffff, v2  }
0x11c: {  	v20 =	vld [tilespmem:s19+$0x40];
	_ =	sdelay $0x1  }
0x11d: {  	[tilespmem:v22+s11+$0x0] =	vst.idx.add.f32.msk $0xffff, v2  }
0x11e: {  	[tilespmem:v19+s11+$0x0] =	vst.idx.add.f32.msk $0xffff, v2  }
0x11f: {  	v19 =	vld [tilespmem:s19+$0xFFFFFFC0]  }
0x120: {  	v20 =	vtrunc.f32 v20  }
0x121: {  	v20 =	vcvt.f32.s32 v20  }
0x122: {  	v18 =	vand.u32 $0x1FFFF80, v18;
	v17 =	vand.u32 $0x7F, v17  }
0x123: {  	v17 =	vor.u32 v17, v18;
	v18 =	vshrl.u32 v20, $0x8  }
0x124: {  	v15 =	vor.u32 v6, v15;
	v21 =	vadd.s32 v6, v18;
	v19 =	vtrunc.f32 v19  }
0x125: {  	v18 =	vand.u32 $0x7F, v18;
	v21 =	vand.u32 $0x1FFFF80, v21;
	v19 =	vcvt.f32.s32 v19  }
0x126: {  	v20 =	vand.u32 $0xFF, v20;
	v18 =	vor.u32 v18, v21  }
0x127: {  	v20 =	vor.u32 v6, v20;
	v21 =	vshrl.u32 v19, $0x8  }
0x128: {  	[tilespmem:v17+s11+$0x0] =	vst.idx.add.f32.msk $0xffff, v2;
	v17 =	vadd.s32 v6, v21  }
0x129: {  	[tilespmem:v15+s11+$0x0] =	vst.idx.add.f32.msk $0xffff, v2;
	v15 =	vand.u32 $0x1FFFF80, v17;
	v17 =	vand.u32 $0x7F, v21  }
0x12a: {  	v19 =	vand.u32 $0xFF, v19;
	v21 =	vld [tilespmem:s18+$0xFFFFFFD0];
	v15 =	vor.u32 v17, v15  }
0x12b: {  	[tilespmem:v18+s11+$0x0] =	vst.idx.add.f32.msk $0xffff, v2;
	v17 =	vor.u32 v6, v19  }
0x12c: {  	v16 =	vcvt.f32.s32 v16;
	[tilespmem:v20+s11+$0x0] =	vst.idx.add.f32.msk $0xffff, v2  }
0x12d: {  	v18 =	vld [tilespmem:s19+$0x50]  }
0x12e: {  	v19 =	vshrl.u32 v16, $0x8  }
0x12f: {  	v20 =	vadd.s32 v7, v19;
	v21 =	vtrunc.f32 v21;
	[tilespmem:v15+s11+$0x0] =	vst.idx.add.f32.msk $0xffff, v2  }
0x130: {  	v19 =	vand.u32 $0x7F, v19;
	v15 =	vand.u32 $0x1FFFF80, v20;
	v20 =	vcvt.f32.s32 v21;
	[tilespmem:v17+s11+$0x0] =	vst.idx.add.f32.msk $0xffff, v2  }
0x131: {  	v16 =	vand.u32 $0xFF, v16;
	v15 =	vor.u32 v19, v15;
	v17 =	vld [tilespmem:s19+$0xFFFFFFD0]  }
0x132: {  	v16 =	vor.u32 v7, v16;
	v18 =	vtrunc.f32 v18;
	v19 =	vshrl.u32 v20, $0x8  }
0x133: {  	v18 =	vcvt.f32.s32 v18;
	v21 =	vadd.s32 v7, v19  }
0x134: {  	v19 =	vand.u32 $0x7F, v19;
	v21 =	vand.u32 $0x1FFFF80, v21  }
0x135: {  	v20 =	vand.u32 $0xFF, v20;
	v19 =	vor.u32 v19, v21;
	v21 =	vshrl.u32 v18, $0x8  }
0x136: {  	[tilespmem:v15+s11+$0x0] =	vst.idx.add.f32.msk $0xffff, v2;
	v15 =	vor.u32 v7, v20;
	v20 =	vadd.s32 v7, v21;
	v17 =	vtrunc.f32 v17  }
0x137: {  	[tilespmem:v16+s11+$0x0] =	vst.idx.add.f32.msk $0xffff, v2;
	v16 =	vand.u32 $0x1FFFF80, v20;
	v20 =	vand.u32 $0x7F, v21;
	v17 =	vcvt.f32.s32 v17  }
0x138: {  	v18 =	vand.u32 $0xFF, v18;
	v21 =	vld [tilespmem:s18+$0x60];
	v16 =	vor.u32 v20, v16  }
0x139: {  	v18 =	vor.u32 v7, v18;
	v20 =	vshrl.u32 v17, $0x8  }
0x13a: {  	[tilespmem:v19+s11+$0x0] =	vst.idx.add.f32.msk $0xffff, v2;
	v19 =	vadd.s32 v7, v20  }
0x13b: {  	[tilespmem:v15+s11+$0x0] =	vst.idx.add.f32.msk $0xffff, v2;
	v15 =	vand.u32 $0x7F, v20;
	v19 =	vand.u32 $0x1FFFF80, v19  }
0x13c: {  	v17 =	vand.u32 $0xFF, v17;
	v20 =	vld [tilespmem:s18+$0xFFFFFFE0];
	v15 =	vor.u32 v15, v19  }
0x13d: {  	v19 =	vtrunc.f32 v21;
	[tilespmem:v16+s11+$0x0] =	vst.idx.add.f32.msk $0xffff, v2;
	v16 =	vor.u32 v7, v17  }
0x13e: {  	v17 =	vcvt.f32.s32 v19;
	[tilespmem:v18+s11+$0x0] =	vst.idx.add.f32.msk $0xffff, v2  }
0x13f: {  	v18 =	vld [tilespmem:s19+$0x60]  }
0x140: {  	v19 =	vshrl.u32 v17, $0x8  }
0x141: {  	v21 =	vadd.s32 v8, v19;
	v20 =	vtrunc.f32 v20;
	[tilespmem:v15+s11+$0x0] =	vst.idx.add.f32.msk $0xffff, v2  }
0x142: {  	v19 =	vand.u32 $0x7F, v19;
	v15 =	vand.u32 $0x1FFFF80, v21;
	v20 =	vcvt.f32.s32 v20;
	[tilespmem:v16+s11+$0x0] =	vst.idx.add.f32.msk $0xffff, v2  }
0x143: {  	v17 =	vand.u32 $0xFF, v17;
	v15 =	vor.u32 v19, v15;
	v16 =	vld [tilespmem:s19+$0xFFFFFFE0]  }
0x144: {  	v17 =	vor.u32 v8, v17;
	v19 =	vshrl.u32 v20, $0x8;
	v18 =	vtrunc.f32 v18  }
0x145: {  	v21 =	vadd.s32 v8, v19;
	v18 =	vcvt.f32.s32 v18  }
0x146: {  	[tilespmem:v14+s11+$0x0] =	vst.idx.add.f32.msk $0xffff, v2;
	v19 =	vand.u32 $0x7F, v19;
	v14 =	vand.u32 $0x1FFFF80, v21  }
0x147: {  	[tilespmem:v13+s11+$0x0] =	vst.idx.add.f32.msk $0xffff, v2;
	v13 =	vand.u32 $0xFF, v20;
	v14 =	vor.u32 v19, v14;
	v19 =	vshrl.u32 v18, $0x8  }
0x148: {  	v13 =	vor.u32 v8, v13;
	v21 =	vadd.s32 v8, v19;
	[tilespmem:v15+s11+$0x0] =	vst.idx.add.f32.msk $0xffff, v2;
	v16 =	vtrunc.f32 v16  }
0x149: {  	v19 =	vand.u32 $0x7F, v19;
	v15 =	vand.u32 $0x1FFFF80, v21;
	[tilespmem:v17+s11+$0x0] =	vst.idx.add.f32.msk $0xffff, v2;
	v16 =	vcvt.f32.s32 v16  }
0x14a: {  	v17 =	vand.u32 $0xFF, v18;
	v15 =	vor.u32 v19, v15;
	v18 =	vld [tilespmem:s18+$0x70]  }
0x14b: {  	v20 =	vld [tilespmem:s17+$0xFFFFFFF0];
	v17 =	vor.u32 v8, v17;
	v19 =	vshrl.u32 v16, $0x8  }
0x14c: {  	[tilespmem:v14+s11+$0x0] =	vst.idx.add.f32.msk $0xffff, v2;
	v14 =	vadd.s32 v8, v19  }
0x14d: {  	[tilespmem:v13+s11+$0x0] =	vst.idx.add.f32.msk $0xffff, v2;
	v13 =	vand.u32 $0x1FFFF80, v14;
	v14 =	vand.u32 $0x7F, v19  }
0x14e: {  	v16 =	vand.u32 $0xFF, v16;
	v19 =	vld [tilespmem:s18+$0xFFFFFFF0];
	v13 =	vor.u32 v14, v13  }
0x14f: {  	[tilespmem:v15+s11+$0x0] =	vst.idx.add.f32.msk $0xffff, v2;
	v14 =	vor.u32 v8, v16;
	v16 =	vtrunc.f32 v18  }
0x150: {  	v15 =	vtrunc.f32 v20;
	[tilespmem:v17+s11+$0x0] =	vst.idx.add.f32.msk $0xffff, v2;
	v16 =	vcvt.f32.s32 v16  }
0x151: {  	v12 =	vand.u32 $0x1FFFF80, v12;
	v15 =	vcvt.f32.s32 v15;
	v17 =	vld [tilespmem:s19+$0x70]  }
0x152: {  	v10 =	vor.u32 v9, v10;
	v11 =	vor.u32 v11, v12;
	v18 =	vshrl.u32 v16, $0x8  }
0x153: {  	v12 =	vshrl.u32 v15, $0x8;
	v16 =	vand.u32 $0xFF, v16;
	v20 =	vadd.s32 v9, v18;
	[tilespmem:v13+s11+$0x0] =	vst.idx.add.f32.msk $0xffff, v2  }
0x154: {  	v18 =	vand.u32 $0x7F, v18;
	v19 =	vtrunc.f32 v19;
	v16 =	vor.u32 v9, v16;
	[tilespmem:v14+s11+$0x0] =	vst.idx.add.f32.msk $0xffff, v2  }
0x155: {  	v13 =	vand.u32 $0xFF, v15;
	v15 =	vadd.s32 v9, v12;
	v14 =	vand.u32 $0x1FFFF80, v20;
	v20 =	vld [tilespmem:s19+$0xFFFFFFF0]  }
0x156: {  	v12 =	vand.u32 $0x7F, v12;
	v19 =	vcvt.f32.s32 v19;
	v17 =	vtrunc.f32 v17  }
0x157: {  	v15 =	vand.u32 $0x1FFFF80, v15;
	v14 =	vor.u32 v18, v14;
	v17 =	vcvt.f32.s32 v17  }
0x158: {  	[tilespmem:v11+s11+$0x0] =	vst.idx.add.f32.msk $0xffff, v2;
	v13 =	vor.u32 v9, v13;
	v12 =	vor.u32 v12, v15;
	v15 =	vshrl.u32 v19, $0x8  }
0x159: {  	[tilespmem:v10+s11+$0x0] =	vst.idx.add.f32.msk $0xffff, v2;
	v21 =	vadd.s32 v9, v15;
	v10 =	vand.u32 $0x7F, v15;
	v18 =	vshrl.u32 v17, $0x8  }
0x15a: {  	v15 =	vand.u32 $0xFF, v17;
	v22 =	vadd.s32 v9, v18;
	v20 =	vtrunc.f32 v20  }
0x15b: {  	v18 =	vand.u32 $0x7F, v18;
	v11 =	vand.u32 $0x1FFFF80, v22;
	v20 =	vcvt.f32.s32 v20  }
0x15c: {  	[tilespmem:v14+s11+$0x0] =	vst.idx.add.f32.msk $0xffff, v2;
	v14 =	vor.u32 v9, v15;
	v15 =	vand.u32 $0x1FFFF80, v21;
	v11 =	vor.u32 v18, v11  }
0x15d: {  	v10 =	vor.u32 v10, v15;
	v17 =	vshrl.u32 v20, $0x8  }
0x15e: {  	[tilespmem:v16+s11+$0x0] =	vst.idx.add.f32.msk $0xffff, v2;
	v16 =	vand.u32 $0xFF, v19;
	v15 =	vadd.s32 v9, v17  }
0x15f: {  	[tilespmem:v12+s11+$0x0] =	vst.idx.add.f32.msk $0xffff, v2;
	v12 =	vor.u32 v9, v16;
	v16 =	vand.u32 $0x7F, v17;
	v15 =	vand.u32 $0x1FFFF80, v15  }
0x160: {  	[tilespmem:v13+s11+$0x0] =	vst.idx.add.f32.msk $0xffff, v2;
	v13 =	vand.u32 $0xFF, v20;
	v15 =	vor.u32 v16, v15  }
0x161: {  	[tilespmem:v11+s11+$0x0] =	vst.idx.add.f32.msk $0xffff, v2;
	v11 =	vor.u32 v9, v13  }
0x162: {  	[tilespmem:v10+s11+$0x0] =	vst.idx.add.f32.msk $0xffff, v2  }
0x163: {  	[tilespmem:v14+s11+$0x0] =	vst.idx.add.f32.msk $0xffff, v2  }
0x164: {  	[tilespmem:v12+s11+$0x0] =	vst.idx.add.f32.msk $0xffff, v2  }
0x165: {  	[tilespmem:v15+s11+$0x0] =	vst.idx.add.f32.msk $0xffff, v2  }
0x166: {  	[tilespmem:v11+s11+$0x0] =	vst.idx.add.f32.msk $0xffff, v2  }
0x167: {  	_ =	swait.ge [sflag:s12], $0x8000  }
0x168: {  	p0 =	seq.s32 s15, $0x3;
	s31 =	simm.s32 $0x8080;
	[sflag:s12] =	ssyncset.done $0x0  }
0x169: {  	s16 =	sadd.s32 @!p0 s16, s6;
	s17 =	simm.s32 @!p0 $0x0;
	[sflag:s12] =	ssyncadd.s32 $0xFFFF8000  }
0x16a: {  	[tilespmem:s17], [sflag:$0x1] =	stream.linear.gather @!p0 [hbm4b:s16+s17], $0x8000, $0x38;
	[tilespmem:$0x18000] =	vst v63  }
0x16b: {  	v10 =	vld [tilespmem:s31+$0x0];
	_ =	sdelay $0x4  }
0x16c: {  	v10 =	vtrunc.f32 v10  }
0x16d: {  	v10 =	vcvt.f32.s32 v10;
	_ =	sdelay $0x1  }
0x16e: {  	v11 =	vshrl.u32 v10, $0x8  }
0x16f: {  	v12 =	vld [tilespmem:s31+$0xFFFFFF80];
	v13 =	vadd.s32 v0, v11  }
0x170: {  	v11 =	vand.u32 $0x7F, v11;
	v13 =	vand.u32 $0x1FFFF80, v13  }
0x171: {  	v10 =	vand.u32 $0xFF, v10;
	v11 =	vor.u32 v11, v13  }
0x172: {  	v10 =	vor.u32 v0, v10;
	_ =	sdelay $0x1  }
0x173: {  	v12 =	vtrunc.f32 v12  }
0x174: {  	v12 =	vcvt.f32.s32 v12  }
0x175: {  	[tilespmem:v11+s11+$0x0] =	vst.idx.add.f32.msk $0xffff, v2  }
0x176: {  	v11 =	vshrl.u32 v12, $0x8;
	[tilespmem:v10+s11+$0x0] =	vst.idx.add.f32.msk $0xffff, v2  }
0x177: {  	v10 =	vadd.s32 v0, v11;
	v13 =	vld [tilespmem:s31+$0x10]  }
0x178: {  	v11 =	vand.u32 $0x7F, v11;
	v10 =	vand.u32 $0x1FFFF80, v10  }
0x179: {  	v12 =	vand.u32 $0xFF, v12;
	v10 =	vor.u32 v11, v10  }
0x17a: {  	v11 =	vor.u32 v0, v12;
	_ =	sdelay $0x1  }
0x17b: {  	v12 =	vtrunc.f32 v13  }
0x17c: {  	v12 =	vcvt.f32.s32 v12  }
0x17d: {  	[tilespmem:v10+s11+$0x0] =	vst.idx.add.f32.msk $0xffff, v2  }
0x17e: {  	[tilespmem:v11+s11+$0x0] =	vst.idx.add.f32.msk $0xffff, v2;
	v10 =	vshrl.u32 v12, $0x8  }
0x17f: {  	v11 =	vld [tilespmem:s31+$0xFFFFFF90];
	v13 =	vadd.s32 v3, v10  }
0x180: {  	v10 =	vand.u32 $0x7F, v10;
	v13 =	vand.u32 $0x1FFFF80, v13  }
0x181: {  	v12 =	vand.u32 $0xFF, v12;
	v10 =	vor.u32 v10, v13  }
0x182: {  	v12 =	vor.u32 v3, v12;
	_ =	sdelay $0x1  }
0x183: {  	v11 =	vtrunc.f32 v11  }
0x184: {  	v11 =	vcvt.f32.s32 v11  }
0x185: {  	[tilespmem:v10+s11+$0x0] =	vst.idx.add.f32.msk $0xffff, v2  }
0x186: {  	v10 =	vshrl.u32 v11, $0x8;
	[tilespmem:v12+s11+$0x0] =	vst.idx.add.f32.msk $0xffff, v2  }
0x187: {  	v12 =	vadd.s32 v3, v10;
	v13 =	vld [tilespmem:s31+$0x20]  }
0x188: {  	v10 =	vand.u32 $0x7F, v10;
	v12 =	vand.u32 $0x1FFFF80, v12  }
0x189: {  	v11 =	vand.u32 $0xFF, v11;
	v10 =	vor.u32 v10, v12  }
0x18a: {  	v11 =	vor.u32 v3, v11;
	_ =	sdelay $0x1  }
0x18b: {  	v12 =	vtrunc.f32 v13  }
0x18c: {  	v12 =	vcvt.f32.s32 v12  }
0x18d: {  	[tilespmem:v10+s11+$0x0] =	vst.idx.add.f32.msk $0xffff, v2  }
0x18e: {  	[tilespmem:v11+s11+$0x0] =	vst.idx.add.f32.msk $0xffff, v2;
	v10 =	vshrl.u32 v12, $0x8  }
0x18f: {  	v11 =	vld [tilespmem:s31+$0xFFFFFFA0];
	v13 =	vadd.s32 v4, v10  }
0x190: {  	v10 =	vand.u32 $0x7F, v10;
	v13 =	vand.u32 $0x1FFFF80, v13  }
0x191: {  	s16 =	simm.s32 $0x8180;
	v12 =	vand.u32 $0xFF, v12;
	v10 =	vor.u32 v10, v13  }
0x192: {  	v12 =	vor.u32 v4, v12;
	v13 =	vld [tilespmem:s16+$0x0]  }
0x193: {  	v14 =	vld [tilespmem:s16+$0xFFFFFF80]  }
0x194: {  	v11 =	vtrunc.f32 v11  }
0x195: {  	v11 =	vcvt.f32.s32 v11  }
0x196: {  	[tilespmem:v10+s11+$0x0] =	vst.idx.add.f32.msk $0xffff, v2  }
0x197: {  	v10 =	vshrl.u32 v11, $0x8;
	v13 =	vtrunc.f32 v13;
	[tilespmem:v12+s11+$0x0] =	vst.idx.add.f32.msk $0xffff, v2  }
0x198: {  	v14 =	vtrunc.f32 v14;
	v12 =	vadd.s32 v4, v10;
	v13 =	vcvt.f32.s32 v13;
	v15 =	vld [tilespmem:s31+$0x30]  }
0x199: {  	v14 =	vcvt.f32.s32 v14;
	v10 =	vand.u32 $0x7F, v10;
	v12 =	vand.u32 $0x1FFFF80, v12  }
0x19a: {  	v11 =	vand.u32 $0xFF, v11;
	v16 =	vshrl.u32 v13, $0x8;
	v10 =	vor.u32 v10, v12  }
0x19b: {  	v11 =	vor.u32 v4, v11;
	v12 =	vadd.s32 v0, v16  }
0x19c: {  	v17 =	vshrl.u32 v14, $0x8;
	v16 =	vand.u32 $0x7F, v16;
	v12 =	vand.u32 $0x1FFFF80, v12  }
0x19d: {  	v13 =	vand.u32 $0xFF, v13;
	v12 =	vor.u32 v16, v12;
	v15 =	vtrunc.f32 v15  }
0x19e: {  	v13 =	vor.u32 v0, v13;
	v16 =	vadd.s32 v0, v17;
	v15 =	vcvt.f32.s32 v15  }
0x19f: {  	v17 =	vand.u32 $0x7F, v17;
	v16 =	vand.u32 $0x1FFFF80, v16;
	[tilespmem:v10+s11+$0x0] =	vst.idx.add.f32.msk $0xffff, v2  }
0x1a0: {  	v10 =	vand.u32 $0xFF, v14;
	v14 =	vor.u32 v17, v16;
	[tilespmem:v11+s11+$0x0] =	vst.idx.add.f32.msk $0xffff, v2;
	v11 =	vshrl.u32 v15, $0x8  }
0x1a1: {  	v10 =	vor.u32 v0, v10;
	v16 =	vld [tilespmem:s31+$0xFFFFFFB0];
	v17 =	vadd.s32 v5, v11  }
0x1a2: {  	[tilespmem:v12+s11+$0x0] =	vst.idx.add.f32.msk $0xffff, v2;
	v11 =	vand.u32 $0x7F, v11;
	v12 =	vand.u32 $0x1FFFF80, v17  }
0x1a3: {  	[tilespmem:v13+s11+$0x0] =	vst.idx.add.f32.msk $0xffff, v2;
	v11 =	vor.u32 v11, v12;
	v12 =	vand.u32 $0xFF, v15  }
0x1a4: {  	v13 =	vld [tilespmem:s16+$0x10];
	v12 =	vor.u32 v5, v12  }
0x1a5: {  	[tilespmem:v14+s11+$0x0] =	vst.idx.add.f32.msk $0xffff, v2  }
0x1a6: {  	[tilespmem:v10+s11+$0x0] =	vst.idx.add.f32.msk $0xffff, v2  }
0x1a7: {  	v10 =	vtrunc.f32 v16;
	v14 =	vld [tilespmem:s16+$0xFFFFFF90]  }
0x1a8: {  	v10 =	vcvt.f32.s32 v10;
	[tilespmem:v11+s11+$0x0] =	vst.idx.add.f32.msk $0xffff, v2  }
0x1a9: {  	v11 =	vtrunc.f32 v13;
	[tilespmem:v12+s11+$0x0] =	vst.idx.add.f32.msk $0xffff, v2  }
0x1aa: {  	v11 =	vcvt.f32.s32 v11;
	v12 =	vshrl.u32 v10, $0x8;
	v13 =	vld [tilespmem:s31+$0x40]  }
0x1ab: {  	v10 =	vand.u32 $0xFF, v10;
	v15 =	vadd.s32 v5, v12;
	v12 =	vand.u32 $0x7F, v12  }
0x1ac: {  	v14 =	vtrunc.f32 v14;
	v16 =	vshrl.u32 v11, $0x8;
	v15 =	vand.u32 $0x1FFFF80, v15  }
0x1ad: {  	v10 =	vor.u32 v5, v10;
	v17 =	vadd.s32 v3, v16;
	v12 =	vor.u32 v12, v15  }
0x1ae: {  	v14 =	vcvt.f32.s32 v14;
	v16 =	vand.u32 $0x7F, v16;
	v15 =	vand.u32 $0x1FFFF80, v17  }
0x1af: {  	v11 =	vand.u32 $0xFF, v11;
	v15 =	vor.u32 v16, v15;
	v13 =	vtrunc.f32 v13  }
0x1b0: {  	v11 =	vor.u32 v3, v11;
	v13 =	vcvt.f32.s32 v13  }
0x1b1: {  	v16 =	vshrl.u32 v14, $0x8  }
0x1b2: {  	v17 =	vadd.s32 v3, v16;
	[tilespmem:v12+s11+$0x0] =	vst.idx.add.f32.msk $0xffff, v2;
	v12 =	vshrl.u32 v13, $0x8  }
0x1b3: {  	v16 =	vand.u32 $0x7F, v16;
	v17 =	vand.u32 $0x1FFFF80, v17;
	[tilespmem:v10+s11+$0x0] =	vst.idx.add.f32.msk $0xffff, v2;
	v10 =	vadd.s32 v6, v12  }
0x1b4: {  	v16 =	vor.u32 v16, v17;
	[tilespmem:v15+s11+$0x0] =	vst.idx.add.f32.msk $0xffff, v2;
	v12 =	vand.u32 $0x7F, v12;
	v10 =	vand.u32 $0x1FFFF80, v10  }
0x1b5: {  	[tilespmem:v11+s11+$0x0] =	vst.idx.add.f32.msk $0xffff, v2;
	v11 =	vand.u32 $0xFF, v13;
	v10 =	vor.u32 v12, v10  }
0x1b6: {  	v12 =	vld [tilespmem:s16+$0x20];
	v11 =	vor.u32 v6, v11  }
0x1b7: {  	v14 =	vand.u32 $0xFF, v14  }
0x1b8: {  	v14 =	vor.u32 v3, v14;
	v13 =	vld [tilespmem:s31+$0xFFFFFFC0]  }
0x1b9: {  	[tilespmem:v16+s11+$0x0] =	vst.idx.add.f32.msk $0xffff, v2  }
0x1ba: {  	[tilespmem:v10+s11+$0x0] =	vst.idx.add.f32.msk $0xffff, v2  }
0x1bb: {  	v10 =	vtrunc.f32 v12;
	[tilespmem:v11+s11+$0x0] =	vst.idx.add.f32.msk $0xffff, v2  }
0x1bc: {  	v10 =	vcvt.f32.s32 v10;
	v12 =	vld [tilespmem:s31+$0x50]  }
0x1bd: {  	[tilespmem:v14+s11+$0x0] =	vst.idx.add.f32.msk $0xffff, v2;
	v11 =	vtrunc.f32 v13  }
0x1be: {  	v13 =	vld [tilespmem:s16+$0xFFFFFFA0];
	v11 =	vcvt.f32.s32 v11;
	v14 =	vshrl.u32 v10, $0x8  }
0x1bf: {  	s17 =	simm.s32 $0x8280;
	v10 =	vand.u32 $0xFF, v10;
	v15 =	vadd.s32 v4, v14  }
0x1c0: {  	v18 =	vld [tilespmem:s17+$0xFFFFFF80];
	v16 =	vshrl.u32 v11, $0x8;
	v14 =	vand.u32 $0x7F, v14;
	v15 =	vand.u32 $0x1FFFF80, v15  }
0x1c1: {  	v10 =	vor.u32 v4, v10;
	v14 =	vor.u32 v14, v15;
	v12 =	vtrunc.f32 v12  }
0x1c2: {  	v11 =	vand.u32 $0xFF, v11;
	v17 =	vadd.s32 v6, v16;
	v15 =	vld [tilespmem:s17+$0x0];
	v12 =	vcvt.f32.s32 v12  }
0x1c3: {  	v16 =	vand.u32 $0x7F, v16;
	v13 =	vtrunc.f32 v13;
	v17 =	vand.u32 $0x1FFFF80, v17  }
0x1c4: {  	v13 =	vcvt.f32.s32 v13;
	v16 =	vor.u32 v16, v17;
	v17 =	vshrl.u32 v12, $0x8  }
0x1c5: {  	v18 =	vtrunc.f32 v18;
	v11 =	vor.u32 v6, v11;
	v20 =	vadd.s32 v7, v17  }
0x1c6: {  	v19 =	vshrl.u32 v13, $0x8;
	[tilespmem:v14+s11+$0x0] =	vst.idx.add.f32.msk $0xffff, v2;
	v17 =	vand.u32 $0x7F, v17;
	v14 =	vand.u32 $0x1FFFF80, v20  }
0x1c7: {  	v12 =	vand.u32 $0xFF, v12;
	v15 =	vtrunc.f32 v15;
	[tilespmem:v10+s11+$0x0] =	vst.idx.add.f32.msk $0xffff, v2;
	v10 =	vor.u32 v17, v14  }
0x1c8: {  	v12 =	vor.u32 v7, v12;
	v15 =	vcvt.f32.s32 v15;
	v14 =	vadd.s32 v4, v19;
	v17 =	vld [tilespmem:s16+$0x30]  }
0x1c9: {  	v13 =	vand.u32 $0xFF, v13;
	[tilespmem:v16+s11+$0x0] =	vst.idx.add.f32.msk $0xffff, v2;
	v19 =	vand.u32 $0x7F, v19;
	v14 =	vand.u32 $0x1FFFF80, v14  }
0x1ca: {  	v16 =	vcvt.f32.s32 v18;
	[tilespmem:v11+s11+$0x0] =	vst.idx.add.f32.msk $0xffff, v2;
	v18 =	vshrl.u32 v15, $0x8;
	v14 =	vor.u32 v19, v14  }
0x1cb: {  	v11 =	vor.u32 v4, v13;
	v13 =	vadd.s32 v0, v18;
	v19 =	vld [tilespmem:s31+$0xFFFFFFD0]  }
0x1cc: {  	v20 =	vshrl.u32 v16, $0x8;
	v18 =	vand.u32 $0x7F, v18;
	v13 =	vand.u32 $0x1FFFF80, v13;
	[tilespmem:v10+s11+$0x0] =	vst.idx.add.f32.msk $0xffff, v2  }
0x1cd: {  	v10 =	vor.u32 v18, v13;
	v13 =	vand.u32 $0xFF, v15;
	v15 =	vtrunc.f32 v17;
	[tilespmem:v12+s11+$0x0] =	vst.idx.add.f32.msk $0xffff, v2  }
0x1ce: {  	v12 =	vadd.s32 v0, v20;
	v13 =	vor.u32 v0, v13;
	v15 =	vcvt.f32.s32 v15;
	v17 =	vld [tilespmem:s31+$0x60]  }
0x1cf: {  	v18 =	vand.u32 $0x7F, v20;
	v12 =	vand.u32 $0x1FFFF80, v12;
	[tilespmem:v14+s11+$0x0] =	vst.idx.add.f32.msk $0xffff, v2  }
0x1d0: {  	v14 =	vand.u32 $0xFF, v16;
	v12 =	vor.u32 v18, v12;
	[tilespmem:v11+s11+$0x0] =	vst.idx.add.f32.msk $0xffff, v2;
	v11 =	vshrl.u32 v15, $0x8  }
0x1d1: {  	v16 =	vtrunc.f32 v19;
	v14 =	vor.u32 v0, v14;
	v18 =	vld [tilespmem:s16+$0xFFFFFFB0];
	v19 =	vadd.s32 v5, v11  }
0x1d2: {  	v16 =	vcvt.f32.s32 v16;
	v11 =	vand.u32 $0x7F, v11;
	[tilespmem:v10+s11+$0x0] =	vst.idx.add.f32.msk $0xffff, v2;
	v10 =	vand.u32 $0x1FFFF80, v19  }
0x1d3: {  	[tilespmem:v13+s11+$0x0] =	vst.idx.add.f32.msk $0xffff, v2;
	v10 =	vor.u32 v11, v10;
	v11 =	vand.u32 $0xFF, v15;
	v13 =	vtrunc.f32 v17  }
0x1d4: {  	v15 =	vld [tilespmem:s17+$0x10];
	v11 =	vor.u32 v5, v11;
	v17 =	vshrl.u32 v16, $0x8;
	v13 =	vcvt.f32.s32 v13  }
0x1d5: {  	v16 =	vand.u32 $0xFF, v16;
	[tilespmem:v12+s11+$0x0] =	vst.idx.add.f32.msk $0xffff, v2;
	v12 =	vadd.s32 v7, v17;
	v17 =	vand.u32 $0x7F, v17  }
0x1d6: {  	[tilespmem:v14+s11+$0x0] =	vst.idx.add.f32.msk $0xffff, v2;
	v14 =	vtrunc.f32 v18;
	v12 =	vand.u32 $0x1FFFF80, v12;
	v18 =	vshrl.u32 v13, $0x8  }
0x1d7: {  	v19 =	vld [tilespmem:s17+$0xFFFFFF90];
	v12 =	vor.u32 v17, v12;
	v13 =	vand.u32 $0xFF, v13;
	v17 =	vadd.s32 v8, v18  }
0x1d8: {  	v14 =	vcvt.f32.s32 v14;
	[tilespmem:v10+s11+$0x0] =	vst.idx.add.f32.msk $0xffff, v2;
	v10 =	vor.u32 v7, v16;
	v13 =	vor.u32 v8, v13  }
0x1d9: {  	v16 =	vand.u32 $0x1FFFF80, v17;
	v17 =	vand.u32 $0x7F, v18;
	v15 =	vtrunc.f32 v15;
	[tilespmem:v11+s11+$0x0] =	vst.idx.add.f32.msk $0xffff, v2  }
0x1da: {  	v11 =	vor.u32 v17, v16;
	v15 =	vcvt.f32.s32 v15;
	v16 =	vshrl.u32 v14, $0x8;
	v17 =	vld [tilespmem:s16+$0x40]  }
0x1db: {  	v14 =	vand.u32 $0xFF, v14;
	v18 =	vadd.s32 v5, v16;
	v16 =	vand.u32 $0x7F, v16  }
0x1dc: {  	v19 =	vtrunc.f32 v19;
	v20 =	vshrl.u32 v15, $0x8;
	v18 =	vand.u32 $0x1FFFF80, v18;
	[tilespmem:v12+s11+$0x0] =	vst.idx.add.f32.msk $0xffff, v2  }
0x1dd: {  	v12 =	vcvt.f32.s32 v19;
	v19 =	vadd.s32 v3, v20;
	v16 =	vor.u32 v16, v18;
	[tilespmem:v10+s11+$0x0] =	vst.idx.add.f32.msk $0xffff, v2  }
0x1de: {  	v14 =	vor.u32 v5, v14;
	v18 =	vand.u32 $0x7F, v20;
	v10 =	vand.u32 $0x1FFFF80, v19;
	v19 =	vld [tilespmem:s31+$0xFFFFFFE0]  }
0x1df: {  	[tilespmem:v11+s11+$0x0] =	vst.idx.add.f32.msk $0xffff, v2;
	v10 =	vor.u32 v18, v10;
	v11 =	vand.u32 $0xFF, v15;
	v15 =	vtrunc.f32 v17  }
0x1e0: {  	[tilespmem:v13+s11+$0x0] =	vst.idx.add.f32.msk $0xffff, v2;
	v13 =	vshrl.u32 v12, $0x8;
	v11 =	vor.u32 v3, v11;
	v15 =	vcvt.f32.s32 v15  }
0x1e1: {  	v17 =	vld [tilespmem:s31+$0x70];
	v18 =	vadd.s32 v3, v13  }
0x1e2: {  	v13 =	vand.u32 $0x7F, v13;
	v18 =	vand.u32 $0x1FFFF80, v18;
	[tilespmem:v16+s11+$0x0] =	vst.idx.add.f32.msk $0xffff, v2;
	v16 =	vshrl.u32 v15, $0x8  }
0x1e3: {  	v12 =	vand.u32 $0xFF, v12;
	v13 =	vor.u32 v13, v18;
	[tilespmem:v14+s11+$0x0] =	vst.idx.add.f32.msk $0xffff, v2;
	v14 =	vadd.s32 v6, v16  }
0x1e4: {  	v12 =	vor.u32 v3, v12;
	[tilespmem:v10+s11+$0x0] =	vst.idx.add.f32.msk $0xffff, v2;
	v10 =	vand.u32 $0x1FFFF80, v14;
	v14 =	vand.u32 $0x7F, v16  }
0x1e5: {  	[tilespmem:v11+s11+$0x0] =	vst.idx.add.f32.msk $0xffff, v2;
	v10 =	vor.u32 v14, v10  }
0x1e6: {  	v11 =	vand.u32 $0xFF, v15;
	v15 =	vld [tilespmem:s17+$0x20]  }
0x1e7: {  	v16 =	vtrunc.f32 v19;
	v14 =	vtrunc.f32 v17;
	v11 =	vor.u32 v6, v11;
	v17 =	vld [tilespmem:s16+$0xFFFFFFC0]  }
0x1e8: {  	v16 =	vcvt.f32.s32 v16;
	v14 =	vcvt.f32.s32 v14;
	[tilespmem:v13+s11+$0x0] =	vst.idx.add.f32.msk $0xffff, v2  }
0x1e9: {  	[tilespmem:v12+s11+$0x0] =	vst.idx.add.f32.msk $0xffff, v2  }
0x1ea: {  	v13 =	vshrl.u32 v14, $0x8;
	v12 =	vshrl.u32 v16, $0x8;
	v16 =	vand.u32 $0xFF, v16;
	[tilespmem:v10+s11+$0x0] =	vst.idx.add.f32.msk $0xffff, v2  }
0x1eb: {  	v18 =	vadd.s32 v9, v13;
	v10 =	vadd.s32 v8, v12;
	v19 =	vld [tilespmem:s17+$0xFFFFFFA0];
	v12 =	vand.u32 $0x7F, v12  }
0x1ec: {  	v18 =	vand.u32 $0x1FFFF80, v18;
	v15 =	vtrunc.f32 v15;
	[tilespmem:v11+s11+$0x0] =	vst.idx.add.f32.msk $0xffff, v2;
	v11 =	vand.u32 $0x7F, v13  }
0x1ed: {  	v10 =	vand.u32 $0x1FFFF80, v10;
	v13 =	vcvt.f32.s32 v15;
	v15 =	vtrunc.f32 v17;
	v17 =	vld [tilespmem:s16+$0x50]  }
0x1ee: {  	v11 =	vor.u32 v11, v18;
	v10 =	vor.u32 v12, v10;
	v15 =	vcvt.f32.s32 v15  }
0x1ef: {  	v12 =	vor.u32 v8, v16;
	v18 =	vshrl.u32 v13, $0x8;
	v13 =	vand.u32 $0xFF, v13  }
0x1f0: {  	v16 =	vadd.s32 v4, v18;
	v20 =	vshrl.u32 v15, $0x8;
	v18 =	vand.u32 $0x7F, v18  }
0x1f1: {  	s18 =	simm.s32 $0x8380;
	v19 =	vtrunc.f32 v19;
	v13 =	vor.u32 v4, v13;
	v16 =	vand.u32 $0x1FFFF80, v16  }
0x1f2: {  	v22 =	vld [tilespmem:s18+$0xFFFFFF80];
	v21 =	vadd.s32 v6, v20;
	v16 =	vor.u32 v18, v16;
	v17 =	vtrunc.f32 v17  }
0x1f3: {  	v20 =	vand.u32 $0x7F, v20;
	v18 =	vld [tilespmem:s18+$0x0];
	v21 =	vand.u32 $0x1FFFF80, v21;
	v17 =	vcvt.f32.s32 v17  }
0x1f4: {  	v19 =	vcvt.f32.s32 v19;
	[tilespmem:v10+s11+$0x0] =	vst.idx.add.f32.msk $0xffff, v2;
	v20 =	vor.u32 v20, v21  }
0x1f5: {  	v15 =	vand.u32 $0xFF, v15;
	[tilespmem:v11+s11+$0x0] =	vst.idx.add.f32.msk $0xffff, v2;
	v21 =	vshrl.u32 v17, $0x8  }
0x1f6: {  	v10 =	vor.u32 v6, v15;
	v15 =	vshrl.u32 v19, $0x8;
	[tilespmem:v12+s11+$0x0] =	vst.idx.add.f32.msk $0xffff, v2;
	v23 =	vadd.s32 v7, v21  }
0x1f7: {  	v12 =	vand.u32 $0xFF, v19;
	v19 =	vand.u32 $0x7F, v21;
	[tilespmem:v16+s11+$0x0] =	vst.idx.add.f32.msk $0xffff, v2;
	v16 =	vand.u32 $0x1FFFF80, v23  }
0x1f8: {  	[tilespmem:v13+s11+$0x0] =	vst.idx.add.f32.msk $0xffff, v2;
	v13 =	vor.u32 v19, v16;
	v16 =	vand.u32 $0xFF, v17  }
0x1f9: {  	v18 =	vtrunc.f32 v18;
	v17 =	vadd.s32 v4, v15;
	[tilespmem:v20+s11+$0x0] =	vst.idx.add.f32.msk $0xffff, v2;
	v16 =	vor.u32 v7, v16  }
0x1fa: {  	v18 =	vcvt.f32.s32 v18;
	v15 =	vand.u32 $0x7F, v15;
	v19 =	vld [tilespmem:s17+$0x30];
	v17 =	vand.u32 $0x1FFFF80, v17  }
0x1fb: {  	v21 =	vtrunc.f32 v22;
	[tilespmem:v10+s11+$0x0] =	vst.idx.add.f32.msk $0xffff, v2;
	v15 =	vor.u32 v15, v17  }
0x1fc: {  	v20 =	vcvt.f32.s32 v21;
	v21 =	vshrl.u32 v18, $0x8;
	v17 =	vld [tilespmem:s16+$0xFFFFFFD0]  }
0x1fd: {  	v12 =	vor.u32 v4, v12;
	v10 =	vand.u32 $0xFF, v14;
	v14 =	vadd.s32 v0, v21;
	[tilespmem:v13+s11+$0x0] =	vst.idx.add.f32.msk $0xffff, v2  }
0x1fe: {  	v22 =	vshrl.u32 v20, $0x8;
	v21 =	vand.u32 $0x7F, v21;
	v14 =	vand.u32 $0x1FFFF80, v14;
	[tilespmem:v16+s11+$0x0] =	vst.idx.add.f32.msk $0xffff, v2  }
0x1ff: {  	v13 =	vor.u32 v21, v14;
	v14 =	vand.u32 $0xFF, v18;
	v18 =	vtrunc.f32 v19;
	v19 =	vld [tilespmem:s16+$0x60]  }
0x200: {  	v16 =	vadd.s32 v0, v22;
	v14 =	vor.u32 v0, v14;
	v18 =	vcvt.f32.s32 v18;
	[tilespmem:v15+s11+$0x0] =	vst.idx.add.f32.msk $0xffff, v2  }
0x201: {  	v21 =	vor.u32 v9, v10;
	v10 =	vand.u32 $0x1FFFF80, v16;
	v16 =	vand.u32 $0x7F, v22;
	v22 =	vld [tilespmem:s31+$0xFFFFFFF0]  }
0x202: {  	v15 =	vand.u32 $0xFF, v20;
	v10 =	vor.u32 v16, v10;
	[tilespmem:v12+s11+$0x0] =	vst.idx.add.f32.msk $0xffff, v2;
	v12 =	vshrl.u32 v18, $0x8  }
0x203: {  	v15 =	vor.u32 v0, v15;
	v16 =	vtrunc.f32 v17;
	v17 =	vld [tilespmem:s17+$0xFFFFFFB0];
	v20 =	vadd.s32 v5, v12  }
0x204: {  	v16 =	vcvt.f32.s32 v16;
	[tilespmem:v13+s11+$0x0] =	vst.idx.add.f32.msk $0xffff, v2;
	v12 =	vand.u32 $0x7F, v12;
	v13 =	vand.u32 $0x1FFFF80, v20  }
0x205: {  	[tilespmem:v14+s11+$0x0] =	vst.idx.add.f32.msk $0xffff, v2;
	v12 =	vor.u32 v12, v13;
	v13 =	vand.u32 $0xFF, v18;
	v14 =	vtrunc.f32 v19  }
0x206: {  	v18 =	vld [tilespmem:s18+$0x10];
	v19 =	vshrl.u32 v16, $0x8;
	v13 =	vor.u32 v5, v13;
	v14 =	vcvt.f32.s32 v14  }
0x207: {  	v16 =	vand.u32 $0xFF, v16;
	[tilespmem:v10+s11+$0x0] =	vst.idx.add.f32.msk $0xffff, v2;
	v10 =	vadd.s32 v7, v19;
	v19 =	vand.u32 $0x7F, v19  }
0x208: {  	[tilespmem:v15+s11+$0x0] =	vst.idx.add.f32.msk $0xffff, v2;
	v15 =	vtrunc.f32 v17;
	v10 =	vand.u32 $0x1FFFF80, v10;
	v17 =	vshrl.u32 v14, $0x8  }
0x209: {  	v20 =	vld [tilespmem:s18+$0xFFFFFF90];
	v15 =	vcvt.f32.s32 v15;
	v10 =	vor.u32 v19, v10;
	v19 =	vadd.s32 v8, v17  }
0x20a: {  	v17 =	vand.u32 $0x7F, v17;
	[tilespmem:v12+s11+$0x0] =	vst.idx.add.f32.msk $0xffff, v2;
	v12 =	vor.u32 v7, v16;
	v16 =	vand.u32 $0x1FFFF80, v19  }
0x20b: {  	v14 =	vand.u32 $0xFF, v14;
	v18 =	vtrunc.f32 v18;
	[tilespmem:v13+s11+$0x0] =	vst.idx.add.f32.msk $0xffff, v2;
	v13 =	vor.u32 v17, v16  }
0x20c: {  	v14 =	vor.u32 v8, v14;
	v16 =	vcvt.f32.s32 v18;
	v17 =	vshrl.u32 v15, $0x8;
	v18 =	vld [tilespmem:s17+$0x40]  }
0x20d: {  	[tilespmem:v21+s11+$0x0] =	vst.idx.add.f32.msk $0xffff, v2;
	v15 =	vand.u32 $0xFF, v15;
	v19 =	vadd.s32 v5, v17;
	v17 =	vand.u32 $0x7F, v17  }
0x20e: {  	v20 =	vtrunc.f32 v20;
	v23 =	vshrl.u32 v16, $0x8;
	v19 =	vand.u32 $0x1FFFF80, v19;
	[tilespmem:v10+s11+$0x0] =	vst.idx.add.f32.msk $0xffff, v2  }
0x20f: {  	v10 =	vcvt.f32.s32 v20;
	v20 =	vadd.s32 v3, v23;
	v17 =	vor.u32 v17, v19;
	[tilespmem:v12+s11+$0x0] =	vst.idx.add.f32.msk $0xffff, v2  }
0x210: {  	v15 =	vor.u32 v5, v15;
	v19 =	vand.u32 $0x7F, v23;
	v12 =	vand.u32 $0x1FFFF80, v20;
	[tilespmem:v13+s11+$0x0] =	vst.idx.add.f32.msk $0xffff, v2  }
0x211: {  	v12 =	vor.u32 v19, v12;
	v13 =	vand.u32 $0xFF, v16;
	v16 =	vtrunc.f32 v18;
	[tilespmem:v14+s11+$0x0] =	vst.idx.add.f32.msk $0xffff, v2  }
0x212: {  	v14 =	vshrl.u32 v10, $0x8;
	v13 =	vor.u32 v3, v13;
	v16 =	vcvt.f32.s32 v16;
	v18 =	vld [tilespmem:s16+$0x70]  }
0x213: {  	v20 =	vld [tilespmem:s16+$0xFFFFFFE0];
	v10 =	vand.u32 $0xFF, v10;
	v19 =	vadd.s32 v3, v14;
	v14 =	vand.u32 $0x7F, v14  }
0x214: {  	v23 =	vor.u32 v3, v10;
	v19 =	vand.u32 $0x1FFFF80, v19;
	[tilespmem:v17+s11+$0x0] =	vst.idx.add.f32.msk $0xffff, v2;
	v10 =	vshrl.u32 v16, $0x8  }
0x215: {  	v17 =	vtrunc.f32 v22;
	v14 =	vor.u32 v14, v19;
	[tilespmem:v15+s11+$0x0] =	vst.idx.add.f32.msk $0xffff, v2;
	v15 =	vadd.s32 v6, v10  }
0x216: {  	[tilespmem:v12+s11+$0x0] =	vst.idx.add.f32.msk $0xffff, v2;
	v10 =	vand.u32 $0x7F, v10;
	v12 =	vand.u32 $0x1FFFF80, v15;
	v15 =	vcvt.f32.s32 v17  }
0x217: {  	[tilespmem:v13+s11+$0x0] =	vst.idx.add.f32.msk $0xffff, v2;
	v13 =	vor.u32 v10, v12;
	v10 =	vand.u32 $0xFF, v16;
	v12 =	vtrunc.f32 v18  }
0x218: {  	v16 =	vld [tilespmem:s18+$0x20];
	v17 =	vor.u32 v6, v10;
	v10 =	vtrunc.f32 v20;
	v18 =	vcvt.f32.s32 v12  }
0x219: {  	v19 =	vld [tilespmem:s17+$0xFFFFFFC0];
	v22 =	vshrl.u32 v15, $0x8;
	v20 =	vcvt.f32.s32 v10;
	v10 =	vand.u32 $0xFF, v15  }
0x21a: {  	v12 =	vadd.s32 v9, v22;
	v11 =	vand.u32 $0x7F, v22;
	[tilespmem:v14+s11+$0x0] =	vst.idx.add.f32.msk $0xffff, v2;
	v15 =	vshrl.u32 v18, $0x8  }
0x21b: {  	[tilespmem:v23+s11+$0x0] =	vst.idx.add.f32.msk $0xffff, v2;
	v21 =	vshrl.u32 v20, $0x8;
	v20 =	vand.u32 $0xFF, v20;
	v22 =	vadd.s32 v9, v15  }
0x21c: {  	v15 =	vand.u32 $0x7F, v15;
	[tilespmem:v13+s11+$0x0] =	vst.idx.add.f32.msk $0xffff, v2;
	v13 =	vadd.s32 v8, v21;
	v22 =	vand.u32 $0x1FFFF80, v22  }
0x21d: {  	v16 =	vtrunc.f32 v16;
	[tilespmem:v17+s11+$0x0] =	vst.idx.add.f32.msk $0xffff, v2;
	v22 =	vor.u32 v15, v22;
	v15 =	vand.u32 $0xFF, v18  }
0x21e: {  	v16 =	vcvt.f32.s32 v16;
	v17 =	vtrunc.f32 v19;
	v24 =	vld [tilespmem:s17+$0x50];
	v25 =	vor.u32 v9, v15  }
0x21f: {  	v14 =	vand.u32 $0x7F, v21;
	v13 =	vand.u32 $0x1FFFF80, v13;
	v19 =	vld [tilespmem:s18+$0xFFFFFFA0];
	v15 =	vcvt.f32.s32 v17  }
0x220: {  	v14 =	vor.u32 v14, v13;
	v13 =	vor.u32 v8, v20;
	v18 =	vshrl.u32 v16, $0x8  }
0x221: {  	v20 =	vadd.s32 v4, v18;
	v17 =	vshrl.u32 v15, $0x8;
	v15 =	vand.u32 $0xFF, v15  }
0x222: {  	v21 =	vand.u32 $0x7F, v18;
	v20 =	vand.u32 $0x1FFFF80, v20;
	v18 =	vadd.s32 v6, v17;
	[tilespmem:v22+s11+$0x0] =	vst.idx.add.f32.msk $0xffff, v2  }
0x223: {  	s20 =	simm.s32 $0x8480;
	s19 =	simm.s32 $0x6;
	v20 =	vor.u32 v21, v20;
	v21 =	vand.u32 $0xFF, v16;
	v16 =	vtrunc.f32 v24;
	[tilespmem:v25+s11+$0x0] =	vst.idx.add.f32.msk $0xffff, v2  }
.LBB2_7:
0x224: {  	v22 =	vld [tilespmem:s20+$0x0];
	v19 =	vtrunc.f32 v19;
	v21 =	vor.u32 v4, v21;
	v16 =	vcvt.f32.s32 v16  }
0x225: {  	v18 =	vand.u32 $0x1FFFF80, v18;
	v17 =	vand.u32 $0x7F, v17;
	v23 =	vld [tilespmem:s20+$0xFFFFFF80];
	v19 =	vcvt.f32.s32 v19  }
0x226: {  	v15 =	vor.u32 v6, v15;
	v17 =	vor.u32 v17, v18;
	v18 =	vshrl.u32 v16, $0x8;
	[tilespmem:v14+s11+$0x0] =	vst.idx.add.f32.msk $0xffff, v2  }
0x227: {  	v14 =	vshrl.u32 v19, $0x8;
	v19 =	vand.u32 $0xFF, v19;
	v24 =	vadd.s32 v7, v18;
	[tilespmem:v13+s11+$0x0] =	vst.idx.add.f32.msk $0xffff, v2  }
0x228: {  	v18 =	vand.u32 $0x7F, v18;
	v13 =	vadd.s32 v4, v14;
	[tilespmem:v20+s11+$0x0] =	vst.idx.add.f32.msk $0xffff, v2;
	v20 =	vand.u32 $0x1FFFF80, v24  }
0x229: {  	v16 =	vand.u32 $0xFF, v16;
	v22 =	vtrunc.f32 v22;
	[tilespmem:v21+s11+$0x0] =	vst.idx.add.f32.msk $0xffff, v2;
	v18 =	vor.u32 v18, v20  }
0x22a: {  	v16 =	vor.u32 v7, v16;
	v20 =	vtrunc.f32 v23;
	v21 =	vcvt.f32.s32 v22;
	v22 =	vld [tilespmem:s18+$0x30]  }
0x22b: {  	v14 =	vand.u32 $0x7F, v14;
	v13 =	vand.u32 $0x1FFFF80, v13;
	v20 =	vcvt.f32.s32 v20;
	[tilespmem:v17+s11+$0x0] =	vst.idx.add.f32.msk $0xffff, v2  }
0x22c: {  	s19 =	sadd.s32 $0x2, s19;
	v13 =	vor.u32 v14, v13;
	v14 =	vor.u32 v4, v19;
	v17 =	vshrl.u32 v21, $0x8;
	[tilespmem:v15+s11+$0x0] =	vst.idx.add.f32.msk $0xffff, v2  }
0x22d: {  	p0 =	slt.u32 s19, $0xFE;
	v15 =	vshrl.u32 v20, $0x8;
	v19 =	vand.u32 $0xFF, v20;
	v20 =	vadd.s32 v0, v17;
	v23 =	vld [tilespmem:s17+$0xFFFFFFD0]  }
0x22e: {  	v17 =	vand.u32 $0x7F, v17;
	v24 =	vadd.s32 v0, v15;
	v20 =	vand.u32 $0x1FFFF80, v20;
	[tilespmem:v18+s11+$0x0] =	vst.idx.add.f32.msk $0xffff, v2  }
0x22f: {  	v18 =	vand.u32 $0xFF, v21;
	v17 =	vor.u32 v17, v20;
	v20 =	vtrunc.f32 v22;
	[tilespmem:v16+s11+$0x0] =	vst.idx.add.f32.msk $0xffff, v2  }
0x230: {  	v16 =	vand.u32 $0x1FFFF80, v24;
	v18 =	vor.u32 v0, v18;
	v20 =	vcvt.f32.s32 v20;
	v21 =	vld [tilespmem:s17+$0x60]  }
0x231: {  	v12 =	vand.u32 $0x1FFFF80, v12;
	v15 =	vand.u32 $0x7F, v15;
	v19 =	vor.u32 v0, v19;
	[tilespmem:v13+s11+$0x0] =	vst.idx.add.f32.msk $0xffff, v2  }
0x232: {  	v13 =	vor.u32 v15, v16;
	[tilespmem:v14+s11+$0x0] =	vst.idx.add.f32.msk $0xffff, v2;
	v14 =	vshrl.u32 v20, $0x8;
	v15 =	vtrunc.f32 v23  }
0x233: {  	v22 =	vld [tilespmem:s18+$0xFFFFFFB0];
	v16 =	vadd.s32 v5, v14;
	v23 =	vcvt.f32.s32 v15;
	v15 =	vor.u32 v11, v12  }
0x234: {  	v12 =	vand.u32 $0x7F, v14;
	[tilespmem:v17+s11+$0x0] =	vst.idx.add.f32.msk $0xffff, v2;
	v11 =	vand.u32 $0x1FFFF80, v16;
	v16 =	vor.u32 v9, v10  }
0x235: {  	[tilespmem:v18+s11+$0x0] =	vst.idx.add.f32.msk $0xffff, v2;
	v10 =	vor.u32 v12, v11;
	v11 =	vand.u32 $0xFF, v20;
	v12 =	vtrunc.f32 v21  }
0x236: {  	v17 =	vshrl.u32 v23, $0x8;
	v14 =	vld [tilespmem:s20+$0x10];
	v11 =	vor.u32 v5, v11;
	v12 =	vcvt.f32.s32 v12  }
0x237: {  	v18 =	vand.u32 $0xFF, v23;
	[tilespmem:v13+s11+$0x0] =	vst.idx.add.f32.msk $0xffff, v2;
	v13 =	vadd.s32 v7, v17;
	v17 =	vand.u32 $0x7F, v17  }
0x238: {  	[tilespmem:v19+s11+$0x0] =	vst.idx.add.f32.msk $0xffff, v2;
	v19 =	vtrunc.f32 v22;
	v13 =	vand.u32 $0x1FFFF80, v13;
	v20 =	vshrl.u32 v12, $0x8  }
0x239: {  	v21 =	vld [tilespmem:s20+$0xFFFFFF90];
	v19 =	vcvt.f32.s32 v19;
	v13 =	vor.u32 v17, v13;
	v17 =	vadd.s32 v8, v20  }
0x23a: {  	[tilespmem:v10+s11+$0x0] =	vst.idx.add.f32.msk $0xffff, v2;
	v10 =	vor.u32 v7, v18;
	v17 =	vand.u32 $0x1FFFF80, v17;
	v18 =	vand.u32 $0x7F, v20  }
0x23b: {  	v12 =	vand.u32 $0xFF, v12;
	v14 =	vtrunc.f32 v14;
	[tilespmem:v11+s11+$0x0] =	vst.idx.add.f32.msk $0xffff, v2;
	v11 =	vor.u32 v18, v17  }
0x23c: {  	v12 =	vor.u32 v8, v12;
	v17 =	vshrl.u32 v19, $0x8;
	v14 =	vcvt.f32.s32 v14;
	v18 =	vld [tilespmem:s18+$0x40]  }
0x23d: {  	v19 =	vand.u32 $0xFF, v19;
	v20 =	vadd.s32 v5, v17;
	v17 =	vand.u32 $0x7F, v17;
	v22 =	vld [tilespmem:s16+$0xFFFFFFF0];
	s16 =	smov.u32 s17;
	s17 =	smov.u32 s18;
	s18 =	smov.u32 s20  }
0x23e: {  	v20 =	vand.u32 $0x1FFFF80, v20;
	v21 =	vtrunc.f32 v21;
	v23 =	vshrl.u32 v14, $0x8;
	[tilespmem:v13+s11+$0x0] =	vst.idx.add.f32.msk $0xffff, v2  }
0x23f: {  	v17 =	vor.u32 v17, v20;
	v13 =	vcvt.f32.s32 v21;
	v21 =	vadd.s32 v3, v23;
	[tilespmem:v10+s11+$0x0] =	vst.idx.add.f32.msk $0xffff, v2  }
0x240: {  	v19 =	vor.u32 v5, v19;
	v20 =	vand.u32 $0x7F, v23;
	v10 =	vand.u32 $0x1FFFF80, v21;
	[tilespmem:v11+s11+$0x0] =	vst.idx.add.f32.msk $0xffff, v2  }
0x241: {  	v11 =	vand.u32 $0xFF, v14;
	v10 =	vor.u32 v20, v10;
	v14 =	vtrunc.f32 v18;
	[tilespmem:v12+s11+$0x0] =	vst.idx.add.f32.msk $0xffff, v2  }
0x242: {  	v12 =	vshrl.u32 v13, $0x8;
	v11 =	vor.u32 v3, v11;
	v14 =	vcvt.f32.s32 v14;
	v18 =	vld [tilespmem:s16+$0x70]  }
0x243: {  	v13 =	vand.u32 $0xFF, v13;
	v20 =	vadd.s32 v3, v12;
	v12 =	vand.u32 $0x7F, v12;
	v21 =	vld [tilespmem:s16+$0xFFFFFFE0]  }
0x244: {  	v13 =	vor.u32 v3, v13;
	v20 =	vand.u32 $0x1FFFF80, v20;
	[tilespmem:v17+s11+$0x0] =	vst.idx.add.f32.msk $0xffff, v2;
	v17 =	vshrl.u32 v14, $0x8  }
0x245: {  	v12 =	vor.u32 v12, v20;
	v20 =	vtrunc.f32 v22;
	[tilespmem:v19+s11+$0x0] =	vst.idx.add.f32.msk $0xffff, v2;
	v19 =	vadd.s32 v6, v17  }
0x246: {  	v17 =	vand.u32 $0x7F, v17;
	[tilespmem:v10+s11+$0x0] =	vst.idx.add.f32.msk $0xffff, v2;
	v10 =	vand.u32 $0x1FFFF80, v19;
	v19 =	vcvt.f32.s32 v20  }
0x247: {  	[tilespmem:v11+s11+$0x0] =	vst.idx.add.f32.msk $0xffff, v2;
	v17 =	vor.u32 v17, v10;
	v10 =	vand.u32 $0xFF, v14;
	v11 =	vtrunc.f32 v18  }
0x248: {  	v14 =	vld [tilespmem:s20+$0x20];
	v18 =	vor.u32 v6, v10;
	v10 =	vtrunc.f32 v21;
	v20 =	vcvt.f32.s32 v11  }
0x249: {  	v11 =	vshrl.u32 v19, $0x8;
	v21 =	vld [tilespmem:s17+$0xFFFFFFC0];
	v22 =	vcvt.f32.s32 v10;
	v10 =	vand.u32 $0xFF, v19  }
0x24a: {  	[tilespmem:v12+s11+$0x0] =	vst.idx.add.f32.msk $0xffff, v2;
	v19 =	vshrl.u32 v20, $0x8;
	v12 =	vadd.s32 v9, v11;
	v11 =	vand.u32 $0x7F, v11  }
0x24b: {  	[tilespmem:v13+s11+$0x0] =	vst.idx.add.f32.msk $0xffff, v2;
	v13 =	vshrl.u32 v22, $0x8;
	v22 =	vand.u32 $0xFF, v22;
	v23 =	vadd.s32 v9, v19  }
0x24c: {  	v19 =	vand.u32 $0x7F, v19;
	[tilespmem:v17+s11+$0x0] =	vst.idx.add.f32.msk $0xffff, v2;
	v17 =	vadd.s32 v8, v13;
	v23 =	vand.u32 $0x1FFFF80, v23  }
0x24d: {  	v14 =	vtrunc.f32 v14;
	[tilespmem:v18+s11+$0x0] =	vst.idx.add.f32.msk $0xffff, v2;
	v23 =	vor.u32 v19, v23;
	v18 =	vand.u32 $0xFF, v20  }
0x24e: {  	v24 =	vcvt.f32.s32 v14;
	v14 =	vtrunc.f32 v21;
	v25 =	vld [tilespmem:s17+$0x50];
	v26 =	vor.u32 v9, v18  }
.Ltmp2:
0x24f: {  	v13 =	vand.u32 $0x7F, v13;
	v19 =	vld [tilespmem:s20+$0xFFFFFFA0];
	v18 =	vcvt.f32.s32 v14;
	v14 =	vand.u32 $0x1FFFF80, v17;
	(pc) =	sbr.rel @p0 .LBB2_7-.Ltmp2, $4  }
0x250: {  	v20 =	vshrl.u32 v24, $0x8;
	v14 =	vor.u32 v13, v14;
	v13 =	vor.u32 v8, v22;
	[tilespmem:v15+s11+$0x0] =	vst.idx.add.f32.msk $0xffff, v2  }
0x251: {  	v21 =	vadd.s32 v4, v20;
	v17 =	vshrl.u32 v18, $0x8;
	v15 =	vand.u32 $0xFF, v18;
	[tilespmem:v16+s11+$0x0] =	vst.idx.add.f32.msk $0xffff, v2  }
0x252: {  	v20 =	vand.u32 $0x7F, v20;
	v16 =	vand.u32 $0x1FFFF80, v21;
	v18 =	vadd.s32 v6, v17;
	[tilespmem:v23+s11+$0x0] =	vst.idx.add.f32.msk $0xffff, v2  }
0x253: {  	s20 =	sadd.s32 $0x100, s20;
	v21 =	vand.u32 $0xFF, v24;
	v20 =	vor.u32 v20, v16;
	v16 =	vtrunc.f32 v25;
	[tilespmem:v26+s11+$0x0] =	vst.idx.add.f32.msk $0xffff, v2  }
0x254: {  	v19 =	vtrunc.f32 v19  }
0x255: {  	v19 =	vcvt.f32.s32 v19;
	_ =	sdelay $0x1  }
0x256: {  	v21 =	vor.u32 v4, v21;
	v22 =	vshrl.u32 v19, $0x8  }
0x257: {  	v23 =	vadd.s32 v4, v22  }
0x258: {  	v22 =	vand.u32 $0x7F, v22;
	v23 =	vand.u32 $0x1FFFF80, v23  }
0x259: {  	v19 =	vand.u32 $0xFF, v19;
	v22 =	vor.u32 v22, v23  }
0x25a: {  	[tilespmem:v20+s11+$0x0] =	vst.idx.add.f32.msk $0xffff, v2;
	v19 =	vor.u32 v4, v19  }
0x25b: {  	[tilespmem:v21+s11+$0x0] =	vst.idx.add.f32.msk $0xffff, v2  }
0x25c: {  	v20 =	vld [tilespmem:s18+$0x30];
	_ =	sdelay $0x1  }
0x25d: {  	[tilespmem:v22+s11+$0x0] =	vst.idx.add.f32.msk $0xffff, v2  }
0x25e: {  	[tilespmem:v19+s11+$0x0] =	vst.idx.add.f32.msk $0xffff, v2  }
0x25f: {  	v19 =	vld [tilespmem:s18+$0xFFFFFFB0]  }
0x260: {  	v20 =	vtrunc.f32 v20  }
0x261: {  	v20 =	vcvt.f32.s32 v20;
	_ =	sdelay $0x1  }
0x262: {  	v33 =	vshrl.u32 v20, $0x8  }
0x263: {  	v34 =	vadd.s32 v5, v33;
	v19 =	vtrunc.f32 v19  }
0x264: {  	v21 =	vand.u32 $0x7F, v33;
	v22 =	vand.u32 $0x1FFFF80, v34;
	v19 =	vcvt.f32.s32 v19  }
0x265: {  	v20 =	vand.u32 $0xFF, v20;
	v21 =	vor.u32 v21, v22  }
0x266: {  	v20 =	vor.u32 v5, v20;
	v35 =	vshrl.u32 v19, $0x8  }
0x267: {  	v36 =	vadd.s32 v5, v35  }
0x268: {  	v22 =	vand.u32 $0x7F, v35;
	v23 =	vand.u32 $0x1FFFF80, v36  }
0x269: {  	v19 =	vand.u32 $0xFF, v19;
	v22 =	vor.u32 v22, v23  }
0x26a: {  	[tilespmem:v21+s11+$0x0] =	vst.idx.add.f32.msk $0xffff, v2;
	v19 =	vor.u32 v5, v19  }
0x26b: {  	[tilespmem:v20+s11+$0x0] =	vst.idx.add.f32.msk $0xffff, v2  }
0x26c: {  	v20 =	vld [tilespmem:s18+$0x40];
	_ =	sdelay $0x1  }
0x26d: {  	[tilespmem:v22+s11+$0x0] =	vst.idx.add.f32.msk $0xffff, v2  }
0x26e: {  	[tilespmem:v19+s11+$0x0] =	vst.idx.add.f32.msk $0xffff, v2  }
0x26f: {  	v19 =	vld [tilespmem:s18+$0xFFFFFFC0]  }
0x270: {  	v18 =	vand.u32 $0x1FFFF80, v18;
	v17 =	vand.u32 $0x7F, v17;
	v20 =	vtrunc.f32 v20  }
0x271: {  	v17 =	vor.u32 v17, v18;
	v20 =	vcvt.f32.s32 v20  }
0x272: {  	v15 =	vor.u32 v6, v15  }
0x273: {  	v37 =	vshrl.u32 v20, $0x8  }
0x274: {  	v38 =	vadd.s32 v6, v37;
	v19 =	vtrunc.f32 v19  }
0x275: {  	v18 =	vand.u32 $0x7F, v37;
	v21 =	vand.u32 $0x1FFFF80, v38;
	v19 =	vcvt.f32.s32 v19  }
0x276: {  	[tilespmem:v17+s11+$0x0] =	vst.idx.add.f32.msk $0xffff, v2;
	v20 =	vand.u32 $0xFF, v20;
	v18 =	vor.u32 v18, v21  }
0x277: {  	[tilespmem:v15+s11+$0x0] =	vst.idx.add.f32.msk $0xffff, v2;
	v20 =	vor.u32 v6, v20;
	v39 =	vshrl.u32 v19, $0x8  }
0x278: {  	v43 =	vld [tilespmem:s17+$0xFFFFFFD0];
	v40 =	vadd.s32 v6, v39  }
0x279: {  	v42 =	vand.u32 $0x7F, v39;
	v41 =	vand.u32 $0x1FFFF80, v40  }
0x27a: {  	v19 =	vand.u32 $0xFF, v19;
	v15 =	vor.u32 v42, v41  }
0x27b: {  	[tilespmem:v18+s11+$0x0] =	vst.idx.add.f32.msk $0xffff, v2;
	v44 =	vor.u32 v6, v19  }
0x27c: {  	v16 =	vcvt.f32.s32 v16;
	[tilespmem:v20+s11+$0x0] =	vst.idx.add.f32.msk $0xffff, v2  }
0x27d: {  	v21 =	vtrunc.f32 v43;
	v18 =	vld [tilespmem:s18+$0x50]  }
0x27e: {  	v45 =	vshrl.u32 v16, $0x8;
	v48 =	vcvt.f32.s32 v21  }
0x27f: {  	v16 =	vand.u32 $0xFF, v16;
	v46 =	vadd.s32 v7, v45;
	[tilespmem:v15+s11+$0x0] =	vst.idx.add.f32.msk $0xffff, v2  }
0x280: {  	v47 =	vand.u32 $0x1FFFF80, v46;
	v49 =	vshrl.u32 v48, $0x8;
	v19 =	vand.u32 $0x7F, v45;
	[tilespmem:v44+s11+$0x0] =	vst.idx.add.f32.msk $0xffff, v2  }
0x281: {  	v16 =	vor.u32 v7, v16;
	v50 =	vadd.s32 v7, v49;
	v15 =	vor.u32 v19, v47;
	v17 =	vld [tilespmem:s18+$0xFFFFFFD0]  }
0x282: {  	v21 =	vand.u32 $0x1FFFF80, v50;
	v18 =	vtrunc.f32 v18;
	v19 =	vand.u32 $0x7F, v49  }
0x283: {  	v18 =	vcvt.f32.s32 v18;
	v19 =	vor.u32 v19, v21  }
0x284: {  	v20 =	vand.u32 $0xFF, v48  }
0x285: {  	v52 =	vor.u32 v7, v20;
	v51 =	vshrl.u32 v18, $0x8  }
0x286: {  	v53 =	vadd.s32 v7, v51;
	[tilespmem:v15+s11+$0x0] =	vst.idx.add.f32.msk $0xffff, v2;
	v17 =	vtrunc.f32 v17  }
0x287: {  	v55 =	vand.u32 $0x7F, v51;
	v54 =	vand.u32 $0x1FFFF80, v53;
	[tilespmem:v16+s11+$0x0] =	vst.idx.add.f32.msk $0xffff, v2;
	v17 =	vcvt.f32.s32 v17  }
0x288: {  	v18 =	vand.u32 $0xFF, v18;
	v16 =	vor.u32 v55, v54;
	[tilespmem:v19+s11+$0x0] =	vst.idx.add.f32.msk $0xffff, v2  }
0x289: {  	v18 =	vor.u32 v7, v18;
	v56 =	vld [tilespmem:s17+$0x60];
	v57 =	vshrl.u32 v17, $0x8  }
0x28a: {  	[tilespmem:v52+s11+$0x0] =	vst.idx.add.f32.msk $0xffff, v2;
	v58 =	vadd.s32 v7, v57  }
0x28b: {  	v60 =	vld [tilespmem:s17+$0xFFFFFFE0];
	v59 =	vand.u32 $0x7F, v57;
	v19 =	vand.u32 $0x1FFFF80, v58  }
0x28c: {  	v17 =	vand.u32 $0xFF, v17;
	v15 =	vor.u32 v59, v19  }
0x28d: {  	[tilespmem:v16+s11+$0x0] =	vst.idx.add.f32.msk $0xffff, v2;
	v62 =	vor.u32 v7, v17  }
0x28e: {  	v61 =	vtrunc.f32 v56;
	[tilespmem:v18+s11+$0x0] =	vst.idx.add.f32.msk $0xffff, v2  }
0x28f: {  	v63 =	vcvt.f32.s32 v61;
	v18 =	vld [tilespmem:s18+$0x60]  }
0x290: {  	v20 =	vtrunc.f32 v60  }
0x291: {  	v20 =	vcvt.f32.s32 v20;
	v19 =	vshrl.u32 v63, $0x8;
	[tilespmem:v15+s11+$0x0] =	vst.idx.add.f32.msk $0xffff, v2  }
0x292: {  	v17 =	vand.u32 $0xFF, v63;
	v24 =	vadd.s32 v8, v19;
	v19 =	vand.u32 $0x7F, v19;
	[tilespmem:v62+s11+$0x0] =	vst.idx.add.f32.msk $0xffff, v2  }
0x293: {  	v26 =	vshrl.u32 v20, $0x8;
	v17 =	vor.u32 v8, v17;
	v25 =	vand.u32 $0x1FFFF80, v24;
	v16 =	vld [tilespmem:s18+$0xFFFFFFE0]  }
0x294: {  	v27 =	vadd.s32 v8, v26;
	v15 =	vor.u32 v19, v25;
	v18 =	vtrunc.f32 v18  }
0x295: {  	v28 =	vand.u32 $0x1FFFF80, v27;
	v19 =	vand.u32 $0x7F, v26;
	v18 =	vcvt.f32.s32 v18  }
0x296: {  	[tilespmem:v14+s11+$0x0] =	vst.idx.add.f32.msk $0xffff, v2;
	v14 =	vor.u32 v19, v28  }
0x297: {  	[tilespmem:v13+s11+$0x0] =	vst.idx.add.f32.msk $0xffff, v2;
	v29 =	vand.u32 $0xFF, v20;
	v30 =	vshrl.u32 v18, $0x8  }
0x298: {  	v31 =	vld [tilespmem:s16+$0xFFFFFFF0];
	v13 =	vor.u32 v8, v29;
	v32 =	vadd.s32 v8, v30;
	v16 =	vtrunc.f32 v16  }
0x299: {  	v19 =	vand.u32 $0x7F, v30;
	[tilespmem:v15+s11+$0x0] =	vst.idx.add.f32.msk $0xffff, v2;
	v33 =	vand.u32 $0x1FFFF80, v32;
	v16 =	vcvt.f32.s32 v16  }
0x29a: {  	v34 =	vand.u32 $0xFF, v18;
	[tilespmem:v17+s11+$0x0] =	vst.idx.add.f32.msk $0xffff, v2;
	v15 =	vor.u32 v19, v33  }
0x29b: {  	v17 =	vor.u32 v8, v34;
	[tilespmem:v14+s11+$0x0] =	vst.idx.add.f32.msk $0xffff, v2;
	v36 =	vshrl.u32 v16, $0x8  }
0x29c: {  	v35 =	vld [tilespmem:s17+$0x70];
	v37 =	vadd.s32 v8, v36  }
0x29d: {  	[tilespmem:v13+s11+$0x0] =	vst.idx.add.f32.msk $0xffff, v2;
	v39 =	vand.u32 $0x7F, v36;
	v38 =	vand.u32 $0x1FFFF80, v37  }
0x29e: {  	v40 =	vld [tilespmem:s17+$0xFFFFFFF0];
	v16 =	vand.u32 $0xFF, v16;
	v13 =	vor.u32 v39, v38  }
0x29f: {  	[tilespmem:v15+s11+$0x0] =	vst.idx.add.f32.msk $0xffff, v2;
	v41 =	vor.u32 v8, v16  }
0x2a0: {  	v42 =	vtrunc.f32 v31;
	[tilespmem:v17+s11+$0x0] =	vst.idx.add.f32.msk $0xffff, v2  }
0x2a1: {  	v12 =	vand.u32 $0x1FFFF80, v12;
	v15 =	vcvt.f32.s32 v42;
	v17 =	vld [tilespmem:s18+$0x70]  }
0x2a2: {  	v10 =	vor.u32 v9, v10;
	v11 =	vor.u32 v11, v12;
	v43 =	vtrunc.f32 v35  }
0x2a3: {  	v16 =	vcvt.f32.s32 v43;
	v44 =	vshrl.u32 v15, $0x8;
	v46 =	vand.u32 $0xFF, v15;
	[tilespmem:v13+s11+$0x0] =	vst.idx.add.f32.msk $0xffff, v2  }
0x2a4: {  	v19 =	vtrunc.f32 v40;
	v47 =	vadd.s32 v9, v44;
	v12 =	vand.u32 $0x7F, v44;
	[tilespmem:v41+s11+$0x0] =	vst.idx.add.f32.msk $0xffff, v2  }
0x2a5: {  	v19 =	vcvt.f32.s32 v19;
	v45 =	vshrl.u32 v16, $0x8;
	v16 =	vand.u32 $0xFF, v16;
	v50 =	vld [tilespmem:s18+$0xFFFFFFF0]  }
0x2a6: {  	v15 =	vand.u32 $0x1FFFF80, v47;
	v48 =	vadd.s32 v9, v45;
	v17 =	vtrunc.f32 v17  }
0x2a7: {  	v18 =	vand.u32 $0x7F, v45;
	v16 =	vor.u32 v9, v16;
	v17 =	vcvt.f32.s32 v17  }
0x2a8: {  	v12 =	vor.u32 v12, v15;
	v51 =	vshrl.u32 v19, $0x8;
	v49 =	vand.u32 $0x1FFFF80, v48  }
0x2a9: {  	v53 =	vadd.s32 v9, v51;
	v14 =	vor.u32 v18, v49;
	v52 =	vshrl.u32 v17, $0x8  }
0x2aa: {  	v13 =	vor.u32 v9, v46;
	v54 =	vadd.s32 v9, v52;
	v20 =	vtrunc.f32 v50  }
0x2ab: {  	[tilespmem:v11+s11+$0x0] =	vst.idx.add.f32.msk $0xffff, v2;
	v18 =	vand.u32 $0x7F, v52;
	v11 =	vand.u32 $0x1FFFF80, v54;
	v20 =	vcvt.f32.s32 v20  }
0x2ac: {  	[tilespmem:v10+s11+$0x0] =	vst.idx.add.f32.msk $0xffff, v2;
	v10 =	vand.u32 $0x7F, v51;
	v57 =	vand.u32 $0x1FFFF80, v53;
	v11 =	vor.u32 v18, v11  }
0x2ad: {  	v59 =	vand.u32 $0xFF, v19;
	v10 =	vor.u32 v10, v57;
	[tilespmem:v12+s11+$0x0] =	vst.idx.add.f32.msk $0xffff, v2;
	v58 =	vshrl.u32 v20, $0x8  }
0x2ae: {  	v61 =	vor.u32 v9, v59;
	v55 =	vand.u32 $0xFF, v17;
	[tilespmem:v14+s11+$0x0] =	vst.idx.add.f32.msk $0xffff, v2;
	v60 =	vadd.s32 v9, v58  }
0x2af: {  	v56 =	vor.u32 v9, v55;
	[tilespmem:v13+s11+$0x0] =	vst.idx.add.f32.msk $0xffff, v2;
	v62 =	vand.u32 $0x7F, v58;
	v15 =	vand.u32 $0x1FFFF80, v60  }
0x2b0: {  	s15 =	sadd.s32 $0x1, s15;
	[tilespmem:v16+s11+$0x0] =	vst.idx.add.f32.msk $0xffff, v2;
	v63 =	vand.u32 $0xFF, v20;
	v15 =	vor.u32 v62, v15  }
0x2b1: {  	p0 =	sne.s32 s15, $0x4;
	[tilespmem:v11+s11+$0x0] =	vst.idx.add.f32.msk $0xffff, v2;
	v11 =	vor.u32 v9, v63  }
.Ltmp3:
0x2b2: {  	[tilespmem:v10+s11+$0x0] =	vst.idx.add.f32.msk $0xffff, v2;
	(pc) =	sbr.rel @p0 .LBB2_4-.Ltmp3, $4  }
0x2b3: {  	[tilespmem:v61+s11+$0x0] =	vst.idx.add.f32.msk $0xffff, v2  }
0x2b4: {  	[tilespmem:v56+s11+$0x0] =	vst.idx.add.f32.msk $0xffff, v2  }
0x2b5: {  	[tilespmem:v15+s11+$0x0] =	vst.idx.add.f32.msk $0xffff, v2  }
0x2b6: {  	[tilespmem:v11+s11+$0x0] =	vst.idx.add.f32.msk $0xffff, v2  }
0x2b7: {  	s14 =	sadd.s32 $0x1, s14  }
0x2b8: {  	p0 =	sne.s32 s14, s8  }
.Ltmp4:
0x2b9: {  	_ = 	snop;
	(pc) =	sbr.rel @p0 .LBB2_1-.Ltmp4, $4  }
0x2ba: {  	[hbm4b:s7+s2] =	stream.linear.scatter [tilespmem:s11], [sflag:$0x3], $0x8000, $0x38;
	[tilespmem:$0x18000] =	vst v63  }
0x2bb: {  	_ =	swait.ge [sflag:s13], $0x8000  }
0x2bc: {  	[sflag:s13] =	ssyncset.done $0x0  }
0x2bd: {  	[sflag:s13] =	ssyncadd.s32 $0xFFFF8000  }
0x2be: {  	_ =	sfence.sel $0x180000  }
0x2bf: {  	[bflag:$0x0] =	sbarrier.arrive $0xFFFF  }
0x2c0: {  	p0 =	sne.s32 s1, $0x0;
	_ =	strace $0x90000047  }
0x2c1: {  	s0 =	sadd.s32 @!p0 $0x100000, s0;
	[bflag:$0x2] =	sbarrier.arrive $0xFFFF  }
0x2c2: {  	[sflag:s0] =	ssyncadd.tile.s32 @!p0 $0x1;
	_ =	shalt  }
.Lfunc_end2:
_tile_overlayer_lowered:
.L_overlay_start_2:
0x2c3: {  	(tag) =	ssettag $0x2  }
0x2c4: {  	s0 =	rddreg [dreg:$0x0];
	s2 =	stileid.u32  }
0x2c5: {  	s1 =	rddreg [dreg:$0x1];
	p0 =	sne.s32 s2, $0x0  }
0x2c6: {  	s3 =	rddreg [dreg:$0x2];
	[bflag:$0x3] =	sbarrier.arrive $0xFFFF;
	s2 =	simm.s32 @!p0 $0x1C03  }
0x2c7: {  	[timem:s3], [sflag:s2] =	dma.local @!p0 [hbm:s0], s1  }
0x2c8: {  	s0 =	simm.s32 @!p0 $0x3  }
0x2c9: {  	_ =	swait.ge @!p0 [sflag:s0], s1  }
0x2ca: {  	s1 =	ssub.s32 @!p0 $0x0, s1;
	[sflag:s0] =	ssyncset.done @!p0 $0x0  }
0x2cb: {  	[sflag:s0] =	ssyncadd.s32 @!p0 s1  }
0x2cc: {  	[bflag:$0x3] =	sbarrier.arrive $0xFFFF  }
0x2cd: {  	_ =	shalt  }

</sc_bundles>
